<compile_context>
chip_gen: v7x
topology: tpu7x:2x2x1
jax: 0.10.2.dev20260603
libtpu: 0.0.44.dev20260713+nightly
codegen_flags: <defaults>
</compile_context>

<pallas_src>
import jax
import jax.numpy as jnp
from jax import lax
from jax.experimental import pallas as pl
from jax.experimental.pallas import tpu as pltpu
from jax.experimental.pallas import tpu_sc as plsc

N = 10000
E = 320000
F = 128

NC = 2
NS = 16
NW = NC * NS

CHUNK = 128
EPW = E // NW
NCH = 80
EPW_PAD = NCH * CHUNK
G = 16
NG = NCH // G
NPAD = 10240
ROWS_PER_TILE = NPAD // NS
DUMMY_ROW = N + 100

_f32 = jnp.float32


def _sc_segment_sum(feat, src_r, dst_r, zrow, with_counts, zcnt=None, ones=None):
  mesh = plsc.VectorSubcoreMesh(core_axis_name="c", subcore_axis_name="s")

  out_type = [jax.ShapeDtypeStruct((NC, NPAD, F), _f32)]
  scratch = [
      pltpu.VMEM((G, CHUNK), jnp.int32),
      pltpu.VMEM((G, CHUNK), jnp.int32),
      pltpu.VMEM((CHUNK, F), _f32),
      pltpu.VMEM((CHUNK, F), _f32),
      pltpu.VMEM_SHARED((NPAD, F), _f32),
      pltpu.SemaphoreType.DMA,
      pltpu.SemaphoreType.DMA,
      pltpu.SemaphoreType.DMA,
  ]
  if with_counts:
    out_type.append(jax.ShapeDtypeStruct((NC, NPAD), _f32))
    scratch += [
        pltpu.VMEM((CHUNK,), _f32),
        pltpu.VMEM_SHARED((NPAD,), _f32),
        pltpu.SemaphoreType.DMA,
    ]

  def body(*refs):
    if with_counts:
      (feat_h, src_h, dst_h, zrow_h, zcnt_h, ones_h, agg_o, cnt_o,
       src_v, dst_v, rows0, rows1, agg_sh, sem_i, sem_g, sem_s,
       ones_v, cnt_sh, sem_c) = refs
    else:
      (feat_h, src_h, dst_h, zrow_h, agg_o,
       src_v, dst_v, rows0, rows1, agg_sh, sem_i, sem_g, sem_s) = refs
    bufs = (rows0, rows1)

    cid = lax.axis_index("c")
    sid = lax.axis_index("s")
    wid = sid * NC + cid
    row0 = sid * ROWS_PER_TILE

    pltpu.sync_copy(zrow_h, agg_sh.at[pl.ds(row0, ROWS_PER_TILE)])
    if with_counts:
      pltpu.sync_copy(zcnt_h, cnt_sh.at[pl.ds(row0, ROWS_PER_TILE)])
      pltpu.sync_copy(ones_h, ones_v)
    plsc.subcore_barrier()

    def outer(g, carry):
      di1 = pltpu.async_copy(src_h.at[wid, pl.ds(g * G, G)], src_v, sem_i)
      di2 = pltpu.async_copy(dst_h.at[wid, pl.ds(g * G, G)], dst_v, sem_i)
      di1.wait()
      di2.wait()

      g_desc = [None] * G
      s_desc = [None] * G
      c_desc = [None] * G
      g_desc[0] = pltpu.async_copy(feat_h.at[src_v.at[0]], bufs[0], sem_g)
      for j in range(G):
        if j >= 1:
          s_desc[j - 1].wait()
        if j + 1 < G:
          g_desc[j + 1] = pltpu.async_copy(
              feat_h.at[src_v.at[j + 1]], bufs[(j + 1) % 2], sem_g)
        g_desc[j].wait()
        s_desc[j] = pltpu.async_copy(
            bufs[j % 2], agg_sh.at[dst_v.at[j]], sem_s, add=True)
        if with_counts:
          c_desc[j] = pltpu.async_copy(
              ones_v, cnt_sh.at[dst_v.at[j]], sem_c, add=True)
      s_desc[G - 1].wait()
      if with_counts:
        for j in range(G):
          c_desc[j].wait()
      return carry

    lax.fori_loop(0, NG, outer, 0)
    plsc.subcore_barrier()

    pltpu.sync_copy(agg_sh.at[pl.ds(row0, ROWS_PER_TILE)],
                    agg_o.at[cid, pl.ds(row0, ROWS_PER_TILE)])
    if with_counts:
      pltpu.sync_copy(cnt_sh.at[pl.ds(row0, ROWS_PER_TILE)],
                      cnt_o.at[cid, pl.ds(row0, ROWS_PER_TILE)])

  k = pl.kernel(body, out_type=tuple(out_type), mesh=mesh,
                scratch_types=tuple(scratch))
  if with_counts:
    return k(feat, src_r, dst_r, zrow, zcnt, ones)
  return k(feat, src_r, dst_r, zrow)[0]


def _dense_layer(agg2, cnt2, x, w_rel, w_root, b):

  def body(agg_ref, cnt_ref, x_ref, wrel_ref, wroot_ref, b_ref, o_ref):
    aggs = agg_ref[0, :N, :] + agg_ref[1, :N, :]
    cnt = cnt_ref[0, :N, :] + cnt_ref[1, :N, :]
    scaled = aggs / jnp.maximum(cnt, 1.0)
    h = (jnp.dot(scaled, wrel_ref[...], preferred_element_type=_f32)
         + jnp.dot(x_ref[...], wroot_ref[...], preferred_element_type=_f32)
         + b_ref[...])
    o_ref[...] = jnp.maximum(h, 0.0)

  return pl.pallas_call(
      body,
      out_shape=jax.ShapeDtypeStruct((N, F), _f32),
  )(agg2, cnt2, x, w_rel, w_root, b)


def _dense_head(agg2, cnt2, h1, w_rel, w_root, b, wh, bh, wc, bc, wo, bo):
  V = wo.shape[1]

  def body(agg_ref, cnt_ref, x_ref, wrel_ref, wroot_ref, b_ref,
           wh_ref, bh_ref, wc_ref, bc_ref, wo_ref, bo_ref,
           logits_ref, hidden_ref, cell_ref):
    aggs = agg_ref[0, :N, :] + agg_ref[1, :N, :]
    cnt = cnt_ref[0, :N, :] + cnt_ref[1, :N, :]
    scaled = aggs / jnp.maximum(cnt, 1.0)
    h = (jnp.dot(scaled, wrel_ref[...], preferred_element_type=_f32)
         + jnp.dot(x_ref[...], wroot_ref[...], preferred_element_type=_f32)
         + b_ref[...])
    h = jnp.maximum(h, 0.0)
    pooled = jnp.mean(h, axis=0, keepdims=True)
    hidden = jnp.dot(pooled, wh_ref[...], preferred_element_type=_f32) + bh_ref[...]
    cell = jnp.dot(pooled, wc_ref[...], preferred_element_type=_f32) + bc_ref[...]
    y = jnp.dot(hidden, wo_ref[...], preferred_element_type=_f32) + bo_ref[...]
    m = jnp.max(y, axis=1, keepdims=True)
    z = y - m
    lse = jnp.log(jnp.sum(jnp.exp(z), axis=1, keepdims=True))
    logits_ref[...] = z - lse
    hidden_ref[...] = hidden
    cell_ref[...] = cell

  return pl.pallas_call(
      body,
      out_shape=(
          jax.ShapeDtypeStruct((1, V), _f32),
          jax.ShapeDtypeStruct((1, wh.shape[1]), _f32),
          jax.ShapeDtypeStruct((1, wc.shape[1]), _f32),
      ),
  )(agg2, cnt2, h1, w_rel, w_root, b, wh, bh, wc, bc, wo, bo)


def kernel(prev_symbol, x, edge_index, W1_rel, W1_root, b1,
           W2_rel, W2_root, b2, Wh, bh, Wc, bc, Wo, bo):
  del prev_symbol

  src = edge_index[0].astype(jnp.int32).reshape(NW, EPW)
  dst = edge_index[1].astype(jnp.int32).reshape(NW, EPW)
  pad = EPW_PAD - EPW
  src_r = jnp.pad(src, ((0, 0), (0, pad))).reshape(NW, NCH, CHUNK)
  dst_r = jnp.pad(dst, ((0, 0), (0, pad)),
                  constant_values=DUMMY_ROW).reshape(NW, NCH, CHUNK)

  zrow = jnp.zeros((ROWS_PER_TILE, F), _f32)
  zcnt = jnp.zeros((ROWS_PER_TILE,), _f32)
  ones = jnp.ones((CHUNK,), _f32)
  b1r = b1.reshape(1, F)
  b2r = b2.reshape(1, F)
  bhr = bh.reshape(1, -1)
  bcr = bc.reshape(1, -1)
  bor = bo.reshape(1, -1)

  agg1, cnt = _sc_segment_sum(x, src_r, dst_r, zrow, True, zcnt, ones)
  cnt_col = cnt.reshape(NC, NPAD, 1)
  h1 = _dense_layer(agg1, cnt_col, x, W1_rel, W1_root, b1r)
  agg2 = _sc_segment_sum(h1, src_r, dst_r, zrow, False)
  return _dense_head(agg2, cnt_col, h1, W2_rel, W2_root, b2r,
                     Wh, bhr, Wc, bcr, Wo, bor)

# --- scband reference (transcript-rebuilt; emitter-appended) ---
"""Pipeline reference for scband-sender-agent-19980187861589 (READ-ONLY COPY).

The authoritative reference and input builder live on the scoring server;
editing this copy changes nothing except your own understanding.
"""

import jax, jax.numpy as jnp
import numpy as np

N = 10000
E = 320000
F = 128
EMB = 128
H = 128
V = 1024


def setup_inputs(seed: int = 0) -> dict:
    key = jax.random.key(seed)
    ks = jax.random.split(key, 16)
    s = 0.05
    return {
        "prev_symbol": jax.random.randint(ks[0], (1,), 0, V, dtype=jnp.int64) if jax.config.jax_enable_x64 else jax.random.randint(ks[0], (1,), 0, V, dtype=jnp.int32),
        "x": jax.random.normal(ks[1], (N, F), dtype=jnp.float32),
        "edge_index": jax.random.randint(ks[2], (2, E), 0, N),
        "W1_rel": jax.random.normal(ks[3], (F, EMB), dtype=jnp.float32) * s,
        "W1_root": jax.random.normal(ks[4], (F, EMB), dtype=jnp.float32) * s,
        "b1": jnp.zeros((EMB,), dtype=jnp.float32),
        "W2_rel": jax.random.normal(ks[5], (EMB, H), dtype=jnp.float32) * s,
        "W2_root": jax.random.normal(ks[6], (EMB, H), dtype=jnp.float32) * s,
        "b2": jnp.zeros((H,), dtype=jnp.float32),
        "Wh": jax.random.normal(ks[7], (H, H), dtype=jnp.float32) * s,
        "bh": jnp.zeros((H,), dtype=jnp.float32),
        "Wc": jax.random.normal(ks[8], (H, H), dtype=jnp.float32) * s,
        "bc": jnp.zeros((H,), dtype=jnp.float32),
        "Wo": jax.random.normal(ks[9], (H, V), dtype=jnp.float32) * s,
        "bo": jnp.zeros((V,), dtype=jnp.float32),
    }


def _rgcn(x, edge_index, W_rel, W_root, b):
    # RGCNConv with num_relations=1, mean aggregation per relation,
    # plus root transform and bias.
    src = edge_index[0]
    dst = edge_index[1]
    msg = jnp.take(x, src, axis=0) @ W_rel
    agg = jax.ops.segment_sum(msg, dst, num_segments=x.shape[0])
    cnt = jax.ops.segment_sum(jnp.ones((edge_index.shape[1],), dtype=x.dtype), dst, num_segments=x.shape[0])
    agg = agg / jnp.maximum(cnt, 1.0)[:, None]
    return agg + x @ W_root + b


def reference(prev_symbol, x, edge_index, W1_rel, W1_root, b1, W2_rel, W2_root, b2, Wh, bh, Wc, bc, Wo, bo):
    h = jax.nn.relu(_rgcn(x, edge_index, W1_rel, W1_root, b1))
    h = jax.nn.relu(_rgcn(h, edge_index, W2_rel, W2_root, b2))
    # batch attribute is None -> mean over all nodes, keepdim
    pooled = h.mean(axis=0, keepdims=True)
    hidden = pooled @ Wh + bh
    cell = pooled @ Wc + bc
    logits = jax.nn.log_softmax(hidden @ Wo + bo, axis=1)
    return (logits, hidden, cell)

if __name__ == "__main__":
    import jax
    _d = setup_inputs()
    print(jax.jit(kernel)(*tuple(_d.values())))

</pallas_src>

<mosaic_0001>
#map = affine_map<(d0, d1) -> (0, 0)>
#map1 = affine_map<(d0, d1) -> (0, 0, 0)>
#map2 = affine_map<(d0, d1) -> (0)>
module attributes {stable_mosaic.version = 14 : i64} {
  func.func @body(%arg0: i32, %arg1: i32, %arg2: memref<10000x128xf32, #tpu.memory_space<hbm>>, %arg3: memref<32x80x128xi32, #tpu.memory_space<hbm>>, %arg4: memref<32x80x128xi32, #tpu.memory_space<hbm>>, %arg5: memref<640x128xf32, #tpu.memory_space<hbm>>, %arg6: memref<640xf32, #tpu.memory_space<hbm>>, %arg7: memref<128xf32, #tpu.memory_space<hbm>>, %arg8: memref<2x10240x128xf32, #tpu.memory_space<hbm>>, %arg9: memref<2x10240xf32, #tpu.memory_space<hbm>>, %arg10: memref<16x128xi32, #tpu.memory_space<vmem>>, %arg11: memref<16x128xi32, #tpu.memory_space<vmem>>, %arg12: memref<128x128xf32, #tpu.memory_space<vmem>>, %arg13: memref<128x128xf32, #tpu.memory_space<vmem>>, %arg14: memref<10240x128xf32, #tpu.memory_space<vmem_shared>>, %arg15: memref<!tpu.dma_semaphore, #tpu.memory_space<semaphore_mem>>, %arg16: memref<!tpu.dma_semaphore, #tpu.memory_space<semaphore_mem>>, %arg17: memref<!tpu.dma_semaphore, #tpu.memory_space<semaphore_mem>>, %arg18: memref<128xf32, #tpu.memory_space<vmem>>, %arg19: memref<10240xf32, #tpu.memory_space<vmem_shared>>, %arg20: memref<!tpu.dma_semaphore, #tpu.memory_space<semaphore_mem>>) attributes {dimension_semantics = [#tpu.dimension_semantics<core_parallel>, #tpu.dimension_semantics<subcore_parallel>], iteration_bounds = array<i64: 2, 16>, scalar_prefetch = 0 : i64, scratch_operands = 11 : i64, tpu.core_type = #tpu.core_type<sc_vector_subcore>, window_params = [{transform_indices = #map}, {transform_indices = #map1}, {transform_indices = #map1}, {transform_indices = #map}, {transform_indices = #map2}, {transform_indices = #map2}, {transform_indices = #map1}, {transform_indices = #map}]} {
    %mul3A = arith.constant 2 : i32
    %mul3A_0 = arith.muli %arg1, %mul3A : i32
    %add3A = arith.addi %mul3A_0, %arg0 : i32
    %mul3A_1 = arith.constant 640 : i32
    %mul3A_2 = arith.muli %arg1, %mul3A_1 : i32
    "tpu.region"() ({
      %run_scoped3A = tpu.sem_alloc : memref<!tpu.dma_semaphore, #tpu.memory_space<semaphore_mem>>
      %dma_start3A = arith.constant 0 : i32
      %dma_start3A_9 = tpu.memref_slice %arg14[%mul3A_2, %dma_start3A] : memref<10240x128xf32, #tpu.memory_space<vmem_shared>> -> memref<640x128xf32, #tpu.memory_space<vmem_shared>>
      tpu.enqueue_dma source(%arg5 : memref<640x128xf32, #tpu.memory_space<hbm>>) target(%dma_start3A_9 : memref<640x128xf32, #tpu.memory_space<vmem_shared>>) target_semaphore(%run_scoped3A : memref<!tpu.dma_semaphore, #tpu.memory_space<semaphore_mem>>)
      %dma_wait3A = arith.constant 0 : i32
      %dma_wait3A_10 = tpu.memref_slice %arg14[%mul3A_2, %dma_wait3A] : memref<10240x128xf32, #tpu.memory_space<vmem_shared>> -> memref<640x128xf32, #tpu.memory_space<vmem_shared>>
      tpu.wait_dma2 semaphore(%run_scoped3A : memref<!tpu.dma_semaphore, #tpu.memory_space<semaphore_mem>>) src(%arg5 : memref<640x128xf32, #tpu.memory_space<hbm>>) dst(%dma_wait3A_10 : memref<640x128xf32, #tpu.memory_space<vmem_shared>>)
      tpu.yield
    }) : () -> ()
    "tpu.region"() ({
      %run_scoped3A = tpu.sem_alloc : memref<!tpu.dma_semaphore, #tpu.memory_space<semaphore_mem>>
      %dma_start3A = tpu.memref_slice %arg19[%mul3A_2] : memref<10240xf32, #tpu.memory_space<vmem_shared>> -> memref<640xf32, #tpu.memory_space<vmem_shared>>
      tpu.enqueue_dma source(%arg6 : memref<640xf32, #tpu.memory_space<hbm>>) target(%dma_start3A : memref<640xf32, #tpu.memory_space<vmem_shared>>) target_semaphore(%run_scoped3A : memref<!tpu.dma_semaphore, #tpu.memory_space<semaphore_mem>>)
      %dma_wait3A = tpu.memref_slice %arg19[%mul3A_2] : memref<10240xf32, #tpu.memory_space<vmem_shared>> -> memref<640xf32, #tpu.memory_space<vmem_shared>>
      tpu.wait_dma2 semaphore(%run_scoped3A : memref<!tpu.dma_semaphore, #tpu.memory_space<semaphore_mem>>) src(%arg6 : memref<640xf32, #tpu.memory_space<hbm>>) dst(%dma_wait3A : memref<640xf32, #tpu.memory_space<vmem_shared>>)
      tpu.yield
    }) : () -> ()
    "tpu.region"() ({
      %run_scoped3A = tpu.sem_alloc : memref<!tpu.dma_semaphore, #tpu.memory_space<semaphore_mem>>
      tpu.enqueue_dma source(%arg7 : memref<128xf32, #tpu.memory_space<hbm>>) target(%arg18 : memref<128xf32, #tpu.memory_space<vmem>>) target_semaphore(%run_scoped3A : memref<!tpu.dma_semaphore, #tpu.memory_space<semaphore_mem>>)
      tpu.wait_dma2 semaphore(%run_scoped3A : memref<!tpu.dma_semaphore, #tpu.memory_space<semaphore_mem>>) src(%arg7 : memref<128xf32, #tpu.memory_space<hbm>>) dst(%arg18 : memref<128xf32, #tpu.memory_space<vmem>>)
      tpu.yield
    }) : () -> ()
    %barrier3A = arith.constant 0 : index
    tpu.barrier barrier_id(%barrier3A)
    %scan3A = arith.constant 0 : i32
    %scan3A_3 = arith.constant 0 : i32
    %scan3A_4 = arith.constant 5 : i32
    %scan3A_5 = arith.addi %scan3A_3, %scan3A_4 : i32
    %scan3A_6 = arith.constant 1 : i32
    scf.for %scan3A_9 = %scan3A_3 to %scan3A_5 step %scan3A_6  : i32 {
      %mul3A_10 = arith.constant 16 : i32
      %mul3A_11 = arith.muli %scan3A_9, %mul3A_10 : i32
      %dma_start3A = arith.constant 0 : i32
      %dma_start3A_12 = tpu.memref_slice %arg3[%add3A, %mul3A_11, %dma_start3A] : memref<32x80x128xi32, #tpu.memory_space<hbm>> -> memref<1x16x128xi32, #tpu.memory_space<hbm>>
      %dma_start3A_13 = tpu.memref_squeeze %dma_start3A_12 : memref<1x16x128xi32, #tpu.memory_space<hbm>> -> memref<16x128xi32, #tpu.memory_space<hbm>>
      %dma_start3A_14 = arith.constant 0 : i32
      %dma_start3A_15 = tpu.memref_slice %arg3[%add3A, %mul3A_11, %dma_start3A_14] : memref<32x80x128xi32, #tpu.memory_space<hbm>> -> memref<1x16x128xi32, #tpu.memory_space<hbm>>
      %dma_start3A_16 = tpu.memref_squeeze %dma_start3A_15 : memref<1x16x128xi32, #tpu.memory_space<hbm>> -> memref<16x128xi32, #tpu.memory_space<hbm>>
      tpu.enqueue_dma source(%dma_start3A_16 : memref<16x128xi32, #tpu.memory_space<hbm>>) target(%arg10 : memref<16x128xi32, #tpu.memory_space<vmem>>) target_semaphore(%arg15 : memref<!tpu.dma_semaphore, #tpu.memory_space<semaphore_mem>>)
      %mul3A_17 = arith.constant 16 : i32
      %mul3A_18 = arith.muli %scan3A_9, %mul3A_17 : i32
      %dma_start3A_19 = arith.constant 0 : i32
      %dma_start3A_20 = tpu.memref_slice %arg4[%add3A, %mul3A_18, %dma_start3A_19] : memref<32x80x128xi32, #tpu.memory_space<hbm>> -> memref<1x16x128xi32, #tpu.memory_space<hbm>>
      %dma_start3A_21 = tpu.memref_squeeze %dma_start3A_20 : memref<1x16x128xi32, #tpu.memory_space<hbm>> -> memref<16x128xi32, #tpu.memory_space<hbm>>
      %dma_start3A_22 = arith.constant 0 : i32
      %dma_start3A_23 = tpu.memref_slice %arg4[%add3A, %mul3A_18, %dma_start3A_22] : memref<32x80x128xi32, #tpu.memory_space<hbm>> -> memref<1x16x128xi32, #tpu.memory_space<hbm>>
      %dma_start3A_24 = tpu.memref_squeeze %dma_start3A_23 : memref<1x16x128xi32, #tpu.memory_space<hbm>> -> memref<16x128xi32, #tpu.memory_space<hbm>>
      tpu.enqueue_dma source(%dma_start3A_24 : memref<16x128xi32, #tpu.memory_space<hbm>>) target(%arg11 : memref<16x128xi32, #tpu.memory_space<vmem>>) target_semaphore(%arg15 : memref<!tpu.dma_semaphore, #tpu.memory_space<semaphore_mem>>)
      %dma_wait3A = arith.constant 0 : i32
      %dma_wait3A_25 = tpu.memref_slice %arg3[%add3A, %mul3A_11, %dma_wait3A] : memref<32x80x128xi32, #tpu.memory_space<hbm>> -> memref<1x16x128xi32, #tpu.memory_space<hbm>>
      %dma_wait3A_26 = tpu.memref_squeeze %dma_wait3A_25 : memref<1x16x128xi32, #tpu.memory_space<hbm>> -> memref<16x128xi32, #tpu.memory_space<hbm>>
      %dma_wait3A_27 = arith.constant 0 : i32
      %dma_wait3A_28 = tpu.memref_slice %arg3[%add3A, %mul3A_11, %dma_wait3A_27] : memref<32x80x128xi32, #tpu.memory_space<hbm>> -> memref<1x16x128xi32, #tpu.memory_space<hbm>>
      %dma_wait3A_29 = tpu.memref_squeeze %dma_wait3A_28 : memref<1x16x128xi32, #tpu.memory_space<hbm>> -> memref<16x128xi32, #tpu.memory_space<hbm>>
      tpu.wait_dma2 semaphore(%arg15 : memref<!tpu.dma_semaphore, #tpu.memory_space<semaphore_mem>>) src(%dma_wait3A_29 : memref<16x128xi32, #tpu.memory_space<hbm>>) dst(%arg10 : memref<16x128xi32, #tpu.memory_space<vmem>>)
      %dma_wait3A_30 = arith.constant 0 : i32
      %dma_wait3A_31 = tpu.memref_slice %arg4[%add3A, %mul3A_18, %dma_wait3A_30] : memref<32x80x128xi32, #tpu.memory_space<hbm>> -> memref<1x16x128xi32, #tpu.memory_space<hbm>>
      %dma_wait3A_32 = tpu.memref_squeeze %dma_wait3A_31 : memref<1x16x128xi32, #tpu.memory_space<hbm>> -> memref<16x128xi32, #tpu.memory_space<hbm>>
      %dma_wait3A_33 = arith.constant 0 : i32
      %dma_wait3A_34 = tpu.memref_slice %arg4[%add3A, %mul3A_18, %dma_wait3A_33] : memref<32x80x128xi32, #tpu.memory_space<hbm>> -> memref<1x16x128xi32, #tpu.memory_space<hbm>>
      %dma_wait3A_35 = tpu.memref_squeeze %dma_wait3A_34 : memref<1x16x128xi32, #tpu.memory_space<hbm>> -> memref<16x128xi32, #tpu.memory_space<hbm>>
      tpu.wait_dma2 semaphore(%arg15 : memref<!tpu.dma_semaphore, #tpu.memory_space<semaphore_mem>>) src(%dma_wait3A_35 : memref<16x128xi32, #tpu.memory_space<hbm>>) dst(%arg11 : memref<16x128xi32, #tpu.memory_space<vmem>>)
      %dma_start3A_36 = arith.constant 0 : i32
      %dma_start3A_37 = arith.constant 0 : i32
      %dma_start3A_38 = tpu.memref_slice %arg10[%dma_start3A_36, %dma_start3A_37] : memref<16x128xi32, #tpu.memory_space<vmem>> -> memref<1x128xi32, #tpu.memory_space<vmem>>
      %dma_start3A_39 = tpu.memref_squeeze %dma_start3A_38 : memref<1x128xi32, #tpu.memory_space<vmem>> -> memref<128xi32, #tpu.memory_space<vmem>>
      %dma_start3A_40 = arith.constant 0 : i32
      %dma_start3A_41 = arith.constant 0 : i32
      %dma_start3A_42 = tpu.memref_slice %arg2[%dma_start3A_40, %dma_start3A_41] : memref<10000x128xf32, #tpu.memory_space<hbm>> -> memref<10000x128xf32, #tpu.memory_space<hbm>>
      tpu.enqueue_indirect_dma source(%dma_start3A_42 : memref<10000x128xf32, #tpu.memory_space<hbm>>) target(%arg12 : memref<128x128xf32, #tpu.memory_space<vmem>>) offsets(%dma_start3A_39 : memref<128xi32, #tpu.memory_space<vmem>>) semaphore(%arg16 : memref<!tpu.dma_semaphore, #tpu.memory_space<semaphore_mem>>)
      %dma_start3A_43 = arith.constant 1 : i32
      %dma_start3A_44 = arith.constant 0 : i32
      %dma_start3A_45 = tpu.memref_slice %arg10[%dma_start3A_43, %dma_start3A_44] : memref<16x128xi32, #tpu.memory_space<vmem>> -> memref<1x128xi32, #tpu.memory_space<vmem>>
      %dma_start3A_46 = tpu.memref_squeeze %dma_start3A_45 : memref<1x128xi32, #tpu.memory_space<vmem>> -> memref<128xi32, #tpu.memory_space<vmem>>
      %dma_start3A_47 = arith.constant 0 : i32
      %dma_start3A_48 = arith.constant 0 : i32
      %dma_start3A_49 = tpu.memref_slice %arg2[%dma_start3A_47, %dma_start3A_48] : memref<10000x128xf32, #tpu.memory_space<hbm>> -> memref<10000x128xf32, #tpu.memory_space<hbm>>
      tpu.enqueue_indirect_dma source(%dma_start3A_49 : memref<10000x128xf32, #tpu.memory_space<hbm>>) target(%arg13 : memref<128x128xf32, #tpu.memory_space<vmem>>) offsets(%dma_start3A_46 : memref<128xi32, #tpu.memory_space<vmem>>) semaphore(%arg16 : memref<!tpu.dma_semaphore, #tpu.memory_space<semaphore_mem>>)
      %dma_wait3A_50 = arith.constant 0 : i32
      %dma_wait3A_51 = arith.constant 0 : i32
      %dma_wait3A_52 = tpu.memref_slice %arg10[%dma_wait3A_50, %dma_wait3A_51] : memref<16x128xi32, #tpu.memory_space<vmem>> -> memref<1x128xi32, #tpu.memory_space<vmem>>
      %dma_wait3A_53 = tpu.memref_squeeze %dma_wait3A_52 : memref<1x128xi32, #tpu.memory_space<vmem>> -> memref<128xi32, #tpu.memory_space<vmem>>
      %dma_wait3A_54 = arith.constant 0 : i32
      %dma_wait3A_55 = arith.constant 0 : i32
      %dma_wait3A_56 = tpu.memref_slice %arg2[%dma_wait3A_54, %dma_wait3A_55] : memref<10000x128xf32, #tpu.memory_space<hbm>> -> memref<10000x128xf32, #tpu.memory_space<hbm>>
      tpu.wait_indirect_dma semaphore(%arg16 : memref<!tpu.dma_semaphore, #tpu.memory_space<semaphore_mem>>) src(%dma_wait3A_56 : memref<10000x128xf32, #tpu.memory_space<hbm>>) dst(%arg12 : memref<128x128xf32, #tpu.memory_space<vmem>>)
      %dma_start3A_57 = arith.constant 0 : i32
      %dma_start3A_58 = arith.constant 0 : i32
      %dma_start3A_59 = tpu.memref_slice %arg11[%dma_start3A_57, %dma_start3A_58] : memref<16x128xi32, #tpu.memory_space<vmem>> -> memref<1x128xi32, #tpu.memory_space<vmem>>
      %dma_start3A_60 = tpu.memref_squeeze %dma_start3A_59 : memref<1x128xi32, #tpu.memory_space<vmem>> -> memref<128xi32, #tpu.memory_space<vmem>>
      %dma_start3A_61 = arith.constant 0 : i32
      %dma_start3A_62 = arith.constant 0 : i32
      %dma_start3A_63 = tpu.memref_slice %arg14[%dma_start3A_61, %dma_start3A_62] : memref<10240x128xf32, #tpu.memory_space<vmem_shared>> -> memref<10240x128xf32, #tpu.memory_space<vmem_shared>>
      tpu.enqueue_indirect_dma source(%arg12 : memref<128x128xf32, #tpu.memory_space<vmem>>) target(%dma_start3A_63 : memref<10240x128xf32, #tpu.memory_space<vmem_shared>>) offsets(%dma_start3A_60 : memref<128xi32, #tpu.memory_space<vmem>>) semaphore(%arg17 : memref<!tpu.dma_semaphore, #tpu.memory_space<semaphore_mem>>) {add = true}
      %dma_start3A_64 = arith.constant 0 : i32
      %dma_start3A_65 = arith.constant 0 : i32
      %dma_start3A_66 = tpu.memref_slice %arg11[%dma_start3A_64, %dma_start3A_65] : memref<16x128xi32, #tpu.memory_space<vmem>> -> memref<1x128xi32, #tpu.memory_space<vmem>>
      %dma_start3A_67 = tpu.memref_squeeze %dma_start3A_66 : memref<1x128xi32, #tpu.memory_space<vmem>> -> memref<128xi32, #tpu.memory_space<vmem>>
      %dma_start3A_68 = arith.constant 0 : i32
      %dma_start3A_69 = tpu.memref_slice %arg19[%dma_start3A_68] : memref<10240xf32, #tpu.memory_space<vmem_shared>> -> memref<10240xf32, #tpu.memory_space<vmem_shared>>
      tpu.enqueue_indirect_dma source(%arg18 : memref<128xf32, #tpu.memory_space<vmem>>) target(%dma_start3A_69 : memref<10240xf32, #tpu.memory_space<vmem_shared>>) offsets(%dma_start3A_67 : memref<128xi32, #tpu.memory_space<vmem>>) semaphore(%arg20 : memref<!tpu.dma_semaphore, #tpu.memory_space<semaphore_mem>>) {add = true}
      %dma_wait3A_70 = arith.constant 0 : i32
      %dma_wait3A_71 = arith.constant 0 : i32
      %dma_wait3A_72 = tpu.memref_slice %arg11[%dma_wait3A_70, %dma_wait3A_71] : memref<16x128xi32, #tpu.memory_space<vmem>> -> memref<1x128xi32, #tpu.memory_space<vmem>>
      %dma_wait3A_73 = tpu.memref_squeeze %dma_wait3A_72 : memref<1x128xi32, #tpu.memory_space<vmem>> -> memref<128xi32, #tpu.memory_space<vmem>>
      %dma_wait3A_74 = arith.constant 0 : i32
      %dma_wait3A_75 = arith.constant 0 : i32
      %dma_wait3A_76 = tpu.memref_slice %arg14[%dma_wait3A_74, %dma_wait3A_75] : memref<10240x128xf32, #tpu.memory_space<vmem_shared>> -> memref<10240x128xf32, #tpu.memory_space<vmem_shared>>
      tpu.wait_indirect_dma semaphore(%arg17 : memref<!tpu.dma_semaphore, #tpu.memory_space<semaphore_mem>>) src(%arg12 : memref<128x128xf32, #tpu.memory_space<vmem>>) dst(%dma_wait3A_76 : memref<10240x128xf32, #tpu.memory_space<vmem_shared>>)
      %dma_start3A_77 = arith.constant 2 : i32
      %dma_start3A_78 = arith.constant 0 : i32
      %dma_start3A_79 = tpu.memref_slice %arg10[%dma_start3A_77, %dma_start3A_78] : memref<16x128xi32, #tpu.memory_space<vmem>> -> memref<1x128xi32, #tpu.memory_space<vmem>>
      %dma_start3A_80 = tpu.memref_squeeze %dma_start3A_79 : memref<1x128xi32, #tpu.memory_space<vmem>> -> memref<128xi32, #tpu.memory_space<vmem>>
      %dma_start3A_81 = arith.constant 0 : i32
      %dma_start3A_82 = arith.constant 0 : i32
      %dma_start3A_83 = tpu.memref_slice %arg2[%dma_start3A_81, %dma_start3A_82] : memref<10000x128xf32, #tpu.memory_space<hbm>> -> memref<10000x128xf32, #tpu.memory_space<hbm>>
      tpu.enqueue_indirect_dma source(%dma_start3A_83 : memref<10000x128xf32, #tpu.memory_space<hbm>>) target(%arg12 : memref<128x128xf32, #tpu.memory_space<vmem>>) offsets(%dma_start3A_80 : memref<128xi32, #tpu.memory_space<vmem>>) semaphore(%arg16 : memref<!tpu.dma_semaphore, #tpu.memory_space<semaphore_mem>>)
      %dma_wait3A_84 = arith.constant 1 : i32
      %dma_wait3A_85 = arith.constant 0 : i32
      %dma_wait3A_86 = tpu.memref_slice %arg10[%dma_wait3A_84, %dma_wait3A_85] : memref<16x128xi32, #tpu.memory_space<vmem>> -> memref<1x128xi32, #tpu.memory_space<vmem>>
      %dma_wait3A_87 = tpu.memref_squeeze %dma_wait3A_86 : memref<1x128xi32, #tpu.memory_space<vmem>> -> memref<128xi32, #tpu.memory_space<vmem>>
      %dma_wait3A_88 = arith.constant 0 : i32
      %dma_wait3A_89 = arith.constant 0 : i32
      %dma_wait3A_90 = tpu.memref_slice %arg2[%dma_wait3A_88, %dma_wait3A_89] : memref<10000x128xf32, #tpu.memory_space<hbm>> -> memref<10000x128xf32, #tpu.memory_space<hbm>>
      tpu.wait_indirect_dma semaphore(%arg16 : memref<!tpu.dma_semaphore, #tpu.memory_space<semaphore_mem>>) src(%dma_wait3A_90 : memref<10000x128xf32, #tpu.memory_space<hbm>>) dst(%arg13 : memref<128x128xf32, #tpu.memory_space<vmem>>)
      %dma_start3A_91 = arith.constant 1 : i32
      %dma_start3A_92 = arith.constant 0 : i32
      %dma_start3A_93 = tpu.memref_slice %arg11[%dma_start3A_91, %dma_start3A_92] : memref<16x128xi32, #tpu.memory_space<vmem>> -> memref<1x128xi32, #tpu.memory_space<vmem>>
      %dma_start3A_94 = tpu.memref_squeeze %dma_start3A_93 : memref<1x128xi32, #tpu.memory_space<vmem>> -> memref<128xi32, #tpu.memory_space<vmem>>
      %dma_start3A_95 = arith.constant 0 : i32
      %dma_start3A_96 = arith.constant 0 : i32
      %dma_start3A_97 = tpu.memref_slice %arg14[%dma_start3A_95, %dma_start3A_96] : memref<10240x128xf32, #tpu.memory_space<vmem_shared>> -> memref<10240x128xf32, #tpu.memory_space<vmem_shared>>
      tpu.enqueue_indirect_dma source(%arg13 : memref<128x128xf32, #tpu.memory_space<vmem>>) target(%dma_start3A_97 : memref<10240x128xf32, #tpu.memory_space<vmem_shared>>) offsets(%dma_start3A_94 : memref<128xi32, #tpu.memory_space<vmem>>) semaphore(%arg17 : memref<!tpu.dma_semaphore, #tpu.memory_space<semaphore_mem>>) {add = true}
      %dma_start3A_98 = arith.constant 1 : i32
      %dma_start3A_99 = arith.constant 0 : i32
      %dma_start3A_100 = tpu.memref_slice %arg11[%dma_start3A_98, %dma_start3A_99] : memref<16x128xi32, #tpu.memory_space<vmem>> -> memref<1x128xi32, #tpu.memory_space<vmem>>
      %dma_start3A_101 = tpu.memref_squeeze %dma_start3A_100 : memref<1x128xi32, #tpu.memory_space<vmem>> -> memref<128xi32, #tpu.memory_space<vmem>>
      %dma_start3A_102 = arith.constant 0 : i32
      %dma_start3A_103 = tpu.memref_slice %arg19[%dma_start3A_102] : memref<10240xf32, #tpu.memory_space<vmem_shared>> -> memref<10240xf32, #tpu.memory_space<vmem_shared>>
      tpu.enqueue_indirect_dma source(%arg18 : memref<128xf32, #tpu.memory_space<vmem>>) target(%dma_start3A_103 : memref<10240xf32, #tpu.memory_space<vmem_shared>>) offsets(%dma_start3A_101 : memref<128xi32, #tpu.memory_space<vmem>>) semaphore(%arg20 : memref<!tpu.dma_semaphore, #tpu.memory_space<semaphore_mem>>) {add = true}
      %dma_wait3A_104 = arith.constant 1 : i32
      %dma_wait3A_105 = arith.constant 0 : i32
      %dma_wait3A_106 = tpu.memref_slice %arg11[%dma_wait3A_104, %dma_wait3A_105] : memref<16x128xi32, #tpu.memory_space<vmem>> -> memref<1x128xi32, #tpu.memory_space<vmem>>
      %dma_wait3A_107 = tpu.memref_squeeze %dma_wait3A_106 : memref<1x128xi32, #tpu.memory_space<vmem>> -> memref<128xi32, #tpu.memory_space<vmem>>
      %dma_wait3A_108 = arith.constant 0 : i32
      %dma_wait3A_109 = arith.constant 0 : i32
      %dma_wait3A_110 = tpu.memref_slice %arg14[%dma_wait3A_108, %dma_wait3A_109] : memref<10240x128xf32, #tpu.memory_space<vmem_shared>> -> memref<10240x128xf32, #tpu.memory_space<vmem_shared>>
      tpu.wait_indirect_dma semaphore(%arg17 : memref<!tpu.dma_semaphore, #tpu.memory_space<semaphore_mem>>) src(%arg13 : memref<128x128xf32, #tpu.memory_space<vmem>>) dst(%dma_wait3A_110 : memref<10240x128xf32, #tpu.memory_space<vmem_shared>>)
      %dma_start3A_111 = arith.constant 3 : i32
      %dma_start3A_112 = arith.constant 0 : i32
      %dma_start3A_113 = tpu.memref_slice %arg10[%dma_start3A_111, %dma_start3A_112] : memref<16x128xi32, #tpu.memory_space<vmem>> -> memref<1x128xi32, #tpu.memory_space<vmem>>
      %dma_start3A_114 = tpu.memref_squeeze %dma_start3A_113 : memref<1x128xi32, #tpu.memory_space<vmem>> -> memref<128xi32, #tpu.memory_space<vmem>>
      %dma_start3A_115 = arith.constant 0 : i32
      %dma_start3A_116 = arith.constant 0 : i32
      %dma_start3A_117 = tpu.memref_slice %arg2[%dma_start3A_115, %dma_start3A_116] : memref<10000x128xf32, #tpu.memory_space<hbm>> -> memref<10000x128xf32, #tpu.memory_space<hbm>>
      tpu.enqueue_indirect_dma source(%dma_start3A_117 : memref<10000x128xf32, #tpu.memory_space<hbm>>) target(%arg13 : memref<128x128xf32, #tpu.memory_space<vmem>>) offsets(%dma_start3A_114 : memref<128xi32, #tpu.memory_space<vmem>>) semaphore(%arg16 : memref<!tpu.dma_semaphore, #tpu.memory_space<semaphore_mem>>)
      %dma_wait3A_118 = arith.constant 2 : i32
      %dma_wait3A_119 = arith.constant 0 : i32
      %dma_wait3A_120 = tpu.memref_slice %arg10[%dma_wait3A_118, %dma_wait3A_119] : memref<16x128xi32, #tpu.memory_space<vmem>> -> memref<1x128xi32, #tpu.memory_space<vmem>>
      %dma_wait3A_121 = tpu.memref_squeeze %dma_wait3A_120 : memref<1x128xi32, #tpu.memory_space<vmem>> -> memref<128xi32, #tpu.memory_space<vmem>>
      %dma_wait3A_122 = arith.constant 0 : i32
      %dma_wait3A_123 = arith.constant 0 : i32
      %dma_wait3A_124 = tpu.memref_slice %arg2[%dma_wait3A_122, %dma_wait3A_123] : memref<10000x128xf32, #tpu.memory_space<hbm>> -> memref<10000x128xf32, #tpu.memory_space<hbm>>
      tpu.wait_indirect_dma semaphore(%arg16 : memref<!tpu.dma_semaphore, #tpu.memory_space<semaphore_mem>>) src(%dma_wait3A_124 : memref<10000x128xf32, #tpu.memory_space<hbm>>) dst(%arg12 : memref<128x128xf32, #tpu.memory_space<vmem>>)
      %dma_start3A_125 = arith.constant 2 : i32
      %dma_start3A_126 = arith.constant 0 : i32
      %dma_start3A_127 = tpu.memref_slice %arg11[%dma_start3A_125, %dma_start3A_126] : memref<16x128xi32, #tpu.memory_space<vmem>> -> memref<1x128xi32, #tpu.memory_space<vmem>>
      %dma_start3A_128 = tpu.memref_squeeze %dma_start3A_127 : memref<1x128xi32, #tpu.memory_space<vmem>> -> memref<128xi32, #tpu.memory_space<vmem>>
      %dma_start3A_129 = arith.constant 0 : i32
      %dma_start3A_130 = arith.constant 0 : i32
      %dma_start3A_131 = tpu.memref_slice %arg14[%dma_start3A_129, %dma_start3A_130] : memref<10240x128xf32, #tpu.memory_space<vmem_shared>> -> memref<10240x128xf32, #tpu.memory_space<vmem_shared>>
      tpu.enqueue_indirect_dma source(%arg12 : memref<128x128xf32, #tpu.memory_space<vmem>>) target(%dma_start3A_131 : memref<10240x128xf32, #tpu.memory_space<vmem_shared>>) offsets(%dma_start3A_128 : memref<128xi32, #tpu.memory_space<vmem>>) semaphore(%arg17 : memref<!tpu.dma_semaphore, #tpu.memory_space<semaphore_mem>>) {add = true}
      %dma_start3A_132 = arith.constant 2 : i32
      %dma_start3A_133 = arith.constant 0 : i32
      %dma_start3A_134 = tpu.memref_slice %arg11[%dma_start3A_132, %dma_start3A_133] : memref<16x128xi32, #tpu.memory_space<vmem>> -> memref<1x128xi32, #tpu.memory_space<vmem>>
      %dma_start3A_135 = tpu.memref_squeeze %dma_start3A_134 : memref<1x128xi32, #tpu.memory_space<vmem>> -> memref<128xi32, #tpu.memory_space<vmem>>
      %dma_start3A_136 = arith.constant 0 : i32
      %dma_start3A_137 = tpu.memref_slice %arg19[%dma_start3A_136] : memref<10240xf32, #tpu.memory_space<vmem_shared>> -> memref<10240xf32, #tpu.memory_space<vmem_shared>>
      tpu.enqueue_indirect_dma source(%arg18 : memref<128xf32, #tpu.memory_space<vmem>>) target(%dma_start3A_137 : memref<10240xf32, #tpu.memory_space<vmem_shared>>) offsets(%dma_start3A_135 : memref<128xi32, #tpu.memory_space<vmem>>) semaphore(%arg20 : memref<!tpu.dma_semaphore, #tpu.memory_space<semaphore_mem>>) {add = true}
      %dma_wait3A_138 = arith.constant 2 : i32
      %dma_wait3A_139 = arith.constant 0 : i32
      %dma_wait3A_140 = tpu.memref_slice %arg11[%dma_wait3A_138, %dma_wait3A_139] : memref<16x128xi32, #tpu.memory_space<vmem>> -> memref<1x128xi32, #tpu.memory_space<vmem>>
      %dma_wait3A_141 = tpu.memref_squeeze %dma_wait3A_140 : memref<1x128xi32, #tpu.memory_space<vmem>> -> memref<128xi32, #tpu.memory_space<vmem>>
      %dma_wait3A_142 = arith.constant 0 : i32
      %dma_wait3A_143 = arith.constant 0 : i32
      %dma_wait3A_144 = tpu.memref_slice %arg14[%dma_wait3A_142, %dma_wait3A_143] : memref<10240x128xf32, #tpu.memory_space<vmem_shared>> -> memref<10240x128xf32, #tpu.memory_space<vmem_shared>>
      tpu.wait_indirect_dma semaphore(%arg17 : memref<!tpu.dma_semaphore, #tpu.memory_space<semaphore_mem>>) src(%arg12 : memref<128x128xf32, #tpu.memory_space<vmem>>) dst(%dma_wait3A_144 : memref<10240x128xf32, #tpu.memory_space<vmem_shared>>)
      %dma_start3A_145 = arith.constant 4 : i32
      %dma_start3A_146 = arith.constant 0 : i32
      %dma_start3A_147 = tpu.memref_slice %arg10[%dma_start3A_145, %dma_start3A_146] : memref<16x128xi32, #tpu.memory_space<vmem>> -> memref<1x128xi32, #tpu.memory_space<vmem>>
      %dma_start3A_148 = tpu.memref_squeeze %dma_start3A_147 : memref<1x128xi32, #tpu.memory_space<vmem>> -> memref<128xi32, #tpu.memory_space<vmem>>
      %dma_start3A_149 = arith.constant 0 : i32
      %dma_start3A_150 = arith.constant 0 : i32
      %dma_start3A_151 = tpu.memref_slice %arg2[%dma_start3A_149, %dma_start3A_150] : memref<10000x128xf32, #tpu.memory_space<hbm>> -> memref<10000x128xf32, #tpu.memory_space<hbm>>
      tpu.enqueue_indirect_dma source(%dma_start3A_151 : memref<10000x128xf32, #tpu.memory_space<hbm>>) target(%arg12 : memref<128x128xf32, #tpu.memory_space<vmem>>) offsets(%dma_start3A_148 : memref<128xi32, #tpu.memory_space<vmem>>) semaphore(%arg16 : memref<!tpu.dma_semaphore, #tpu.memory_space<semaphore_mem>>)
      %dma_wait3A_152 = arith.constant 3 : i32
      %dma_wait3A_153 = arith.constant 0 : i32
      %dma_wait3A_154 = tpu.memref_slice %arg10[%dma_wait3A_152, %dma_wait3A_153] : memref<16x128xi32, #tpu.memory_space<vmem>> -> memref<1x128xi32, #tpu.memory_space<vmem>>
      %dma_wait3A_155 = tpu.memref_squeeze %dma_wait3A_154 : memref<1x128xi32, #tpu.memory_space<vmem>> -> memref<128xi32, #tpu.memory_space<vmem>>
      %dma_wait3A_156 = arith.constant 0 : i32
      %dma_wait3A_157 = arith.constant 0 : i32
      %dma_wait3A_158 = tpu.memref_slice %arg2[%dma_wait3A_156, %dma_wait3A_157] : memref<10000x128xf32, #tpu.memory_space<hbm>> -> memref<10000x128xf32, #tpu.memory_space<hbm>>
      tpu.wait_indirect_dma semaphore(%arg16 : memref<!tpu.dma_semaphore, #tpu.memory_space<semaphore_mem>>) src(%dma_wait3A_158 : memref<10000x128xf32, #tpu.memory_space<hbm>>) dst(%arg13 : memref<128x128xf32, #tpu.memory_space<vmem>>)
      %dma_start3A_159 = arith.constant 3 : i32
      %dma_start3A_160 = arith.constant 0 : i32
      %dma_start3A_161 = tpu.memref_slice %arg11[%dma_start3A_159, %dma_start3A_160] : memref<16x128xi32, #tpu.memory_space<vmem>> -> memref<1x128xi32, #tpu.memory_space<vmem>>
      %dma_start3A_162 = tpu.memref_squeeze %dma_start3A_161 : memref<1x128xi32, #tpu.memory_space<vmem>> -> memref<128xi32, #tpu.memory_space<vmem>>
      %dma_start3A_163 = arith.constant 0 : i32
      %dma_start3A_164 = arith.constant 0 : i32
      %dma_start3A_165 = tpu.memref_slice %arg14[%dma_start3A_163, %dma_start3A_164] : memref<10240x128xf32, #tpu.memory_space<vmem_shared>> -> memref<10240x128xf32, #tpu.memory_space<vmem_shared>>
      tpu.enqueue_indirect_dma source(%arg13 : memref<128x128xf32, #tpu.memory_space<vmem>>) target(%dma_start3A_165 : memref<10240x128xf32, #tpu.memory_space<vmem_shared>>) offsets(%dma_start3A_162 : memref<128xi32, #tpu.memory_space<vmem>>) semaphore(%arg17 : memref<!tpu.dma_semaphore, #tpu.memory_space<semaphore_mem>>) {add = true}
      %dma_start3A_166 = arith.constant 3 : i32
      %dma_start3A_167 = arith.constant 0 : i32
      %dma_start3A_168 = tpu.memref_slice %arg11[%dma_start3A_166, %dma_start3A_167] : memref<16x128xi32, #tpu.memory_space<vmem>> -> memref<1x128xi32, #tpu.memory_space<vmem>>
      %dma_start3A_169 = tpu.memref_squeeze %dma_start3A_168 : memref<1x128xi32, #tpu.memory_space<vmem>> -> memref<128xi32, #tpu.memory_space<vmem>>
      %dma_start3A_170 = arith.constant 0 : i32
      %dma_start3A_171 = tpu.memref_slice %arg19[%dma_start3A_170] : memref<10240xf32, #tpu.memory_space<vmem_shared>> -> memref<10240xf32, #tpu.memory_space<vmem_shared>>
      tpu.enqueue_indirect_dma source(%arg18 : memref<128xf32, #tpu.memory_space<vmem>>) target(%dma_start3A_171 : memref<10240xf32, #tpu.memory_space<vmem_shared>>) offsets(%dma_start3A_169 : memref<128xi32, #tpu.memory_space<vmem>>) semaphore(%arg20 : memref<!tpu.dma_semaphore, #tpu.memory_space<semaphore_mem>>) {add = true}
      %dma_wait3A_172 = arith.constant 3 : i32
      %dma_wait3A_173 = arith.constant 0 : i32
      %dma_wait3A_174 = tpu.memref_slice %arg11[%dma_wait3A_172, %dma_wait3A_173] : memref<16x128xi32, #tpu.memory_space<vmem>> -> memref<1x128xi32, #tpu.memory_space<vmem>>
      %dma_wait3A_175 = tpu.memref_squeeze %dma_wait3A_174 : memref<1x128xi32, #tpu.memory_space<vmem>> -> memref<128xi32, #tpu.memory_space<vmem>>
      %dma_wait3A_176 = arith.constant 0 : i32
      %dma_wait3A_177 = arith.constant 0 : i32
      %dma_wait3A_178 = tpu.memref_slice %arg14[%dma_wait3A_176, %dma_wait3A_177] : memref<10240x128xf32, #tpu.memory_space<vmem_shared>> -> memref<10240x128xf32, #tpu.memory_space<vmem_shared>>
      tpu.wait_indirect_dma semaphore(%arg17 : memref<!tpu.dma_semaphore, #tpu.memory_space<semaphore_mem>>) src(%arg13 : memref<128x128xf32, #tpu.memory_space<vmem>>) dst(%dma_wait3A_178 : memref<10240x128xf32, #tpu.memory_space<vmem_shared>>)
      %dma_start3A_179 = arith.constant 5 : i32
      %dma_start3A_180 = arith.constant 0 : i32
      %dma_start3A_181 = tpu.memref_slice %arg10[%dma_start3A_179, %dma_start3A_180] : memref<16x128xi32, #tpu.memory_space<vmem>> -> memref<1x128xi32, #tpu.memory_space<vmem>>
      %dma_start3A_182 = tpu.memref_squeeze %dma_start3A_181 : memref<1x128xi32, #tpu.memory_space<vmem>> -> memref<128xi32, #tpu.memory_space<vmem>>
      %dma_start3A_183 = arith.constant 0 : i32
      %dma_start3A_184 = arith.constant 0 : i32
      %dma_start3A_185 = tpu.memref_slice %arg2[%dma_start3A_183, %dma_start3A_184] : memref<10000x128xf32, #tpu.memory_space<hbm>> -> memref<10000x128xf32, #tpu.memory_space<hbm>>
      tpu.enqueue_indirect_dma source(%dma_start3A_185 : memref<10000x128xf32, #tpu.memory_space<hbm>>) target(%arg13 : memref<128x128xf32, #tpu.memory_space<vmem>>) offsets(%dma_start3A_182 : memref<128xi32, #tpu.memory_space<vmem>>) semaphore(%arg16 : memref<!tpu.dma_semaphore, #tpu.memory_space<semaphore_mem>>)
      %dma_wait3A_186 = arith.constant 4 : i32
      %dma_wait3A_187 = arith.constant 0 : i32
      %dma_wait3A_188 = tpu.memref_slice %arg10[%dma_wait3A_186, %dma_wait3A_187] : memref<16x128xi32, #tpu.memory_space<vmem>> -> memref<1x128xi32, #tpu.memory_space<vmem>>
      %dma_wait3A_189 = tpu.memref_squeeze %dma_wait3A_188 : memref<1x128xi32, #tpu.memory_space<vmem>> -> memref<128xi32, #tpu.memory_space<vmem>>
      %dma_wait3A_190 = arith.constant 0 : i32
      %dma_wait3A_191 = arith.constant 0 : i32
      %dma_wait3A_192 = tpu.memref_slice %arg2[%dma_wait3A_190, %dma_wait3A_191] : memref<10000x128xf32, #tpu.memory_space<hbm>> -> memref<10000x128xf32, #tpu.memory_space<hbm>>
      tpu.wait_indirect_dma semaphore(%arg16 : memref<!tpu.dma_semaphore, #tpu.memory_space<semaphore_mem>>) src(%dma_wait3A_192 : memref<10000x128xf32, #tpu.memory_space<hbm>>) dst(%arg12 : memref<128x128xf32, #tpu.memory_space<vmem>>)
      %dma_start3A_193 = arith.constant 4 : i32
      %dma_start3A_194 = arith.constant 0 : i32
      %dma_start3A_195 = tpu.memref_slice %arg11[%dma_start3A_193, %dma_start3A_194] : memref<16x128xi32, #tpu.memory_space<vmem>> -> memref<1x128xi32, #tpu.memory_space<vmem>>
      %dma_start3A_196 = tpu.memref_squeeze %dma_start3A_195 : memref<1x128xi32, #tpu.memory_space<vmem>> -> memref<128xi32, #tpu.memory_space<vmem>>
      %dma_start3A_197 = arith.constant 0 : i32
      %dma_start3A_198 = arith.constant 0 : i32
      %dma_start3A_199 = tpu.memref_slice %arg14[%dma_start3A_197, %dma_start3A_198] : memref<10240x128xf32, #tpu.memory_space<vmem_shared>> -> memref<10240x128xf32, #tpu.memory_space<vmem_shared>>
      tpu.enqueue_indirect_dma source(%arg12 : memref<128x128xf32, #tpu.memory_space<vmem>>) target(%dma_start3A_199 : memref<10240x128xf32, #tpu.memory_space<vmem_shared>>) offsets(%dma_start3A_196 : memref<128xi32, #tpu.memory_space<vmem>>) semaphore(%arg17 : memref<!tpu.dma_semaphore, #tpu.memory_space<semaphore_mem>>) {add = true}
      %dma_start3A_200 = arith.constant 4 : i32
      %dma_start3A_201 = arith.constant 0 : i32
      %dma_start3A_202 = tpu.memref_slice %arg11[%dma_start3A_200, %dma_start3A_201] : memref<16x128xi32, #tpu.memory_space<vmem>> -> memref<1x128xi32, #tpu.memory_space<vmem>>
      %dma_start3A_203 = tpu.memref_squeeze %dma_start3A_202 : memref<1x128xi32, #tpu.memory_space<vmem>> -> memref<128xi32, #tpu.memory_space<vmem>>
      %dma_start3A_204 = arith.constant 0 : i32
      %dma_start3A_205 = tpu.memref_slice %arg19[%dma_start3A_204] : memref<10240xf32, #tpu.memory_space<vmem_shared>> -> memref<10240xf32, #tpu.memory_space<vmem_shared>>
      tpu.enqueue_indirect_dma source(%arg18 : memref<128xf32, #tpu.memory_space<vmem>>) target(%dma_start3A_205 : memref<10240xf32, #tpu.memory_space<vmem_shared>>) offsets(%dma_start3A_203 : memref<128xi32, #tpu.memory_space<vmem>>) semaphore(%arg20 : memref<!tpu.dma_semaphore, #tpu.memory_space<semaphore_mem>>) {add = true}
      %dma_wait3A_206 = arith.constant 4 : i32
      %dma_wait3A_207 = arith.constant 0 : i32
      %dma_wait3A_208 = tpu.memref_slice %arg11[%dma_wait3A_206, %dma_wait3A_207] : memref<16x128xi32, #tpu.memory_space<vmem>> -> memref<1x128xi32, #tpu.memory_space<vmem>>
      %dma_wait3A_209 = tpu.memref_squeeze %dma_wait3A_208 : memref<1x128xi32, #tpu.memory_space<vmem>> -> memref<128xi32, #tpu.memory_space<vmem>>
      %dma_wait3A_210 = arith.constant 0 : i32
      %dma_wait3A_211 = arith.constant 0 : i32
      %dma_wait3A_212 = tpu.memref_slice %arg14[%dma_wait3A_210, %dma_wait3A_211] : memref<10240x128xf32, #tpu.memory_space<vmem_shared>> -> memref<10240x128xf32, #tpu.memory_space<vmem_shared>>
      tpu.wait_indirect_dma semaphore(%arg17 : memref<!tpu.dma_semaphore, #tpu.memory_space<semaphore_mem>>) src(%arg12 : memref<128x128xf32, #tpu.memory_space<vmem>>) dst(%dma_wait3A_212 : memref<10240x128xf32, #tpu.memory_space<vmem_shared>>)
      %dma_start3A_213 = arith.constant 6 : i32
      %dma_start3A_214 = arith.constant 0 : i32
      %dma_start3A_215 = tpu.memref_slice %arg10[%dma_start3A_213, %dma_start3A_214] : memref<16x128xi32, #tpu.memory_space<vmem>> -> memref<1x128xi32, #tpu.memory_space<vmem>>
      %dma_start3A_216 = tpu.memref_squeeze %dma_start3A_215 : memref<1x128xi32, #tpu.memory_space<vmem>> -> memref<128xi32, #tpu.memory_space<vmem>>
      %dma_start3A_217 = arith.constant 0 : i32
      %dma_start3A_218 = arith.constant 0 : i32
      %dma_start3A_219 = tpu.memref_slice %arg2[%dma_start3A_217, %dma_start3A_218] : memref<10000x128xf32, #tpu.memory_space<hbm>> -> memref<10000x128xf32, #tpu.memory_space<hbm>>
      tpu.enqueue_indirect_dma source(%dma_start3A_219 : memref<10000x128xf32, #tpu.memory_space<hbm>>) target(%arg12 : memref<128x128xf32, #tpu.memory_space<vmem>>) offsets(%dma_start3A_216 : memref<128xi32, #tpu.memory_space<vmem>>) semaphore(%arg16 : memref<!tpu.dma_semaphore, #tpu.memory_space<semaphore_mem>>)
      %dma_wait3A_220 = arith.constant 5 : i32
      %dma_wait3A_221 = arith.constant 0 : i32
      %dma_wait3A_222 = tpu.memref_slice %arg10[%dma_wait3A_220, %dma_wait3A_221] : memref<16x128xi32, #tpu.memory_space<vmem>> -> memref<1x128xi32, #tpu.memory_space<vmem>>
      %dma_wait3A_223 = tpu.memref_squeeze %dma_wait3A_222 : memref<1x128xi32, #tpu.memory_space<vmem>> -> memref<128xi32, #tpu.memory_space<vmem>>
      %dma_wait3A_224 = arith.constant 0 : i32
      %dma_wait3A_225 = arith.constant 0 : i32
      %dma_wait3A_226 = tpu.memref_slice %arg2[%dma_wait3A_224, %dma_wait3A_225] : memref<10000x128xf32, #tpu.memory_space<hbm>> -> memref<10000x128xf32, #tpu.memory_space<hbm>>
      tpu.wait_indirect_dma semaphore(%arg16 : memref<!tpu.dma_semaphore, #tpu.memory_space<semaphore_mem>>) src(%dma_wait3A_226 : memref<10000x128xf32, #tpu.memory_space<hbm>>) dst(%arg13 : memref<128x128xf32, #tpu.memory_space<vmem>>)
      %dma_start3A_227 = arith.constant 5 : i32
      %dma_start3A_228 = arith.constant 0 : i32
      %dma_start3A_229 = tpu.memref_slice %arg11[%dma_start3A_227, %dma_start3A_228] : memref<16x128xi32, #tpu.memory_space<vmem>> -> memref<1x128xi32, #tpu.memory_space<vmem>>
      %dma_start3A_230 = tpu.memref_squeeze %dma_start3A_229 : memref<1x128xi32, #tpu.memory_space<vmem>> -> memref<128xi32, #tpu.memory_space<vmem>>
      %dma_start3A_231 = arith.constant 0 : i32
      %dma_start3A_232 = arith.constant 0 : i32
      %dma_start3A_233 = tpu.memref_slice %arg14[%dma_start3A_231, %dma_start3A_232] : memref<10240x128xf32, #tpu.memory_space<vmem_shared>> -> memref<10240x128xf32, #tpu.memory_space<vmem_shared>>
      tpu.enqueue_indirect_dma source(%arg13 : memref<128x128xf32, #tpu.memory_space<vmem>>) target(%dma_start3A_233 : memref<10240x128xf32, #tpu.memory_space<vmem_shared>>) offsets(%dma_start3A_230 : memref<128xi32, #tpu.memory_space<vmem>>) semaphore(%arg17 : memref<!tpu.dma_semaphore, #tpu.memory_space<semaphore_mem>>) {add = true}
      %dma_start3A_234 = arith.constant 5 : i32
      %dma_start3A_235 = arith.constant 0 : i32
      %dma_start3A_236 = tpu.memref_slice %arg11[%dma_start3A_234, %dma_start3A_235] : memref<16x128xi32, #tpu.memory_space<vmem>> -> memref<1x128xi32, #tpu.memory_space<vmem>>
      %dma_start3A_237 = tpu.memref_squeeze %dma_start3A_236 : memref<1x128xi32, #tpu.memory_space<vmem>> -> memref<128xi32, #tpu.memory_space<vmem>>
      %dma_start3A_238 = arith.constant 0 : i32
      %dma_start3A_239 = tpu.memref_slice %arg19[%dma_start3A_238] : memref<10240xf32, #tpu.memory_space<vmem_shared>> -> memref<10240xf32, #tpu.memory_space<vmem_shared>>
      tpu.enqueue_indirect_dma source(%arg18 : memref<128xf32, #tpu.memory_space<vmem>>) target(%dma_start3A_239 : memref<10240xf32, #tpu.memory_space<vmem_shared>>) offsets(%dma_start3A_237 : memref<128xi32, #tpu.memory_space<vmem>>) semaphore(%arg20 : memref<!tpu.dma_semaphore, #tpu.memory_space<semaphore_mem>>) {add = true}
      %dma_wait3A_240 = arith.constant 5 : i32
      %dma_wait3A_241 = arith.constant 0 : i32
      %dma_wait3A_242 = tpu.memref_slice %arg11[%dma_wait3A_240, %dma_wait3A_241] : memref<16x128xi32, #tpu.memory_space<vmem>> -> memref<1x128xi32, #tpu.memory_space<vmem>>
      %dma_wait3A_243 = tpu.memref_squeeze %dma_wait3A_242 : memref<1x128xi32, #tpu.memory_space<vmem>> -> memref<128xi32, #tpu.memory_space<vmem>>
      %dma_wait3A_244 = arith.constant 0 : i32
      %dma_wait3A_245 = arith.constant 0 : i32
      %dma_wait3A_246 = tpu.memref_slice %arg14[%dma_wait3A_244, %dma_wait3A_245] : memref<10240x128xf32, #tpu.memory_space<vmem_shared>> -> memref<10240x128xf32, #tpu.memory_space<vmem_shared>>
      tpu.wait_indirect_dma semaphore(%arg17 : memref<!tpu.dma_semaphore, #tpu.memory_space<semaphore_mem>>) src(%arg13 : memref<128x128xf32, #tpu.memory_space<vmem>>) dst(%dma_wait3A_246 : memref<10240x128xf32, #tpu.memory_space<vmem_shared>>)
      %dma_start3A_247 = arith.constant 7 : i32
      %dma_start3A_248 = arith.constant 0 : i32
      %dma_start3A_249 = tpu.memref_slice %arg10[%dma_start3A_247, %dma_start3A_248] : memref<16x128xi32, #tpu.memory_space<vmem>> -> memref<1x128xi32, #tpu.memory_space<vmem>>
      %dma_start3A_250 = tpu.memref_squeeze %dma_start3A_249 : memref<1x128xi32, #tpu.memory_space<vmem>> -> memref<128xi32, #tpu.memory_space<vmem>>
      %dma_start3A_251 = arith.constant 0 : i32
      %dma_start3A_252 = arith.constant 0 : i32
      %dma_start3A_253 = tpu.memref_slice %arg2[%dma_start3A_251, %dma_start3A_252] : memref<10000x128xf32, #tpu.memory_space<hbm>> -> memref<10000x128xf32, #tpu.memory_space<hbm>>
      tpu.enqueue_indirect_dma source(%dma_start3A_253 : memref<10000x128xf32, #tpu.memory_space<hbm>>) target(%arg13 : memref<128x128xf32, #tpu.memory_space<vmem>>) offsets(%dma_start3A_250 : memref<128xi32, #tpu.memory_space<vmem>>) semaphore(%arg16 : memref<!tpu.dma_semaphore, #tpu.memory_space<semaphore_mem>>)
      %dma_wait3A_254 = arith.constant 6 : i32
      %dma_wait3A_255 = arith.constant 0 : i32
      %dma_wait3A_256 = tpu.memref_slice %arg10[%dma_wait3A_254, %dma_wait3A_255] : memref<16x128xi32, #tpu.memory_space<vmem>> -> memref<1x128xi32, #tpu.memory_space<vmem>>
      %dma_wait3A_257 = tpu.memref_squeeze %dma_wait3A_256 : memref<1x128xi32, #tpu.memory_space<vmem>> -> memref<128xi32, #tpu.memory_space<vmem>>
      %dma_wait3A_258 = arith.constant 0 : i32
      %dma_wait3A_259 = arith.constant 0 : i32
      %dma_wait3A_260 = tpu.memref_slice %arg2[%dma_wait3A_258, %dma_wait3A_259] : memref<10000x128xf32, #tpu.memory_space<hbm>> -> memref<10000x128xf32, #tpu.memory_space<hbm>>
      tpu.wait_indirect_dma semaphore(%arg16 : memref<!tpu.dma_semaphore, #tpu.memory_space<semaphore_mem>>) src(%dma_wait3A_260 : memref<10000x128xf32, #tpu.memory_space<hbm>>) dst(%arg12 : memref<128x128xf32, #tpu.memory_space<vmem>>)
      %dma_start3A_261 = arith.constant 6 : i32
      %dma_start3A_262 = arith.constant 0 : i32
      %dma_start3A_263 = tpu.memref_slice %arg11[%dma_start3A_261, %dma_start3A_262] : memref<16x128xi32, #tpu.memory_space<vmem>> -> memref<1x128xi32, #tpu.memory_space<vmem>>
      %dma_start3A_264 = tpu.memref_squeeze %dma_start3A_263 : memref<1x128xi32, #tpu.memory_space<vmem>> -> memref<128xi32, #tpu.memory_space<vmem>>
      %dma_start3A_265 = arith.constant 0 : i32
      %dma_start3A_266 = arith.constant 0 : i32
      %dma_start3A_267 = tpu.memref_slice %arg14[%dma_start3A_265, %dma_start3A_266] : memref<10240x128xf32, #tpu.memory_space<vmem_shared>> -> memref<10240x128xf32, #tpu.memory_space<vmem_shared>>
      tpu.enqueue_indirect_dma source(%arg12 : memref<128x128xf32, #tpu.memory_space<vmem>>) target(%dma_start3A_267 : memref<10240x128xf32, #tpu.memory_space<vmem_shared>>) offsets(%dma_start3A_264 : memref<128xi32, #tpu.memory_space<vmem>>) semaphore(%arg17 : memref<!tpu.dma_semaphore, #tpu.memory_space<semaphore_mem>>) {add = true}
      %dma_start3A_268 = arith.constant 6 : i32
      %dma_start3A_269 = arith.constant 0 : i32
      %dma_start3A_270 = tpu.memref_slice %arg11[%dma_start3A_268, %dma_start3A_269] : memref<16x128xi32, #tpu.memory_space<vmem>> -> memref<1x128xi32, #tpu.memory_space<vmem>>
      %dma_start3A_271 = tpu.memref_squeeze %dma_start3A_270 : memref<1x128xi32, #tpu.memory_space<vmem>> -> memref<128xi32, #tpu.memory_space<vmem>>
      %dma_start3A_272 = arith.constant 0 : i32
      %dma_start3A_273 = tpu.memref_slice %arg19[%dma_start3A_272] : memref<10240xf32, #tpu.memory_space<vmem_shared>> -> memref<10240xf32, #tpu.memory_space<vmem_shared>>
      tpu.enqueue_indirect_dma source(%arg18 : memref<128xf32, #tpu.memory_space<vmem>>) target(%dma_start3A_273 : memref<10240xf32, #tpu.memory_space<vmem_shared>>) offsets(%dma_start3A_271 : memref<128xi32, #tpu.memory_space<vmem>>) semaphore(%arg20 : memref<!tpu.dma_semaphore, #tpu.memory_space<semaphore_mem>>) {add = true}
      %dma_wait3A_274 = arith.constant 6 : i32
      %dma_wait3A_275 = arith.constant 0 : i32
      %dma_wait3A_276 = tpu.memref_slice %arg11[%dma_wait3A_274, %dma_wait3A_275] : memref<16x128xi32, #tpu.memory_space<vmem>> -> memref<1x128xi32, #tpu.memory_space<vmem>>
      %dma_wait3A_277 = tpu.memref_squeeze %dma_wait3A_276 : memref<1x128xi32, #tpu.memory_space<vmem>> -> memref<128xi32, #tpu.memory_space<vmem>>
      %dma_wait3A_278 = arith.constant 0 : i32
      %dma_wait3A_279 = arith.constant 0 : i32
      %dma_wait3A_280 = tpu.memref_slice %arg14[%dma_wait3A_278, %dma_wait3A_279] : memref<10240x128xf32, #tpu.memory_space<vmem_shared>> -> memref<10240x128xf32, #tpu.memory_space<vmem_shared>>
      tpu.wait_indirect_dma semaphore(%arg17 : memref<!tpu.dma_semaphore, #tpu.memory_space<semaphore_mem>>) src(%arg12 : memref<128x128xf32, #tpu.memory_space<vmem>>) dst(%dma_wait3A_280 : memref<10240x128xf32, #tpu.memory_space<vmem_shared>>)
      %dma_start3A_281 = arith.constant 8 : i32
      %dma_start3A_282 = arith.constant 0 : i32
      %dma_start3A_283 = tpu.memref_slice %arg10[%dma_start3A_281, %dma_start3A_282] : memref<16x128xi32, #tpu.memory_space<vmem>> -> memref<1x128xi32, #tpu.memory_space<vmem>>
      %dma_start3A_284 = tpu.memref_squeeze %dma_start3A_283 : memref<1x128xi32, #tpu.memory_space<vmem>> -> memref<128xi32, #tpu.memory_space<vmem>>
      %dma_start3A_285 = arith.constant 0 : i32
      %dma_start3A_286 = arith.constant 0 : i32
      %dma_start3A_287 = tpu.memref_slice %arg2[%dma_start3A_285, %dma_start3A_286] : memref<10000x128xf32, #tpu.memory_space<hbm>> -> memref<10000x128xf32, #tpu.memory_space<hbm>>
      tpu.enqueue_indirect_dma source(%dma_start3A_287 : memref<10000x128xf32, #tpu.memory_space<hbm>>) target(%arg12 : memref<128x128xf32, #tpu.memory_space<vmem>>) offsets(%dma_start3A_284 : memref<128xi32, #tpu.memory_space<vmem>>) semaphore(%arg16 : memref<!tpu.dma_semaphore, #tpu.memory_space<semaphore_mem>>)
      %dma_wait3A_288 = arith.constant 7 : i32
      %dma_wait3A_289 = arith.constant 0 : i32
      %dma_wait3A_290 = tpu.memref_slice %arg10[%dma_wait3A_288, %dma_wait3A_289] : memref<16x128xi32, #tpu.memory_space<vmem>> -> memref<1x128xi32, #tpu.memory_space<vmem>>
      %dma_wait3A_291 = tpu.memref_squeeze %dma_wait3A_290 : memref<1x128xi32, #tpu.memory_space<vmem>> -> memref<128xi32, #tpu.memory_space<vmem>>
      %dma_wait3A_292 = arith.constant 0 : i32
      %dma_wait3A_293 = arith.constant 0 : i32
      %dma_wait3A_294 = tpu.memref_slice %arg2[%dma_wait3A_292, %dma_wait3A_293] : memref<10000x128xf32, #tpu.memory_space<hbm>> -> memref<10000x128xf32, #tpu.memory_space<hbm>>
      tpu.wait_indirect_dma semaphore(%arg16 : memref<!tpu.dma_semaphore, #tpu.memory_space<semaphore_mem>>) src(%dma_wait3A_294 : memref<10000x128xf32, #tpu.memory_space<hbm>>) dst(%arg13 : memref<128x128xf32, #tpu.memory_space<vmem>>)
      %dma_start3A_295 = arith.constant 7 : i32
      %dma_start3A_296 = arith.constant 0 : i32
      %dma_start3A_297 = tpu.memref_slice %arg11[%dma_start3A_295, %dma_start3A_296] : memref<16x128xi32, #tpu.memory_space<vmem>> -> memref<1x128xi32, #tpu.memory_space<vmem>>
      %dma_start3A_298 = tpu.memref_squeeze %dma_start3A_297 : memref<1x128xi32, #tpu.memory_space<vmem>> -> memref<128xi32, #tpu.memory_space<vmem>>
      %dma_start3A_299 = arith.constant 0 : i32
      %dma_start3A_300 = arith.constant 0 : i32
      %dma_start3A_301 = tpu.memref_slice %arg14[%dma_start3A_299, %dma_start3A_300] : memref<10240x128xf32, #tpu.memory_space<vmem_shared>> -> memref<10240x128xf32, #tpu.memory_space<vmem_shared>>
      tpu.enqueue_indirect_dma source(%arg13 : memref<128x128xf32, #tpu.memory_space<vmem>>) target(%dma_start3A_301 : memref<10240x128xf32, #tpu.memory_space<vmem_shared>>) offsets(%dma_start3A_298 : memref<128xi32, #tpu.memory_space<vmem>>) semaphore(%arg17 : memref<!tpu.dma_semaphore, #tpu.memory_space<semaphore_mem>>) {add = true}
      %dma_start3A_302 = arith.constant 7 : i32
      %dma_start3A_303 = arith.constant 0 : i32
      %dma_start3A_304 = tpu.memref_slice %arg11[%dma_start3A_302, %dma_start3A_303] : memref<16x128xi32, #tpu.memory_space<vmem>> -> memref<1x128xi32, #tpu.memory_space<vmem>>
      %dma_start3A_305 = tpu.memref_squeeze %dma_start3A_304 : memref<1x128xi32, #tpu.memory_space<vmem>> -> memref<128xi32, #tpu.memory_space<vmem>>
      %dma_start3A_306 = arith.constant 0 : i32
      %dma_start3A_307 = tpu.memref_slice %arg19[%dma_start3A_306] : memref<10240xf32, #tpu.memory_space<vmem_shared>> -> memref<10240xf32, #tpu.memory_space<vmem_shared>>
      tpu.enqueue_indirect_dma source(%arg18 : memref<128xf32, #tpu.memory_space<vmem>>) target(%dma_start3A_307 : memref<10240xf32, #tpu.memory_space<vmem_shared>>) offsets(%dma_start3A_305 : memref<128xi32, #tpu.memory_space<vmem>>) semaphore(%arg20 : memref<!tpu.dma_semaphore, #tpu.memory_space<semaphore_mem>>) {add = true}
      %dma_wait3A_308 = arith.constant 7 : i32
      %dma_wait3A_309 = arith.constant 0 : i32
      %dma_wait3A_310 = tpu.memref_slice %arg11[%dma_wait3A_308, %dma_wait3A_309] : memref<16x128xi32, #tpu.memory_space<vmem>> -> memref<1x128xi32, #tpu.memory_space<vmem>>
      %dma_wait3A_311 = tpu.memref_squeeze %dma_wait3A_310 : memref<1x128xi32, #tpu.memory_space<vmem>> -> memref<128xi32, #tpu.memory_space<vmem>>
      %dma_wait3A_312 = arith.constant 0 : i32
      %dma_wait3A_313 = arith.constant 0 : i32
      %dma_wait3A_314 = tpu.memref_slice %arg14[%dma_wait3A_312, %dma_wait3A_313] : memref<10240x128xf32, #tpu.memory_space<vmem_shared>> -> memref<10240x128xf32, #tpu.memory_space<vmem_shared>>
      tpu.wait_indirect_dma semaphore(%arg17 : memref<!tpu.dma_semaphore, #tpu.memory_space<semaphore_mem>>) src(%arg13 : memref<128x128xf32, #tpu.memory_space<vmem>>) dst(%dma_wait3A_314 : memref<10240x128xf32, #tpu.memory_space<vmem_shared>>)
      %dma_start3A_315 = arith.constant 9 : i32
      %dma_start3A_316 = arith.constant 0 : i32
      %dma_start3A_317 = tpu.memref_slice %arg10[%dma_start3A_315, %dma_start3A_316] : memref<16x128xi32, #tpu.memory_space<vmem>> -> memref<1x128xi32, #tpu.memory_space<vmem>>
      %dma_start3A_318 = tpu.memref_squeeze %dma_start3A_317 : memref<1x128xi32, #tpu.memory_space<vmem>> -> memref<128xi32, #tpu.memory_space<vmem>>
      %dma_start3A_319 = arith.constant 0 : i32
      %dma_start3A_320 = arith.constant 0 : i32
      %dma_start3A_321 = tpu.memref_slice %arg2[%dma_start3A_319, %dma_start3A_320] : memref<10000x128xf32, #tpu.memory_space<hbm>> -> memref<10000x128xf32, #tpu.memory_space<hbm>>
      tpu.enqueue_indirect_dma source(%dma_start3A_321 : memref<10000x128xf32, #tpu.memory_space<hbm>>) target(%arg13 : memref<128x128xf32, #tpu.memory_space<vmem>>) offsets(%dma_start3A_318 : memref<128xi32, #tpu.memory_space<vmem>>) semaphore(%arg16 : memref<!tpu.dma_semaphore, #tpu.memory_space<semaphore_mem>>)
      %dma_wait3A_322 = arith.constant 8 : i32
      %dma_wait3A_323 = arith.constant 0 : i32
      %dma_wait3A_324 = tpu.memref_slice %arg10[%dma_wait3A_322, %dma_wait3A_323] : memref<16x128xi32, #tpu.memory_space<vmem>> -> memref<1x128xi32, #tpu.memory_space<vmem>>
      %dma_wait3A_325 = tpu.memref_squeeze %dma_wait3A_324 : memref<1x128xi32, #tpu.memory_space<vmem>> -> memref<128xi32, #tpu.memory_space<vmem>>
      %dma_wait3A_326 = arith.constant 0 : i32
      %dma_wait3A_327 = arith.constant 0 : i32
      %dma_wait3A_328 = tpu.memref_slice %arg2[%dma_wait3A_326, %dma_wait3A_327] : memref<10000x128xf32, #tpu.memory_space<hbm>> -> memref<10000x128xf32, #tpu.memory_space<hbm>>
      tpu.wait_indirect_dma semaphore(%arg16 : memref<!tpu.dma_semaphore, #tpu.memory_space<semaphore_mem>>) src(%dma_wait3A_328 : memref<10000x128xf32, #tpu.memory_space<hbm>>) dst(%arg12 : memref<128x128xf32, #tpu.memory_space<vmem>>)
      %dma_start3A_329 = arith.constant 8 : i32
      %dma_start3A_330 = arith.constant 0 : i32
      %dma_start3A_331 = tpu.memref_slice %arg11[%dma_start3A_329, %dma_start3A_330] : memref<16x128xi32, #tpu.memory_space<vmem>> -> memref<1x128xi32, #tpu.memory_space<vmem>>
      %dma_start3A_332 = tpu.memref_squeeze %dma_start3A_331 : memref<1x128xi32, #tpu.memory_space<vmem>> -> memref<128xi32, #tpu.memory_space<vmem>>
      %dma_start3A_333 = arith.constant 0 : i32
      %dma_start3A_334 = arith.constant 0 : i32
      %dma_start3A_335 = tpu.memref_slice %arg14[%dma_start3A_333, %dma_start3A_334] : memref<10240x128xf32, #tpu.memory_space<vmem_shared>> -> memref<10240x128xf32, #tpu.memory_space<vmem_shared>>
      tpu.enqueue_indirect_dma source(%arg12 : memref<128x128xf32, #tpu.memory_space<vmem>>) target(%dma_start3A_335 : memref<10240x128xf32, #tpu.memory_space<vmem_shared>>) offsets(%dma_start3A_332 : memref<128xi32, #tpu.memory_space<vmem>>) semaphore(%arg17 : memref<!tpu.dma_semaphore, #tpu.memory_space<semaphore_mem>>) {add = true}
      %dma_start3A_336 = arith.constant 8 : i32
      %dma_start3A_337 = arith.constant 0 : i32
      %dma_start3A_338 = tpu.memref_slice %arg11[%dma_start3A_336, %dma_start3A_337] : memref<16x128xi32, #tpu.memory_space<vmem>> -> memref<1x128xi32, #tpu.memory_space<vmem>>
      %dma_start3A_339 = tpu.memref_squeeze %dma_start3A_338 : memref<1x128xi32, #tpu.memory_space<vmem>> -> memref<128xi32, #tpu.memory_space<vmem>>
      %dma_start3A_340 = arith.constant 0 : i32
      %dma_start3A_341 = tpu.memref_slice %arg19[%dma_start3A_340] : memref<10240xf32, #tpu.memory_space<vmem_shared>> -> memref<10240xf32, #tpu.memory_space<vmem_shared>>
      tpu.enqueue_indirect_dma source(%arg18 : memref<128xf32, #tpu.memory_space<vmem>>) target(%dma_start3A_341 : memref<10240xf32, #tpu.memory_space<vmem_shared>>) offsets(%dma_start3A_339 : memref<128xi32, #tpu.memory_space<vmem>>) semaphore(%arg20 : memref<!tpu.dma_semaphore, #tpu.memory_space<semaphore_mem>>) {add = true}
      %dma_wait3A_342 = arith.constant 8 : i32
      %dma_wait3A_343 = arith.constant 0 : i32
      %dma_wait3A_344 = tpu.memref_slice %arg11[%dma_wait3A_342, %dma_wait3A_343] : memref<16x128xi32, #tpu.memory_space<vmem>> -> memref<1x128xi32, #tpu.memory_space<vmem>>
      %dma_wait3A_345 = tpu.memref_squeeze %dma_wait3A_344 : memref<1x128xi32, #tpu.memory_space<vmem>> -> memref<128xi32, #tpu.memory_space<vmem>>
      %dma_wait3A_346 = arith.constant 0 : i32
      %dma_wait3A_347 = arith.constant 0 : i32
      %dma_wait3A_348 = tpu.memref_slice %arg14[%dma_wait3A_346, %dma_wait3A_347] : memref<10240x128xf32, #tpu.memory_space<vmem_shared>> -> memref<10240x128xf32, #tpu.memory_space<vmem_shared>>
      tpu.wait_indirect_dma semaphore(%arg17 : memref<!tpu.dma_semaphore, #tpu.memory_space<semaphore_mem>>) src(%arg12 : memref<128x128xf32, #tpu.memory_space<vmem>>) dst(%dma_wait3A_348 : memref<10240x128xf32, #tpu.memory_space<vmem_shared>>)
      %dma_start3A_349 = arith.constant 10 : i32
      %dma_start3A_350 = arith.constant 0 : i32
      %dma_start3A_351 = tpu.memref_slice %arg10[%dma_start3A_349, %dma_start3A_350] : memref<16x128xi32, #tpu.memory_space<vmem>> -> memref<1x128xi32, #tpu.memory_space<vmem>>
      %dma_start3A_352 = tpu.memref_squeeze %dma_start3A_351 : memref<1x128xi32, #tpu.memory_space<vmem>> -> memref<128xi32, #tpu.memory_space<vmem>>
      %dma_start3A_353 = arith.constant 0 : i32
      %dma_start3A_354 = arith.constant 0 : i32
      %dma_start3A_355 = tpu.memref_slice %arg2[%dma_start3A_353, %dma_start3A_354] : memref<10000x128xf32, #tpu.memory_space<hbm>> -> memref<10000x128xf32, #tpu.memory_space<hbm>>
      tpu.enqueue_indirect_dma source(%dma_start3A_355 : memref<10000x128xf32, #tpu.memory_space<hbm>>) target(%arg12 : memref<128x128xf32, #tpu.memory_space<vmem>>) offsets(%dma_start3A_352 : memref<128xi32, #tpu.memory_space<vmem>>) semaphore(%arg16 : memref<!tpu.dma_semaphore, #tpu.memory_space<semaphore_mem>>)
      %dma_wait3A_356 = arith.constant 9 : i32
      %dma_wait3A_357 = arith.constant 0 : i32
      %dma_wait3A_358 = tpu.memref_slice %arg10[%dma_wait3A_356, %dma_wait3A_357] : memref<16x128xi32, #tpu.memory_space<vmem>> -> memref<1x128xi32, #tpu.memory_space<vmem>>
      %dma_wait3A_359 = tpu.memref_squeeze %dma_wait3A_358 : memref<1x128xi32, #tpu.memory_space<vmem>> -> memref<128xi32, #tpu.memory_space<vmem>>
      %dma_wait3A_360 = arith.constant 0 : i32
      %dma_wait3A_361 = arith.constant 0 : i32
      %dma_wait3A_362 = tpu.memref_slice %arg2[%dma_wait3A_360, %dma_wait3A_361] : memref<10000x128xf32, #tpu.memory_space<hbm>> -> memref<10000x128xf32, #tpu.memory_space<hbm>>
      tpu.wait_indirect_dma semaphore(%arg16 : memref<!tpu.dma_semaphore, #tpu.memory_space<semaphore_mem>>) src(%dma_wait3A_362 : memref<10000x128xf32, #tpu.memory_space<hbm>>) dst(%arg13 : memref<128x128xf32, #tpu.memory_space<vmem>>)
      %dma_start3A_363 = arith.constant 9 : i32
      %dma_start3A_364 = arith.constant 0 : i32
      %dma_start3A_365 = tpu.memref_slice %arg11[%dma_start3A_363, %dma_start3A_364] : memref<16x128xi32, #tpu.memory_space<vmem>> -> memref<1x128xi32, #tpu.memory_space<vmem>>
      %dma_start3A_366 = tpu.memref_squeeze %dma_start3A_365 : memref<1x128xi32, #tpu.memory_space<vmem>> -> memref<128xi32, #tpu.memory_space<vmem>>
      %dma_start3A_367 = arith.constant 0 : i32
      %dma_start3A_368 = arith.constant 0 : i32
      %dma_start3A_369 = tpu.memref_slice %arg14[%dma_start3A_367, %dma_start3A_368] : memref<10240x128xf32, #tpu.memory_space<vmem_shared>> -> memref<10240x128xf32, #tpu.memory_space<vmem_shared>>
      tpu.enqueue_indirect_dma source(%arg13 : memref<128x128xf32, #tpu.memory_space<vmem>>) target(%dma_start3A_369 : memref<10240x128xf32, #tpu.memory_space<vmem_shared>>) offsets(%dma_start3A_366 : memref<128xi32, #tpu.memory_space<vmem>>) semaphore(%arg17 : memref<!tpu.dma_semaphore, #tpu.memory_space<semaphore_mem>>) {add = true}
      %dma_start3A_370 = arith.constant 9 : i32
      %dma_start3A_371 = arith.constant 0 : i32
      %dma_start3A_372 = tpu.memref_slice %arg11[%dma_start3A_370, %dma_start3A_371] : memref<16x128xi32, #tpu.memory_space<vmem>> -> memref<1x128xi32, #tpu.memory_space<vmem>>
      %dma_start3A_373 = tpu.memref_squeeze %dma_start3A_372 : memref<1x128xi32, #tpu.memory_space<vmem>> -> memref<128xi32, #tpu.memory_space<vmem>>
      %dma_start3A_374 = arith.constant 0 : i32
      %dma_start3A_375 = tpu.memref_slice %arg19[%dma_start3A_374] : memref<10240xf32, #tpu.memory_space<vmem_shared>> -> memref<10240xf32, #tpu.memory_space<vmem_shared>>
      tpu.enqueue_indirect_dma source(%arg18 : memref<128xf32, #tpu.memory_space<vmem>>) target(%dma_start3A_375 : memref<10240xf32, #tpu.memory_space<vmem_shared>>) offsets(%dma_start3A_373 : memref<128xi32, #tpu.memory_space<vmem>>) semaphore(%arg20 : memref<!tpu.dma_semaphore, #tpu.memory_space<semaphore_mem>>) {add = true}
      %dma_wait3A_376 = arith.constant 9 : i32
      %dma_wait3A_377 = arith.constant 0 : i32
      %dma_wait3A_378 = tpu.memref_slice %arg11[%dma_wait3A_376, %dma_wait3A_377] : memref<16x128xi32, #tpu.memory_space<vmem>> -> memref<1x128xi32, #tpu.memory_space<vmem>>
      %dma_wait3A_379 = tpu.memref_squeeze %dma_wait3A_378 : memref<1x128xi32, #tpu.memory_space<vmem>> -> memref<128xi32, #tpu.memory_space<vmem>>
      %dma_wait3A_380 = arith.constant 0 : i32
      %dma_wait3A_381 = arith.constant 0 : i32
      %dma_wait3A_382 = tpu.memref_slice %arg14[%dma_wait3A_380, %dma_wait3A_381] : memref<10240x128xf32, #tpu.memory_space<vmem_shared>> -> memref<10240x128xf32, #tpu.memory_space<vmem_shared>>
      tpu.wait_indirect_dma semaphore(%arg17 : memref<!tpu.dma_semaphore, #tpu.memory_space<semaphore_mem>>) src(%arg13 : memref<128x128xf32, #tpu.memory_space<vmem>>) dst(%dma_wait3A_382 : memref<10240x128xf32, #tpu.memory_space<vmem_shared>>)
      %dma_start3A_383 = arith.constant 11 : i32
      %dma_start3A_384 = arith.constant 0 : i32
      %dma_start3A_385 = tpu.memref_slice %arg10[%dma_start3A_383, %dma_start3A_384] : memref<16x128xi32, #tpu.memory_space<vmem>> -> memref<1x128xi32, #tpu.memory_space<vmem>>
      %dma_start3A_386 = tpu.memref_squeeze %dma_start3A_385 : memref<1x128xi32, #tpu.memory_space<vmem>> -> memref<128xi32, #tpu.memory_space<vmem>>
      %dma_start3A_387 = arith.constant 0 : i32
      %dma_start3A_388 = arith.constant 0 : i32
      %dma_start3A_389 = tpu.memref_slice %arg2[%dma_start3A_387, %dma_start3A_388] : memref<10000x128xf32, #tpu.memory_space<hbm>> -> memref<10000x128xf32, #tpu.memory_space<hbm>>
      tpu.enqueue_indirect_dma source(%dma_start3A_389 : memref<10000x128xf32, #tpu.memory_space<hbm>>) target(%arg13 : memref<128x128xf32, #tpu.memory_space<vmem>>) offsets(%dma_start3A_386 : memref<128xi32, #tpu.memory_space<vmem>>) semaphore(%arg16 : memref<!tpu.dma_semaphore, #tpu.memory_space<semaphore_mem>>)
      %dma_wait3A_390 = arith.constant 10 : i32
      %dma_wait3A_391 = arith.constant 0 : i32
      %dma_wait3A_392 = tpu.memref_slice %arg10[%dma_wait3A_390, %dma_wait3A_391] : memref<16x128xi32, #tpu.memory_space<vmem>> -> memref<1x128xi32, #tpu.memory_space<vmem>>
      %dma_wait3A_393 = tpu.memref_squeeze %dma_wait3A_392 : memref<1x128xi32, #tpu.memory_space<vmem>> -> memref<128xi32, #tpu.memory_space<vmem>>
      %dma_wait3A_394 = arith.constant 0 : i32
      %dma_wait3A_395 = arith.constant 0 : i32
      %dma_wait3A_396 = tpu.memref_slice %arg2[%dma_wait3A_394, %dma_wait3A_395] : memref<10000x128xf32, #tpu.memory_space<hbm>> -> memref<10000x128xf32, #tpu.memory_space<hbm>>
      tpu.wait_indirect_dma semaphore(%arg16 : memref<!tpu.dma_semaphore, #tpu.memory_space<semaphore_mem>>) src(%dma_wait3A_396 : memref<10000x128xf32, #tpu.memory_space<hbm>>) dst(%arg12 : memref<128x128xf32, #tpu.memory_space<vmem>>)
      %dma_start3A_397 = arith.constant 10 : i32
      %dma_start3A_398 = arith.constant 0 : i32
      %dma_start3A_399 = tpu.memref_slice %arg11[%dma_start3A_397, %dma_start3A_398] : memref<16x128xi32, #tpu.memory_space<vmem>> -> memref<1x128xi32, #tpu.memory_space<vmem>>
      %dma_start3A_400 = tpu.memref_squeeze %dma_start3A_399 : memref<1x128xi32, #tpu.memory_space<vmem>> -> memref<128xi32, #tpu.memory_space<vmem>>
      %dma_start3A_401 = arith.constant 0 : i32
      %dma_start3A_402 = arith.constant 0 : i32
      %dma_start3A_403 = tpu.memref_slice %arg14[%dma_start3A_401, %dma_start3A_402] : memref<10240x128xf32, #tpu.memory_space<vmem_shared>> -> memref<10240x128xf32, #tpu.memory_space<vmem_shared>>
      tpu.enqueue_indirect_dma source(%arg12 : memref<128x128xf32, #tpu.memory_space<vmem>>) target(%dma_start3A_403 : memref<10240x128xf32, #tpu.memory_space<vmem_shared>>) offsets(%dma_start3A_400 : memref<128xi32, #tpu.memory_space<vmem>>) semaphore(%arg17 : memref<!tpu.dma_semaphore, #tpu.memory_space<semaphore_mem>>) {add = true}
      %dma_start3A_404 = arith.constant 10 : i32
      %dma_start3A_405 = arith.constant 0 : i32
      %dma_start3A_406 = tpu.memref_slice %arg11[%dma_start3A_404, %dma_start3A_405] : memref<16x128xi32, #tpu.memory_space<vmem>> -> memref<1x128xi32, #tpu.memory_space<vmem>>
      %dma_start3A_407 = tpu.memref_squeeze %dma_start3A_406 : memref<1x128xi32, #tpu.memory_space<vmem>> -> memref<128xi32, #tpu.memory_space<vmem>>
      %dma_start3A_408 = arith.constant 0 : i32
      %dma_start3A_409 = tpu.memref_slice %arg19[%dma_start3A_408] : memref<10240xf32, #tpu.memory_space<vmem_shared>> -> memref<10240xf32, #tpu.memory_space<vmem_shared>>
      tpu.enqueue_indirect_dma source(%arg18 : memref<128xf32, #tpu.memory_space<vmem>>) target(%dma_start3A_409 : memref<10240xf32, #tpu.memory_space<vmem_shared>>) offsets(%dma_start3A_407 : memref<128xi32, #tpu.memory_space<vmem>>) semaphore(%arg20 : memref<!tpu.dma_semaphore, #tpu.memory_space<semaphore_mem>>) {add = true}
      %dma_wait3A_410 = arith.constant 10 : i32
      %dma_wait3A_411 = arith.constant 0 : i32
      %dma_wait3A_412 = tpu.memref_slice %arg11[%dma_wait3A_410, %dma_wait3A_411] : memref<16x128xi32, #tpu.memory_space<vmem>> -> memref<1x128xi32, #tpu.memory_space<vmem>>
      %dma_wait3A_413 = tpu.memref_squeeze %dma_wait3A_412 : memref<1x128xi32, #tpu.memory_space<vmem>> -> memref<128xi32, #tpu.memory_space<vmem>>
      %dma_wait3A_414 = arith.constant 0 : i32
      %dma_wait3A_415 = arith.constant 0 : i32
      %dma_wait3A_416 = tpu.memref_slice %arg14[%dma_wait3A_414, %dma_wait3A_415] : memref<10240x128xf32, #tpu.memory_space<vmem_shared>> -> memref<10240x128xf32, #tpu.memory_space<vmem_shared>>
      tpu.wait_indirect_dma semaphore(%arg17 : memref<!tpu.dma_semaphore, #tpu.memory_space<semaphore_mem>>) src(%arg12 : memref<128x128xf32, #tpu.memory_space<vmem>>) dst(%dma_wait3A_416 : memref<10240x128xf32, #tpu.memory_space<vmem_shared>>)
      %dma_start3A_417 = arith.constant 12 : i32
      %dma_start3A_418 = arith.constant 0 : i32
      %dma_start3A_419 = tpu.memref_slice %arg10[%dma_start3A_417, %dma_start3A_418] : memref<16x128xi32, #tpu.memory_space<vmem>> -> memref<1x128xi32, #tpu.memory_space<vmem>>
      %dma_start3A_420 = tpu.memref_squeeze %dma_start3A_419 : memref<1x128xi32, #tpu.memory_space<vmem>> -> memref<128xi32, #tpu.memory_space<vmem>>
      %dma_start3A_421 = arith.constant 0 : i32
      %dma_start3A_422 = arith.constant 0 : i32
      %dma_start3A_423 = tpu.memref_slice %arg2[%dma_start3A_421, %dma_start3A_422] : memref<10000x128xf32, #tpu.memory_space<hbm>> -> memref<10000x128xf32, #tpu.memory_space<hbm>>
      tpu.enqueue_indirect_dma source(%dma_start3A_423 : memref<10000x128xf32, #tpu.memory_space<hbm>>) target(%arg12 : memref<128x128xf32, #tpu.memory_space<vmem>>) offsets(%dma_start3A_420 : memref<128xi32, #tpu.memory_space<vmem>>) semaphore(%arg16 : memref<!tpu.dma_semaphore, #tpu.memory_space<semaphore_mem>>)
      %dma_wait3A_424 = arith.constant 11 : i32
      %dma_wait3A_425 = arith.constant 0 : i32
      %dma_wait3A_426 = tpu.memref_slice %arg10[%dma_wait3A_424, %dma_wait3A_425] : memref<16x128xi32, #tpu.memory_space<vmem>> -> memref<1x128xi32, #tpu.memory_space<vmem>>
      %dma_wait3A_427 = tpu.memref_squeeze %dma_wait3A_426 : memref<1x128xi32, #tpu.memory_space<vmem>> -> memref<128xi32, #tpu.memory_space<vmem>>
      %dma_wait3A_428 = arith.constant 0 : i32
      %dma_wait3A_429 = arith.constant 0 : i32
      %dma_wait3A_430 = tpu.memref_slice %arg2[%dma_wait3A_428, %dma_wait3A_429] : memref<10000x128xf32, #tpu.memory_space<hbm>> -> memref<10000x128xf32, #tpu.memory_space<hbm>>
      tpu.wait_indirect_dma semaphore(%arg16 : memref<!tpu.dma_semaphore, #tpu.memory_space<semaphore_mem>>) src(%dma_wait3A_430 : memref<10000x128xf32, #tpu.memory_space<hbm>>) dst(%arg13 : memref<128x128xf32, #tpu.memory_space<vmem>>)
      %dma_start3A_431 = arith.constant 11 : i32
      %dma_start3A_432 = arith.constant 0 : i32
      %dma_start3A_433 = tpu.memref_slice %arg11[%dma_start3A_431, %dma_start3A_432] : memref<16x128xi32, #tpu.memory_space<vmem>> -> memref<1x128xi32, #tpu.memory_space<vmem>>
      %dma_start3A_434 = tpu.memref_squeeze %dma_start3A_433 : memref<1x128xi32, #tpu.memory_space<vmem>> -> memref<128xi32, #tpu.memory_space<vmem>>
      %dma_start3A_435 = arith.constant 0 : i32
      %dma_start3A_436 = arith.constant 0 : i32
      %dma_start3A_437 = tpu.memref_slice %arg14[%dma_start3A_435, %dma_start3A_436] : memref<10240x128xf32, #tpu.memory_space<vmem_shared>> -> memref<10240x128xf32, #tpu.memory_space<vmem_shared>>
      tpu.enqueue_indirect_dma source(%arg13 : memref<128x128xf32, #tpu.memory_space<vmem>>) target(%dma_start3A_437 : memref<10240x128xf32, #tpu.memory_space<vmem_shared>>) offsets(%dma_start3A_434 : memref<128xi32, #tpu.memory_space<vmem>>) semaphore(%arg17 : memref<!tpu.dma_semaphore, #tpu.memory_space<semaphore_mem>>) {add = true}
      %dma_start3A_438 = arith.constant 11 : i32
      %dma_start3A_439 = arith.constant 0 : i32
      %dma_start3A_440 = tpu.memref_slice %arg11[%dma_start3A_438, %dma_start3A_439] : memref<16x128xi32, #tpu.memory_space<vmem>> -> memref<1x128xi32, #tpu.memory_space<vmem>>
      %dma_start3A_441 = tpu.memref_squeeze %dma_start3A_440 : memref<1x128xi32, #tpu.memory_space<vmem>> -> memref<128xi32, #tpu.memory_space<vmem>>
      %dma_start3A_442 = arith.constant 0 : i32
      %dma_start3A_443 = tpu.memref_slice %arg19[%dma_start3A_442] : memref<10240xf32, #tpu.memory_space<vmem_shared>> -> memref<10240xf32, #tpu.memory_space<vmem_shared>>
      tpu.enqueue_indirect_dma source(%arg18 : memref<128xf32, #tpu.memory_space<vmem>>) target(%dma_start3A_443 : memref<10240xf32, #tpu.memory_space<vmem_shared>>) offsets(%dma_start3A_441 : memref<128xi32, #tpu.memory_space<vmem>>) semaphore(%arg20 : memref<!tpu.dma_semaphore, #tpu.memory_space<semaphore_mem>>) {add = true}
      %dma_wait3A_444 = arith.constant 11 : i32
      %dma_wait3A_445 = arith.constant 0 : i32
      %dma_wait3A_446 = tpu.memref_slice %arg11[%dma_wait3A_444, %dma_wait3A_445] : memref<16x128xi32, #tpu.memory_space<vmem>> -> memref<1x128xi32, #tpu.memory_space<vmem>>
      %dma_wait3A_447 = tpu.memref_squeeze %dma_wait3A_446 : memref<1x128xi32, #tpu.memory_space<vmem>> -> memref<128xi32, #tpu.memory_space<vmem>>
      %dma_wait3A_448 = arith.constant 0 : i32
      %dma_wait3A_449 = arith.constant 0 : i32
      %dma_wait3A_450 = tpu.memref_slice %arg14[%dma_wait3A_448, %dma_wait3A_449] : memref<10240x128xf32, #tpu.memory_space<vmem_shared>> -> memref<10240x128xf32, #tpu.memory_space<vmem_shared>>
      tpu.wait_indirect_dma semaphore(%arg17 : memref<!tpu.dma_semaphore, #tpu.memory_space<semaphore_mem>>) src(%arg13 : memref<128x128xf32, #tpu.memory_space<vmem>>) dst(%dma_wait3A_450 : memref<10240x128xf32, #tpu.memory_space<vmem_shared>>)
      %dma_start3A_451 = arith.constant 13 : i32
      %dma_start3A_452 = arith.constant 0 : i32
      %dma_start3A_453 = tpu.memref_slice %arg10[%dma_start3A_451, %dma_start3A_452] : memref<16x128xi32, #tpu.memory_space<vmem>> -> memref<1x128xi32, #tpu.memory_space<vmem>>
      %dma_start3A_454 = tpu.memref_squeeze %dma_start3A_453 : memref<1x128xi32, #tpu.memory_space<vmem>> -> memref<128xi32, #tpu.memory_space<vmem>>
      %dma_start3A_455 = arith.constant 0 : i32
      %dma_start3A_456 = arith.constant 0 : i32
      %dma_start3A_457 = tpu.memref_slice %arg2[%dma_start3A_455, %dma_start3A_456] : memref<10000x128xf32, #tpu.memory_space<hbm>> -> memref<10000x128xf32, #tpu.memory_space<hbm>>
      tpu.enqueue_indirect_dma source(%dma_start3A_457 : memref<10000x128xf32, #tpu.memory_space<hbm>>) target(%arg13 : memref<128x128xf32, #tpu.memory_space<vmem>>) offsets(%dma_start3A_454 : memref<128xi32, #tpu.memory_space<vmem>>) semaphore(%arg16 : memref<!tpu.dma_semaphore, #tpu.memory_space<semaphore_mem>>)
      %dma_wait3A_458 = arith.constant 12 : i32
      %dma_wait3A_459 = arith.constant 0 : i32
      %dma_wait3A_460 = tpu.memref_slice %arg10[%dma_wait3A_458, %dma_wait3A_459] : memref<16x128xi32, #tpu.memory_space<vmem>> -> memref<1x128xi32, #tpu.memory_space<vmem>>
      %dma_wait3A_461 = tpu.memref_squeeze %dma_wait3A_460 : memref<1x128xi32, #tpu.memory_space<vmem>> -> memref<128xi32, #tpu.memory_space<vmem>>
      %dma_wait3A_462 = arith.constant 0 : i32
      %dma_wait3A_463 = arith.constant 0 : i32
      %dma_wait3A_464 = tpu.memref_slice %arg2[%dma_wait3A_462, %dma_wait3A_463] : memref<10000x128xf32, #tpu.memory_space<hbm>> -> memref<10000x128xf32, #tpu.memory_space<hbm>>
      tpu.wait_indirect_dma semaphore(%arg16 : memref<!tpu.dma_semaphore, #tpu.memory_space<semaphore_mem>>) src(%dma_wait3A_464 : memref<10000x128xf32, #tpu.memory_space<hbm>>) dst(%arg12 : memref<128x128xf32, #tpu.memory_space<vmem>>)
      %dma_start3A_465 = arith.constant 12 : i32
      %dma_start3A_466 = arith.constant 0 : i32
      %dma_start3A_467 = tpu.memref_slice %arg11[%dma_start3A_465, %dma_start3A_466] : memref<16x128xi32, #tpu.memory_space<vmem>> -> memref<1x128xi32, #tpu.memory_space<vmem>>
      %dma_start3A_468 = tpu.memref_squeeze %dma_start3A_467 : memref<1x128xi32, #tpu.memory_space<vmem>> -> memref<128xi32, #tpu.memory_space<vmem>>
      %dma_start3A_469 = arith.constant 0 : i32
      %dma_start3A_470 = arith.constant 0 : i32
      %dma_start3A_471 = tpu.memref_slice %arg14[%dma_start3A_469, %dma_start3A_470] : memref<10240x128xf32, #tpu.memory_space<vmem_shared>> -> memref<10240x128xf32, #tpu.memory_space<vmem_shared>>
      tpu.enqueue_indirect_dma source(%arg12 : memref<128x128xf32, #tpu.memory_space<vmem>>) target(%dma_start3A_471 : memref<10240x128xf32, #tpu.memory_space<vmem_shared>>) offsets(%dma_start3A_468 : memref<128xi32, #tpu.memory_space<vmem>>) semaphore(%arg17 : memref<!tpu.dma_semaphore, #tpu.memory_space<semaphore_mem>>) {add = true}
      %dma_start3A_472 = arith.constant 12 : i32
      %dma_start3A_473 = arith.constant 0 : i32
      %dma_start3A_474 = tpu.memref_slice %arg11[%dma_start3A_472, %dma_start3A_473] : memref<16x128xi32, #tpu.memory_space<vmem>> -> memref<1x128xi32, #tpu.memory_space<vmem>>
      %dma_start3A_475 = tpu.memref_squeeze %dma_start3A_474 : memref<1x128xi32, #tpu.memory_space<vmem>> -> memref<128xi32, #tpu.memory_space<vmem>>
      %dma_start3A_476 = arith.constant 0 : i32
      %dma_start3A_477 = tpu.memref_slice %arg19[%dma_start3A_476] : memref<10240xf32, #tpu.memory_space<vmem_shared>> -> memref<10240xf32, #tpu.memory_space<vmem_shared>>
      tpu.enqueue_indirect_dma source(%arg18 : memref<128xf32, #tpu.memory_space<vmem>>) target(%dma_start3A_477 : memref<10240xf32, #tpu.memory_space<vmem_shared>>) offsets(%dma_start3A_475 : memref<128xi32, #tpu.memory_space<vmem>>) semaphore(%arg20 : memref<!tpu.dma_semaphore, #tpu.memory_space<semaphore_mem>>) {add = true}
      %dma_wait3A_478 = arith.constant 12 : i32
      %dma_wait3A_479 = arith.constant 0 : i32
      %dma_wait3A_480 = tpu.memref_slice %arg11[%dma_wait3A_478, %dma_wait3A_479] : memref<16x128xi32, #tpu.memory_space<vmem>> -> memref<1x128xi32, #tpu.memory_space<vmem>>
      %dma_wait3A_481 = tpu.memref_squeeze %dma_wait3A_480 : memref<1x128xi32, #tpu.memory_space<vmem>> -> memref<128xi32, #tpu.memory_space<vmem>>
      %dma_wait3A_482 = arith.constant 0 : i32
      %dma_wait3A_483 = arith.constant 0 : i32
      %dma_wait3A_484 = tpu.memref_slice %arg14[%dma_wait3A_482, %dma_wait3A_483] : memref<10240x128xf32, #tpu.memory_space<vmem_shared>> -> memref<10240x128xf32, #tpu.memory_space<vmem_shared>>
      tpu.wait_indirect_dma semaphore(%arg17 : memref<!tpu.dma_semaphore, #tpu.memory_space<semaphore_mem>>) src(%arg12 : memref<128x128xf32, #tpu.memory_space<vmem>>) dst(%dma_wait3A_484 : memref<10240x128xf32, #tpu.memory_space<vmem_shared>>)
      %dma_start3A_485 = arith.constant 14 : i32
      %dma_start3A_486 = arith.constant 0 : i32
      %dma_start3A_487 = tpu.memref_slice %arg10[%dma_start3A_485, %dma_start3A_486] : memref<16x128xi32, #tpu.memory_space<vmem>> -> memref<1x128xi32, #tpu.memory_space<vmem>>
      %dma_start3A_488 = tpu.memref_squeeze %dma_start3A_487 : memref<1x128xi32, #tpu.memory_space<vmem>> -> memref<128xi32, #tpu.memory_space<vmem>>
      %dma_start3A_489 = arith.constant 0 : i32
      %dma_start3A_490 = arith.constant 0 : i32
      %dma_start3A_491 = tpu.memref_slice %arg2[%dma_start3A_489, %dma_start3A_490] : memref<10000x128xf32, #tpu.memory_space<hbm>> -> memref<10000x128xf32, #tpu.memory_space<hbm>>
      tpu.enqueue_indirect_dma source(%dma_start3A_491 : memref<10000x128xf32, #tpu.memory_space<hbm>>) target(%arg12 : memref<128x128xf32, #tpu.memory_space<vmem>>) offsets(%dma_start3A_488 : memref<128xi32, #tpu.memory_space<vmem>>) semaphore(%arg16 : memref<!tpu.dma_semaphore, #tpu.memory_space<semaphore_mem>>)
      %dma_wait3A_492 = arith.constant 13 : i32
      %dma_wait3A_493 = arith.constant 0 : i32
      %dma_wait3A_494 = tpu.memref_slice %arg10[%dma_wait3A_492, %dma_wait3A_493] : memref<16x128xi32, #tpu.memory_space<vmem>> -> memref<1x128xi32, #tpu.memory_space<vmem>>
      %dma_wait3A_495 = tpu.memref_squeeze %dma_wait3A_494 : memref<1x128xi32, #tpu.memory_space<vmem>> -> memref<128xi32, #tpu.memory_space<vmem>>
      %dma_wait3A_496 = arith.constant 0 : i32
      %dma_wait3A_497 = arith.constant 0 : i32
      %dma_wait3A_498 = tpu.memref_slice %arg2[%dma_wait3A_496, %dma_wait3A_497] : memref<10000x128xf32, #tpu.memory_space<hbm>> -> memref<10000x128xf32, #tpu.memory_space<hbm>>
      tpu.wait_indirect_dma semaphore(%arg16 : memref<!tpu.dma_semaphore, #tpu.memory_space<semaphore_mem>>) src(%dma_wait3A_498 : memref<10000x128xf32, #tpu.memory_space<hbm>>) dst(%arg13 : memref<128x128xf32, #tpu.memory_space<vmem>>)
      %dma_start3A_499 = arith.constant 13 : i32
      %dma_start3A_500 = arith.constant 0 : i32
      %dma_start3A_501 = tpu.memref_slice %arg11[%dma_start3A_499, %dma_start3A_500] : memref<16x128xi32, #tpu.memory_space<vmem>> -> memref<1x128xi32, #tpu.memory_space<vmem>>
      %dma_start3A_502 = tpu.memref_squeeze %dma_start3A_501 : memref<1x128xi32, #tpu.memory_space<vmem>> -> memref<128xi32, #tpu.memory_space<vmem>>
      %dma_start3A_503 = arith.constant 0 : i32
      %dma_start3A_504 = arith.constant 0 : i32
      %dma_start3A_505 = tpu.memref_slice %arg14[%dma_start3A_503, %dma_start3A_504] : memref<10240x128xf32, #tpu.memory_space<vmem_shared>> -> memref<10240x128xf32, #tpu.memory_space<vmem_shared>>
      tpu.enqueue_indirect_dma source(%arg13 : memref<128x128xf32, #tpu.memory_space<vmem>>) target(%dma_start3A_505 : memref<10240x128xf32, #tpu.memory_space<vmem_shared>>) offsets(%dma_start3A_502 : memref<128xi32, #tpu.memory_space<vmem>>) semaphore(%arg17 : memref<!tpu.dma_semaphore, #tpu.memory_space<semaphore_mem>>) {add = true}
      %dma_start3A_506 = arith.constant 13 : i32
      %dma_start3A_507 = arith.constant 0 : i32
      %dma_start3A_508 = tpu.memref_slice %arg11[%dma_start3A_506, %dma_start3A_507] : memref<16x128xi32, #tpu.memory_space<vmem>> -> memref<1x128xi32, #tpu.memory_space<vmem>>
      %dma_start3A_509 = tpu.memref_squeeze %dma_start3A_508 : memref<1x128xi32, #tpu.memory_space<vmem>> -> memref<128xi32, #tpu.memory_space<vmem>>
      %dma_start3A_510 = arith.constant 0 : i32
      %dma_start3A_511 = tpu.memref_slice %arg19[%dma_start3A_510] : memref<10240xf32, #tpu.memory_space<vmem_shared>> -> memref<10240xf32, #tpu.memory_space<vmem_shared>>
      tpu.enqueue_indirect_dma source(%arg18 : memref<128xf32, #tpu.memory_space<vmem>>) target(%dma_start3A_511 : memref<10240xf32, #tpu.memory_space<vmem_shared>>) offsets(%dma_start3A_509 : memref<128xi32, #tpu.memory_space<vmem>>) semaphore(%arg20 : memref<!tpu.dma_semaphore, #tpu.memory_space<semaphore_mem>>) {add = true}
      %dma_wait3A_512 = arith.constant 13 : i32
      %dma_wait3A_513 = arith.constant 0 : i32
      %dma_wait3A_514 = tpu.memref_slice %arg11[%dma_wait3A_512, %dma_wait3A_513] : memref<16x128xi32, #tpu.memory_space<vmem>> -> memref<1x128xi32, #tpu.memory_space<vmem>>
      %dma_wait3A_515 = tpu.memref_squeeze %dma_wait3A_514 : memref<1x128xi32, #tpu.memory_space<vmem>> -> memref<128xi32, #tpu.memory_space<vmem>>
      %dma_wait3A_516 = arith.constant 0 : i32
      %dma_wait3A_517 = arith.constant 0 : i32
      %dma_wait3A_518 = tpu.memref_slice %arg14[%dma_wait3A_516, %dma_wait3A_517] : memref<10240x128xf32, #tpu.memory_space<vmem_shared>> -> memref<10240x128xf32, #tpu.memory_space<vmem_shared>>
      tpu.wait_indirect_dma semaphore(%arg17 : memref<!tpu.dma_semaphore, #tpu.memory_space<semaphore_mem>>) src(%arg13 : memref<128x128xf32, #tpu.memory_space<vmem>>) dst(%dma_wait3A_518 : memref<10240x128xf32, #tpu.memory_space<vmem_shared>>)
      %dma_start3A_519 = arith.constant 15 : i32
      %dma_start3A_520 = arith.constant 0 : i32
      %dma_start3A_521 = tpu.memref_slice %arg10[%dma_start3A_519, %dma_start3A_520] : memref<16x128xi32, #tpu.memory_space<vmem>> -> memref<1x128xi32, #tpu.memory_space<vmem>>
      %dma_start3A_522 = tpu.memref_squeeze %dma_start3A_521 : memref<1x128xi32, #tpu.memory_space<vmem>> -> memref<128xi32, #tpu.memory_space<vmem>>
      %dma_start3A_523 = arith.constant 0 : i32
      %dma_start3A_524 = arith.constant 0 : i32
      %dma_start3A_525 = tpu.memref_slice %arg2[%dma_start3A_523, %dma_start3A_524] : memref<10000x128xf32, #tpu.memory_space<hbm>> -> memref<10000x128xf32, #tpu.memory_space<hbm>>
      tpu.enqueue_indirect_dma source(%dma_start3A_525 : memref<10000x128xf32, #tpu.memory_space<hbm>>) target(%arg13 : memref<128x128xf32, #tpu.memory_space<vmem>>) offsets(%dma_start3A_522 : memref<128xi32, #tpu.memory_space<vmem>>) semaphore(%arg16 : memref<!tpu.dma_semaphore, #tpu.memory_space<semaphore_mem>>)
      %dma_wait3A_526 = arith.constant 14 : i32
      %dma_wait3A_527 = arith.constant 0 : i32
      %dma_wait3A_528 = tpu.memref_slice %arg10[%dma_wait3A_526, %dma_wait3A_527] : memref<16x128xi32, #tpu.memory_space<vmem>> -> memref<1x128xi32, #tpu.memory_space<vmem>>
      %dma_wait3A_529 = tpu.memref_squeeze %dma_wait3A_528 : memref<1x128xi32, #tpu.memory_space<vmem>> -> memref<128xi32, #tpu.memory_space<vmem>>
      %dma_wait3A_530 = arith.constant 0 : i32
      %dma_wait3A_531 = arith.constant 0 : i32
      %dma_wait3A_532 = tpu.memref_slice %arg2[%dma_wait3A_530, %dma_wait3A_531] : memref<10000x128xf32, #tpu.memory_space<hbm>> -> memref<10000x128xf32, #tpu.memory_space<hbm>>
      tpu.wait_indirect_dma semaphore(%arg16 : memref<!tpu.dma_semaphore, #tpu.memory_space<semaphore_mem>>) src(%dma_wait3A_532 : memref<10000x128xf32, #tpu.memory_space<hbm>>) dst(%arg12 : memref<128x128xf32, #tpu.memory_space<vmem>>)
      %dma_start3A_533 = arith.constant 14 : i32
      %dma_start3A_534 = arith.constant 0 : i32
      %dma_start3A_535 = tpu.memref_slice %arg11[%dma_start3A_533, %dma_start3A_534] : memref<16x128xi32, #tpu.memory_space<vmem>> -> memref<1x128xi32, #tpu.memory_space<vmem>>
      %dma_start3A_536 = tpu.memref_squeeze %dma_start3A_535 : memref<1x128xi32, #tpu.memory_space<vmem>> -> memref<128xi32, #tpu.memory_space<vmem>>
      %dma_start3A_537 = arith.constant 0 : i32
      %dma_start3A_538 = arith.constant 0 : i32
      %dma_start3A_539 = tpu.memref_slice %arg14[%dma_start3A_537, %dma_start3A_538] : memref<10240x128xf32, #tpu.memory_space<vmem_shared>> -> memref<10240x128xf32, #tpu.memory_space<vmem_shared>>
      tpu.enqueue_indirect_dma source(%arg12 : memref<128x128xf32, #tpu.memory_space<vmem>>) target(%dma_start3A_539 : memref<10240x128xf32, #tpu.memory_space<vmem_shared>>) offsets(%dma_start3A_536 : memref<128xi32, #tpu.memory_space<vmem>>) semaphore(%arg17 : memref<!tpu.dma_semaphore, #tpu.memory_space<semaphore_mem>>) {add = true}
      %dma_start3A_540 = arith.constant 14 : i32
      %dma_start3A_541 = arith.constant 0 : i32
      %dma_start3A_542 = tpu.memref_slice %arg11[%dma_start3A_540, %dma_start3A_541] : memref<16x128xi32, #tpu.memory_space<vmem>> -> memref<1x128xi32, #tpu.memory_space<vmem>>
      %dma_start3A_543 = tpu.memref_squeeze %dma_start3A_542 : memref<1x128xi32, #tpu.memory_space<vmem>> -> memref<128xi32, #tpu.memory_space<vmem>>
      %dma_start3A_544 = arith.constant 0 : i32
      %dma_start3A_545 = tpu.memref_slice %arg19[%dma_start3A_544] : memref<10240xf32, #tpu.memory_space<vmem_shared>> -> memref<10240xf32, #tpu.memory_space<vmem_shared>>
      tpu.enqueue_indirect_dma source(%arg18 : memref<128xf32, #tpu.memory_space<vmem>>) target(%dma_start3A_545 : memref<10240xf32, #tpu.memory_space<vmem_shared>>) offsets(%dma_start3A_543 : memref<128xi32, #tpu.memory_space<vmem>>) semaphore(%arg20 : memref<!tpu.dma_semaphore, #tpu.memory_space<semaphore_mem>>) {add = true}
      %dma_wait3A_546 = arith.constant 14 : i32
      %dma_wait3A_547 = arith.constant 0 : i32
      %dma_wait3A_548 = tpu.memref_slice %arg11[%dma_wait3A_546, %dma_wait3A_547] : memref<16x128xi32, #tpu.memory_space<vmem>> -> memref<1x128xi32, #tpu.memory_space<vmem>>
      %dma_wait3A_549 = tpu.memref_squeeze %dma_wait3A_548 : memref<1x128xi32, #tpu.memory_space<vmem>> -> memref<128xi32, #tpu.memory_space<vmem>>
      %dma_wait3A_550 = arith.constant 0 : i32
      %dma_wait3A_551 = arith.constant 0 : i32
      %dma_wait3A_552 = tpu.memref_slice %arg14[%dma_wait3A_550, %dma_wait3A_551] : memref<10240x128xf32, #tpu.memory_space<vmem_shared>> -> memref<10240x128xf32, #tpu.memory_space<vmem_shared>>
      tpu.wait_indirect_dma semaphore(%arg17 : memref<!tpu.dma_semaphore, #tpu.memory_space<semaphore_mem>>) src(%arg12 : memref<128x128xf32, #tpu.memory_space<vmem>>) dst(%dma_wait3A_552 : memref<10240x128xf32, #tpu.memory_space<vmem_shared>>)
      %dma_wait3A_553 = arith.constant 15 : i32
      %dma_wait3A_554 = arith.constant 0 : i32
      %dma_wait3A_555 = tpu.memref_slice %arg10[%dma_wait3A_553, %dma_wait3A_554] : memref<16x128xi32, #tpu.memory_space<vmem>> -> memref<1x128xi32, #tpu.memory_space<vmem>>
      %dma_wait3A_556 = tpu.memref_squeeze %dma_wait3A_555 : memref<1x128xi32, #tpu.memory_space<vmem>> -> memref<128xi32, #tpu.memory_space<vmem>>
      %dma_wait3A_557 = arith.constant 0 : i32
      %dma_wait3A_558 = arith.constant 0 : i32
      %dma_wait3A_559 = tpu.memref_slice %arg2[%dma_wait3A_557, %dma_wait3A_558] : memref<10000x128xf32, #tpu.memory_space<hbm>> -> memref<10000x128xf32, #tpu.memory_space<hbm>>
      tpu.wait_indirect_dma semaphore(%arg16 : memref<!tpu.dma_semaphore, #tpu.memory_space<semaphore_mem>>) src(%dma_wait3A_559 : memref<10000x128xf32, #tpu.memory_space<hbm>>) dst(%arg13 : memref<128x128xf32, #tpu.memory_space<vmem>>)
      %dma_start3A_560 = arith.constant 15 : i32
      %dma_start3A_561 = arith.constant 0 : i32
      %dma_start3A_562 = tpu.memref_slice %arg11[%dma_start3A_560, %dma_start3A_561] : memref<16x128xi32, #tpu.memory_space<vmem>> -> memref<1x128xi32, #tpu.memory_space<vmem>>
      %dma_start3A_563 = tpu.memref_squeeze %dma_start3A_562 : memref<1x128xi32, #tpu.memory_space<vmem>> -> memref<128xi32, #tpu.memory_space<vmem>>
      %dma_start3A_564 = arith.constant 0 : i32
      %dma_start3A_565 = arith.constant 0 : i32
      %dma_start3A_566 = tpu.memref_slice %arg14[%dma_start3A_564, %dma_start3A_565] : memref<10240x128xf32, #tpu.memory_space<vmem_shared>> -> memref<10240x128xf32, #tpu.memory_space<vmem_shared>>
      tpu.enqueue_indirect_dma source(%arg13 : memref<128x128xf32, #tpu.memory_space<vmem>>) target(%dma_start3A_566 : memref<10240x128xf32, #tpu.memory_space<vmem_shared>>) offsets(%dma_start3A_563 : memref<128xi32, #tpu.memory_space<vmem>>) semaphore(%arg17 : memref<!tpu.dma_semaphore, #tpu.memory_space<semaphore_mem>>) {add = true}
      %dma_start3A_567 = arith.constant 15 : i32
      %dma_start3A_568 = arith.constant 0 : i32
      %dma_start3A_569 = tpu.memref_slice %arg11[%dma_start3A_567, %dma_start3A_568] : memref<16x128xi32, #tpu.memory_space<vmem>> -> memref<1x128xi32, #tpu.memory_space<vmem>>
      %dma_start3A_570 = tpu.memref_squeeze %dma_start3A_569 : memref<1x128xi32, #tpu.memory_space<vmem>> -> memref<128xi32, #tpu.memory_space<vmem>>
      %dma_start3A_571 = arith.constant 0 : i32
      %dma_start3A_572 = tpu.memref_slice %arg19[%dma_start3A_571] : memref<10240xf32, #tpu.memory_space<vmem_shared>> -> memref<10240xf32, #tpu.memory_space<vmem_shared>>
      tpu.enqueue_indirect_dma source(%arg18 : memref<128xf32, #tpu.memory_space<vmem>>) target(%dma_start3A_572 : memref<10240xf32, #tpu.memory_space<vmem_shared>>) offsets(%dma_start3A_570 : memref<128xi32, #tpu.memory_space<vmem>>) semaphore(%arg20 : memref<!tpu.dma_semaphore, #tpu.memory_space<semaphore_mem>>) {add = true}
      %dma_wait3A_573 = arith.constant 15 : i32
      %dma_wait3A_574 = arith.constant 0 : i32
      %dma_wait3A_575 = tpu.memref_slice %arg11[%dma_wait3A_573, %dma_wait3A_574] : memref<16x128xi32, #tpu.memory_space<vmem>> -> memref<1x128xi32, #tpu.memory_space<vmem>>
      %dma_wait3A_576 = tpu.memref_squeeze %dma_wait3A_575 : memref<1x128xi32, #tpu.memory_space<vmem>> -> memref<128xi32, #tpu.memory_space<vmem>>
      %dma_wait3A_577 = arith.constant 0 : i32
      %dma_wait3A_578 = arith.constant 0 : i32
      %dma_wait3A_579 = tpu.memref_slice %arg14[%dma_wait3A_577, %dma_wait3A_578] : memref<10240x128xf32, #tpu.memory_space<vmem_shared>> -> memref<10240x128xf32, #tpu.memory_space<vmem_shared>>
      tpu.wait_indirect_dma semaphore(%arg17 : memref<!tpu.dma_semaphore, #tpu.memory_space<semaphore_mem>>) src(%arg13 : memref<128x128xf32, #tpu.memory_space<vmem>>) dst(%dma_wait3A_579 : memref<10240x128xf32, #tpu.memory_space<vmem_shared>>)
      %dma_wait3A_580 = arith.constant 0 : i32
      %dma_wait3A_581 = arith.constant 0 : i32
      %dma_wait3A_582 = tpu.memref_slice %arg11[%dma_wait3A_580, %dma_wait3A_581] : memref<16x128xi32, #tpu.memory_space<vmem>> -> memref<1x128xi32, #tpu.memory_space<vmem>>
      %dma_wait3A_583 = tpu.memref_squeeze %dma_wait3A_582 : memref<1x128xi32, #tpu.memory_space<vmem>> -> memref<128xi32, #tpu.memory_space<vmem>>
      %dma_wait3A_584 = arith.constant 0 : i32
      %dma_wait3A_585 = tpu.memref_slice %arg19[%dma_wait3A_584] : memref<10240xf32, #tpu.memory_space<vmem_shared>> -> memref<10240xf32, #tpu.memory_space<vmem_shared>>
      tpu.wait_indirect_dma semaphore(%arg20 : memref<!tpu.dma_semaphore, #tpu.memory_space<semaphore_mem>>) src(%arg18 : memref<128xf32, #tpu.memory_space<vmem>>) dst(%dma_wait3A_585 : memref<10240xf32, #tpu.memory_space<vmem_shared>>)
      %dma_wait3A_586 = arith.constant 1 : i32
      %dma_wait3A_587 = arith.constant 0 : i32
      %dma_wait3A_588 = tpu.memref_slice %arg11[%dma_wait3A_586, %dma_wait3A_587] : memref<16x128xi32, #tpu.memory_space<vmem>> -> memref<1x128xi32, #tpu.memory_space<vmem>>
      %dma_wait3A_589 = tpu.memref_squeeze %dma_wait3A_588 : memref<1x128xi32, #tpu.memory_space<vmem>> -> memref<128xi32, #tpu.memory_space<vmem>>
      %dma_wait3A_590 = arith.constant 0 : i32
      %dma_wait3A_591 = tpu.memref_slice %arg19[%dma_wait3A_590] : memref<10240xf32, #tpu.memory_space<vmem_shared>> -> memref<10240xf32, #tpu.memory_space<vmem_shared>>
      tpu.wait_indirect_dma semaphore(%arg20 : memref<!tpu.dma_semaphore, #tpu.memory_space<semaphore_mem>>) src(%arg18 : memref<128xf32, #tpu.memory_space<vmem>>) dst(%dma_wait3A_591 : memref<10240xf32, #tpu.memory_space<vmem_shared>>)
      %dma_wait3A_592 = arith.constant 2 : i32
      %dma_wait3A_593 = arith.constant 0 : i32
      %dma_wait3A_594 = tpu.memref_slice %arg11[%dma_wait3A_592, %dma_wait3A_593] : memref<16x128xi32, #tpu.memory_space<vmem>> -> memref<1x128xi32, #tpu.memory_space<vmem>>
      %dma_wait3A_595 = tpu.memref_squeeze %dma_wait3A_594 : memref<1x128xi32, #tpu.memory_space<vmem>> -> memref<128xi32, #tpu.memory_space<vmem>>
      %dma_wait3A_596 = arith.constant 0 : i32
      %dma_wait3A_597 = tpu.memref_slice %arg19[%dma_wait3A_596] : memref<10240xf32, #tpu.memory_space<vmem_shared>> -> memref<10240xf32, #tpu.memory_space<vmem_shared>>
      tpu.wait_indirect_dma semaphore(%arg20 : memref<!tpu.dma_semaphore, #tpu.memory_space<semaphore_mem>>) src(%arg18 : memref<128xf32, #tpu.memory_space<vmem>>) dst(%dma_wait3A_597 : memref<10240xf32, #tpu.memory_space<vmem_shared>>)
      %dma_wait3A_598 = arith.constant 3 : i32
      %dma_wait3A_599 = arith.constant 0 : i32
      %dma_wait3A_600 = tpu.memref_slice %arg11[%dma_wait3A_598, %dma_wait3A_599] : memref<16x128xi32, #tpu.memory_space<vmem>> -> memref<1x128xi32, #tpu.memory_space<vmem>>
      %dma_wait3A_601 = tpu.memref_squeeze %dma_wait3A_600 : memref<1x128xi32, #tpu.memory_space<vmem>> -> memref<128xi32, #tpu.memory_space<vmem>>
      %dma_wait3A_602 = arith.constant 0 : i32
      %dma_wait3A_603 = tpu.memref_slice %arg19[%dma_wait3A_602] : memref<10240xf32, #tpu.memory_space<vmem_shared>> -> memref<10240xf32, #tpu.memory_space<vmem_shared>>
      tpu.wait_indirect_dma semaphore(%arg20 : memref<!tpu.dma_semaphore, #tpu.memory_space<semaphore_mem>>) src(%arg18 : memref<128xf32, #tpu.memory_space<vmem>>) dst(%dma_wait3A_603 : memref<10240xf32, #tpu.memory_space<vmem_shared>>)
      %dma_wait3A_604 = arith.constant 4 : i32
      %dma_wait3A_605 = arith.constant 0 : i32
      %dma_wait3A_606 = tpu.memref_slice %arg11[%dma_wait3A_604, %dma_wait3A_605] : memref<16x128xi32, #tpu.memory_space<vmem>> -> memref<1x128xi32, #tpu.memory_space<vmem>>
      %dma_wait3A_607 = tpu.memref_squeeze %dma_wait3A_606 : memref<1x128xi32, #tpu.memory_space<vmem>> -> memref<128xi32, #tpu.memory_space<vmem>>
      %dma_wait3A_608 = arith.constant 0 : i32
      %dma_wait3A_609 = tpu.memref_slice %arg19[%dma_wait3A_608] : memref<10240xf32, #tpu.memory_space<vmem_shared>> -> memref<10240xf32, #tpu.memory_space<vmem_shared>>
      tpu.wait_indirect_dma semaphore(%arg20 : memref<!tpu.dma_semaphore, #tpu.memory_space<semaphore_mem>>) src(%arg18 : memref<128xf32, #tpu.memory_space<vmem>>) dst(%dma_wait3A_609 : memref<10240xf32, #tpu.memory_space<vmem_shared>>)
      %dma_wait3A_610 = arith.constant 5 : i32
      %dma_wait3A_611 = arith.constant 0 : i32
      %dma_wait3A_612 = tpu.memref_slice %arg11[%dma_wait3A_610, %dma_wait3A_611] : memref<16x128xi32, #tpu.memory_space<vmem>> -> memref<1x128xi32, #tpu.memory_space<vmem>>
      %dma_wait3A_613 = tpu.memref_squeeze %dma_wait3A_612 : memref<1x128xi32, #tpu.memory_space<vmem>> -> memref<128xi32, #tpu.memory_space<vmem>>
      %dma_wait3A_614 = arith.constant 0 : i32
      %dma_wait3A_615 = tpu.memref_slice %arg19[%dma_wait3A_614] : memref<10240xf32, #tpu.memory_space<vmem_shared>> -> memref<10240xf32, #tpu.memory_space<vmem_shared>>
      tpu.wait_indirect_dma semaphore(%arg20 : memref<!tpu.dma_semaphore, #tpu.memory_space<semaphore_mem>>) src(%arg18 : memref<128xf32, #tpu.memory_space<vmem>>) dst(%dma_wait3A_615 : memref<10240xf32, #tpu.memory_space<vmem_shared>>)
      %dma_wait3A_616 = arith.constant 6 : i32
      %dma_wait3A_617 = arith.constant 0 : i32
      %dma_wait3A_618 = tpu.memref_slice %arg11[%dma_wait3A_616, %dma_wait3A_617] : memref<16x128xi32, #tpu.memory_space<vmem>> -> memref<1x128xi32, #tpu.memory_space<vmem>>
      %dma_wait3A_619 = tpu.memref_squeeze %dma_wait3A_618 : memref<1x128xi32, #tpu.memory_space<vmem>> -> memref<128xi32, #tpu.memory_space<vmem>>
      %dma_wait3A_620 = arith.constant 0 : i32
      %dma_wait3A_621 = tpu.memref_slice %arg19[%dma_wait3A_620] : memref<10240xf32, #tpu.memory_space<vmem_shared>> -> memref<10240xf32, #tpu.memory_space<vmem_shared>>
      tpu.wait_indirect_dma semaphore(%arg20 : memref<!tpu.dma_semaphore, #tpu.memory_space<semaphore_mem>>) src(%arg18 : memref<128xf32, #tpu.memory_space<vmem>>) dst(%dma_wait3A_621 : memref<10240xf32, #tpu.memory_space<vmem_shared>>)
      %dma_wait3A_622 = arith.constant 7 : i32
      %dma_wait3A_623 = arith.constant 0 : i32
      %dma_wait3A_624 = tpu.memref_slice %arg11[%dma_wait3A_622, %dma_wait3A_623] : memref<16x128xi32, #tpu.memory_space<vmem>> -> memref<1x128xi32, #tpu.memory_space<vmem>>
      %dma_wait3A_625 = tpu.memref_squeeze %dma_wait3A_624 : memref<1x128xi32, #tpu.memory_space<vmem>> -> memref<128xi32, #tpu.memory_space<vmem>>
      %dma_wait3A_626 = arith.constant 0 : i32
      %dma_wait3A_627 = tpu.memref_slice %arg19[%dma_wait3A_626] : memref<10240xf32, #tpu.memory_space<vmem_shared>> -> memref<10240xf32, #tpu.memory_space<vmem_shared>>
      tpu.wait_indirect_dma semaphore(%arg20 : memref<!tpu.dma_semaphore, #tpu.memory_space<semaphore_mem>>) src(%arg18 : memref<128xf32, #tpu.memory_space<vmem>>) dst(%dma_wait3A_627 : memref<10240xf32, #tpu.memory_space<vmem_shared>>)
      %dma_wait3A_628 = arith.constant 8 : i32
      %dma_wait3A_629 = arith.constant 0 : i32
      %dma_wait3A_630 = tpu.memref_slice %arg11[%dma_wait3A_628, %dma_wait3A_629] : memref<16x128xi32, #tpu.memory_space<vmem>> -> memref<1x128xi32, #tpu.memory_space<vmem>>
      %dma_wait3A_631 = tpu.memref_squeeze %dma_wait3A_630 : memref<1x128xi32, #tpu.memory_space<vmem>> -> memref<128xi32, #tpu.memory_space<vmem>>
      %dma_wait3A_632 = arith.constant 0 : i32
      %dma_wait3A_633 = tpu.memref_slice %arg19[%dma_wait3A_632] : memref<10240xf32, #tpu.memory_space<vmem_shared>> -> memref<10240xf32, #tpu.memory_space<vmem_shared>>
      tpu.wait_indirect_dma semaphore(%arg20 : memref<!tpu.dma_semaphore, #tpu.memory_space<semaphore_mem>>) src(%arg18 : memref<128xf32, #tpu.memory_space<vmem>>) dst(%dma_wait3A_633 : memref<10240xf32, #tpu.memory_space<vmem_shared>>)
      %dma_wait3A_634 = arith.constant 9 : i32
      %dma_wait3A_635 = arith.constant 0 : i32
      %dma_wait3A_636 = tpu.memref_slice %arg11[%dma_wait3A_634, %dma_wait3A_635] : memref<16x128xi32, #tpu.memory_space<vmem>> -> memref<1x128xi32, #tpu.memory_space<vmem>>
      %dma_wait3A_637 = tpu.memref_squeeze %dma_wait3A_636 : memref<1x128xi32, #tpu.memory_space<vmem>> -> memref<128xi32, #tpu.memory_space<vmem>>
      %dma_wait3A_638 = arith.constant 0 : i32
      %dma_wait3A_639 = tpu.memref_slice %arg19[%dma_wait3A_638] : memref<10240xf32, #tpu.memory_space<vmem_shared>> -> memref<10240xf32, #tpu.memory_space<vmem_shared>>
      tpu.wait_indirect_dma semaphore(%arg20 : memref<!tpu.dma_semaphore, #tpu.memory_space<semaphore_mem>>) src(%arg18 : memref<128xf32, #tpu.memory_space<vmem>>) dst(%dma_wait3A_639 : memref<10240xf32, #tpu.memory_space<vmem_shared>>)
      %dma_wait3A_640 = arith.constant 10 : i32
      %dma_wait3A_641 = arith.constant 0 : i32
      %dma_wait3A_642 = tpu.memref_slice %arg11[%dma_wait3A_640, %dma_wait3A_641] : memref<16x128xi32, #tpu.memory_space<vmem>> -> memref<1x128xi32, #tpu.memory_space<vmem>>
      %dma_wait3A_643 = tpu.memref_squeeze %dma_wait3A_642 : memref<1x128xi32, #tpu.memory_space<vmem>> -> memref<128xi32, #tpu.memory_space<vmem>>
      %dma_wait3A_644 = arith.constant 0 : i32
      %dma_wait3A_645 = tpu.memref_slice %arg19[%dma_wait3A_644] : memref<10240xf32, #tpu.memory_space<vmem_shared>> -> memref<10240xf32, #tpu.memory_space<vmem_shared>>
      tpu.wait_indirect_dma semaphore(%arg20 : memref<!tpu.dma_semaphore, #tpu.memory_space<semaphore_mem>>) src(%arg18 : memref<128xf32, #tpu.memory_space<vmem>>) dst(%dma_wait3A_645 : memref<10240xf32, #tpu.memory_space<vmem_shared>>)
      %dma_wait3A_646 = arith.constant 11 : i32
      %dma_wait3A_647 = arith.constant 0 : i32
      %dma_wait3A_648 = tpu.memref_slice %arg11[%dma_wait3A_646, %dma_wait3A_647] : memref<16x128xi32, #tpu.memory_space<vmem>> -> memref<1x128xi32, #tpu.memory_space<vmem>>
      %dma_wait3A_649 = tpu.memref_squeeze %dma_wait3A_648 : memref<1x128xi32, #tpu.memory_space<vmem>> -> memref<128xi32, #tpu.memory_space<vmem>>
      %dma_wait3A_650 = arith.constant 0 : i32
      %dma_wait3A_651 = tpu.memref_slice %arg19[%dma_wait3A_650] : memref<10240xf32, #tpu.memory_space<vmem_shared>> -> memref<10240xf32, #tpu.memory_space<vmem_shared>>
      tpu.wait_indirect_dma semaphore(%arg20 : memref<!tpu.dma_semaphore, #tpu.memory_space<semaphore_mem>>) src(%arg18 : memref<128xf32, #tpu.memory_space<vmem>>) dst(%dma_wait3A_651 : memref<10240xf32, #tpu.memory_space<vmem_shared>>)
      %dma_wait3A_652 = arith.constant 12 : i32
      %dma_wait3A_653 = arith.constant 0 : i32
      %dma_wait3A_654 = tpu.memref_slice %arg11[%dma_wait3A_652, %dma_wait3A_653] : memref<16x128xi32, #tpu.memory_space<vmem>> -> memref<1x128xi32, #tpu.memory_space<vmem>>
      %dma_wait3A_655 = tpu.memref_squeeze %dma_wait3A_654 : memref<1x128xi32, #tpu.memory_space<vmem>> -> memref<128xi32, #tpu.memory_space<vmem>>
      %dma_wait3A_656 = arith.constant 0 : i32
      %dma_wait3A_657 = tpu.memref_slice %arg19[%dma_wait3A_656] : memref<10240xf32, #tpu.memory_space<vmem_shared>> -> memref<10240xf32, #tpu.memory_space<vmem_shared>>
      tpu.wait_indirect_dma semaphore(%arg20 : memref<!tpu.dma_semaphore, #tpu.memory_space<semaphore_mem>>) src(%arg18 : memref<128xf32, #tpu.memory_space<vmem>>) dst(%dma_wait3A_657 : memref<10240xf32, #tpu.memory_space<vmem_shared>>)
      %dma_wait3A_658 = arith.constant 13 : i32
      %dma_wait3A_659 = arith.constant 0 : i32
      %dma_wait3A_660 = tpu.memref_slice %arg11[%dma_wait3A_658, %dma_wait3A_659] : memref<16x128xi32, #tpu.memory_space<vmem>> -> memref<1x128xi32, #tpu.memory_space<vmem>>
      %dma_wait3A_661 = tpu.memref_squeeze %dma_wait3A_660 : memref<1x128xi32, #tpu.memory_space<vmem>> -> memref<128xi32, #tpu.memory_space<vmem>>
      %dma_wait3A_662 = arith.constant 0 : i32
      %dma_wait3A_663 = tpu.memref_slice %arg19[%dma_wait3A_662] : memref<10240xf32, #tpu.memory_space<vmem_shared>> -> memref<10240xf32, #tpu.memory_space<vmem_shared>>
      tpu.wait_indirect_dma semaphore(%arg20 : memref<!tpu.dma_semaphore, #tpu.memory_space<semaphore_mem>>) src(%arg18 : memref<128xf32, #tpu.memory_space<vmem>>) dst(%dma_wait3A_663 : memref<10240xf32, #tpu.memory_space<vmem_shared>>)
      %dma_wait3A_664 = arith.constant 14 : i32
      %dma_wait3A_665 = arith.constant 0 : i32
      %dma_wait3A_666 = tpu.memref_slice %arg11[%dma_wait3A_664, %dma_wait3A_665] : memref<16x128xi32, #tpu.memory_space<vmem>> -> memref<1x128xi32, #tpu.memory_space<vmem>>
      %dma_wait3A_667 = tpu.memref_squeeze %dma_wait3A_666 : memref<1x128xi32, #tpu.memory_space<vmem>> -> memref<128xi32, #tpu.memory_space<vmem>>
      %dma_wait3A_668 = arith.constant 0 : i32
      %dma_wait3A_669 = tpu.memref_slice %arg19[%dma_wait3A_668] : memref<10240xf32, #tpu.memory_space<vmem_shared>> -> memref<10240xf32, #tpu.memory_space<vmem_shared>>
      tpu.wait_indirect_dma semaphore(%arg20 : memref<!tpu.dma_semaphore, #tpu.memory_space<semaphore_mem>>) src(%arg18 : memref<128xf32, #tpu.memory_space<vmem>>) dst(%dma_wait3A_669 : memref<10240xf32, #tpu.memory_space<vmem_shared>>)
      %dma_wait3A_670 = arith.constant 15 : i32
      %dma_wait3A_671 = arith.constant 0 : i32
      %dma_wait3A_672 = tpu.memref_slice %arg11[%dma_wait3A_670, %dma_wait3A_671] : memref<16x128xi32, #tpu.memory_space<vmem>> -> memref<1x128xi32, #tpu.memory_space<vmem>>
      %dma_wait3A_673 = tpu.memref_squeeze %dma_wait3A_672 : memref<1x128xi32, #tpu.memory_space<vmem>> -> memref<128xi32, #tpu.memory_space<vmem>>
      %dma_wait3A_674 = arith.constant 0 : i32
      %dma_wait3A_675 = tpu.memref_slice %arg19[%dma_wait3A_674] : memref<10240xf32, #tpu.memory_space<vmem_shared>> -> memref<10240xf32, #tpu.memory_space<vmem_shared>>
      tpu.wait_indirect_dma semaphore(%arg20 : memref<!tpu.dma_semaphore, #tpu.memory_space<semaphore_mem>>) src(%arg18 : memref<128xf32, #tpu.memory_space<vmem>>) dst(%dma_wait3A_675 : memref<10240xf32, #tpu.memory_space<vmem_shared>>)
    }
    %scan3A_7 = arith.constant 5 : i32
    %barrier3A_8 = arith.constant 0 : index
    tpu.barrier barrier_id(%barrier3A_8)
    "tpu.region"() ({
      %run_scoped3A = tpu.sem_alloc : memref<!tpu.dma_semaphore, #tpu.memory_space<semaphore_mem>>
      %dma_start3A = arith.constant 0 : i32
      %dma_start3A_9 = tpu.memref_slice %arg8[%arg0, %mul3A_2, %dma_start3A] : memref<2x10240x128xf32, #tpu.memory_space<hbm>> -> memref<1x640x128xf32, #tpu.memory_space<hbm>>
      %dma_start3A_10 = tpu.memref_squeeze %dma_start3A_9 : memref<1x640x128xf32, #tpu.memory_space<hbm>> -> memref<640x128xf32, #tpu.memory_space<hbm>>
      %dma_start3A_11 = arith.constant 0 : i32
      %dma_start3A_12 = tpu.memref_slice %arg14[%mul3A_2, %dma_start3A_11] : memref<10240x128xf32, #tpu.memory_space<vmem_shared>> -> memref<640x128xf32, #tpu.memory_space<vmem_shared>>
      tpu.enqueue_dma source(%dma_start3A_12 : memref<640x128xf32, #tpu.memory_space<vmem_shared>>) target(%dma_start3A_10 : memref<640x128xf32, #tpu.memory_space<hbm>>) target_semaphore(%run_scoped3A : memref<!tpu.dma_semaphore, #tpu.memory_space<semaphore_mem>>)
      %dma_wait3A = arith.constant 0 : i32
      %dma_wait3A_13 = tpu.memref_slice %arg8[%arg0, %mul3A_2, %dma_wait3A] : memref<2x10240x128xf32, #tpu.memory_space<hbm>> -> memref<1x640x128xf32, #tpu.memory_space<hbm>>
      %dma_wait3A_14 = tpu.memref_squeeze %dma_wait3A_13 : memref<1x640x128xf32, #tpu.memory_space<hbm>> -> memref<640x128xf32, #tpu.memory_space<hbm>>
      %dma_wait3A_15 = arith.constant 0 : i32
      %dma_wait3A_16 = tpu.memref_slice %arg14[%mul3A_2, %dma_wait3A_15] : memref<10240x128xf32, #tpu.memory_space<vmem_shared>> -> memref<640x128xf32, #tpu.memory_space<vmem_shared>>
      tpu.wait_dma2 semaphore(%run_scoped3A : memref<!tpu.dma_semaphore, #tpu.memory_space<semaphore_mem>>) src(%dma_wait3A_16 : memref<640x128xf32, #tpu.memory_space<vmem_shared>>) dst(%dma_wait3A_14 : memref<640x128xf32, #tpu.memory_space<hbm>>)
      tpu.yield
    }) : () -> ()
    "tpu.region"() ({
      %run_scoped3A = tpu.sem_alloc : memref<!tpu.dma_semaphore, #tpu.memory_space<semaphore_mem>>
      %dma_start3A = tpu.memref_slice %arg9[%arg0, %mul3A_2] : memref<2x10240xf32, #tpu.memory_space<hbm>> -> memref<1x640xf32, #tpu.memory_space<hbm>>
      %dma_start3A_9 = tpu.memref_squeeze %dma_start3A : memref<1x640xf32, #tpu.memory_space<hbm>> -> memref<640xf32, #tpu.memory_space<hbm>>
      %dma_start3A_10 = tpu.memref_slice %arg19[%mul3A_2] : memref<10240xf32, #tpu.memory_space<vmem_shared>> -> memref<640xf32, #tpu.memory_space<vmem_shared>>
      tpu.enqueue_dma source(%dma_start3A_10 : memref<640xf32, #tpu.memory_space<vmem_shared>>) target(%dma_start3A_9 : memref<640xf32, #tpu.memory_space<hbm>>) target_semaphore(%run_scoped3A : memref<!tpu.dma_semaphore, #tpu.memory_space<semaphore_mem>>)
      %dma_wait3A = tpu.memref_slice %arg9[%arg0, %mul3A_2] : memref<2x10240xf32, #tpu.memory_space<hbm>> -> memref<1x640xf32, #tpu.memory_space<hbm>>
      %dma_wait3A_11 = tpu.memref_squeeze %dma_wait3A : memref<1x640xf32, #tpu.memory_space<hbm>> -> memref<640xf32, #tpu.memory_space<hbm>>
      %dma_wait3A_12 = tpu.memref_slice %arg19[%mul3A_2] : memref<10240xf32, #tpu.memory_space<vmem_shared>> -> memref<640xf32, #tpu.memory_space<vmem_shared>>
      tpu.wait_dma2 semaphore(%run_scoped3A : memref<!tpu.dma_semaphore, #tpu.memory_space<semaphore_mem>>) src(%dma_wait3A_12 : memref<640xf32, #tpu.memory_space<vmem_shared>>) dst(%dma_wait3A_11 : memref<640xf32, #tpu.memory_space<hbm>>)
      tpu.yield
    }) : () -> ()
    return
  }
}

#map = affine_map<(d0, d1) -> (0, 0)>
#map1 = affine_map<(d0, d1) -> (0, 0, 0)>
module attributes {stable_mosaic.version = 14 : i64} {
  func.func @body(%arg0: i32, %arg1: i32, %arg2: memref<10000x128xf32, #tpu.memory_space<hbm>>, %arg3: memref<32x80x128xi32, #tpu.memory_space<hbm>>, %arg4: memref<32x80x128xi32, #tpu.memory_space<hbm>>, %arg5: memref<640x128xf32, #tpu.memory_space<hbm>>, %arg6: memref<2x10240x128xf32, #tpu.memory_space<hbm>>, %arg7: memref<16x128xi32, #tpu.memory_space<vmem>>, %arg8: memref<16x128xi32, #tpu.memory_space<vmem>>, %arg9: memref<128x128xf32, #tpu.memory_space<vmem>>, %arg10: memref<128x128xf32, #tpu.memory_space<vmem>>, %arg11: memref<10240x128xf32, #tpu.memory_space<vmem_shared>>, %arg12: memref<!tpu.dma_semaphore, #tpu.memory_space<semaphore_mem>>, %arg13: memref<!tpu.dma_semaphore, #tpu.memory_space<semaphore_mem>>, %arg14: memref<!tpu.dma_semaphore, #tpu.memory_space<semaphore_mem>>) attributes {dimension_semantics = [#tpu.dimension_semantics<core_parallel>, #tpu.dimension_semantics<subcore_parallel>], iteration_bounds = array<i64: 2, 16>, scalar_prefetch = 0 : i64, scratch_operands = 8 : i64, tpu.core_type = #tpu.core_type<sc_vector_subcore>, window_params = [{transform_indices = #map}, {transform_indices = #map1}, {transform_indices = #map1}, {transform_indices = #map}, {transform_indices = #map1}]} {
    %mul3A = arith.constant 2 : i32
    %mul3A_0 = arith.muli %arg1, %mul3A : i32
    %add3A = arith.addi %mul3A_0, %arg0 : i32
    %mul3A_1 = arith.constant 640 : i32
    %mul3A_2 = arith.muli %arg1, %mul3A_1 : i32
    "tpu.region"() ({
      %run_scoped3A = tpu.sem_alloc : memref<!tpu.dma_semaphore, #tpu.memory_space<semaphore_mem>>
      %dma_start3A = arith.constant 0 : i32
      %dma_start3A_9 = tpu.memref_slice %arg11[%mul3A_2, %dma_start3A] : memref<10240x128xf32, #tpu.memory_space<vmem_shared>> -> memref<640x128xf32, #tpu.memory_space<vmem_shared>>
      tpu.enqueue_dma source(%arg5 : memref<640x128xf32, #tpu.memory_space<hbm>>) target(%dma_start3A_9 : memref<640x128xf32, #tpu.memory_space<vmem_shared>>) target_semaphore(%run_scoped3A : memref<!tpu.dma_semaphore, #tpu.memory_space<semaphore_mem>>)
      %dma_wait3A = arith.constant 0 : i32
      %dma_wait3A_10 = tpu.memref_slice %arg11[%mul3A_2, %dma_wait3A] : memref<10240x128xf32, #tpu.memory_space<vmem_shared>> -> memref<640x128xf32, #tpu.memory_space<vmem_shared>>
      tpu.wait_dma2 semaphore(%run_scoped3A : memref<!tpu.dma_semaphore, #tpu.memory_space<semaphore_mem>>) src(%arg5 : memref<640x128xf32, #tpu.memory_space<hbm>>) dst(%dma_wait3A_10 : memref<640x128xf32, #tpu.memory_space<vmem_shared>>)
      tpu.yield
    }) : () -> ()
    %barrier3A = arith.constant 0 : index
    tpu.barrier barrier_id(%barrier3A)
    %scan3A = arith.constant 0 : i32
    %scan3A_3 = arith.constant 0 : i32
    %scan3A_4 = arith.constant 5 : i32
    %scan3A_5 = arith.addi %scan3A_3, %scan3A_4 : i32
    %scan3A_6 = arith.constant 1 : i32
    scf.for %scan3A_9 = %scan3A_3 to %scan3A_5 step %scan3A_6  : i32 {
      %mul3A_10 = arith.constant 16 : i32
      %mul3A_11 = arith.muli %scan3A_9, %mul3A_10 : i32
      %dma_start3A = arith.constant 0 : i32
      %dma_start3A_12 = tpu.memref_slice %arg3[%add3A, %mul3A_11, %dma_start3A] : memref<32x80x128xi32, #tpu.memory_space<hbm>> -> memref<1x16x128xi32, #tpu.memory_space<hbm>>
      %dma_start3A_13 = tpu.memref_squeeze %dma_start3A_12 : memref<1x16x128xi32, #tpu.memory_space<hbm>> -> memref<16x128xi32, #tpu.memory_space<hbm>>
      %dma_start3A_14 = arith.constant 0 : i32
      %dma_start3A_15 = tpu.memref_slice %arg3[%add3A, %mul3A_11, %dma_start3A_14] : memref<32x80x128xi32, #tpu.memory_space<hbm>> -> memref<1x16x128xi32, #tpu.memory_space<hbm>>
      %dma_start3A_16 = tpu.memref_squeeze %dma_start3A_15 : memref<1x16x128xi32, #tpu.memory_space<hbm>> -> memref<16x128xi32, #tpu.memory_space<hbm>>
      tpu.enqueue_dma source(%dma_start3A_16 : memref<16x128xi32, #tpu.memory_space<hbm>>) target(%arg7 : memref<16x128xi32, #tpu.memory_space<vmem>>) target_semaphore(%arg12 : memref<!tpu.dma_semaphore, #tpu.memory_space<semaphore_mem>>)
      %mul3A_17 = arith.constant 16 : i32
      %mul3A_18 = arith.muli %scan3A_9, %mul3A_17 : i32
      %dma_start3A_19 = arith.constant 0 : i32
      %dma_start3A_20 = tpu.memref_slice %arg4[%add3A, %mul3A_18, %dma_start3A_19] : memref<32x80x128xi32, #tpu.memory_space<hbm>> -> memref<1x16x128xi32, #tpu.memory_space<hbm>>
      %dma_start3A_21 = tpu.memref_squeeze %dma_start3A_20 : memref<1x16x128xi32, #tpu.memory_space<hbm>> -> memref<16x128xi32, #tpu.memory_space<hbm>>
      %dma_start3A_22 = arith.constant 0 : i32
      %dma_start3A_23 = tpu.memref_slice %arg4[%add3A, %mul3A_18, %dma_start3A_22] : memref<32x80x128xi32, #tpu.memory_space<hbm>> -> memref<1x16x128xi32, #tpu.memory_space<hbm>>
      %dma_start3A_24 = tpu.memref_squeeze %dma_start3A_23 : memref<1x16x128xi32, #tpu.memory_space<hbm>> -> memref<16x128xi32, #tpu.memory_space<hbm>>
      tpu.enqueue_dma source(%dma_start3A_24 : memref<16x128xi32, #tpu.memory_space<hbm>>) target(%arg8 : memref<16x128xi32, #tpu.memory_space<vmem>>) target_semaphore(%arg12 : memref<!tpu.dma_semaphore, #tpu.memory_space<semaphore_mem>>)
      %dma_wait3A = arith.constant 0 : i32
      %dma_wait3A_25 = tpu.memref_slice %arg3[%add3A, %mul3A_11, %dma_wait3A] : memref<32x80x128xi32, #tpu.memory_space<hbm>> -> memref<1x16x128xi32, #tpu.memory_space<hbm>>
      %dma_wait3A_26 = tpu.memref_squeeze %dma_wait3A_25 : memref<1x16x128xi32, #tpu.memory_space<hbm>> -> memref<16x128xi32, #tpu.memory_space<hbm>>
      %dma_wait3A_27 = arith.constant 0 : i32
      %dma_wait3A_28 = tpu.memref_slice %arg3[%add3A, %mul3A_11, %dma_wait3A_27] : memref<32x80x128xi32, #tpu.memory_space<hbm>> -> memref<1x16x128xi32, #tpu.memory_space<hbm>>
      %dma_wait3A_29 = tpu.memref_squeeze %dma_wait3A_28 : memref<1x16x128xi32, #tpu.memory_space<hbm>> -> memref<16x128xi32, #tpu.memory_space<hbm>>
      tpu.wait_dma2 semaphore(%arg12 : memref<!tpu.dma_semaphore, #tpu.memory_space<semaphore_mem>>) src(%dma_wait3A_29 : memref<16x128xi32, #tpu.memory_space<hbm>>) dst(%arg7 : memref<16x128xi32, #tpu.memory_space<vmem>>)
      %dma_wait3A_30 = arith.constant 0 : i32
      %dma_wait3A_31 = tpu.memref_slice %arg4[%add3A, %mul3A_18, %dma_wait3A_30] : memref<32x80x128xi32, #tpu.memory_space<hbm>> -> memref<1x16x128xi32, #tpu.memory_space<hbm>>
      %dma_wait3A_32 = tpu.memref_squeeze %dma_wait3A_31 : memref<1x16x128xi32, #tpu.memory_space<hbm>> -> memref<16x128xi32, #tpu.memory_space<hbm>>
      %dma_wait3A_33 = arith.constant 0 : i32
      %dma_wait3A_34 = tpu.memref_slice %arg4[%add3A, %mul3A_18, %dma_wait3A_33] : memref<32x80x128xi32, #tpu.memory_space<hbm>> -> memref<1x16x128xi32, #tpu.memory_space<hbm>>
      %dma_wait3A_35 = tpu.memref_squeeze %dma_wait3A_34 : memref<1x16x128xi32, #tpu.memory_space<hbm>> -> memref<16x128xi32, #tpu.memory_space<hbm>>
      tpu.wait_dma2 semaphore(%arg12 : memref<!tpu.dma_semaphore, #tpu.memory_space<semaphore_mem>>) src(%dma_wait3A_35 : memref<16x128xi32, #tpu.memory_space<hbm>>) dst(%arg8 : memref<16x128xi32, #tpu.memory_space<vmem>>)
      %dma_start3A_36 = arith.constant 0 : i32
      %dma_start3A_37 = arith.constant 0 : i32
      %dma_start3A_38 = tpu.memref_slice %arg7[%dma_start3A_36, %dma_start3A_37] : memref<16x128xi32, #tpu.memory_space<vmem>> -> memref<1x128xi32, #tpu.memory_space<vmem>>
      %dma_start3A_39 = tpu.memref_squeeze %dma_start3A_38 : memref<1x128xi32, #tpu.memory_space<vmem>> -> memref<128xi32, #tpu.memory_space<vmem>>
      %dma_start3A_40 = arith.constant 0 : i32
      %dma_start3A_41 = arith.constant 0 : i32
      %dma_start3A_42 = tpu.memref_slice %arg2[%dma_start3A_40, %dma_start3A_41] : memref<10000x128xf32, #tpu.memory_space<hbm>> -> memref<10000x128xf32, #tpu.memory_space<hbm>>
      tpu.enqueue_indirect_dma source(%dma_start3A_42 : memref<10000x128xf32, #tpu.memory_space<hbm>>) target(%arg9 : memref<128x128xf32, #tpu.memory_space<vmem>>) offsets(%dma_start3A_39 : memref<128xi32, #tpu.memory_space<vmem>>) semaphore(%arg13 : memref<!tpu.dma_semaphore, #tpu.memory_space<semaphore_mem>>)
      %dma_start3A_43 = arith.constant 1 : i32
      %dma_start3A_44 = arith.constant 0 : i32
      %dma_start3A_45 = tpu.memref_slice %arg7[%dma_start3A_43, %dma_start3A_44] : memref<16x128xi32, #tpu.memory_space<vmem>> -> memref<1x128xi32, #tpu.memory_space<vmem>>
      %dma_start3A_46 = tpu.memref_squeeze %dma_start3A_45 : memref<1x128xi32, #tpu.memory_space<vmem>> -> memref<128xi32, #tpu.memory_space<vmem>>
      %dma_start3A_47 = arith.constant 0 : i32
      %dma_start3A_48 = arith.constant 0 : i32
      %dma_start3A_49 = tpu.memref_slice %arg2[%dma_start3A_47, %dma_start3A_48] : memref<10000x128xf32, #tpu.memory_space<hbm>> -> memref<10000x128xf32, #tpu.memory_space<hbm>>
      tpu.enqueue_indirect_dma source(%dma_start3A_49 : memref<10000x128xf32, #tpu.memory_space<hbm>>) target(%arg10 : memref<128x128xf32, #tpu.memory_space<vmem>>) offsets(%dma_start3A_46 : memref<128xi32, #tpu.memory_space<vmem>>) semaphore(%arg13 : memref<!tpu.dma_semaphore, #tpu.memory_space<semaphore_mem>>)
      %dma_wait3A_50 = arith.constant 0 : i32
      %dma_wait3A_51 = arith.constant 0 : i32
      %dma_wait3A_52 = tpu.memref_slice %arg7[%dma_wait3A_50, %dma_wait3A_51] : memref<16x128xi32, #tpu.memory_space<vmem>> -> memref<1x128xi32, #tpu.memory_space<vmem>>
      %dma_wait3A_53 = tpu.memref_squeeze %dma_wait3A_52 : memref<1x128xi32, #tpu.memory_space<vmem>> -> memref<128xi32, #tpu.memory_space<vmem>>
      %dma_wait3A_54 = arith.constant 0 : i32
      %dma_wait3A_55 = arith.constant 0 : i32
      %dma_wait3A_56 = tpu.memref_slice %arg2[%dma_wait3A_54, %dma_wait3A_55] : memref<10000x128xf32, #tpu.memory_space<hbm>> -> memref<10000x128xf32, #tpu.memory_space<hbm>>
      tpu.wait_indirect_dma semaphore(%arg13 : memref<!tpu.dma_semaphore, #tpu.memory_space<semaphore_mem>>) src(%dma_wait3A_56 : memref<10000x128xf32, #tpu.memory_space<hbm>>) dst(%arg9 : memref<128x128xf32, #tpu.memory_space<vmem>>)
      %dma_start3A_57 = arith.constant 0 : i32
      %dma_start3A_58 = arith.constant 0 : i32
      %dma_start3A_59 = tpu.memref_slice %arg8[%dma_start3A_57, %dma_start3A_58] : memref<16x128xi32, #tpu.memory_space<vmem>> -> memref<1x128xi32, #tpu.memory_space<vmem>>
      %dma_start3A_60 = tpu.memref_squeeze %dma_start3A_59 : memref<1x128xi32, #tpu.memory_space<vmem>> -> memref<128xi32, #tpu.memory_space<vmem>>
      %dma_start3A_61 = arith.constant 0 : i32
      %dma_start3A_62 = arith.constant 0 : i32
      %dma_start3A_63 = tpu.memref_slice %arg11[%dma_start3A_61, %dma_start3A_62] : memref<10240x128xf32, #tpu.memory_space<vmem_shared>> -> memref<10240x128xf32, #tpu.memory_space<vmem_shared>>
      tpu.enqueue_indirect_dma source(%arg9 : memref<128x128xf32, #tpu.memory_space<vmem>>) target(%dma_start3A_63 : memref<10240x128xf32, #tpu.memory_space<vmem_shared>>) offsets(%dma_start3A_60 : memref<128xi32, #tpu.memory_space<vmem>>) semaphore(%arg14 : memref<!tpu.dma_semaphore, #tpu.memory_space<semaphore_mem>>) {add = true}
      %dma_wait3A_64 = arith.constant 0 : i32
      %dma_wait3A_65 = arith.constant 0 : i32
      %dma_wait3A_66 = tpu.memref_slice %arg8[%dma_wait3A_64, %dma_wait3A_65] : memref<16x128xi32, #tpu.memory_space<vmem>> -> memref<1x128xi32, #tpu.memory_space<vmem>>
      %dma_wait3A_67 = tpu.memref_squeeze %dma_wait3A_66 : memref<1x128xi32, #tpu.memory_space<vmem>> -> memref<128xi32, #tpu.memory_space<vmem>>
      %dma_wait3A_68 = arith.constant 0 : i32
      %dma_wait3A_69 = arith.constant 0 : i32
      %dma_wait3A_70 = tpu.memref_slice %arg11[%dma_wait3A_68, %dma_wait3A_69] : memref<10240x128xf32, #tpu.memory_space<vmem_shared>> -> memref<10240x128xf32, #tpu.memory_space<vmem_shared>>
      tpu.wait_indirect_dma semaphore(%arg14 : memref<!tpu.dma_semaphore, #tpu.memory_space<semaphore_mem>>) src(%arg9 : memref<128x128xf32, #tpu.memory_space<vmem>>) dst(%dma_wait3A_70 : memref<10240x128xf32, #tpu.memory_space<vmem_shared>>)
      %dma_start3A_71 = arith.constant 2 : i32
      %dma_start3A_72 = arith.constant 0 : i32
      %dma_start3A_73 = tpu.memref_slice %arg7[%dma_start3A_71, %dma_start3A_72] : memref<16x128xi32, #tpu.memory_space<vmem>> -> memref<1x128xi32, #tpu.memory_space<vmem>>
      %dma_start3A_74 = tpu.memref_squeeze %dma_start3A_73 : memref<1x128xi32, #tpu.memory_space<vmem>> -> memref<128xi32, #tpu.memory_space<vmem>>
      %dma_start3A_75 = arith.constant 0 : i32
      %dma_start3A_76 = arith.constant 0 : i32
      %dma_start3A_77 = tpu.memref_slice %arg2[%dma_start3A_75, %dma_start3A_76] : memref<10000x128xf32, #tpu.memory_space<hbm>> -> memref<10000x128xf32, #tpu.memory_space<hbm>>
      tpu.enqueue_indirect_dma source(%dma_start3A_77 : memref<10000x128xf32, #tpu.memory_space<hbm>>) target(%arg9 : memref<128x128xf32, #tpu.memory_space<vmem>>) offsets(%dma_start3A_74 : memref<128xi32, #tpu.memory_space<vmem>>) semaphore(%arg13 : memref<!tpu.dma_semaphore, #tpu.memory_space<semaphore_mem>>)
      %dma_wait3A_78 = arith.constant 1 : i32
      %dma_wait3A_79 = arith.constant 0 : i32
      %dma_wait3A_80 = tpu.memref_slice %arg7[%dma_wait3A_78, %dma_wait3A_79] : memref<16x128xi32, #tpu.memory_space<vmem>> -> memref<1x128xi32, #tpu.memory_space<vmem>>
      %dma_wait3A_81 = tpu.memref_squeeze %dma_wait3A_80 : memref<1x128xi32, #tpu.memory_space<vmem>> -> memref<128xi32, #tpu.memory_space<vmem>>
      %dma_wait3A_82 = arith.constant 0 : i32
      %dma_wait3A_83 = arith.constant 0 : i32
      %dma_wait3A_84 = tpu.memref_slice %arg2[%dma_wait3A_82, %dma_wait3A_83] : memref<10000x128xf32, #tpu.memory_space<hbm>> -> memref<10000x128xf32, #tpu.memory_space<hbm>>
      tpu.wait_indirect_dma semaphore(%arg13 : memref<!tpu.dma_semaphore, #tpu.memory_space<semaphore_mem>>) src(%dma_wait3A_84 : memref<10000x128xf32, #tpu.memory_space<hbm>>) dst(%arg10 : memref<128x128xf32, #tpu.memory_space<vmem>>)
      %dma_start3A_85 = arith.constant 1 : i32
      %dma_start3A_86 = arith.constant 0 : i32
      %dma_start3A_87 = tpu.memref_slice %arg8[%dma_start3A_85, %dma_start3A_86] : memref<16x128xi32, #tpu.memory_space<vmem>> -> memref<1x128xi32, #tpu.memory_space<vmem>>
      %dma_start3A_88 = tpu.memref_squeeze %dma_start3A_87 : memref<1x128xi32, #tpu.memory_space<vmem>> -> memref<128xi32, #tpu.memory_space<vmem>>
      %dma_start3A_89 = arith.constant 0 : i32
      %dma_start3A_90 = arith.constant 0 : i32
      %dma_start3A_91 = tpu.memref_slice %arg11[%dma_start3A_89, %dma_start3A_90] : memref<10240x128xf32, #tpu.memory_space<vmem_shared>> -> memref<10240x128xf32, #tpu.memory_space<vmem_shared>>
      tpu.enqueue_indirect_dma source(%arg10 : memref<128x128xf32, #tpu.memory_space<vmem>>) target(%dma_start3A_91 : memref<10240x128xf32, #tpu.memory_space<vmem_shared>>) offsets(%dma_start3A_88 : memref<128xi32, #tpu.memory_space<vmem>>) semaphore(%arg14 : memref<!tpu.dma_semaphore, #tpu.memory_space<semaphore_mem>>) {add = true}
      %dma_wait3A_92 = arith.constant 1 : i32
      %dma_wait3A_93 = arith.constant 0 : i32
      %dma_wait3A_94 = tpu.memref_slice %arg8[%dma_wait3A_92, %dma_wait3A_93] : memref<16x128xi32, #tpu.memory_space<vmem>> -> memref<1x128xi32, #tpu.memory_space<vmem>>
      %dma_wait3A_95 = tpu.memref_squeeze %dma_wait3A_94 : memref<1x128xi32, #tpu.memory_space<vmem>> -> memref<128xi32, #tpu.memory_space<vmem>>
      %dma_wait3A_96 = arith.constant 0 : i32
      %dma_wait3A_97 = arith.constant 0 : i32
      %dma_wait3A_98 = tpu.memref_slice %arg11[%dma_wait3A_96, %dma_wait3A_97] : memref<10240x128xf32, #tpu.memory_space<vmem_shared>> -> memref<10240x128xf32, #tpu.memory_space<vmem_shared>>
      tpu.wait_indirect_dma semaphore(%arg14 : memref<!tpu.dma_semaphore, #tpu.memory_space<semaphore_mem>>) src(%arg10 : memref<128x128xf32, #tpu.memory_space<vmem>>) dst(%dma_wait3A_98 : memref<10240x128xf32, #tpu.memory_space<vmem_shared>>)
      %dma_start3A_99 = arith.constant 3 : i32
      %dma_start3A_100 = arith.constant 0 : i32
      %dma_start3A_101 = tpu.memref_slice %arg7[%dma_start3A_99, %dma_start3A_100] : memref<16x128xi32, #tpu.memory_space<vmem>> -> memref<1x128xi32, #tpu.memory_space<vmem>>
      %dma_start3A_102 = tpu.memref_squeeze %dma_start3A_101 : memref<1x128xi32, #tpu.memory_space<vmem>> -> memref<128xi32, #tpu.memory_space<vmem>>
      %dma_start3A_103 = arith.constant 0 : i32
      %dma_start3A_104 = arith.constant 0 : i32
      %dma_start3A_105 = tpu.memref_slice %arg2[%dma_start3A_103, %dma_start3A_104] : memref<10000x128xf32, #tpu.memory_space<hbm>> -> memref<10000x128xf32, #tpu.memory_space<hbm>>
      tpu.enqueue_indirect_dma source(%dma_start3A_105 : memref<10000x128xf32, #tpu.memory_space<hbm>>) target(%arg10 : memref<128x128xf32, #tpu.memory_space<vmem>>) offsets(%dma_start3A_102 : memref<128xi32, #tpu.memory_space<vmem>>) semaphore(%arg13 : memref<!tpu.dma_semaphore, #tpu.memory_space<semaphore_mem>>)
      %dma_wait3A_106 = arith.constant 2 : i32
      %dma_wait3A_107 = arith.constant 0 : i32
      %dma_wait3A_108 = tpu.memref_slice %arg7[%dma_wait3A_106, %dma_wait3A_107] : memref<16x128xi32, #tpu.memory_space<vmem>> -> memref<1x128xi32, #tpu.memory_space<vmem>>
      %dma_wait3A_109 = tpu.memref_squeeze %dma_wait3A_108 : memref<1x128xi32, #tpu.memory_space<vmem>> -> memref<128xi32, #tpu.memory_space<vmem>>
      %dma_wait3A_110 = arith.constant 0 : i32
      %dma_wait3A_111 = arith.constant 0 : i32
      %dma_wait3A_112 = tpu.memref_slice %arg2[%dma_wait3A_110, %dma_wait3A_111] : memref<10000x128xf32, #tpu.memory_space<hbm>> -> memref<10000x128xf32, #tpu.memory_space<hbm>>
      tpu.wait_indirect_dma semaphore(%arg13 : memref<!tpu.dma_semaphore, #tpu.memory_space<semaphore_mem>>) src(%dma_wait3A_112 : memref<10000x128xf32, #tpu.memory_space<hbm>>) dst(%arg9 : memref<128x128xf32, #tpu.memory_space<vmem>>)
      %dma_start3A_113 = arith.constant 2 : i32
      %dma_start3A_114 = arith.constant 0 : i32
      %dma_start3A_115 = tpu.memref_slice %arg8[%dma_start3A_113, %dma_start3A_114] : memref<16x128xi32, #tpu.memory_space<vmem>> -> memref<1x128xi32, #tpu.memory_space<vmem>>
      %dma_start3A_116 = tpu.memref_squeeze %dma_start3A_115 : memref<1x128xi32, #tpu.memory_space<vmem>> -> memref<128xi32, #tpu.memory_space<vmem>>
      %dma_start3A_117 = arith.constant 0 : i32
      %dma_start3A_118 = arith.constant 0 : i32
      %dma_start3A_119 = tpu.memref_slice %arg11[%dma_start3A_117, %dma_start3A_118] : memref<10240x128xf32, #tpu.memory_space<vmem_shared>> -> memref<10240x128xf32, #tpu.memory_space<vmem_shared>>
      tpu.enqueue_indirect_dma source(%arg9 : memref<128x128xf32, #tpu.memory_space<vmem>>) target(%dma_start3A_119 : memref<10240x128xf32, #tpu.memory_space<vmem_shared>>) offsets(%dma_start3A_116 : memref<128xi32, #tpu.memory_space<vmem>>) semaphore(%arg14 : memref<!tpu.dma_semaphore, #tpu.memory_space<semaphore_mem>>) {add = true}
      %dma_wait3A_120 = arith.constant 2 : i32
      %dma_wait3A_121 = arith.constant 0 : i32
      %dma_wait3A_122 = tpu.memref_slice %arg8[%dma_wait3A_120, %dma_wait3A_121] : memref<16x128xi32, #tpu.memory_space<vmem>> -> memref<1x128xi32, #tpu.memory_space<vmem>>
      %dma_wait3A_123 = tpu.memref_squeeze %dma_wait3A_122 : memref<1x128xi32, #tpu.memory_space<vmem>> -> memref<128xi32, #tpu.memory_space<vmem>>
      %dma_wait3A_124 = arith.constant 0 : i32
      %dma_wait3A_125 = arith.constant 0 : i32
      %dma_wait3A_126 = tpu.memref_slice %arg11[%dma_wait3A_124, %dma_wait3A_125] : memref<10240x128xf32, #tpu.memory_space<vmem_shared>> -> memref<10240x128xf32, #tpu.memory_space<vmem_shared>>
      tpu.wait_indirect_dma semaphore(%arg14 : memref<!tpu.dma_semaphore, #tpu.memory_space<semaphore_mem>>) src(%arg9 : memref<128x128xf32, #tpu.memory_space<vmem>>) dst(%dma_wait3A_126 : memref<10240x128xf32, #tpu.memory_space<vmem_shared>>)
      %dma_start3A_127 = arith.constant 4 : i32
      %dma_start3A_128 = arith.constant 0 : i32
      %dma_start3A_129 = tpu.memref_slice %arg7[%dma_start3A_127, %dma_start3A_128] : memref<16x128xi32, #tpu.memory_space<vmem>> -> memref<1x128xi32, #tpu.memory_space<vmem>>
      %dma_start3A_130 = tpu.memref_squeeze %dma_start3A_129 : memref<1x128xi32, #tpu.memory_space<vmem>> -> memref<128xi32, #tpu.memory_space<vmem>>
      %dma_start3A_131 = arith.constant 0 : i32
      %dma_start3A_132 = arith.constant 0 : i32
      %dma_start3A_133 = tpu.memref_slice %arg2[%dma_start3A_131, %dma_start3A_132] : memref<10000x128xf32, #tpu.memory_space<hbm>> -> memref<10000x128xf32, #tpu.memory_space<hbm>>
      tpu.enqueue_indirect_dma source(%dma_start3A_133 : memref<10000x128xf32, #tpu.memory_space<hbm>>) target(%arg9 : memref<128x128xf32, #tpu.memory_space<vmem>>) offsets(%dma_start3A_130 : memref<128xi32, #tpu.memory_space<vmem>>) semaphore(%arg13 : memref<!tpu.dma_semaphore, #tpu.memory_space<semaphore_mem>>)
      %dma_wait3A_134 = arith.constant 3 : i32
      %dma_wait3A_135 = arith.constant 0 : i32
      %dma_wait3A_136 = tpu.memref_slice %arg7[%dma_wait3A_134, %dma_wait3A_135] : memref<16x128xi32, #tpu.memory_space<vmem>> -> memref<1x128xi32, #tpu.memory_space<vmem>>
      %dma_wait3A_137 = tpu.memref_squeeze %dma_wait3A_136 : memref<1x128xi32, #tpu.memory_space<vmem>> -> memref<128xi32, #tpu.memory_space<vmem>>
      %dma_wait3A_138 = arith.constant 0 : i32
      %dma_wait3A_139 = arith.constant 0 : i32
      %dma_wait3A_140 = tpu.memref_slice %arg2[%dma_wait3A_138, %dma_wait3A_139] : memref<10000x128xf32, #tpu.memory_space<hbm>> -> memref<10000x128xf32, #tpu.memory_space<hbm>>
      tpu.wait_indirect_dma semaphore(%arg13 : memref<!tpu.dma_semaphore, #tpu.memory_space<semaphore_mem>>) src(%dma_wait3A_140 : memref<10000x128xf32, #tpu.memory_space<hbm>>) dst(%arg10 : memref<128x128xf32, #tpu.memory_space<vmem>>)
      %dma_start3A_141 = arith.constant 3 : i32
      %dma_start3A_142 = arith.constant 0 : i32
      %dma_start3A_143 = tpu.memref_slice %arg8[%dma_start3A_141, %dma_start3A_142] : memref<16x128xi32, #tpu.memory_space<vmem>> -> memref<1x128xi32, #tpu.memory_space<vmem>>
      %dma_start3A_144 = tpu.memref_squeeze %dma_start3A_143 : memref<1x128xi32, #tpu.memory_space<vmem>> -> memref<128xi32, #tpu.memory_space<vmem>>
      %dma_start3A_145 = arith.constant 0 : i32
      %dma_start3A_146 = arith.constant 0 : i32
      %dma_start3A_147 = tpu.memref_slice %arg11[%dma_start3A_145, %dma_start3A_146] : memref<10240x128xf32, #tpu.memory_space<vmem_shared>> -> memref<10240x128xf32, #tpu.memory_space<vmem_shared>>
      tpu.enqueue_indirect_dma source(%arg10 : memref<128x128xf32, #tpu.memory_space<vmem>>) target(%dma_start3A_147 : memref<10240x128xf32, #tpu.memory_space<vmem_shared>>) offsets(%dma_start3A_144 : memref<128xi32, #tpu.memory_space<vmem>>) semaphore(%arg14 : memref<!tpu.dma_semaphore, #tpu.memory_space<semaphore_mem>>) {add = true}
      %dma_wait3A_148 = arith.constant 3 : i32
      %dma_wait3A_149 = arith.constant 0 : i32
      %dma_wait3A_150 = tpu.memref_slice %arg8[%dma_wait3A_148, %dma_wait3A_149] : memref<16x128xi32, #tpu.memory_space<vmem>> -> memref<1x128xi32, #tpu.memory_space<vmem>>
      %dma_wait3A_151 = tpu.memref_squeeze %dma_wait3A_150 : memref<1x128xi32, #tpu.memory_space<vmem>> -> memref<128xi32, #tpu.memory_space<vmem>>
      %dma_wait3A_152 = arith.constant 0 : i32
      %dma_wait3A_153 = arith.constant 0 : i32
      %dma_wait3A_154 = tpu.memref_slice %arg11[%dma_wait3A_152, %dma_wait3A_153] : memref<10240x128xf32, #tpu.memory_space<vmem_shared>> -> memref<10240x128xf32, #tpu.memory_space<vmem_shared>>
      tpu.wait_indirect_dma semaphore(%arg14 : memref<!tpu.dma_semaphore, #tpu.memory_space<semaphore_mem>>) src(%arg10 : memref<128x128xf32, #tpu.memory_space<vmem>>) dst(%dma_wait3A_154 : memref<10240x128xf32, #tpu.memory_space<vmem_shared>>)
      %dma_start3A_155 = arith.constant 5 : i32
      %dma_start3A_156 = arith.constant 0 : i32
      %dma_start3A_157 = tpu.memref_slice %arg7[%dma_start3A_155, %dma_start3A_156] : memref<16x128xi32, #tpu.memory_space<vmem>> -> memref<1x128xi32, #tpu.memory_space<vmem>>
      %dma_start3A_158 = tpu.memref_squeeze %dma_start3A_157 : memref<1x128xi32, #tpu.memory_space<vmem>> -> memref<128xi32, #tpu.memory_space<vmem>>
      %dma_start3A_159 = arith.constant 0 : i32
      %dma_start3A_160 = arith.constant 0 : i32
      %dma_start3A_161 = tpu.memref_slice %arg2[%dma_start3A_159, %dma_start3A_160] : memref<10000x128xf32, #tpu.memory_space<hbm>> -> memref<10000x128xf32, #tpu.memory_space<hbm>>
      tpu.enqueue_indirect_dma source(%dma_start3A_161 : memref<10000x128xf32, #tpu.memory_space<hbm>>) target(%arg10 : memref<128x128xf32, #tpu.memory_space<vmem>>) offsets(%dma_start3A_158 : memref<128xi32, #tpu.memory_space<vmem>>) semaphore(%arg13 : memref<!tpu.dma_semaphore, #tpu.memory_space<semaphore_mem>>)
      %dma_wait3A_162 = arith.constant 4 : i32
      %dma_wait3A_163 = arith.constant 0 : i32
      %dma_wait3A_164 = tpu.memref_slice %arg7[%dma_wait3A_162, %dma_wait3A_163] : memref<16x128xi32, #tpu.memory_space<vmem>> -> memref<1x128xi32, #tpu.memory_space<vmem>>
      %dma_wait3A_165 = tpu.memref_squeeze %dma_wait3A_164 : memref<1x128xi32, #tpu.memory_space<vmem>> -> memref<128xi32, #tpu.memory_space<vmem>>
      %dma_wait3A_166 = arith.constant 0 : i32
      %dma_wait3A_167 = arith.constant 0 : i32
      %dma_wait3A_168 = tpu.memref_slice %arg2[%dma_wait3A_166, %dma_wait3A_167] : memref<10000x128xf32, #tpu.memory_space<hbm>> -> memref<10000x128xf32, #tpu.memory_space<hbm>>
      tpu.wait_indirect_dma semaphore(%arg13 : memref<!tpu.dma_semaphore, #tpu.memory_space<semaphore_mem>>) src(%dma_wait3A_168 : memref<10000x128xf32, #tpu.memory_space<hbm>>) dst(%arg9 : memref<128x128xf32, #tpu.memory_space<vmem>>)
      %dma_start3A_169 = arith.constant 4 : i32
      %dma_start3A_170 = arith.constant 0 : i32
      %dma_start3A_171 = tpu.memref_slice %arg8[%dma_start3A_169, %dma_start3A_170] : memref<16x128xi32, #tpu.memory_space<vmem>> -> memref<1x128xi32, #tpu.memory_space<vmem>>
      %dma_start3A_172 = tpu.memref_squeeze %dma_start3A_171 : memref<1x128xi32, #tpu.memory_space<vmem>> -> memref<128xi32, #tpu.memory_space<vmem>>
      %dma_start3A_173 = arith.constant 0 : i32
      %dma_start3A_174 = arith.constant 0 : i32
      %dma_start3A_175 = tpu.memref_slice %arg11[%dma_start3A_173, %dma_start3A_174] : memref<10240x128xf32, #tpu.memory_space<vmem_shared>> -> memref<10240x128xf32, #tpu.memory_space<vmem_shared>>
      tpu.enqueue_indirect_dma source(%arg9 : memref<128x128xf32, #tpu.memory_space<vmem>>) target(%dma_start3A_175 : memref<10240x128xf32, #tpu.memory_space<vmem_shared>>) offsets(%dma_start3A_172 : memref<128xi32, #tpu.memory_space<vmem>>) semaphore(%arg14 : memref<!tpu.dma_semaphore, #tpu.memory_space<semaphore_mem>>) {add = true}
      %dma_wait3A_176 = arith.constant 4 : i32
      %dma_wait3A_177 = arith.constant 0 : i32
      %dma_wait3A_178 = tpu.memref_slice %arg8[%dma_wait3A_176, %dma_wait3A_177] : memref<16x128xi32, #tpu.memory_space<vmem>> -> memref<1x128xi32, #tpu.memory_space<vmem>>
      %dma_wait3A_179 = tpu.memref_squeeze %dma_wait3A_178 : memref<1x128xi32, #tpu.memory_space<vmem>> -> memref<128xi32, #tpu.memory_space<vmem>>
      %dma_wait3A_180 = arith.constant 0 : i32
      %dma_wait3A_181 = arith.constant 0 : i32
      %dma_wait3A_182 = tpu.memref_slice %arg11[%dma_wait3A_180, %dma_wait3A_181] : memref<10240x128xf32, #tpu.memory_space<vmem_shared>> -> memref<10240x128xf32, #tpu.memory_space<vmem_shared>>
      tpu.wait_indirect_dma semaphore(%arg14 : memref<!tpu.dma_semaphore, #tpu.memory_space<semaphore_mem>>) src(%arg9 : memref<128x128xf32, #tpu.memory_space<vmem>>) dst(%dma_wait3A_182 : memref<10240x128xf32, #tpu.memory_space<vmem_shared>>)
      %dma_start3A_183 = arith.constant 6 : i32
      %dma_start3A_184 = arith.constant 0 : i32
      %dma_start3A_185 = tpu.memref_slice %arg7[%dma_start3A_183, %dma_start3A_184] : memref<16x128xi32, #tpu.memory_space<vmem>> -> memref<1x128xi32, #tpu.memory_space<vmem>>
      %dma_start3A_186 = tpu.memref_squeeze %dma_start3A_185 : memref<1x128xi32, #tpu.memory_space<vmem>> -> memref<128xi32, #tpu.memory_space<vmem>>
      %dma_start3A_187 = arith.constant 0 : i32
      %dma_start3A_188 = arith.constant 0 : i32
      %dma_start3A_189 = tpu.memref_slice %arg2[%dma_start3A_187, %dma_start3A_188] : memref<10000x128xf32, #tpu.memory_space<hbm>> -> memref<10000x128xf32, #tpu.memory_space<hbm>>
      tpu.enqueue_indirect_dma source(%dma_start3A_189 : memref<10000x128xf32, #tpu.memory_space<hbm>>) target(%arg9 : memref<128x128xf32, #tpu.memory_space<vmem>>) offsets(%dma_start3A_186 : memref<128xi32, #tpu.memory_space<vmem>>) semaphore(%arg13 : memref<!tpu.dma_semaphore, #tpu.memory_space<semaphore_mem>>)
      %dma_wait3A_190 = arith.constant 5 : i32
      %dma_wait3A_191 = arith.constant 0 : i32
      %dma_wait3A_192 = tpu.memref_slice %arg7[%dma_wait3A_190, %dma_wait3A_191] : memref<16x128xi32, #tpu.memory_space<vmem>> -> memref<1x128xi32, #tpu.memory_space<vmem>>
      %dma_wait3A_193 = tpu.memref_squeeze %dma_wait3A_192 : memref<1x128xi32, #tpu.memory_space<vmem>> -> memref<128xi32, #tpu.memory_space<vmem>>
      %dma_wait3A_194 = arith.constant 0 : i32
      %dma_wait3A_195 = arith.constant 0 : i32
      %dma_wait3A_196 = tpu.memref_slice %arg2[%dma_wait3A_194, %dma_wait3A_195] : memref<10000x128xf32, #tpu.memory_space<hbm>> -> memref<10000x128xf32, #tpu.memory_space<hbm>>
      tpu.wait_indirect_dma semaphore(%arg13 : memref<!tpu.dma_semaphore, #tpu.memory_space<semaphore_mem>>) src(%dma_wait3A_196 : memref<10000x128xf32, #tpu.memory_space<hbm>>) dst(%arg10 : memref<128x128xf32, #tpu.memory_space<vmem>>)
      %dma_start3A_197 = arith.constant 5 : i32
      %dma_start3A_198 = arith.constant 0 : i32
      %dma_start3A_199 = tpu.memref_slice %arg8[%dma_start3A_197, %dma_start3A_198] : memref<16x128xi32, #tpu.memory_space<vmem>> -> memref<1x128xi32, #tpu.memory_space<vmem>>
      %dma_start3A_200 = tpu.memref_squeeze %dma_start3A_199 : memref<1x128xi32, #tpu.memory_space<vmem>> -> memref<128xi32, #tpu.memory_space<vmem>>
      %dma_start3A_201 = arith.constant 0 : i32
      %dma_start3A_202 = arith.constant 0 : i32
      %dma_start3A_203 = tpu.memref_slice %arg11[%dma_start3A_201, %dma_start3A_202] : memref<10240x128xf32, #tpu.memory_space<vmem_shared>> -> memref<10240x128xf32, #tpu.memory_space<vmem_shared>>
      tpu.enqueue_indirect_dma source(%arg10 : memref<128x128xf32, #tpu.memory_space<vmem>>) target(%dma_start3A_203 : memref<10240x128xf32, #tpu.memory_space<vmem_shared>>) offsets(%dma_start3A_200 : memref<128xi32, #tpu.memory_space<vmem>>) semaphore(%arg14 : memref<!tpu.dma_semaphore, #tpu.memory_space<semaphore_mem>>) {add = true}
      %dma_wait3A_204 = arith.constant 5 : i32
      %dma_wait3A_205 = arith.constant 0 : i32
      %dma_wait3A_206 = tpu.memref_slice %arg8[%dma_wait3A_204, %dma_wait3A_205] : memref<16x128xi32, #tpu.memory_space<vmem>> -> memref<1x128xi32, #tpu.memory_space<vmem>>
      %dma_wait3A_207 = tpu.memref_squeeze %dma_wait3A_206 : memref<1x128xi32, #tpu.memory_space<vmem>> -> memref<128xi32, #tpu.memory_space<vmem>>
      %dma_wait3A_208 = arith.constant 0 : i32
      %dma_wait3A_209 = arith.constant 0 : i32
      %dma_wait3A_210 = tpu.memref_slice %arg11[%dma_wait3A_208, %dma_wait3A_209] : memref<10240x128xf32, #tpu.memory_space<vmem_shared>> -> memref<10240x128xf32, #tpu.memory_space<vmem_shared>>
      tpu.wait_indirect_dma semaphore(%arg14 : memref<!tpu.dma_semaphore, #tpu.memory_space<semaphore_mem>>) src(%arg10 : memref<128x128xf32, #tpu.memory_space<vmem>>) dst(%dma_wait3A_210 : memref<10240x128xf32, #tpu.memory_space<vmem_shared>>)
      %dma_start3A_211 = arith.constant 7 : i32
      %dma_start3A_212 = arith.constant 0 : i32
      %dma_start3A_213 = tpu.memref_slice %arg7[%dma_start3A_211, %dma_start3A_212] : memref<16x128xi32, #tpu.memory_space<vmem>> -> memref<1x128xi32, #tpu.memory_space<vmem>>
      %dma_start3A_214 = tpu.memref_squeeze %dma_start3A_213 : memref<1x128xi32, #tpu.memory_space<vmem>> -> memref<128xi32, #tpu.memory_space<vmem>>
      %dma_start3A_215 = arith.constant 0 : i32
      %dma_start3A_216 = arith.constant 0 : i32
      %dma_start3A_217 = tpu.memref_slice %arg2[%dma_start3A_215, %dma_start3A_216] : memref<10000x128xf32, #tpu.memory_space<hbm>> -> memref<10000x128xf32, #tpu.memory_space<hbm>>
      tpu.enqueue_indirect_dma source(%dma_start3A_217 : memref<10000x128xf32, #tpu.memory_space<hbm>>) target(%arg10 : memref<128x128xf32, #tpu.memory_space<vmem>>) offsets(%dma_start3A_214 : memref<128xi32, #tpu.memory_space<vmem>>) semaphore(%arg13 : memref<!tpu.dma_semaphore, #tpu.memory_space<semaphore_mem>>)
      %dma_wait3A_218 = arith.constant 6 : i32
      %dma_wait3A_219 = arith.constant 0 : i32
      %dma_wait3A_220 = tpu.memref_slice %arg7[%dma_wait3A_218, %dma_wait3A_219] : memref<16x128xi32, #tpu.memory_space<vmem>> -> memref<1x128xi32, #tpu.memory_space<vmem>>
      %dma_wait3A_221 = tpu.memref_squeeze %dma_wait3A_220 : memref<1x128xi32, #tpu.memory_space<vmem>> -> memref<128xi32, #tpu.memory_space<vmem>>
      %dma_wait3A_222 = arith.constant 0 : i32
      %dma_wait3A_223 = arith.constant 0 : i32
      %dma_wait3A_224 = tpu.memref_slice %arg2[%dma_wait3A_222, %dma_wait3A_223] : memref<10000x128xf32, #tpu.memory_space<hbm>> -> memref<10000x128xf32, #tpu.memory_space<hbm>>
      tpu.wait_indirect_dma semaphore(%arg13 : memref<!tpu.dma_semaphore, #tpu.memory_space<semaphore_mem>>) src(%dma_wait3A_224 : memref<10000x128xf32, #tpu.memory_space<hbm>>) dst(%arg9 : memref<128x128xf32, #tpu.memory_space<vmem>>)
      %dma_start3A_225 = arith.constant 6 : i32
      %dma_start3A_226 = arith.constant 0 : i32
      %dma_start3A_227 = tpu.memref_slice %arg8[%dma_start3A_225, %dma_start3A_226] : memref<16x128xi32, #tpu.memory_space<vmem>> -> memref<1x128xi32, #tpu.memory_space<vmem>>
      %dma_start3A_228 = tpu.memref_squeeze %dma_start3A_227 : memref<1x128xi32, #tpu.memory_space<vmem>> -> memref<128xi32, #tpu.memory_space<vmem>>
      %dma_start3A_229 = arith.constant 0 : i32
      %dma_start3A_230 = arith.constant 0 : i32
      %dma_start3A_231 = tpu.memref_slice %arg11[%dma_start3A_229, %dma_start3A_230] : memref<10240x128xf32, #tpu.memory_space<vmem_shared>> -> memref<10240x128xf32, #tpu.memory_space<vmem_shared>>
      tpu.enqueue_indirect_dma source(%arg9 : memref<128x128xf32, #tpu.memory_space<vmem>>) target(%dma_start3A_231 : memref<10240x128xf32, #tpu.memory_space<vmem_shared>>) offsets(%dma_start3A_228 : memref<128xi32, #tpu.memory_space<vmem>>) semaphore(%arg14 : memref<!tpu.dma_semaphore, #tpu.memory_space<semaphore_mem>>) {add = true}
      %dma_wait3A_232 = arith.constant 6 : i32
      %dma_wait3A_233 = arith.constant 0 : i32
      %dma_wait3A_234 = tpu.memref_slice %arg8[%dma_wait3A_232, %dma_wait3A_233] : memref<16x128xi32, #tpu.memory_space<vmem>> -> memref<1x128xi32, #tpu.memory_space<vmem>>
      %dma_wait3A_235 = tpu.memref_squeeze %dma_wait3A_234 : memref<1x128xi32, #tpu.memory_space<vmem>> -> memref<128xi32, #tpu.memory_space<vmem>>
      %dma_wait3A_236 = arith.constant 0 : i32
      %dma_wait3A_237 = arith.constant 0 : i32
      %dma_wait3A_238 = tpu.memref_slice %arg11[%dma_wait3A_236, %dma_wait3A_237] : memref<10240x128xf32, #tpu.memory_space<vmem_shared>> -> memref<10240x128xf32, #tpu.memory_space<vmem_shared>>
      tpu.wait_indirect_dma semaphore(%arg14 : memref<!tpu.dma_semaphore, #tpu.memory_space<semaphore_mem>>) src(%arg9 : memref<128x128xf32, #tpu.memory_space<vmem>>) dst(%dma_wait3A_238 : memref<10240x128xf32, #tpu.memory_space<vmem_shared>>)
      %dma_start3A_239 = arith.constant 8 : i32
      %dma_start3A_240 = arith.constant 0 : i32
      %dma_start3A_241 = tpu.memref_slice %arg7[%dma_start3A_239, %dma_start3A_240] : memref<16x128xi32, #tpu.memory_space<vmem>> -> memref<1x128xi32, #tpu.memory_space<vmem>>
      %dma_start3A_242 = tpu.memref_squeeze %dma_start3A_241 : memref<1x128xi32, #tpu.memory_space<vmem>> -> memref<128xi32, #tpu.memory_space<vmem>>
      %dma_start3A_243 = arith.constant 0 : i32
      %dma_start3A_244 = arith.constant 0 : i32
      %dma_start3A_245 = tpu.memref_slice %arg2[%dma_start3A_243, %dma_start3A_244] : memref<10000x128xf32, #tpu.memory_space<hbm>> -> memref<10000x128xf32, #tpu.memory_space<hbm>>
      tpu.enqueue_indirect_dma source(%dma_start3A_245 : memref<10000x128xf32, #tpu.memory_space<hbm>>) target(%arg9 : memref<128x128xf32, #tpu.memory_space<vmem>>) offsets(%dma_start3A_242 : memref<128xi32, #tpu.memory_space<vmem>>) semaphore(%arg13 : memref<!tpu.dma_semaphore, #tpu.memory_space<semaphore_mem>>)
      %dma_wait3A_246 = arith.constant 7 : i32
      %dma_wait3A_247 = arith.constant 0 : i32
      %dma_wait3A_248 = tpu.memref_slice %arg7[%dma_wait3A_246, %dma_wait3A_247] : memref<16x128xi32, #tpu.memory_space<vmem>> -> memref<1x128xi32, #tpu.memory_space<vmem>>
      %dma_wait3A_249 = tpu.memref_squeeze %dma_wait3A_248 : memref<1x128xi32, #tpu.memory_space<vmem>> -> memref<128xi32, #tpu.memory_space<vmem>>
      %dma_wait3A_250 = arith.constant 0 : i32
      %dma_wait3A_251 = arith.constant 0 : i32
      %dma_wait3A_252 = tpu.memref_slice %arg2[%dma_wait3A_250, %dma_wait3A_251] : memref<10000x128xf32, #tpu.memory_space<hbm>> -> memref<10000x128xf32, #tpu.memory_space<hbm>>
      tpu.wait_indirect_dma semaphore(%arg13 : memref<!tpu.dma_semaphore, #tpu.memory_space<semaphore_mem>>) src(%dma_wait3A_252 : memref<10000x128xf32, #tpu.memory_space<hbm>>) dst(%arg10 : memref<128x128xf32, #tpu.memory_space<vmem>>)
      %dma_start3A_253 = arith.constant 7 : i32
      %dma_start3A_254 = arith.constant 0 : i32
      %dma_start3A_255 = tpu.memref_slice %arg8[%dma_start3A_253, %dma_start3A_254] : memref<16x128xi32, #tpu.memory_space<vmem>> -> memref<1x128xi32, #tpu.memory_space<vmem>>
      %dma_start3A_256 = tpu.memref_squeeze %dma_start3A_255 : memref<1x128xi32, #tpu.memory_space<vmem>> -> memref<128xi32, #tpu.memory_space<vmem>>
      %dma_start3A_257 = arith.constant 0 : i32
      %dma_start3A_258 = arith.constant 0 : i32
      %dma_start3A_259 = tpu.memref_slice %arg11[%dma_start3A_257, %dma_start3A_258] : memref<10240x128xf32, #tpu.memory_space<vmem_shared>> -> memref<10240x128xf32, #tpu.memory_space<vmem_shared>>
      tpu.enqueue_indirect_dma source(%arg10 : memref<128x128xf32, #tpu.memory_space<vmem>>) target(%dma_start3A_259 : memref<10240x128xf32, #tpu.memory_space<vmem_shared>>) offsets(%dma_start3A_256 : memref<128xi32, #tpu.memory_space<vmem>>) semaphore(%arg14 : memref<!tpu.dma_semaphore, #tpu.memory_space<semaphore_mem>>) {add = true}
      %dma_wait3A_260 = arith.constant 7 : i32
      %dma_wait3A_261 = arith.constant 0 : i32
      %dma_wait3A_262 = tpu.memref_slice %arg8[%dma_wait3A_260, %dma_wait3A_261] : memref<16x128xi32, #tpu.memory_space<vmem>> -> memref<1x128xi32, #tpu.memory_space<vmem>>
      %dma_wait3A_263 = tpu.memref_squeeze %dma_wait3A_262 : memref<1x128xi32, #tpu.memory_space<vmem>> -> memref<128xi32, #tpu.memory_space<vmem>>
      %dma_wait3A_264 = arith.constant 0 : i32
      %dma_wait3A_265 = arith.constant 0 : i32
      %dma_wait3A_266 = tpu.memref_slice %arg11[%dma_wait3A_264, %dma_wait3A_265] : memref<10240x128xf32, #tpu.memory_space<vmem_shared>> -> memref<10240x128xf32, #tpu.memory_space<vmem_shared>>
      tpu.wait_indirect_dma semaphore(%arg14 : memref<!tpu.dma_semaphore, #tpu.memory_space<semaphore_mem>>) src(%arg10 : memref<128x128xf32, #tpu.memory_space<vmem>>) dst(%dma_wait3A_266 : memref<10240x128xf32, #tpu.memory_space<vmem_shared>>)
      %dma_start3A_267 = arith.constant 9 : i32
      %dma_start3A_268 = arith.constant 0 : i32
      %dma_start3A_269 = tpu.memref_slice %arg7[%dma_start3A_267, %dma_start3A_268] : memref<16x128xi32, #tpu.memory_space<vmem>> -> memref<1x128xi32, #tpu.memory_space<vmem>>
      %dma_start3A_270 = tpu.memref_squeeze %dma_start3A_269 : memref<1x128xi32, #tpu.memory_space<vmem>> -> memref<128xi32, #tpu.memory_space<vmem>>
      %dma_start3A_271 = arith.constant 0 : i32
      %dma_start3A_272 = arith.constant 0 : i32
      %dma_start3A_273 = tpu.memref_slice %arg2[%dma_start3A_271, %dma_start3A_272] : memref<10000x128xf32, #tpu.memory_space<hbm>> -> memref<10000x128xf32, #tpu.memory_space<hbm>>
      tpu.enqueue_indirect_dma source(%dma_start3A_273 : memref<10000x128xf32, #tpu.memory_space<hbm>>) target(%arg10 : memref<128x128xf32, #tpu.memory_space<vmem>>) offsets(%dma_start3A_270 : memref<128xi32, #tpu.memory_space<vmem>>) semaphore(%arg13 : memref<!tpu.dma_semaphore, #tpu.memory_space<semaphore_mem>>)
      %dma_wait3A_274 = arith.constant 8 : i32
      %dma_wait3A_275 = arith.constant 0 : i32
      %dma_wait3A_276 = tpu.memref_slice %arg7[%dma_wait3A_274, %dma_wait3A_275] : memref<16x128xi32, #tpu.memory_space<vmem>> -> memref<1x128xi32, #tpu.memory_space<vmem>>
      %dma_wait3A_277 = tpu.memref_squeeze %dma_wait3A_276 : memref<1x128xi32, #tpu.memory_space<vmem>> -> memref<128xi32, #tpu.memory_space<vmem>>
      %dma_wait3A_278 = arith.constant 0 : i32
      %dma_wait3A_279 = arith.constant 0 : i32
      %dma_wait3A_280 = tpu.memref_slice %arg2[%dma_wait3A_278, %dma_wait3A_279] : memref<10000x128xf32, #tpu.memory_space<hbm>> -> memref<10000x128xf32, #tpu.memory_space<hbm>>
      tpu.wait_indirect_dma semaphore(%arg13 : memref<!tpu.dma_semaphore, #tpu.memory_space<semaphore_mem>>) src(%dma_wait3A_280 : memref<10000x128xf32, #tpu.memory_space<hbm>>) dst(%arg9 : memref<128x128xf32, #tpu.memory_space<vmem>>)
      %dma_start3A_281 = arith.constant 8 : i32
      %dma_start3A_282 = arith.constant 0 : i32
      %dma_start3A_283 = tpu.memref_slice %arg8[%dma_start3A_281, %dma_start3A_282] : memref<16x128xi32, #tpu.memory_space<vmem>> -> memref<1x128xi32, #tpu.memory_space<vmem>>
      %dma_start3A_284 = tpu.memref_squeeze %dma_start3A_283 : memref<1x128xi32, #tpu.memory_space<vmem>> -> memref<128xi32, #tpu.memory_space<vmem>>
      %dma_start3A_285 = arith.constant 0 : i32
      %dma_start3A_286 = arith.constant 0 : i32
      %dma_start3A_287 = tpu.memref_slice %arg11[%dma_start3A_285, %dma_start3A_286] : memref<10240x128xf32, #tpu.memory_space<vmem_shared>> -> memref<10240x128xf32, #tpu.memory_space<vmem_shared>>
      tpu.enqueue_indirect_dma source(%arg9 : memref<128x128xf32, #tpu.memory_space<vmem>>) target(%dma_start3A_287 : memref<10240x128xf32, #tpu.memory_space<vmem_shared>>) offsets(%dma_start3A_284 : memref<128xi32, #tpu.memory_space<vmem>>) semaphore(%arg14 : memref<!tpu.dma_semaphore, #tpu.memory_space<semaphore_mem>>) {add = true}
      %dma_wait3A_288 = arith.constant 8 : i32
      %dma_wait3A_289 = arith.constant 0 : i32
      %dma_wait3A_290 = tpu.memref_slice %arg8[%dma_wait3A_288, %dma_wait3A_289] : memref<16x128xi32, #tpu.memory_space<vmem>> -> memref<1x128xi32, #tpu.memory_space<vmem>>
      %dma_wait3A_291 = tpu.memref_squeeze %dma_wait3A_290 : memref<1x128xi32, #tpu.memory_space<vmem>> -> memref<128xi32, #tpu.memory_space<vmem>>
      %dma_wait3A_292 = arith.constant 0 : i32
      %dma_wait3A_293 = arith.constant 0 : i32
      %dma_wait3A_294 = tpu.memref_slice %arg11[%dma_wait3A_292, %dma_wait3A_293] : memref<10240x128xf32, #tpu.memory_space<vmem_shared>> -> memref<10240x128xf32, #tpu.memory_space<vmem_shared>>
      tpu.wait_indirect_dma semaphore(%arg14 : memref<!tpu.dma_semaphore, #tpu.memory_space<semaphore_mem>>) src(%arg9 : memref<128x128xf32, #tpu.memory_space<vmem>>) dst(%dma_wait3A_294 : memref<10240x128xf32, #tpu.memory_space<vmem_shared>>)
      %dma_start3A_295 = arith.constant 10 : i32
      %dma_start3A_296 = arith.constant 0 : i32
      %dma_start3A_297 = tpu.memref_slice %arg7[%dma_start3A_295, %dma_start3A_296] : memref<16x128xi32, #tpu.memory_space<vmem>> -> memref<1x128xi32, #tpu.memory_space<vmem>>
      %dma_start3A_298 = tpu.memref_squeeze %dma_start3A_297 : memref<1x128xi32, #tpu.memory_space<vmem>> -> memref<128xi32, #tpu.memory_space<vmem>>
      %dma_start3A_299 = arith.constant 0 : i32
      %dma_start3A_300 = arith.constant 0 : i32
      %dma_start3A_301 = tpu.memref_slice %arg2[%dma_start3A_299, %dma_start3A_300] : memref<10000x128xf32, #tpu.memory_space<hbm>> -> memref<10000x128xf32, #tpu.memory_space<hbm>>
      tpu.enqueue_indirect_dma source(%dma_start3A_301 : memref<10000x128xf32, #tpu.memory_space<hbm>>) target(%arg9 : memref<128x128xf32, #tpu.memory_space<vmem>>) offsets(%dma_start3A_298 : memref<128xi32, #tpu.memory_space<vmem>>) semaphore(%arg13 : memref<!tpu.dma_semaphore, #tpu.memory_space<semaphore_mem>>)
      %dma_wait3A_302 = arith.constant 9 : i32
      %dma_wait3A_303 = arith.constant 0 : i32
      %dma_wait3A_304 = tpu.memref_slice %arg7[%dma_wait3A_302, %dma_wait3A_303] : memref<16x128xi32, #tpu.memory_space<vmem>> -> memref<1x128xi32, #tpu.memory_space<vmem>>
      %dma_wait3A_305 = tpu.memref_squeeze %dma_wait3A_304 : memref<1x128xi32, #tpu.memory_space<vmem>> -> memref<128xi32, #tpu.memory_space<vmem>>
      %dma_wait3A_306 = arith.constant 0 : i32
      %dma_wait3A_307 = arith.constant 0 : i32
      %dma_wait3A_308 = tpu.memref_slice %arg2[%dma_wait3A_306, %dma_wait3A_307] : memref<10000x128xf32, #tpu.memory_space<hbm>> -> memref<10000x128xf32, #tpu.memory_space<hbm>>
      tpu.wait_indirect_dma semaphore(%arg13 : memref<!tpu.dma_semaphore, #tpu.memory_space<semaphore_mem>>) src(%dma_wait3A_308 : memref<10000x128xf32, #tpu.memory_space<hbm>>) dst(%arg10 : memref<128x128xf32, #tpu.memory_space<vmem>>)
      %dma_start3A_309 = arith.constant 9 : i32
      %dma_start3A_310 = arith.constant 0 : i32
      %dma_start3A_311 = tpu.memref_slice %arg8[%dma_start3A_309, %dma_start3A_310] : memref<16x128xi32, #tpu.memory_space<vmem>> -> memref<1x128xi32, #tpu.memory_space<vmem>>
      %dma_start3A_312 = tpu.memref_squeeze %dma_start3A_311 : memref<1x128xi32, #tpu.memory_space<vmem>> -> memref<128xi32, #tpu.memory_space<vmem>>
      %dma_start3A_313 = arith.constant 0 : i32
      %dma_start3A_314 = arith.constant 0 : i32
      %dma_start3A_315 = tpu.memref_slice %arg11[%dma_start3A_313, %dma_start3A_314] : memref<10240x128xf32, #tpu.memory_space<vmem_shared>> -> memref<10240x128xf32, #tpu.memory_space<vmem_shared>>
      tpu.enqueue_indirect_dma source(%arg10 : memref<128x128xf32, #tpu.memory_space<vmem>>) target(%dma_start3A_315 : memref<10240x128xf32, #tpu.memory_space<vmem_shared>>) offsets(%dma_start3A_312 : memref<128xi32, #tpu.memory_space<vmem>>) semaphore(%arg14 : memref<!tpu.dma_semaphore, #tpu.memory_space<semaphore_mem>>) {add = true}
      %dma_wait3A_316 = arith.constant 9 : i32
      %dma_wait3A_317 = arith.constant 0 : i32
      %dma_wait3A_318 = tpu.memref_slice %arg8[%dma_wait3A_316, %dma_wait3A_317] : memref<16x128xi32, #tpu.memory_space<vmem>> -> memref<1x128xi32, #tpu.memory_space<vmem>>
      %dma_wait3A_319 = tpu.memref_squeeze %dma_wait3A_318 : memref<1x128xi32, #tpu.memory_space<vmem>> -> memref<128xi32, #tpu.memory_space<vmem>>
      %dma_wait3A_320 = arith.constant 0 : i32
      %dma_wait3A_321 = arith.constant 0 : i32
      %dma_wait3A_322 = tpu.memref_slice %arg11[%dma_wait3A_320, %dma_wait3A_321] : memref<10240x128xf32, #tpu.memory_space<vmem_shared>> -> memref<10240x128xf32, #tpu.memory_space<vmem_shared>>
      tpu.wait_indirect_dma semaphore(%arg14 : memref<!tpu.dma_semaphore, #tpu.memory_space<semaphore_mem>>) src(%arg10 : memref<128x128xf32, #tpu.memory_space<vmem>>) dst(%dma_wait3A_322 : memref<10240x128xf32, #tpu.memory_space<vmem_shared>>)
      %dma_start3A_323 = arith.constant 11 : i32
      %dma_start3A_324 = arith.constant 0 : i32
      %dma_start3A_325 = tpu.memref_slice %arg7[%dma_start3A_323, %dma_start3A_324] : memref<16x128xi32, #tpu.memory_space<vmem>> -> memref<1x128xi32, #tpu.memory_space<vmem>>
      %dma_start3A_326 = tpu.memref_squeeze %dma_start3A_325 : memref<1x128xi32, #tpu.memory_space<vmem>> -> memref<128xi32, #tpu.memory_space<vmem>>
      %dma_start3A_327 = arith.constant 0 : i32
      %dma_start3A_328 = arith.constant 0 : i32
      %dma_start3A_329 = tpu.memref_slice %arg2[%dma_start3A_327, %dma_start3A_328] : memref<10000x128xf32, #tpu.memory_space<hbm>> -> memref<10000x128xf32, #tpu.memory_space<hbm>>
      tpu.enqueue_indirect_dma source(%dma_start3A_329 : memref<10000x128xf32, #tpu.memory_space<hbm>>) target(%arg10 : memref<128x128xf32, #tpu.memory_space<vmem>>) offsets(%dma_start3A_326 : memref<128xi32, #tpu.memory_space<vmem>>) semaphore(%arg13 : memref<!tpu.dma_semaphore, #tpu.memory_space<semaphore_mem>>)
      %dma_wait3A_330 = arith.constant 10 : i32
      %dma_wait3A_331 = arith.constant 0 : i32
      %dma_wait3A_332 = tpu.memref_slice %arg7[%dma_wait3A_330, %dma_wait3A_331] : memref<16x128xi32, #tpu.memory_space<vmem>> -> memref<1x128xi32, #tpu.memory_space<vmem>>
      %dma_wait3A_333 = tpu.memref_squeeze %dma_wait3A_332 : memref<1x128xi32, #tpu.memory_space<vmem>> -> memref<128xi32, #tpu.memory_space<vmem>>
      %dma_wait3A_334 = arith.constant 0 : i32
      %dma_wait3A_335 = arith.constant 0 : i32
      %dma_wait3A_336 = tpu.memref_slice %arg2[%dma_wait3A_334, %dma_wait3A_335] : memref<10000x128xf32, #tpu.memory_space<hbm>> -> memref<10000x128xf32, #tpu.memory_space<hbm>>
      tpu.wait_indirect_dma semaphore(%arg13 : memref<!tpu.dma_semaphore, #tpu.memory_space<semaphore_mem>>) src(%dma_wait3A_336 : memref<10000x128xf32, #tpu.memory_space<hbm>>) dst(%arg9 : memref<128x128xf32, #tpu.memory_space<vmem>>)
      %dma_start3A_337 = arith.constant 10 : i32
      %dma_start3A_338 = arith.constant 0 : i32
      %dma_start3A_339 = tpu.memref_slice %arg8[%dma_start3A_337, %dma_start3A_338] : memref<16x128xi32, #tpu.memory_space<vmem>> -> memref<1x128xi32, #tpu.memory_space<vmem>>
      %dma_start3A_340 = tpu.memref_squeeze %dma_start3A_339 : memref<1x128xi32, #tpu.memory_space<vmem>> -> memref<128xi32, #tpu.memory_space<vmem>>
      %dma_start3A_341 = arith.constant 0 : i32
      %dma_start3A_342 = arith.constant 0 : i32
      %dma_start3A_343 = tpu.memref_slice %arg11[%dma_start3A_341, %dma_start3A_342] : memref<10240x128xf32, #tpu.memory_space<vmem_shared>> -> memref<10240x128xf32, #tpu.memory_space<vmem_shared>>
      tpu.enqueue_indirect_dma source(%arg9 : memref<128x128xf32, #tpu.memory_space<vmem>>) target(%dma_start3A_343 : memref<10240x128xf32, #tpu.memory_space<vmem_shared>>) offsets(%dma_start3A_340 : memref<128xi32, #tpu.memory_space<vmem>>) semaphore(%arg14 : memref<!tpu.dma_semaphore, #tpu.memory_space<semaphore_mem>>) {add = true}
      %dma_wait3A_344 = arith.constant 10 : i32
      %dma_wait3A_345 = arith.constant 0 : i32
      %dma_wait3A_346 = tpu.memref_slice %arg8[%dma_wait3A_344, %dma_wait3A_345] : memref<16x128xi32, #tpu.memory_space<vmem>> -> memref<1x128xi32, #tpu.memory_space<vmem>>
      %dma_wait3A_347 = tpu.memref_squeeze %dma_wait3A_346 : memref<1x128xi32, #tpu.memory_space<vmem>> -> memref<128xi32, #tpu.memory_space<vmem>>
      %dma_wait3A_348 = arith.constant 0 : i32
      %dma_wait3A_349 = arith.constant 0 : i32
      %dma_wait3A_350 = tpu.memref_slice %arg11[%dma_wait3A_348, %dma_wait3A_349] : memref<10240x128xf32, #tpu.memory_space<vmem_shared>> -> memref<10240x128xf32, #tpu.memory_space<vmem_shared>>
      tpu.wait_indirect_dma semaphore(%arg14 : memref<!tpu.dma_semaphore, #tpu.memory_space<semaphore_mem>>) src(%arg9 : memref<128x128xf32, #tpu.memory_space<vmem>>) dst(%dma_wait3A_350 : memref<10240x128xf32, #tpu.memory_space<vmem_shared>>)
      %dma_start3A_351 = arith.constant 12 : i32
      %dma_start3A_352 = arith.constant 0 : i32
      %dma_start3A_353 = tpu.memref_slice %arg7[%dma_start3A_351, %dma_start3A_352] : memref<16x128xi32, #tpu.memory_space<vmem>> -> memref<1x128xi32, #tpu.memory_space<vmem>>
      %dma_start3A_354 = tpu.memref_squeeze %dma_start3A_353 : memref<1x128xi32, #tpu.memory_space<vmem>> -> memref<128xi32, #tpu.memory_space<vmem>>
      %dma_start3A_355 = arith.constant 0 : i32
      %dma_start3A_356 = arith.constant 0 : i32
      %dma_start3A_357 = tpu.memref_slice %arg2[%dma_start3A_355, %dma_start3A_356] : memref<10000x128xf32, #tpu.memory_space<hbm>> -> memref<10000x128xf32, #tpu.memory_space<hbm>>
      tpu.enqueue_indirect_dma source(%dma_start3A_357 : memref<10000x128xf32, #tpu.memory_space<hbm>>) target(%arg9 : memref<128x128xf32, #tpu.memory_space<vmem>>) offsets(%dma_start3A_354 : memref<128xi32, #tpu.memory_space<vmem>>) semaphore(%arg13 : memref<!tpu.dma_semaphore, #tpu.memory_space<semaphore_mem>>)
      %dma_wait3A_358 = arith.constant 11 : i32
      %dma_wait3A_359 = arith.constant 0 : i32
      %dma_wait3A_360 = tpu.memref_slice %arg7[%dma_wait3A_358, %dma_wait3A_359] : memref<16x128xi32, #tpu.memory_space<vmem>> -> memref<1x128xi32, #tpu.memory_space<vmem>>
      %dma_wait3A_361 = tpu.memref_squeeze %dma_wait3A_360 : memref<1x128xi32, #tpu.memory_space<vmem>> -> memref<128xi32, #tpu.memory_space<vmem>>
      %dma_wait3A_362 = arith.constant 0 : i32
      %dma_wait3A_363 = arith.constant 0 : i32
      %dma_wait3A_364 = tpu.memref_slice %arg2[%dma_wait3A_362, %dma_wait3A_363] : memref<10000x128xf32, #tpu.memory_space<hbm>> -> memref<10000x128xf32, #tpu.memory_space<hbm>>
      tpu.wait_indirect_dma semaphore(%arg13 : memref<!tpu.dma_semaphore, #tpu.memory_space<semaphore_mem>>) src(%dma_wait3A_364 : memref<10000x128xf32, #tpu.memory_space<hbm>>) dst(%arg10 : memref<128x128xf32, #tpu.memory_space<vmem>>)
      %dma_start3A_365 = arith.constant 11 : i32
      %dma_start3A_366 = arith.constant 0 : i32
      %dma_start3A_367 = tpu.memref_slice %arg8[%dma_start3A_365, %dma_start3A_366] : memref<16x128xi32, #tpu.memory_space<vmem>> -> memref<1x128xi32, #tpu.memory_space<vmem>>
      %dma_start3A_368 = tpu.memref_squeeze %dma_start3A_367 : memref<1x128xi32, #tpu.memory_space<vmem>> -> memref<128xi32, #tpu.memory_space<vmem>>
      %dma_start3A_369 = arith.constant 0 : i32
      %dma_start3A_370 = arith.constant 0 : i32
      %dma_start3A_371 = tpu.memref_slice %arg11[%dma_start3A_369, %dma_start3A_370] : memref<10240x128xf32, #tpu.memory_space<vmem_shared>> -> memref<10240x128xf32, #tpu.memory_space<vmem_shared>>
      tpu.enqueue_indirect_dma source(%arg10 : memref<128x128xf32, #tpu.memory_space<vmem>>) target(%dma_start3A_371 : memref<10240x128xf32, #tpu.memory_space<vmem_shared>>) offsets(%dma_start3A_368 : memref<128xi32, #tpu.memory_space<vmem>>) semaphore(%arg14 : memref<!tpu.dma_semaphore, #tpu.memory_space<semaphore_mem>>) {add = true}
      %dma_wait3A_372 = arith.constant 11 : i32
      %dma_wait3A_373 = arith.constant 0 : i32
      %dma_wait3A_374 = tpu.memref_slice %arg8[%dma_wait3A_372, %dma_wait3A_373] : memref<16x128xi32, #tpu.memory_space<vmem>> -> memref<1x128xi32, #tpu.memory_space<vmem>>
      %dma_wait3A_375 = tpu.memref_squeeze %dma_wait3A_374 : memref<1x128xi32, #tpu.memory_space<vmem>> -> memref<128xi32, #tpu.memory_space<vmem>>
      %dma_wait3A_376 = arith.constant 0 : i32
      %dma_wait3A_377 = arith.constant 0 : i32
      %dma_wait3A_378 = tpu.memref_slice %arg11[%dma_wait3A_376, %dma_wait3A_377] : memref<10240x128xf32, #tpu.memory_space<vmem_shared>> -> memref<10240x128xf32, #tpu.memory_space<vmem_shared>>
      tpu.wait_indirect_dma semaphore(%arg14 : memref<!tpu.dma_semaphore, #tpu.memory_space<semaphore_mem>>) src(%arg10 : memref<128x128xf32, #tpu.memory_space<vmem>>) dst(%dma_wait3A_378 : memref<10240x128xf32, #tpu.memory_space<vmem_shared>>)
      %dma_start3A_379 = arith.constant 13 : i32
      %dma_start3A_380 = arith.constant 0 : i32
      %dma_start3A_381 = tpu.memref_slice %arg7[%dma_start3A_379, %dma_start3A_380] : memref<16x128xi32, #tpu.memory_space<vmem>> -> memref<1x128xi32, #tpu.memory_space<vmem>>
      %dma_start3A_382 = tpu.memref_squeeze %dma_start3A_381 : memref<1x128xi32, #tpu.memory_space<vmem>> -> memref<128xi32, #tpu.memory_space<vmem>>
      %dma_start3A_383 = arith.constant 0 : i32
      %dma_start3A_384 = arith.constant 0 : i32
      %dma_start3A_385 = tpu.memref_slice %arg2[%dma_start3A_383, %dma_start3A_384] : memref<10000x128xf32, #tpu.memory_space<hbm>> -> memref<10000x128xf32, #tpu.memory_space<hbm>>
      tpu.enqueue_indirect_dma source(%dma_start3A_385 : memref<10000x128xf32, #tpu.memory_space<hbm>>) target(%arg10 : memref<128x128xf32, #tpu.memory_space<vmem>>) offsets(%dma_start3A_382 : memref<128xi32, #tpu.memory_space<vmem>>) semaphore(%arg13 : memref<!tpu.dma_semaphore, #tpu.memory_space<semaphore_mem>>)
      %dma_wait3A_386 = arith.constant 12 : i32
      %dma_wait3A_387 = arith.constant 0 : i32
      %dma_wait3A_388 = tpu.memref_slice %arg7[%dma_wait3A_386, %dma_wait3A_387] : memref<16x128xi32, #tpu.memory_space<vmem>> -> memref<1x128xi32, #tpu.memory_space<vmem>>
      %dma_wait3A_389 = tpu.memref_squeeze %dma_wait3A_388 : memref<1x128xi32, #tpu.memory_space<vmem>> -> memref<128xi32, #tpu.memory_space<vmem>>
      %dma_wait3A_390 = arith.constant 0 : i32
      %dma_wait3A_391 = arith.constant 0 : i32
      %dma_wait3A_392 = tpu.memref_slice %arg2[%dma_wait3A_390, %dma_wait3A_391] : memref<10000x128xf32, #tpu.memory_space<hbm>> -> memref<10000x128xf32, #tpu.memory_space<hbm>>
      tpu.wait_indirect_dma semaphore(%arg13 : memref<!tpu.dma_semaphore, #tpu.memory_space<semaphore_mem>>) src(%dma_wait3A_392 : memref<10000x128xf32, #tpu.memory_space<hbm>>) dst(%arg9 : memref<128x128xf32, #tpu.memory_space<vmem>>)
      %dma_start3A_393 = arith.constant 12 : i32
      %dma_start3A_394 = arith.constant 0 : i32
      %dma_start3A_395 = tpu.memref_slice %arg8[%dma_start3A_393, %dma_start3A_394] : memref<16x128xi32, #tpu.memory_space<vmem>> -> memref<1x128xi32, #tpu.memory_space<vmem>>
      %dma_start3A_396 = tpu.memref_squeeze %dma_start3A_395 : memref<1x128xi32, #tpu.memory_space<vmem>> -> memref<128xi32, #tpu.memory_space<vmem>>
      %dma_start3A_397 = arith.constant 0 : i32
      %dma_start3A_398 = arith.constant 0 : i32
      %dma_start3A_399 = tpu.memref_slice %arg11[%dma_start3A_397, %dma_start3A_398] : memref<10240x128xf32, #tpu.memory_space<vmem_shared>> -> memref<10240x128xf32, #tpu.memory_space<vmem_shared>>
      tpu.enqueue_indirect_dma source(%arg9 : memref<128x128xf32, #tpu.memory_space<vmem>>) target(%dma_start3A_399 : memref<10240x128xf32, #tpu.memory_space<vmem_shared>>) offsets(%dma_start3A_396 : memref<128xi32, #tpu.memory_space<vmem>>) semaphore(%arg14 : memref<!tpu.dma_semaphore, #tpu.memory_space<semaphore_mem>>) {add = true}
      %dma_wait3A_400 = arith.constant 12 : i32
      %dma_wait3A_401 = arith.constant 0 : i32
      %dma_wait3A_402 = tpu.memref_slice %arg8[%dma_wait3A_400, %dma_wait3A_401] : memref<16x128xi32, #tpu.memory_space<vmem>> -> memref<1x128xi32, #tpu.memory_space<vmem>>
      %dma_wait3A_403 = tpu.memref_squeeze %dma_wait3A_402 : memref<1x128xi32, #tpu.memory_space<vmem>> -> memref<128xi32, #tpu.memory_space<vmem>>
      %dma_wait3A_404 = arith.constant 0 : i32
      %dma_wait3A_405 = arith.constant 0 : i32
      %dma_wait3A_406 = tpu.memref_slice %arg11[%dma_wait3A_404, %dma_wait3A_405] : memref<10240x128xf32, #tpu.memory_space<vmem_shared>> -> memref<10240x128xf32, #tpu.memory_space<vmem_shared>>
      tpu.wait_indirect_dma semaphore(%arg14 : memref<!tpu.dma_semaphore, #tpu.memory_space<semaphore_mem>>) src(%arg9 : memref<128x128xf32, #tpu.memory_space<vmem>>) dst(%dma_wait3A_406 : memref<10240x128xf32, #tpu.memory_space<vmem_shared>>)
      %dma_start3A_407 = arith.constant 14 : i32
      %dma_start3A_408 = arith.constant 0 : i32
      %dma_start3A_409 = tpu.memref_slice %arg7[%dma_start3A_407, %dma_start3A_408] : memref<16x128xi32, #tpu.memory_space<vmem>> -> memref<1x128xi32, #tpu.memory_space<vmem>>
      %dma_start3A_410 = tpu.memref_squeeze %dma_start3A_409 : memref<1x128xi32, #tpu.memory_space<vmem>> -> memref<128xi32, #tpu.memory_space<vmem>>
      %dma_start3A_411 = arith.constant 0 : i32
      %dma_start3A_412 = arith.constant 0 : i32
      %dma_start3A_413 = tpu.memref_slice %arg2[%dma_start3A_411, %dma_start3A_412] : memref<10000x128xf32, #tpu.memory_space<hbm>> -> memref<10000x128xf32, #tpu.memory_space<hbm>>
      tpu.enqueue_indirect_dma source(%dma_start3A_413 : memref<10000x128xf32, #tpu.memory_space<hbm>>) target(%arg9 : memref<128x128xf32, #tpu.memory_space<vmem>>) offsets(%dma_start3A_410 : memref<128xi32, #tpu.memory_space<vmem>>) semaphore(%arg13 : memref<!tpu.dma_semaphore, #tpu.memory_space<semaphore_mem>>)
      %dma_wait3A_414 = arith.constant 13 : i32
      %dma_wait3A_415 = arith.constant 0 : i32
      %dma_wait3A_416 = tpu.memref_slice %arg7[%dma_wait3A_414, %dma_wait3A_415] : memref<16x128xi32, #tpu.memory_space<vmem>> -> memref<1x128xi32, #tpu.memory_space<vmem>>
      %dma_wait3A_417 = tpu.memref_squeeze %dma_wait3A_416 : memref<1x128xi32, #tpu.memory_space<vmem>> -> memref<128xi32, #tpu.memory_space<vmem>>
      %dma_wait3A_418 = arith.constant 0 : i32
      %dma_wait3A_419 = arith.constant 0 : i32
      %dma_wait3A_420 = tpu.memref_slice %arg2[%dma_wait3A_418, %dma_wait3A_419] : memref<10000x128xf32, #tpu.memory_space<hbm>> -> memref<10000x128xf32, #tpu.memory_space<hbm>>
      tpu.wait_indirect_dma semaphore(%arg13 : memref<!tpu.dma_semaphore, #tpu.memory_space<semaphore_mem>>) src(%dma_wait3A_420 : memref<10000x128xf32, #tpu.memory_space<hbm>>) dst(%arg10 : memref<128x128xf32, #tpu.memory_space<vmem>>)
      %dma_start3A_421 = arith.constant 13 : i32
      %dma_start3A_422 = arith.constant 0 : i32
      %dma_start3A_423 = tpu.memref_slice %arg8[%dma_start3A_421, %dma_start3A_422] : memref<16x128xi32, #tpu.memory_space<vmem>> -> memref<1x128xi32, #tpu.memory_space<vmem>>
      %dma_start3A_424 = tpu.memref_squeeze %dma_start3A_423 : memref<1x128xi32, #tpu.memory_space<vmem>> -> memref<128xi32, #tpu.memory_space<vmem>>
      %dma_start3A_425 = arith.constant 0 : i32
      %dma_start3A_426 = arith.constant 0 : i32
      %dma_start3A_427 = tpu.memref_slice %arg11[%dma_start3A_425, %dma_start3A_426] : memref<10240x128xf32, #tpu.memory_space<vmem_shared>> -> memref<10240x128xf32, #tpu.memory_space<vmem_shared>>
      tpu.enqueue_indirect_dma source(%arg10 : memref<128x128xf32, #tpu.memory_space<vmem>>) target(%dma_start3A_427 : memref<10240x128xf32, #tpu.memory_space<vmem_shared>>) offsets(%dma_start3A_424 : memref<128xi32, #tpu.memory_space<vmem>>) semaphore(%arg14 : memref<!tpu.dma_semaphore, #tpu.memory_space<semaphore_mem>>) {add = true}
      %dma_wait3A_428 = arith.constant 13 : i32
      %dma_wait3A_429 = arith.constant 0 : i32
      %dma_wait3A_430 = tpu.memref_slice %arg8[%dma_wait3A_428, %dma_wait3A_429] : memref<16x128xi32, #tpu.memory_space<vmem>> -> memref<1x128xi32, #tpu.memory_space<vmem>>
      %dma_wait3A_431 = tpu.memref_squeeze %dma_wait3A_430 : memref<1x128xi32, #tpu.memory_space<vmem>> -> memref<128xi32, #tpu.memory_space<vmem>>
      %dma_wait3A_432 = arith.constant 0 : i32
      %dma_wait3A_433 = arith.constant 0 : i32
      %dma_wait3A_434 = tpu.memref_slice %arg11[%dma_wait3A_432, %dma_wait3A_433] : memref<10240x128xf32, #tpu.memory_space<vmem_shared>> -> memref<10240x128xf32, #tpu.memory_space<vmem_shared>>
      tpu.wait_indirect_dma semaphore(%arg14 : memref<!tpu.dma_semaphore, #tpu.memory_space<semaphore_mem>>) src(%arg10 : memref<128x128xf32, #tpu.memory_space<vmem>>) dst(%dma_wait3A_434 : memref<10240x128xf32, #tpu.memory_space<vmem_shared>>)
      %dma_start3A_435 = arith.constant 15 : i32
      %dma_start3A_436 = arith.constant 0 : i32
      %dma_start3A_437 = tpu.memref_slice %arg7[%dma_start3A_435, %dma_start3A_436] : memref<16x128xi32, #tpu.memory_space<vmem>> -> memref<1x128xi32, #tpu.memory_space<vmem>>
      %dma_start3A_438 = tpu.memref_squeeze %dma_start3A_437 : memref<1x128xi32, #tpu.memory_space<vmem>> -> memref<128xi32, #tpu.memory_space<vmem>>
      %dma_start3A_439 = arith.constant 0 : i32
      %dma_start3A_440 = arith.constant 0 : i32
      %dma_start3A_441 = tpu.memref_slice %arg2[%dma_start3A_439, %dma_start3A_440] : memref<10000x128xf32, #tpu.memory_space<hbm>> -> memref<10000x128xf32, #tpu.memory_space<hbm>>
      tpu.enqueue_indirect_dma source(%dma_start3A_441 : memref<10000x128xf32, #tpu.memory_space<hbm>>) target(%arg10 : memref<128x128xf32, #tpu.memory_space<vmem>>) offsets(%dma_start3A_438 : memref<128xi32, #tpu.memory_space<vmem>>) semaphore(%arg13 : memref<!tpu.dma_semaphore, #tpu.memory_space<semaphore_mem>>)
      %dma_wait3A_442 = arith.constant 14 : i32
      %dma_wait3A_443 = arith.constant 0 : i32
      %dma_wait3A_444 = tpu.memref_slice %arg7[%dma_wait3A_442, %dma_wait3A_443] : memref<16x128xi32, #tpu.memory_space<vmem>> -> memref<1x128xi32, #tpu.memory_space<vmem>>
      %dma_wait3A_445 = tpu.memref_squeeze %dma_wait3A_444 : memref<1x128xi32, #tpu.memory_space<vmem>> -> memref<128xi32, #tpu.memory_space<vmem>>
      %dma_wait3A_446 = arith.constant 0 : i32
      %dma_wait3A_447 = arith.constant 0 : i32
      %dma_wait3A_448 = tpu.memref_slice %arg2[%dma_wait3A_446, %dma_wait3A_447] : memref<10000x128xf32, #tpu.memory_space<hbm>> -> memref<10000x128xf32, #tpu.memory_space<hbm>>
      tpu.wait_indirect_dma semaphore(%arg13 : memref<!tpu.dma_semaphore, #tpu.memory_space<semaphore_mem>>) src(%dma_wait3A_448 : memref<10000x128xf32, #tpu.memory_space<hbm>>) dst(%arg9 : memref<128x128xf32, #tpu.memory_space<vmem>>)
      %dma_start3A_449 = arith.constant 14 : i32
      %dma_start3A_450 = arith.constant 0 : i32
      %dma_start3A_451 = tpu.memref_slice %arg8[%dma_start3A_449, %dma_start3A_450] : memref<16x128xi32, #tpu.memory_space<vmem>> -> memref<1x128xi32, #tpu.memory_space<vmem>>
      %dma_start3A_452 = tpu.memref_squeeze %dma_start3A_451 : memref<1x128xi32, #tpu.memory_space<vmem>> -> memref<128xi32, #tpu.memory_space<vmem>>
      %dma_start3A_453 = arith.constant 0 : i32
      %dma_start3A_454 = arith.constant 0 : i32
      %dma_start3A_455 = tpu.memref_slice %arg11[%dma_start3A_453, %dma_start3A_454] : memref<10240x128xf32, #tpu.memory_space<vmem_shared>> -> memref<10240x128xf32, #tpu.memory_space<vmem_shared>>
      tpu.enqueue_indirect_dma source(%arg9 : memref<128x128xf32, #tpu.memory_space<vmem>>) target(%dma_start3A_455 : memref<10240x128xf32, #tpu.memory_space<vmem_shared>>) offsets(%dma_start3A_452 : memref<128xi32, #tpu.memory_space<vmem>>) semaphore(%arg14 : memref<!tpu.dma_semaphore, #tpu.memory_space<semaphore_mem>>) {add = true}
      %dma_wait3A_456 = arith.constant 14 : i32
      %dma_wait3A_457 = arith.constant 0 : i32
      %dma_wait3A_458 = tpu.memref_slice %arg8[%dma_wait3A_456, %dma_wait3A_457] : memref<16x128xi32, #tpu.memory_space<vmem>> -> memref<1x128xi32, #tpu.memory_space<vmem>>
      %dma_wait3A_459 = tpu.memref_squeeze %dma_wait3A_458 : memref<1x128xi32, #tpu.memory_space<vmem>> -> memref<128xi32, #tpu.memory_space<vmem>>
      %dma_wait3A_460 = arith.constant 0 : i32
      %dma_wait3A_461 = arith.constant 0 : i32
      %dma_wait3A_462 = tpu.memref_slice %arg11[%dma_wait3A_460, %dma_wait3A_461] : memref<10240x128xf32, #tpu.memory_space<vmem_shared>> -> memref<10240x128xf32, #tpu.memory_space<vmem_shared>>
      tpu.wait_indirect_dma semaphore(%arg14 : memref<!tpu.dma_semaphore, #tpu.memory_space<semaphore_mem>>) src(%arg9 : memref<128x128xf32, #tpu.memory_space<vmem>>) dst(%dma_wait3A_462 : memref<10240x128xf32, #tpu.memory_space<vmem_shared>>)
      %dma_wait3A_463 = arith.constant 15 : i32
      %dma_wait3A_464 = arith.constant 0 : i32
      %dma_wait3A_465 = tpu.memref_slice %arg7[%dma_wait3A_463, %dma_wait3A_464] : memref<16x128xi32, #tpu.memory_space<vmem>> -> memref<1x128xi32, #tpu.memory_space<vmem>>
      %dma_wait3A_466 = tpu.memref_squeeze %dma_wait3A_465 : memref<1x128xi32, #tpu.memory_space<vmem>> -> memref<128xi32, #tpu.memory_space<vmem>>
      %dma_wait3A_467 = arith.constant 0 : i32
      %dma_wait3A_468 = arith.constant 0 : i32
      %dma_wait3A_469 = tpu.memref_slice %arg2[%dma_wait3A_467, %dma_wait3A_468] : memref<10000x128xf32, #tpu.memory_space<hbm>> -> memref<10000x128xf32, #tpu.memory_space<hbm>>
      tpu.wait_indirect_dma semaphore(%arg13 : memref<!tpu.dma_semaphore, #tpu.memory_space<semaphore_mem>>) src(%dma_wait3A_469 : memref<10000x128xf32, #tpu.memory_space<hbm>>) dst(%arg10 : memref<128x128xf32, #tpu.memory_space<vmem>>)
      %dma_start3A_470 = arith.constant 15 : i32
      %dma_start3A_471 = arith.constant 0 : i32
      %dma_start3A_472 = tpu.memref_slice %arg8[%dma_start3A_470, %dma_start3A_471] : memref<16x128xi32, #tpu.memory_space<vmem>> -> memref<1x128xi32, #tpu.memory_space<vmem>>
      %dma_start3A_473 = tpu.memref_squeeze %dma_start3A_472 : memref<1x128xi32, #tpu.memory_space<vmem>> -> memref<128xi32, #tpu.memory_space<vmem>>
      %dma_start3A_474 = arith.constant 0 : i32
      %dma_start3A_475 = arith.constant 0 : i32
      %dma_start3A_476 = tpu.memref_slice %arg11[%dma_start3A_474, %dma_start3A_475] : memref<10240x128xf32, #tpu.memory_space<vmem_shared>> -> memref<10240x128xf32, #tpu.memory_space<vmem_shared>>
      tpu.enqueue_indirect_dma source(%arg10 : memref<128x128xf32, #tpu.memory_space<vmem>>) target(%dma_start3A_476 : memref<10240x128xf32, #tpu.memory_space<vmem_shared>>) offsets(%dma_start3A_473 : memref<128xi32, #tpu.memory_space<vmem>>) semaphore(%arg14 : memref<!tpu.dma_semaphore, #tpu.memory_space<semaphore_mem>>) {add = true}
      %dma_wait3A_477 = arith.constant 15 : i32
      %dma_wait3A_478 = arith.constant 0 : i32
      %dma_wait3A_479 = tpu.memref_slice %arg8[%dma_wait3A_477, %dma_wait3A_478] : memref<16x128xi32, #tpu.memory_space<vmem>> -> memref<1x128xi32, #tpu.memory_space<vmem>>
      %dma_wait3A_480 = tpu.memref_squeeze %dma_wait3A_479 : memref<1x128xi32, #tpu.memory_space<vmem>> -> memref<128xi32, #tpu.memory_space<vmem>>
      %dma_wait3A_481 = arith.constant 0 : i32
      %dma_wait3A_482 = arith.constant 0 : i32
      %dma_wait3A_483 = tpu.memref_slice %arg11[%dma_wait3A_481, %dma_wait3A_482] : memref<10240x128xf32, #tpu.memory_space<vmem_shared>> -> memref<10240x128xf32, #tpu.memory_space<vmem_shared>>
      tpu.wait_indirect_dma semaphore(%arg14 : memref<!tpu.dma_semaphore, #tpu.memory_space<semaphore_mem>>) src(%arg10 : memref<128x128xf32, #tpu.memory_space<vmem>>) dst(%dma_wait3A_483 : memref<10240x128xf32, #tpu.memory_space<vmem_shared>>)
    }
    %scan3A_7 = arith.constant 5 : i32
    %barrier3A_8 = arith.constant 0 : index
    tpu.barrier barrier_id(%barrier3A_8)
    "tpu.region"() ({
      %run_scoped3A = tpu.sem_alloc : memref<!tpu.dma_semaphore, #tpu.memory_space<semaphore_mem>>
      %dma_start3A = arith.constant 0 : i32
      %dma_start3A_9 = tpu.memref_slice %arg6[%arg0, %mul3A_2, %dma_start3A] : memref<2x10240x128xf32, #tpu.memory_space<hbm>> -> memref<1x640x128xf32, #tpu.memory_space<hbm>>
      %dma_start3A_10 = tpu.memref_squeeze %dma_start3A_9 : memref<1x640x128xf32, #tpu.memory_space<hbm>> -> memref<640x128xf32, #tpu.memory_space<hbm>>
      %dma_start3A_11 = arith.constant 0 : i32
      %dma_start3A_12 = tpu.memref_slice %arg11[%mul3A_2, %dma_start3A_11] : memref<10240x128xf32, #tpu.memory_space<vmem_shared>> -> memref<640x128xf32, #tpu.memory_space<vmem_shared>>
      tpu.enqueue_dma source(%dma_start3A_12 : memref<640x128xf32, #tpu.memory_space<vmem_shared>>) target(%dma_start3A_10 : memref<640x128xf32, #tpu.memory_space<hbm>>) target_semaphore(%run_scoped3A : memref<!tpu.dma_semaphore, #tpu.memory_space<semaphore_mem>>)
      %dma_wait3A = arith.constant 0 : i32
      %dma_wait3A_13 = tpu.memref_slice %arg6[%arg0, %mul3A_2, %dma_wait3A] : memref<2x10240x128xf32, #tpu.memory_space<hbm>> -> memref<1x640x128xf32, #tpu.memory_space<hbm>>
      %dma_wait3A_14 = tpu.memref_squeeze %dma_wait3A_13 : memref<1x640x128xf32, #tpu.memory_space<hbm>> -> memref<640x128xf32, #tpu.memory_space<hbm>>
      %dma_wait3A_15 = arith.constant 0 : i32
      %dma_wait3A_16 = tpu.memref_slice %arg11[%mul3A_2, %dma_wait3A_15] : memref<10240x128xf32, #tpu.memory_space<vmem_shared>> -> memref<640x128xf32, #tpu.memory_space<vmem_shared>>
      tpu.wait_dma2 semaphore(%run_scoped3A : memref<!tpu.dma_semaphore, #tpu.memory_space<semaphore_mem>>) src(%dma_wait3A_16 : memref<640x128xf32, #tpu.memory_space<vmem_shared>>) dst(%dma_wait3A_14 : memref<640x128xf32, #tpu.memory_space<hbm>>)
      tpu.yield
    }) : () -> ()
    return
  }
}

module attributes {stable_mosaic.version = 14 : i64} {
  func.func @body(%arg0: memref<2x10240x128xf32, #tpu.memory_space<vmem>>, %arg1: memref<2x10240x1xf32, #tpu.memory_space<vmem>>, %arg2: memref<10000x128xf32, #tpu.memory_space<vmem>>, %arg3: memref<128x128xf32, #tpu.memory_space<vmem>>, %arg4: memref<128x128xf32, #tpu.memory_space<vmem>>, %arg5: memref<1x128xf32, #tpu.memory_space<vmem>>, %arg6: memref<10000x128xf32, #tpu.memory_space<vmem>>) attributes {dimension_semantics = [], scalar_prefetch = 0 : i64, scratch_operands = 0 : i64, tpu.core_type = #tpu.core_type<tc>} {
    %get3A = arith.constant 0 : index
    %get3A_0 = arith.constant 0 : index
    %get3A_1 = arith.constant 0 : index
    %get3A_2 = vector.load %arg0[%get3A, %get3A_0, %get3A_1] : memref<2x10240x128xf32, #tpu.memory_space<vmem>>, vector<1x10000x128xf32>
    %get3A_3 = vector.shape_cast %get3A_2 : vector<1x10000x128xf32> to vector<10000x128xf32>
    %get3A_4 = arith.constant 1 : index
    %get3A_5 = arith.constant 0 : index
    %get3A_6 = arith.constant 0 : index
    %get3A_7 = vector.load %arg0[%get3A_4, %get3A_5, %get3A_6] : memref<2x10240x128xf32, #tpu.memory_space<vmem>>, vector<1x10000x128xf32>
    %get3A_8 = vector.shape_cast %get3A_7 : vector<1x10000x128xf32> to vector<10000x128xf32>
    %add3A = arith.addf %get3A_3, %get3A_8 : vector<10000x128xf32>
    %get3A_9 = arith.constant 0 : index
    %get3A_10 = arith.constant 0 : index
    %get3A_11 = arith.constant 0 : index
    %get3A_12 = vector.load %arg1[%get3A_9, %get3A_10, %get3A_11] : memref<2x10240x1xf32, #tpu.memory_space<vmem>>, vector<1x10000x1xf32>
    %get3A_13 = vector.shape_cast %get3A_12 : vector<1x10000x1xf32> to vector<10000x1xf32>
    %get3A_14 = arith.constant 1 : index
    %get3A_15 = arith.constant 0 : index
    %get3A_16 = arith.constant 0 : index
    %get3A_17 = vector.load %arg1[%get3A_14, %get3A_15, %get3A_16] : memref<2x10240x1xf32, #tpu.memory_space<vmem>>, vector<1x10000x1xf32>
    %get3A_18 = vector.shape_cast %get3A_17 : vector<1x10000x1xf32> to vector<10000x1xf32>
    %add3A_19 = arith.addf %get3A_13, %get3A_18 : vector<10000x1xf32>
    %max3A = arith.constant 1.000000e+00 : f32
    %max3A_20 = vector.broadcast %max3A : f32 to vector<10000x1xf32>
    %max3A_21 = arith.maximumf %add3A_19, %max3A_20 : vector<10000x1xf32>
    %div3A = vector.broadcast %max3A_21 : vector<10000x1xf32> to vector<10000x128xf32>
    %div3A_22 = arith.divf %add3A, %div3A : vector<10000x128xf32>
    %get3A_23 = arith.constant 0 : index
    %get3A_24 = arith.constant 0 : index
    %get3A_25 = vector.load %arg3[%get3A_23, %get3A_24] : memref<128x128xf32, #tpu.memory_space<vmem>>, vector<128x128xf32>
    %dot_general3A = arith.constant dense<0.000000e+00> : vector<10000x128xf32>
    %dot_general3A_26 = tpu.matmul %div3A_22, %get3A_25, %dot_general3A {dimension_numbers = #tpu.dot_dimension_numbers<[1], [0], [0], [1], [0, 0, 1, 1], [], []>, transpose_lhs_hint = false} : vector<10000x128xf32>, vector<128x128xf32>, vector<10000x128xf32> -> vector<10000x128xf32>
    %get3A_27 = arith.constant 0 : index
    %get3A_28 = arith.constant 0 : index
    %get3A_29 = vector.load %arg2[%get3A_27, %get3A_28] : memref<10000x128xf32, #tpu.memory_space<vmem>>, vector<10000x128xf32>
    %get3A_30 = arith.constant 0 : index
    %get3A_31 = arith.constant 0 : index
    %get3A_32 = vector.load %arg4[%get3A_30, %get3A_31] : memref<128x128xf32, #tpu.memory_space<vmem>>, vector<128x128xf32>
    %dot_general3A_33 = arith.constant dense<0.000000e+00> : vector<10000x128xf32>
    %dot_general3A_34 = tpu.matmul %get3A_29, %get3A_32, %dot_general3A_33 {dimension_numbers = #tpu.dot_dimension_numbers<[1], [0], [0], [1], [0, 0, 1, 1], [], []>, transpose_lhs_hint = false} : vector<10000x128xf32>, vector<128x128xf32>, vector<10000x128xf32> -> vector<10000x128xf32>
    %add3A_35 = arith.addf %dot_general3A_26, %dot_general3A_34 : vector<10000x128xf32>
    %get3A_36 = arith.constant 0 : index
    %get3A_37 = arith.constant 0 : index
    %get3A_38 = vector.load %arg5[%get3A_36, %get3A_37] : memref<1x128xf32, #tpu.memory_space<vmem>>, vector<1x128xf32>
    %add3A_39 = vector.broadcast %get3A_38 : vector<1x128xf32> to vector<10000x128xf32>
    %add3A_40 = arith.addf %add3A_35, %add3A_39 : vector<10000x128xf32>
    %max3A_41 = arith.constant 0.000000e+00 : f32
    %max3A_42 = vector.broadcast %max3A_41 : f32 to vector<10000x128xf32>
    %max3A_43 = arith.maximumf %add3A_40, %max3A_42 : vector<10000x128xf32>
    %swap3A = arith.constant 0 : index
    %swap3A_44 = arith.constant 0 : index
    %swap3A_45 = vector.load %arg6[%swap3A, %swap3A_44] : memref<10000x128xf32, #tpu.memory_space<vmem>>, vector<10000x128xf32>
    tpu.vector_store %arg6[%swap3A, %swap3A_44], %max3A_43 {strides = array<i32>} : memref<10000x128xf32, #tpu.memory_space<vmem>>, vector<10000x128xf32>,
    return
  }
}

module attributes {stable_mosaic.version = 14 : i64} {
  func.func @body(%arg0: memref<2x10240x128xf32, #tpu.memory_space<vmem>>, %arg1: memref<2x10240x1xf32, #tpu.memory_space<vmem>>, %arg2: memref<10000x128xf32, #tpu.memory_space<vmem>>, %arg3: memref<128x128xf32, #tpu.memory_space<vmem>>, %arg4: memref<128x128xf32, #tpu.memory_space<vmem>>, %arg5: memref<1x128xf32, #tpu.memory_space<vmem>>, %arg6: memref<128x128xf32, #tpu.memory_space<vmem>>, %arg7: memref<1x128xf32, #tpu.memory_space<vmem>>, %arg8: memref<128x128xf32, #tpu.memory_space<vmem>>, %arg9: memref<1x128xf32, #tpu.memory_space<vmem>>, %arg10: memref<128x1024xf32, #tpu.memory_space<vmem>>, %arg11: memref<1x1024xf32, #tpu.memory_space<vmem>>, %arg12: memref<1x1024xf32, #tpu.memory_space<vmem>>, %arg13: memref<1x128xf32, #tpu.memory_space<vmem>>, %arg14: memref<1x128xf32, #tpu.memory_space<vmem>>) attributes {dimension_semantics = [], scalar_prefetch = 0 : i64, scratch_operands = 0 : i64, tpu.core_type = #tpu.core_type<tc>} {
    %get3A = arith.constant 0 : index
    %get3A_0 = arith.constant 0 : index
    %get3A_1 = arith.constant 0 : index
    %get3A_2 = vector.load %arg0[%get3A, %get3A_0, %get3A_1] : memref<2x10240x128xf32, #tpu.memory_space<vmem>>, vector<1x10000x128xf32>
    %get3A_3 = vector.shape_cast %get3A_2 : vector<1x10000x128xf32> to vector<10000x128xf32>
    %get3A_4 = arith.constant 1 : index
    %get3A_5 = arith.constant 0 : index
    %get3A_6 = arith.constant 0 : index
    %get3A_7 = vector.load %arg0[%get3A_4, %get3A_5, %get3A_6] : memref<2x10240x128xf32, #tpu.memory_space<vmem>>, vector<1x10000x128xf32>
    %get3A_8 = vector.shape_cast %get3A_7 : vector<1x10000x128xf32> to vector<10000x128xf32>
    %add3A = arith.addf %get3A_3, %get3A_8 : vector<10000x128xf32>
    %get3A_9 = arith.constant 0 : index
    %get3A_10 = arith.constant 0 : index
    %get3A_11 = arith.constant 0 : index
    %get3A_12 = vector.load %arg1[%get3A_9, %get3A_10, %get3A_11] : memref<2x10240x1xf32, #tpu.memory_space<vmem>>, vector<1x10000x1xf32>
    %get3A_13 = vector.shape_cast %get3A_12 : vector<1x10000x1xf32> to vector<10000x1xf32>
    %get3A_14 = arith.constant 1 : index
    %get3A_15 = arith.constant 0 : index
    %get3A_16 = arith.constant 0 : index
    %get3A_17 = vector.load %arg1[%get3A_14, %get3A_15, %get3A_16] : memref<2x10240x1xf32, #tpu.memory_space<vmem>>, vector<1x10000x1xf32>
    %get3A_18 = vector.shape_cast %get3A_17 : vector<1x10000x1xf32> to vector<10000x1xf32>
    %add3A_19 = arith.addf %get3A_13, %get3A_18 : vector<10000x1xf32>
    %max3A = arith.constant 1.000000e+00 : f32
    %max3A_20 = vector.broadcast %max3A : f32 to vector<10000x1xf32>
    %max3A_21 = arith.maximumf %add3A_19, %max3A_20 : vector<10000x1xf32>
    %div3A = vector.broadcast %max3A_21 : vector<10000x1xf32> to vector<10000x128xf32>
    %div3A_22 = arith.divf %add3A, %div3A : vector<10000x128xf32>
    %get3A_23 = arith.constant 0 : index
    %get3A_24 = arith.constant 0 : index
    %get3A_25 = vector.load %arg3[%get3A_23, %get3A_24] : memref<128x128xf32, #tpu.memory_space<vmem>>, vector<128x128xf32>
    %dot_general3A = arith.constant dense<0.000000e+00> : vector<10000x128xf32>
    %dot_general3A_26 = tpu.matmul %div3A_22, %get3A_25, %dot_general3A {dimension_numbers = #tpu.dot_dimension_numbers<[1], [0], [0], [1], [0, 0, 1, 1], [], []>, transpose_lhs_hint = false} : vector<10000x128xf32>, vector<128x128xf32>, vector<10000x128xf32> -> vector<10000x128xf32>
    %get3A_27 = arith.constant 0 : index
    %get3A_28 = arith.constant 0 : index
    %get3A_29 = vector.load %arg2[%get3A_27, %get3A_28] : memref<10000x128xf32, #tpu.memory_space<vmem>>, vector<10000x128xf32>
    %get3A_30 = arith.constant 0 : index
    %get3A_31 = arith.constant 0 : index
    %get3A_32 = vector.load %arg4[%get3A_30, %get3A_31] : memref<128x128xf32, #tpu.memory_space<vmem>>, vector<128x128xf32>
    %dot_general3A_33 = arith.constant dense<0.000000e+00> : vector<10000x128xf32>
    %dot_general3A_34 = tpu.matmul %get3A_29, %get3A_32, %dot_general3A_33 {dimension_numbers = #tpu.dot_dimension_numbers<[1], [0], [0], [1], [0, 0, 1, 1], [], []>, transpose_lhs_hint = false} : vector<10000x128xf32>, vector<128x128xf32>, vector<10000x128xf32> -> vector<10000x128xf32>
    %add3A_35 = arith.addf %dot_general3A_26, %dot_general3A_34 : vector<10000x128xf32>
    %get3A_36 = arith.constant 0 : index
    %get3A_37 = arith.constant 0 : index
    %get3A_38 = vector.load %arg5[%get3A_36, %get3A_37] : memref<1x128xf32, #tpu.memory_space<vmem>>, vector<1x128xf32>
    %add3A_39 = vector.broadcast %get3A_38 : vector<1x128xf32> to vector<10000x128xf32>
    %add3A_40 = arith.addf %add3A_35, %add3A_39 : vector<10000x128xf32>
    %max3A_41 = arith.constant 0.000000e+00 : f32
    %max3A_42 = vector.broadcast %max3A_41 : f32 to vector<10000x128xf32>
    %max3A_43 = arith.maximumf %add3A_40, %max3A_42 : vector<10000x128xf32>
    %reduce_sum3A = arith.constant dense<0.000000e+00> : vector<128xf32>
    %reduce_sum3A_44 = vector.multi_reduction <add>, %max3A_43, %reduce_sum3A [0] : vector<10000x128xf32> to vector<128xf32>
    %broadcast_in_dim3A = vector.shape_cast %reduce_sum3A_44 : vector<128xf32> to vector<1x128xf32>
    %div3A_45 = arith.constant 1.000000e+04 : f32
    %div3A_46 = vector.broadcast %div3A_45 : f32 to vector<1x128xf32>
    %div3A_47 = arith.divf %broadcast_in_dim3A, %div3A_46 : vector<1x128xf32>
    %get3A_48 = arith.constant 0 : index
    %get3A_49 = arith.constant 0 : index
    %get3A_50 = vector.load %arg6[%get3A_48, %get3A_49] : memref<128x128xf32, #tpu.memory_space<vmem>>, vector<128x128xf32>
    %dot_general3A_51 = arith.constant dense<0.000000e+00> : vector<1x128xf32>
    %dot_general3A_52 = tpu.matmul %div3A_47, %get3A_50, %dot_general3A_51 {dimension_numbers = #tpu.dot_dimension_numbers<[1], [0], [0], [1], [0, 0, 1, 1], [], []>, transpose_lhs_hint = false} : vector<1x128xf32>, vector<128x128xf32>, vector<1x128xf32> -> vector<1x128xf32>
    %get3A_53 = arith.constant 0 : index
    %get3A_54 = arith.constant 0 : index
    %get3A_55 = vector.load %arg7[%get3A_53, %get3A_54] : memref<1x128xf32, #tpu.memory_space<vmem>>, vector<1x128xf32>
    %add3A_56 = arith.addf %dot_general3A_52, %get3A_55 : vector<1x128xf32>
    %get3A_57 = arith.constant 0 : index
    %get3A_58 = arith.constant 0 : index
    %get3A_59 = vector.load %arg8[%get3A_57, %get3A_58] : memref<128x128xf32, #tpu.memory_space<vmem>>, vector<128x128xf32>
    %dot_general3A_60 = arith.constant dense<0.000000e+00> : vector<1x128xf32>
    %dot_general3A_61 = tpu.matmul %div3A_47, %get3A_59, %dot_general3A_60 {dimension_numbers = #tpu.dot_dimension_numbers<[1], [0], [0], [1], [0, 0, 1, 1], [], []>, transpose_lhs_hint = false} : vector<1x128xf32>, vector<128x128xf32>, vector<1x128xf32> -> vector<1x128xf32>
    %get3A_62 = arith.constant 0 : index
    %get3A_63 = arith.constant 0 : index
    %get3A_64 = vector.load %arg9[%get3A_62, %get3A_63] : memref<1x128xf32, #tpu.memory_space<vmem>>, vector<1x128xf32>
    %add3A_65 = arith.addf %dot_general3A_61, %get3A_64 : vector<1x128xf32>
    %get3A_66 = arith.constant 0 : index
    %get3A_67 = arith.constant 0 : index
    %get3A_68 = vector.load %arg10[%get3A_66, %get3A_67] : memref<128x1024xf32, #tpu.memory_space<vmem>>, vector<128x1024xf32>
    %dot_general3A_69 = arith.constant dense<0.000000e+00> : vector<1x1024xf32>
    %dot_general3A_70 = tpu.matmul %add3A_56, %get3A_68, %dot_general3A_69 {dimension_numbers = #tpu.dot_dimension_numbers<[1], [0], [0], [1], [0, 0, 1, 1], [], []>, transpose_lhs_hint = false} : vector<1x128xf32>, vector<128x1024xf32>, vector<1x1024xf32> -> vector<1x1024xf32>
    %get3A_71 = arith.constant 0 : index
    %get3A_72 = arith.constant 0 : index
    %get3A_73 = vector.load %arg11[%get3A_71, %get3A_72] : memref<1x1024xf32, #tpu.memory_space<vmem>>, vector<1x1024xf32>
    %add3A_74 = arith.addf %dot_general3A_70, %get3A_73 : vector<1x1024xf32>
    %reduce_max3A = arith.constant dense<0xFF800000> : vector<1xf32>
    %reduce_max3A_75 = vector.multi_reduction <maximumf>, %add3A_74, %reduce_max3A [1] : vector<1x1024xf32> to vector<1xf32>
    %broadcast_in_dim3A_76 = vector.shape_cast %reduce_max3A_75 : vector<1xf32> to vector<1x1xf32>
    %sub3A = vector.broadcast %broadcast_in_dim3A_76 : vector<1x1xf32> to vector<1x1024xf32>
    %sub3A_77 = arith.subf %add3A_74, %sub3A : vector<1x1024xf32>
    %exp3A = math.exp %sub3A_77 : vector<1x1024xf32>
    %reduce_sum3A_78 = arith.constant dense<0.000000e+00> : vector<1xf32>
    %reduce_sum3A_79 = vector.multi_reduction <add>, %exp3A, %reduce_sum3A_78 [1] : vector<1x1024xf32> to vector<1xf32>
    %broadcast_in_dim3A_80 = vector.shape_cast %reduce_sum3A_79 : vector<1xf32> to vector<1x1xf32>
    %log3A = math.log %broadcast_in_dim3A_80 : vector<1x1xf32>
    %sub3A_81 = vector.broadcast %log3A : vector<1x1xf32> to vector<1x1024xf32>
    %sub3A_82 = arith.subf %sub3A_77, %sub3A_81 : vector<1x1024xf32>
    %swap3A = arith.constant 0 : index
    %swap3A_83 = arith.constant 0 : index
    %swap3A_84 = vector.load %arg12[%swap3A, %swap3A_83] : memref<1x1024xf32, #tpu.memory_space<vmem>>, vector<1x1024xf32>
    tpu.vector_store %arg12[%swap3A, %swap3A_83], %sub3A_82 {strides = array<i32>} : memref<1x1024xf32, #tpu.memory_space<vmem>>, vector<1x1024xf32>,
    %swap3A_85 = arith.constant 0 : index
    %swap3A_86 = arith.constant 0 : index
    %swap3A_87 = vector.load %arg13[%swap3A_85, %swap3A_86] : memref<1x128xf32, #tpu.memory_space<vmem>>, vector<1x128xf32>
    tpu.vector_store %arg13[%swap3A_85, %swap3A_86], %add3A_56 {strides = array<i32>} : memref<1x128xf32, #tpu.memory_space<vmem>>, vector<1x128xf32>,
    %swap3A_88 = arith.constant 0 : index
    %swap3A_89 = arith.constant 0 : index
    %swap3A_90 = vector.load %arg14[%swap3A_88, %swap3A_89] : memref<1x128xf32, #tpu.memory_space<vmem>>, vector<1x128xf32>
    tpu.vector_store %arg14[%swap3A_88, %swap3A_89], %add3A_65 {strides = array<i32>} : memref<1x128xf32, #tpu.memory_space<vmem>>, vector<1x128xf32>,
    return
  }
}

</mosaic_0001>

<sc_bundles>
// kernel: kernel.6.cloned.1.call-start
scs
__scs_entry_jumppad:
0x0: {  	(pc) =	sbr.rel $0x88, $3  }
0x1: {  	(tag) =	ssettag $0x0;
	lr =	simm.s32 $0x1  }
0x2: {  	[smem:$0x3F93] =	sst lr;
	_ =	strace $0xD0000000  }
0x3: {  	_ = 	snop  }
0x4: {  	_ = 	snop  }
0x5: {  	_ = 	snop  }
0x6: {  	_ = 	snop  }
0x7: {  	_ = 	snop  }
__scs_overlays_trampoline_lowered:
0x8: {  	[smem:$0x3FA2] =	sst s0  }
0x9: {  	[smem:$0x3FA3] =	sst s1  }
0xa: {  	[smem:$0x3FA4] =	sst s2  }
0xb: {  	[smem:$0x3FA5] =	sst s3  }
0xc: {  	[smem:$0x3FA6] =	sst s4  }
0xd: {  	[smem:$0x3FA7] =	sst s5  }
0xe: {  	[smem:$0x3FA8] =	sst s6  }
0xf: {  	[smem:$0x3FA9] =	sst s7  }
0x10: {  	[smem:$0x3FAA] =	sst s8  }
0x11: {  	[smem:$0x3FAB] =	sst s9;
	s0 =	simm.s32 @!p0 $0x0  }
0x12: {  	s1 =	sld [smem:$0x3F91];
	s0 =	simm.s32 @p0 $0x1  }
0x13: {  	[smem:$0x3FAC] =	sst s0;
	s0 =	simm.s32 @!p1 $0x0  }
0x14: {  	s2 =	sld [smem:$0x3F90];
	s0 =	simm.s32 @p1 $0x1  }
0x15: {  	[smem:$0x3FAD] =	sst s0;
	s0 =	simm.s32 @!p2 $0x0  }
0x16: {  	s3 =	sld [smem:$0x3FDB];
	s0 =	simm.s32 @p2 $0x1  }
0x17: {  	s4 =	simm.s32 $0x1BF5;
	[smem:$0x3FAF] =	sst s0  }
0x18: {  	s0 =	sld [smem:$0x3F92];
	_ =	swait.ge [sflag:s4], $0x0  }
0x19: {  	s7 =	sld [smem:$0x3F93]  }
0x1a: {  	s8 =	sadd.s32 $0xFFFFE003, lr  }
0x1b: {  	s9 =	sadd.s32 $0xFFFFFEF7, lr;
	s5 =	simm.s32 $0xFFFFFFFF;
	p2 =	slt.u32 s8, $0xFFFFF086  }
0x1c: {  	p1 =	slt.u32 s9, $0xF7A;
	s5 =	simm.s32 @!p2 $0x0  }
0x1d: {  	s5 =	simm.s32 @p1 $0x1;
	p0 =	seq.s32 s7, s2  }
0x1e: {  	s7 =	smul.u32 @!p0 $0xF7A, s2;
	p2 =	seq.s32 @!p0 s5, $0x0  }
0x1f: {  	s9 =	smul.u32 $0xF7A, s1;
	s8 =	simm.s32 @!p0 $0x1BF5;
	p2 =	por !p2, p0  }
0x20: {  	[sflag:s8] =	ssyncset.s32 @!p0 $0xFFFFF086;
	s6 =	sadd.s32 @!p0 s3, s7;
	s7 =	simm.s32 @!p0 $0x108  }
0x21: {  	s3 =	sadd.s32 s3, s9;
	s6 =	sadd.s32 @!p0 $0x88, s6;
	s7 =	simm.s32 @p2 $0x1082  }
0x22: {  	[simem:s7], [sflag:s8] =	dma.local @!p0 [hbm:s6], $0xF7A  }
0x23: {  	s9 =	sor.u32 $0xD0000000, s2;
	s6 =	simm.s32 $0x108;
	_ =	swait.ge @!p0 [sflag:s8], $0x0  }
0x24: {  	s3 =	sadd.s32 $0x88, s3;
	s6 =	simm.s32 @!p1 $0x1082;
	[sflag:s4] =	ssyncset.s32 $0xFFFFF086  }
0x25: {  	[simem:s6], [sflag:s4] =	dma.local [hbm:s3], $0xF7A  }
0x26: {  	[smem:$0x3F93] =	sst s1;
	(tag) =	ssettag s2;
	_ =	strace s9  }
0x27: {  	s1 =	sld [smem:$0x3FA3]  }
0x28: {  	s2 =	sld [smem:$0x3FA4]  }
0x29: {  	s4 =	sld [smem:$0x3FA6]  }
0x2a: {  	p0 =	seq.s32 s5, $0x0;
	s5 =	sld [smem:$0x3FA7]  }
0x2b: {  	s6 =	sld [smem:$0x3FA8]  }
0x2c: {  	s7 =	sld [smem:$0x3FA9]  }
0x2d: {  	s3 =	simm.s32 $0x108;
	s8 =	sld [smem:$0x3FAA]  }
0x2e: {  	s3 =	simm.s32 @!p0 $0x1082;
	s9 =	sld [smem:$0x3FAB]  }
0x2f: {  	lr =	sadd.s32 s0, s3;
	s0 =	sld [smem:$0x3FA2]  }
0x30: {  	s3 =	sld [smem:$0x3FA5]  }
0x31: {  	[smem:$0x3FAE] =	sst s10  }
0x32: {  	s10 =	sld [smem:$0x3FAC];
	_ =	sdelay $0x3  }
0x33: {  	p0 =	seq.s32 s10, $0x1;
	s10 =	sld [smem:$0x3FAE];
	_ =	sdelay $0x3  }
0x34: {  	[smem:$0x3FAE] =	sst s10  }
0x35: {  	s10 =	sld [smem:$0x3FAD];
	_ =	sdelay $0x3  }
0x36: {  	p1 =	seq.s32 s10, $0x1;
	s10 =	sld [smem:$0x3FAE];
	_ =	sdelay $0x3  }
0x37: {  	[smem:$0x3FAE] =	sst s10  }
0x38: {  	s10 =	sld [smem:$0x3FAF]  }
0x39: {  	_ = 	snop;
	(pc) =	sbr.ind lr, $3  }
0x3a: {  	_ = 	snop  }
0x3b: {  	_ = 	snop  }
0x3c: {  	p2 =	seq.s32 s10, $0x1;
	s10 =	sld [smem:$0x3FAE]  }
0x3d: {  	_ =	shalt  }
0x3e: {  	_ =	shalt  }
0x3f: {  	_ =	shalt  }
0x40: {  	_ =	shalt  }
0x41: {  	_ =	shalt  }
0x42: {  	_ =	shalt  }
0x43: {  	_ =	shalt  }
0x44: {  	_ =	shalt  }
0x45: {  	_ =	shalt  }
0x46: {  	_ =	shalt  }
0x47: {  	_ =	shalt  }
0x48: {  	_ =	shalt  }
0x49: {  	_ =	shalt  }
0x4a: {  	_ =	shalt  }
0x4b: {  	_ =	shalt  }
0x4c: {  	_ =	shalt  }
0x4d: {  	_ =	shalt  }
0x4e: {  	_ =	shalt  }
0x4f: {  	_ =	shalt  }
0x50: {  	_ =	shalt  }
0x51: {  	_ =	shalt  }
0x52: {  	_ =	shalt  }
0x53: {  	_ =	shalt  }
0x54: {  	_ =	shalt  }
0x55: {  	_ =	shalt  }
0x56: {  	_ =	shalt  }
0x57: {  	_ =	shalt  }
0x58: {  	_ =	shalt  }
0x59: {  	_ =	shalt  }
0x5a: {  	_ =	shalt  }
0x5b: {  	_ =	shalt  }
0x5c: {  	_ =	shalt  }
0x5d: {  	_ =	shalt  }
0x5e: {  	_ =	shalt  }
0x5f: {  	_ =	shalt  }
0x60: {  	_ =	shalt  }
0x61: {  	_ =	shalt  }
0x62: {  	_ =	shalt  }
0x63: {  	_ =	shalt  }
0x64: {  	_ =	shalt  }
0x65: {  	_ =	shalt  }
0x66: {  	_ =	shalt  }
0x67: {  	_ =	shalt  }
0x68: {  	_ =	shalt  }
0x69: {  	_ =	shalt  }
0x6a: {  	_ =	shalt  }
0x6b: {  	_ =	shalt  }
0x6c: {  	_ =	shalt  }
0x6d: {  	_ =	shalt  }
0x6e: {  	_ =	shalt  }
0x6f: {  	_ =	shalt  }
0x70: {  	_ =	shalt  }
0x71: {  	_ =	shalt  }
0x72: {  	_ =	shalt  }
0x73: {  	_ =	shalt  }
0x74: {  	_ =	shalt  }
0x75: {  	_ =	shalt  }
0x76: {  	_ =	shalt  }
0x77: {  	_ =	shalt  }
0x78: {  	_ =	shalt  }
0x79: {  	_ =	shalt  }
0x7a: {  	_ =	shalt  }
0x7b: {  	_ =	shalt  }
0x7c: {  	_ =	shalt  }
0x7d: {  	_ =	shalt  }
0x7e: {  	_ =	shalt  }
0x7f: {  	_ =	shalt  }
0x80: {  	_ =	shalt  }
0x81: {  	_ =	shalt  }
0x82: {  	_ =	shalt  }
0x83: {  	_ =	shalt  }
0x84: {  	_ =	shalt  }
0x85: {  	_ =	shalt  }
0x86: {  	_ =	shalt  }
0x87: {  	_ =	shalt  }
.Lfunc_end0:
.L_simem_size_0:
called_computation_lowered:
.L_overlay_start_0:
0x88: {  	s2 =	sld [smem:$0x3FD9]  }
0x89: {  	s3 =	sld [smem:$0x3FFE];
	_ =	sdelay $0x1  }
0x8a: {  	s1 =	srdreg.scid  }
0x8b: {  	s0 =	sand.u32 $0x1, s1  }
0x8c: {  	s14 =	sshll.u32 s0, $0xA;
	s2 =	sadd.s32 s3, s2  }
0x8d: {  	s2 =	sadd.s32 s2, s14  }
0x8e: {  	[smem:$0x3FBA] =	sst s2  }
0x8f: {  	_ = 	snop  }
0x90: {  	s2 =	sld [smem:$0x3FD0];
	_ =	sdelay $0x2  }
0x91: {  	s4 =	simm.s32 $0xA;
	s5 =	simm.s32 $0x10;
	s15 =	sld [smem:$0x3FC9]  }
0x92: {  	[smem:s5], [sflag:s4] =	dma.local [hbm:s2], $0x1  }
0x93: {  	_ =	swait.eq [sflag:s4], $0x1  }
0x94: {  	[sflag:s4] =	ssyncset.done $0x0  }
0x95: {  	s16 =	sld [smem:$0x10];
	[sflag:s4] =	ssyncadd.s32 $0xFFFFFFFF  }
0x96: {  	s17 =	sld [smem:$0x12];
	(tm) =	ssettm $0x1  }
0x97: {  	s18 =	sld [smem:$0x3FFB];
	_ =	sdelay $0x3  }
0x98: {  	_ =	strace s18  }
0x99: {  	s5 =	sld [smem:$0x3FFC];
	_ =	sdelay $0x3  }
0x9a: {  	_ =	strace s5  }
0x9b: {  	s5 =	sld [smem:$0x3FFD];
	_ =	sdelay $0x3  }
0x9c: {  	_ =	strace s5  }
0x9d: {  	_ =	strace $0x8FFFFFFF  }
0x9e: {  	s19 =	sld [smem:$0x3FDB];
	_ =	sdelay $0x1  }
0x9f: {  	s6 =	simm.s32 $_scs_section_size  }
0xa0: {  	s7 =	simm.s32 $_size__tile_overlayer_lowered;
	s8 =	simm.s32 $_tile_overlayer_lowered  }
0xa1: {  	s22 =	simm.s32 $0x1BFF;
	s21 =	sshll.u32 s8, $0x1;
	s5 =	sadd.s32 s6, s19  }
0xa2: {  	s9 =	simm.s32 $0x0;
	s20 =	sshll.u32 s7, $0x1;
	s7 =	sadd.s32 s21, s5  }
0xa3: {  	[timem:s9], [sflag:s22] =	dma.local [hbm:s7], s20  }
0xa4: {  	_ =	swait.ge [sflag:s22], s20  }
0xa5: {  	s6 =	ssub.s32 $0x0, s20;
	[sflag:s22] =	ssyncset.done $0x0  }
0xa6: {  	[sflag:s22] =	ssyncadd.s32 s6;
	_ =	sdelay $0x1  }
0xa7: {  	s23 =	simm.s32 $0x1B8B  }
0xa8: {  	_ =	swait.ge [sflag:s23], $0x1  }
0xa9: {  	[sflag:s23] =	ssyncset.done $0x0  }
0xaa: {  	s25 =	simm.s32 $0x1B8E;
	s24 =	sld [smem:$0x3FFE];
	[sflag:s23] =	ssyncadd.s32 $0xFFFFFFFF  }
0xab: {  	s26 =	simm.s32 $execute0_lowered;
	[smem:$0x3FD2] =	sst s25  }
0xac: {  	s7 =	sshll.u32 s26, $0x1;
	_ =	strace $0x80000046;
	[dreg:$0x1] =	wrdreg $0xFFFFFFFF  }
0xad: {  	s28 =	simm.s32 $_size_execute0_lowered;
	s5 =	sadd.s32 s5, s7;
	[dreg:$0x0] =	wrdreg $0x0  }
0xae: {  	s7 =	sshll.u32 s28, $0x1;
	[dreg:$0x2] =	wrdreg s5  }
0xaf: {  	[dreg:$0x3] =	wrdreg s7  }
0xb0: {  	[dreg:$0x4] =	wrdreg $0xC0  }
0xb1: {  	_ =	task [dreg:s9], $0x5FFFF  }
0xb2: {  	[dreg:$0x1] =	wrdreg $0xFFFFFFFF  }
0xb3: {  	[dreg:$0x0] =	wrdreg $0x60  }
0xb4: {  	[dreg:$0x2] =	wrdreg s15  }
0xb5: {  	[dreg:$0x3] =	wrdreg s24  }
0xb6: {  	[dreg:$0x4] =	wrdreg s16  }
0xb7: {  	[dreg:$0x5] =	wrdreg s17  }
0xb8: {  	[dreg:$0x6] =	wrdreg $0x90000  }
0xb9: {  	[dreg:$0x7] =	wrdreg $0x1D0800  }
0xba: {  	[dreg:$0x8] =	wrdreg $0x9  }
0xbb: {  	_ =	task.clear_ibuf [dreg:s9], $0x9FFFF;
	_ =	strace $0x90000046  }
0xbc: {  	s29 =	simm.s32 $0x9;
	_ =	strace $0x80000048  }
0xbd: {  	_ =	swait.ge [sflag:s29], $0x1  }
0xbe: {  	[sflag:s29] =	ssyncadd.s32 $0xFFFFFFFF  }
0xbf: {  	_ =	strace $0x90000048  }
0xc0: {  	_ =	sfence  }
0xc1: {  	s30 =	sld [smem:$0x0];
	_ =	sdelay $0x2  }
0xc2: {  	s31 =	sshll.u32 s1, $0xD;
	s1 =	sshrl.u32 s1, $0x2  }
0xc3: {  	s3 =	sand.u32 $0x4000, s31;
	s1 =	sadd.s32 s1, s30  }
0xc4: {  	s0 =	sor.u32 s3, s0;
	s1 =	sshll.u32 s1, $0x11  }
0xc5: {  	s0 =	sor.u32 s1, s0  }
0xc6: {  	s0 =	sadd.s32 $0x8F2B, s0  }
0xc7: {  	[sflag:s0] =	ssyncadd.remote.s32 $0x1  }
0xc8: {  	_ =	sfence.sel $0xFFFF  }
0xc9: {  	[dreg:$0x0] =	wrdreg $0xFFFFFFFF;
	(pc) =	sbr.abs _section_cstart, $3  }
0xca: {  	[dreg:$0x1] =	wrdreg $0xFFFFFFFF  }
0xcb: {  	_ =	task.clear_ibuf [dreg:s9], $0x2FFFF;
	_ =	strace $0x9FFFFFFF  }
0xcc: {  	(tm) =	ssettm $0x7FFFFFFF  }
0xcd: {  	_ =	shalt  }
tec
execute0_lowered:
.L_overlay_start_1:
0x0: {  	(tag) =	ssettag $0x1  }
0x1: {  	s0 =	rddreg [dreg:$0x0]  }
0x2: {  	s1 =	rddreg [dreg:$0x1]  }
0x3: {  	s2 =	srdreg.scid;
	s5 =	rddreg [dreg:$0x4]  }
0x4: {  	s11 =	stileid.u32;
	s6 =	rddreg [dreg:$0x5]  }
0x5: {  	s7 =	simm.s32 $0x0;
	s26 =	simm.s32 $0x100;
	s12 =	simm.s32 $0x280  }
0x6: {  	s13 =	simm.s32 $0x300;
	s14 =	simm.s32 $0x5;
	s3 =	smul.u32 $0x5000, s11  }
0x7: {  	s28 =	simm.s32 $0xA00;
	s29 =	simm.s32 $0xA80;
	s8 =	smul.u32 $0x14000, s11  }
0x8: {  	s30 =	simm.s32 $0xB00;
	s2 =	sand.u32 $0x1, s2;
	s9 =	smul.u32 $0x500, s11  }
0x9: {  	[smem:$0x7FF] =	sst s7;
	s10 =	sadd.s32 $0x16C00, s1;
	s18 =	smul.u32 $0x50000, s11  }
0xa: {  	s20 =	sshll.u32 s11, $0x6;
	_ =	strace $0x80000047;
	[dreg:$0x17] =	wrdreg s10  }
0xb: {  	s21 =	smul.u32 $0xA00, s11;
	s11 =	simm.s32 $0x200;
	[dreg:$0x9] =	wrdreg s26  }
0xc: {  	s31 =	simm.s32 $0xB80;
	s4 =	smul.u32 $0x2800, s2;
	[dreg:$0xb] =	wrdreg s11  }
0xd: {  	s15 =	smul.u32 $0x140000, s2;
	s16 =	sshll.u32 s2, $0x7;
	[dreg:$0xc] =	wrdreg s12  }
0xe: {  	s2 =	ssub.s32 $0x2, s2;
	s24 =	sor.u32 $0x1C05, s20;
	[dreg:$0xd] =	wrdreg s13  }
0xf: {  	s20 =	simm.s32 $0x580;
	s26 =	simm.s32 $0x780;
	s11 =	simm.s32 $0xF00  }
0x10: {  	s12 =	simm.s32 $0xF80;
	s13 =	simm.s32 $0x4;
	s17 =	sshrl.u32 s2, $0x1  }
0x11: {  	s19 =	sshrl.u32 s18, $0x2;
	s10 =	sshrl.u32 s21, $0x2;
	[dreg:$0x12] =	wrdreg s20  }
0x12: {  	s18 =	simm.s32 $0x480;
	s21 =	simm.s32 $0x600;
	[dreg:$0x16] =	wrdreg s26  }
0x13: {  	s20 =	simm.s32 $0x1000;
	s26 =	simm.s32 $0x980;
	[dreg:$0x18] =	wrdreg s24  }
0x14: {  	s3 =	sadd.s32 s4, s3;
	s4 =	sadd.s32 s8, s15;
	s8 =	sor.u32 s16, s9  }
0x15: {  	s2 =	ssub.s32 s2, s17;
	s23 =	sadd.s32 s10, s6;
	s10 =	simm.s32 $0x180  }
0x16: {  	s15 =	simm.s32 $0x380;
	s17 =	simm.s32 $0x400;
	[dreg:$0x10] =	wrdreg s18  }
0x17: {  	s18 =	simm.s32 $0x1;
	[dreg:$0x13] =	wrdreg s21;
	s21 =	simm.s32 $0x5000  }
0x18: {  	s3 =	sshrl.u32 s3, $0x3;
	s4 =	sshrl.u32 s4, $0x3;
	[dreg:$0xa] =	wrdreg s10  }
0x19: {  	s8 =	sshrl.u32 s8, $0x3;
	s2 =	smax.u32 s2, $0x1;
	[dreg:$0xe] =	wrdreg s15  }
0x1a: {  	s16 =	sshrl.u32 s23, $0x3;
	[dreg:$0xf] =	wrdreg s17;
	s17 =	simm.s32 $0x800  }
0x1b: {  	s23 =	simm.s32 $0x700;
	s10 =	simm.s32 $0xE80;
	s15 =	simm.s32 $0x0  }
0x1c: {  	s3 =	sadd.s32 s3, s1;
	s4 =	sadd.s32 s4, s1;
	[dreg:$0x1b] =	wrdreg s2  }
0x1d: {  	s1 =	sadd.s32 s8, s1;
	s8 =	sadd.s32 s19, s5;
	[dreg:$0x1d] =	wrdreg s16  }
0x1e: {  	s16 =	simm.s32 $0x1D000;
	s19 =	simm.s32 $0x500;
	[dreg:$0x15] =	wrdreg s23  }
0x1f: {  	s23 =	simm.s32 $0x3;
	s22 =	sadd.s32 $0x2C00, s3;
	[dreg:$0x11] =	wrdreg s19  }
0x20: {  	s2 =	simm.s32 $0xD00;
	s3 =	sadd.s32 $0xCC00, s3;
	[dreg:$0x7] =	wrdreg s22  }
0x21: {  	s4 =	sadd.s32 $0x19E00, s4;
	s1 =	sadd.s32 $0x19400, s1;
	[dreg:$0x8] =	wrdreg s3  }
0x22: {  	s25 =	sshrl.u32 s8, $0x3;
	s19 =	simm.s32 $0x80;
	[dreg:$0x19] =	wrdreg s4  }
0x23: {  	s8 =	simm.s32 $0xE00;
	[dreg:$0x1a] =	wrdreg s1;
	s22 =	simm.s32 $0x680  }
0x24: {  	s4 =	simm.s32 $0xC00;
	s1 =	simm.s32 $0xC80;
	[dreg:$0x1c] =	wrdreg s25  }
0x25: {  	s3 =	simm.s32 $0xD80;
	[dreg:$0x14] =	wrdreg s22;
	s22 =	simm.s32 $0x2  }
.LBB2_1:
0x26: {  	[dreg:$0x1e] =	wrdreg s15  }
0x27: {  	s9 =	rddreg [dreg:$0x17]  }
0x28: {  	[spmem:s25], [sflag:s24] =	dma.local [hbm:s9], $0x2800  }
0x29: {  	_ =	swait.ge [sflag:s14], $0x2800  }
0x2a: {  	[sflag:s14] =	ssyncset.done $0x0  }
0x2b: {  	s25 =	rddreg [dreg:$0x1d];
	[sflag:s14] =	ssyncadd.s32 $0xFFFFD800  }
0x2c: {  	s15 =	rddreg [dreg:$0x2]  }
0x2d: {  	[spmem:s25], [sflag:s24] =	dma.local [hbm:s15], $0x50  }
0x2e: {  	_ =	swait.ge [sflag:s14], $0x50  }
0x2f: {  	[sflag:s14] =	ssyncset.done $0x0  }
0x30: {  	[sflag:s14] =	ssyncadd.s32 $0xFFFFFFB0  }
0x31: {  	s25 =	rddreg [dreg:$0x3]  }
0x32: {  	[tilespmem:s16], [sflag:$0x5] =	stream.linear.gather [hbm4b:s25+s7], $0x80, $0x38;
	[tilespmem:$0x1D300] =	vst v63  }
0x33: {  	_ =	swait.ge [sflag:s14], $0x80  }
0x34: {  	[sflag:s14] =	ssyncset.done $0x0  }
0x35: {  	[sflag:s14] =	ssyncadd.s32 $0xFFFFFF80  }
0x36: {  	[bflag:$0x0] =	sbarrier.arrive $0xFFFF  }
0x37: {  	s15 =	rddreg [dreg:$0x8]  }
0x38: {  	s24 =	rddreg [dreg:$0x7];
	s9 =	sadd.s32 $0x0, s15  }
0x39: {  	[tilespmem:s7], [sflag:$0x1] =	stream.linear.gather [hbm4b:s9+s7], $0x800, $0x38;
	[tilespmem:$0x1D300] =	vst v63  }
0x3a: {  	s25 =	sadd.s32 $0x0, s24  }
0x3b: {  	[tilespmem:s17], [sflag:$0x1] =	stream.linear.gather [hbm4b:s25+s7], $0x800, $0x38;
	[tilespmem:$0x1D300] =	vst v63  }
0x3c: {  	_ =	swait.ge [sflag:s18], $0x800  }
0x3d: {  	[sflag:s18] =	ssyncset.done $0x0  }
0x3e: {  	[sflag:s18] =	ssyncadd.s32 $0xFFFFF800  }
0x3f: {  	_ =	swait.ge [sflag:s18], $0x800  }
0x40: {  	[sflag:s18] =	ssyncset.done $0x0  }
0x41: {  	[sflag:s18] =	ssyncadd.s32 $0xFFFFF800  }
0x42: {  	[tilespmem:s20], [sflag:$0x2] =	stream.indirect.gather [hbm4b:s0+s19], $0x80, s7, s19, $0xb8;
	[tilespmem:$0x1D300] =	vst v63  }
0x43: {  	_ = 	snop  }
0x44: {  	[tilespmem:s21], [sflag:$0x2] =	stream.indirect.gather [hbm4b:s0+s19], $0x80, s19, s19, $0xb8;
	[tilespmem:$0x1D300] =	vst v63  }
0x45: {  	_ =	swait.ge [sflag:s22], $0x4000  }
0x46: {  	[sflag:s22] =	ssyncset.done $0x0  }
0x47: {  	[sflag:s22] =	ssyncadd.s32 $0xFFFFC000  }
0x48: {  	[spmem:s5] =	stream.indirect.scatter.add.f32 [tilespmem:s20], [sflag:$0x3], $0x80, s17, s19, $0xb8;
	[tilespmem:$0x1D300] =	vst v63  }
0x49: {  	_ = 	snop  }
0x4a: {  	[spmem:s6] =	stream.indirect.scatter.add.f32 [tilespmem:s16], [sflag:$0x4], $0x1, s17, s19, $0xb8;
	[tilespmem:$0x1D300] =	vst v63  }
0x4b: {  	_ =	swait.ge [sflag:s23], $0x4000  }
0x4c: {  	[sflag:s23] =	ssyncset.done $0x0  }
0x4d: {  	s14 =	rddreg [dreg:$0x9];
	[sflag:s23] =	ssyncadd.s32 $0xFFFFC000  }
0x4e: {  	[tilespmem:s20], [sflag:$0x2] =	stream.indirect.gather [hbm4b:s0+s19], $0x80, s14, s19, $0xb8;
	[tilespmem:$0x1D300] =	vst v63  }
0x4f: {  	_ =	swait.ge [sflag:s22], $0x4000  }
0x50: {  	[sflag:s22] =	ssyncset.done $0x0  }
0x51: {  	s15 =	simm.s32 $0x880;
	[sflag:s22] =	ssyncadd.s32 $0xFFFFC000  }
0x52: {  	[spmem:s5] =	stream.indirect.scatter.add.f32 [tilespmem:s21], [sflag:$0x3], $0x80, s15, s19, $0xb8;
	[tilespmem:$0x1D300] =	vst v63  }
0x53: {  	_ = 	snop  }
0x54: {  	[spmem:s6] =	stream.indirect.scatter.add.f32 [tilespmem:s16], [sflag:$0x4], $0x1, s15, s19, $0xb8;
	[tilespmem:$0x1D300] =	vst v63  }
0x55: {  	_ =	swait.ge [sflag:s23], $0x4000  }
0x56: {  	[sflag:s23] =	ssyncset.done $0x0  }
0x57: {  	s24 =	rddreg [dreg:$0xa];
	[sflag:s23] =	ssyncadd.s32 $0xFFFFC000  }
0x58: {  	[tilespmem:s21], [sflag:$0x2] =	stream.indirect.gather [hbm4b:s0+s19], $0x80, s24, s19, $0xb8;
	[tilespmem:$0x1D300] =	vst v63  }
0x59: {  	_ =	swait.ge [sflag:s22], $0x4000  }
0x5a: {  	[sflag:s22] =	ssyncset.done $0x0  }
0x5b: {  	s25 =	simm.s32 $0x900;
	[sflag:s22] =	ssyncadd.s32 $0xFFFFC000  }
0x5c: {  	[spmem:s5] =	stream.indirect.scatter.add.f32 [tilespmem:s20], [sflag:$0x3], $0x80, s25, s19, $0xb8;
	[tilespmem:$0x1D300] =	vst v63  }
0x5d: {  	_ = 	snop  }
0x5e: {  	[spmem:s6] =	stream.indirect.scatter.add.f32 [tilespmem:s16], [sflag:$0x4], $0x1, s25, s19, $0xb8;
	[tilespmem:$0x1D300] =	vst v63  }
0x5f: {  	_ =	swait.ge [sflag:s23], $0x4000  }
0x60: {  	[sflag:s23] =	ssyncset.done $0x0  }
0x61: {  	s14 =	rddreg [dreg:$0xb];
	[sflag:s23] =	ssyncadd.s32 $0xFFFFC000  }
0x62: {  	[tilespmem:s20], [sflag:$0x2] =	stream.indirect.gather [hbm4b:s0+s19], $0x80, s14, s19, $0xb8;
	[tilespmem:$0x1D300] =	vst v63  }
0x63: {  	_ =	swait.ge [sflag:s22], $0x4000  }
0x64: {  	[sflag:s22] =	ssyncset.done $0x0  }
0x65: {  	[sflag:s22] =	ssyncadd.s32 $0xFFFFC000  }
0x66: {  	[spmem:s5] =	stream.indirect.scatter.add.f32 [tilespmem:s21], [sflag:$0x3], $0x80, s26, s19, $0xb8;
	[tilespmem:$0x1D300] =	vst v63  }
0x67: {  	_ = 	snop  }
0x68: {  	[spmem:s6] =	stream.indirect.scatter.add.f32 [tilespmem:s16], [sflag:$0x4], $0x1, s26, s19, $0xb8;
	[tilespmem:$0x1D300] =	vst v63  }
0x69: {  	_ =	swait.ge [sflag:s23], $0x4000  }
0x6a: {  	[sflag:s23] =	ssyncset.done $0x0  }
0x6b: {  	s15 =	rddreg [dreg:$0xc];
	[sflag:s23] =	ssyncadd.s32 $0xFFFFC000  }
0x6c: {  	[tilespmem:s21], [sflag:$0x2] =	stream.indirect.gather [hbm4b:s0+s19], $0x80, s15, s19, $0xb8;
	[tilespmem:$0x1D300] =	vst v63  }
0x6d: {  	_ =	swait.ge [sflag:s22], $0x4000  }
0x6e: {  	[sflag:s22] =	ssyncset.done $0x0  }
0x6f: {  	[sflag:s22] =	ssyncadd.s32 $0xFFFFC000  }
0x70: {  	[spmem:s5] =	stream.indirect.scatter.add.f32 [tilespmem:s20], [sflag:$0x3], $0x80, s28, s19, $0xb8;
	[tilespmem:$0x1D300] =	vst v63  }
0x71: {  	_ = 	snop  }
0x72: {  	[spmem:s6] =	stream.indirect.scatter.add.f32 [tilespmem:s16], [sflag:$0x4], $0x1, s28, s19, $0xb8;
	[tilespmem:$0x1D300] =	vst v63  }
0x73: {  	_ =	swait.ge [sflag:s23], $0x4000  }
0x74: {  	[sflag:s23] =	ssyncset.done $0x0  }
0x75: {  	s24 =	rddreg [dreg:$0xd];
	[sflag:s23] =	ssyncadd.s32 $0xFFFFC000  }
0x76: {  	[tilespmem:s20], [sflag:$0x2] =	stream.indirect.gather [hbm4b:s0+s19], $0x80, s24, s19, $0xb8;
	[tilespmem:$0x1D300] =	vst v63  }
0x77: {  	_ =	swait.ge [sflag:s22], $0x4000  }
0x78: {  	[sflag:s22] =	ssyncset.done $0x0  }
0x79: {  	[sflag:s22] =	ssyncadd.s32 $0xFFFFC000  }
0x7a: {  	[spmem:s5] =	stream.indirect.scatter.add.f32 [tilespmem:s21], [sflag:$0x3], $0x80, s29, s19, $0xb8;
	[tilespmem:$0x1D300] =	vst v63  }
0x7b: {  	_ = 	snop  }
0x7c: {  	[spmem:s6] =	stream.indirect.scatter.add.f32 [tilespmem:s16], [sflag:$0x4], $0x1, s29, s19, $0xb8;
	[tilespmem:$0x1D300] =	vst v63  }
0x7d: {  	_ =	swait.ge [sflag:s23], $0x4000  }
0x7e: {  	[sflag:s23] =	ssyncset.done $0x0  }
0x7f: {  	s25 =	rddreg [dreg:$0xe];
	[sflag:s23] =	ssyncadd.s32 $0xFFFFC000  }
0x80: {  	[tilespmem:s21], [sflag:$0x2] =	stream.indirect.gather [hbm4b:s0+s19], $0x80, s25, s19, $0xb8;
	[tilespmem:$0x1D300] =	vst v63  }
0x81: {  	_ =	swait.ge [sflag:s22], $0x4000  }
0x82: {  	[sflag:s22] =	ssyncset.done $0x0  }
0x83: {  	[sflag:s22] =	ssyncadd.s32 $0xFFFFC000  }
0x84: {  	[spmem:s5] =	stream.indirect.scatter.add.f32 [tilespmem:s20], [sflag:$0x3], $0x80, s30, s19, $0xb8;
	[tilespmem:$0x1D300] =	vst v63  }
0x85: {  	_ = 	snop  }
0x86: {  	[spmem:s6] =	stream.indirect.scatter.add.f32 [tilespmem:s16], [sflag:$0x4], $0x1, s30, s19, $0xb8;
	[tilespmem:$0x1D300] =	vst v63  }
0x87: {  	_ =	swait.ge [sflag:s23], $0x4000  }
0x88: {  	[sflag:s23] =	ssyncset.done $0x0  }
0x89: {  	s14 =	rddreg [dreg:$0xf];
	[sflag:s23] =	ssyncadd.s32 $0xFFFFC000  }
0x8a: {  	[tilespmem:s20], [sflag:$0x2] =	stream.indirect.gather [hbm4b:s0+s19], $0x80, s14, s19, $0xb8;
	[tilespmem:$0x1D300] =	vst v63  }
0x8b: {  	_ =	swait.ge [sflag:s22], $0x4000  }
0x8c: {  	[sflag:s22] =	ssyncset.done $0x0  }
0x8d: {  	[sflag:s22] =	ssyncadd.s32 $0xFFFFC000  }
0x8e: {  	[spmem:s5] =	stream.indirect.scatter.add.f32 [tilespmem:s21], [sflag:$0x3], $0x80, s31, s19, $0xb8;
	[tilespmem:$0x1D300] =	vst v63  }
0x8f: {  	_ = 	snop  }
0x90: {  	[spmem:s6] =	stream.indirect.scatter.add.f32 [tilespmem:s16], [sflag:$0x4], $0x1, s31, s19, $0xb8;
	[tilespmem:$0x1D300] =	vst v63  }
0x91: {  	_ =	swait.ge [sflag:s23], $0x4000  }
0x92: {  	[sflag:s23] =	ssyncset.done $0x0  }
0x93: {  	s15 =	rddreg [dreg:$0x10];
	[sflag:s23] =	ssyncadd.s32 $0xFFFFC000  }
0x94: {  	[tilespmem:s21], [sflag:$0x2] =	stream.indirect.gather [hbm4b:s0+s19], $0x80, s15, s19, $0xb8;
	[tilespmem:$0x1D300] =	vst v63  }
0x95: {  	_ =	swait.ge [sflag:s22], $0x4000  }
0x96: {  	[sflag:s22] =	ssyncset.done $0x0  }
0x97: {  	[sflag:s22] =	ssyncadd.s32 $0xFFFFC000  }
0x98: {  	[spmem:s5] =	stream.indirect.scatter.add.f32 [tilespmem:s20], [sflag:$0x3], $0x80, s4, s19, $0xb8;
	[tilespmem:$0x1D300] =	vst v63  }
0x99: {  	_ = 	snop  }
0x9a: {  	[spmem:s6] =	stream.indirect.scatter.add.f32 [tilespmem:s16], [sflag:$0x4], $0x1, s4, s19, $0xb8;
	[tilespmem:$0x1D300] =	vst v63  }
0x9b: {  	_ =	swait.ge [sflag:s23], $0x4000  }
0x9c: {  	[sflag:s23] =	ssyncset.done $0x0  }
0x9d: {  	s24 =	rddreg [dreg:$0x11];
	[sflag:s23] =	ssyncadd.s32 $0xFFFFC000  }
0x9e: {  	[tilespmem:s20], [sflag:$0x2] =	stream.indirect.gather [hbm4b:s0+s19], $0x80, s24, s19, $0xb8;
	[tilespmem:$0x1D300] =	vst v63  }
0x9f: {  	_ =	swait.ge [sflag:s22], $0x4000  }
0xa0: {  	[sflag:s22] =	ssyncset.done $0x0  }
0xa1: {  	[sflag:s22] =	ssyncadd.s32 $0xFFFFC000  }
0xa2: {  	[spmem:s5] =	stream.indirect.scatter.add.f32 [tilespmem:s21], [sflag:$0x3], $0x80, s1, s19, $0xb8;
	[tilespmem:$0x1D300] =	vst v63  }
0xa3: {  	_ = 	snop  }
0xa4: {  	[spmem:s6] =	stream.indirect.scatter.add.f32 [tilespmem:s16], [sflag:$0x4], $0x1, s1, s19, $0xb8;
	[tilespmem:$0x1D300] =	vst v63  }
0xa5: {  	_ =	swait.ge [sflag:s23], $0x4000  }
0xa6: {  	[sflag:s23] =	ssyncset.done $0x0  }
0xa7: {  	s25 =	rddreg [dreg:$0x12];
	[sflag:s23] =	ssyncadd.s32 $0xFFFFC000  }
0xa8: {  	[tilespmem:s21], [sflag:$0x2] =	stream.indirect.gather [hbm4b:s0+s19], $0x80, s25, s19, $0xb8;
	[tilespmem:$0x1D300] =	vst v63  }
0xa9: {  	_ =	swait.ge [sflag:s22], $0x4000  }
0xaa: {  	[sflag:s22] =	ssyncset.done $0x0  }
0xab: {  	[sflag:s22] =	ssyncadd.s32 $0xFFFFC000  }
0xac: {  	[spmem:s5] =	stream.indirect.scatter.add.f32 [tilespmem:s20], [sflag:$0x3], $0x80, s2, s19, $0xb8;
	[tilespmem:$0x1D300] =	vst v63  }
0xad: {  	_ = 	snop  }
0xae: {  	[spmem:s6] =	stream.indirect.scatter.add.f32 [tilespmem:s16], [sflag:$0x4], $0x1, s2, s19, $0xb8;
	[tilespmem:$0x1D300] =	vst v63  }
0xaf: {  	_ =	swait.ge [sflag:s23], $0x4000  }
0xb0: {  	[sflag:s23] =	ssyncset.done $0x0  }
0xb1: {  	s14 =	rddreg [dreg:$0x13];
	[sflag:s23] =	ssyncadd.s32 $0xFFFFC000  }
0xb2: {  	[tilespmem:s20], [sflag:$0x2] =	stream.indirect.gather [hbm4b:s0+s19], $0x80, s14, s19, $0xb8;
	[tilespmem:$0x1D300] =	vst v63  }
0xb3: {  	_ =	swait.ge [sflag:s22], $0x4000  }
0xb4: {  	[sflag:s22] =	ssyncset.done $0x0  }
0xb5: {  	[sflag:s22] =	ssyncadd.s32 $0xFFFFC000  }
0xb6: {  	[spmem:s5] =	stream.indirect.scatter.add.f32 [tilespmem:s21], [sflag:$0x3], $0x80, s3, s19, $0xb8;
	[tilespmem:$0x1D300] =	vst v63  }
0xb7: {  	_ = 	snop  }
0xb8: {  	[spmem:s6] =	stream.indirect.scatter.add.f32 [tilespmem:s16], [sflag:$0x4], $0x1, s3, s19, $0xb8;
	[tilespmem:$0x1D300] =	vst v63  }
0xb9: {  	_ =	swait.ge [sflag:s23], $0x4000  }
0xba: {  	[sflag:s23] =	ssyncset.done $0x0  }
0xbb: {  	s15 =	rddreg [dreg:$0x14];
	[sflag:s23] =	ssyncadd.s32 $0xFFFFC000  }
0xbc: {  	[tilespmem:s21], [sflag:$0x2] =	stream.indirect.gather [hbm4b:s0+s19], $0x80, s15, s19, $0xb8;
	[tilespmem:$0x1D300] =	vst v63  }
0xbd: {  	_ =	swait.ge [sflag:s22], $0x4000  }
0xbe: {  	[sflag:s22] =	ssyncset.done $0x0  }
0xbf: {  	[sflag:s22] =	ssyncadd.s32 $0xFFFFC000  }
0xc0: {  	[spmem:s5] =	stream.indirect.scatter.add.f32 [tilespmem:s20], [sflag:$0x3], $0x80, s8, s19, $0xb8;
	[tilespmem:$0x1D300] =	vst v63  }
0xc1: {  	_ = 	snop  }
0xc2: {  	[spmem:s6] =	stream.indirect.scatter.add.f32 [tilespmem:s16], [sflag:$0x4], $0x1, s8, s19, $0xb8;
	[tilespmem:$0x1D300] =	vst v63  }
0xc3: {  	_ =	swait.ge [sflag:s23], $0x4000  }
0xc4: {  	[sflag:s23] =	ssyncset.done $0x0  }
0xc5: {  	s24 =	rddreg [dreg:$0x15];
	[sflag:s23] =	ssyncadd.s32 $0xFFFFC000  }
0xc6: {  	[tilespmem:s20], [sflag:$0x2] =	stream.indirect.gather [hbm4b:s0+s19], $0x80, s24, s19, $0xb8;
	[tilespmem:$0x1D300] =	vst v63  }
0xc7: {  	_ =	swait.ge [sflag:s22], $0x4000  }
0xc8: {  	[sflag:s22] =	ssyncset.done $0x0  }
0xc9: {  	[sflag:s22] =	ssyncadd.s32 $0xFFFFC000  }
0xca: {  	[spmem:s5] =	stream.indirect.scatter.add.f32 [tilespmem:s21], [sflag:$0x3], $0x80, s10, s19, $0xb8;
	[tilespmem:$0x1D300] =	vst v63  }
0xcb: {  	_ = 	snop  }
0xcc: {  	[spmem:s6] =	stream.indirect.scatter.add.f32 [tilespmem:s16], [sflag:$0x4], $0x1, s10, s19, $0xb8;
	[tilespmem:$0x1D300] =	vst v63  }
0xcd: {  	_ =	swait.ge [sflag:s23], $0x4000  }
0xce: {  	[sflag:s23] =	ssyncset.done $0x0  }
0xcf: {  	s25 =	rddreg [dreg:$0x16];
	[sflag:s23] =	ssyncadd.s32 $0xFFFFC000  }
0xd0: {  	[tilespmem:s21], [sflag:$0x2] =	stream.indirect.gather [hbm4b:s0+s19], $0x80, s25, s19, $0xb8;
	[tilespmem:$0x1D300] =	vst v63  }
0xd1: {  	_ =	swait.ge [sflag:s22], $0x4000  }
0xd2: {  	[sflag:s22] =	ssyncset.done $0x0  }
0xd3: {  	[sflag:s22] =	ssyncadd.s32 $0xFFFFC000  }
0xd4: {  	[spmem:s5] =	stream.indirect.scatter.add.f32 [tilespmem:s20], [sflag:$0x3], $0x80, s11, s19, $0xb8;
	[tilespmem:$0x1D300] =	vst v63  }
0xd5: {  	_ = 	snop  }
0xd6: {  	[spmem:s6] =	stream.indirect.scatter.add.f32 [tilespmem:s16], [sflag:$0x4], $0x1, s11, s19, $0xb8;
	[tilespmem:$0x1D300] =	vst v63  }
0xd7: {  	_ =	swait.ge [sflag:s23], $0x4000  }
0xd8: {  	[sflag:s23] =	ssyncset.done $0x0  }
0xd9: {  	[sflag:s23] =	ssyncadd.s32 $0xFFFFC000  }
0xda: {  	_ =	swait.ge [sflag:s22], $0x4000  }
0xdb: {  	[sflag:s22] =	ssyncset.done $0x0  }
0xdc: {  	[sflag:s22] =	ssyncadd.s32 $0xFFFFC000  }
0xdd: {  	[spmem:s5] =	stream.indirect.scatter.add.f32 [tilespmem:s21], [sflag:$0x3], $0x80, s12, s19, $0xb8;
	[tilespmem:$0x1D300] =	vst v63  }
0xde: {  	_ = 	snop  }
0xdf: {  	[spmem:s6] =	stream.indirect.scatter.add.f32 [tilespmem:s16], [sflag:$0x4], $0x1, s12, s19, $0xb8;
	[tilespmem:$0x1D300] =	vst v63  }
0xe0: {  	_ =	swait.ge [sflag:s23], $0x4000  }
0xe1: {  	[sflag:s23] =	ssyncset.done $0x0  }
0xe2: {  	[sflag:s23] =	ssyncadd.s32 $0xFFFFC000  }
0xe3: {  	_ =	swait.ge [sflag:s13], $0x80  }
0xe4: {  	[sflag:s13] =	ssyncset.done $0x0  }
0xe5: {  	[sflag:s13] =	ssyncadd.s32 $0xFFFFFF80  }
0xe6: {  	_ =	swait.ge [sflag:s13], $0x80  }
0xe7: {  	[sflag:s13] =	ssyncset.done $0x0  }
0xe8: {  	[sflag:s13] =	ssyncadd.s32 $0xFFFFFF80  }
0xe9: {  	_ =	swait.ge [sflag:s13], $0x80  }
0xea: {  	[sflag:s13] =	ssyncset.done $0x0  }
0xeb: {  	[sflag:s13] =	ssyncadd.s32 $0xFFFFFF80  }
0xec: {  	_ =	swait.ge [sflag:s13], $0x80  }
0xed: {  	[sflag:s13] =	ssyncset.done $0x0  }
0xee: {  	[sflag:s13] =	ssyncadd.s32 $0xFFFFFF80  }
0xef: {  	_ =	swait.ge [sflag:s13], $0x80  }
0xf0: {  	[sflag:s13] =	ssyncset.done $0x0  }
0xf1: {  	[sflag:s13] =	ssyncadd.s32 $0xFFFFFF80  }
0xf2: {  	_ =	swait.ge [sflag:s13], $0x80  }
0xf3: {  	[sflag:s13] =	ssyncset.done $0x0  }
0xf4: {  	[sflag:s13] =	ssyncadd.s32 $0xFFFFFF80  }
0xf5: {  	_ =	swait.ge [sflag:s13], $0x80  }
0xf6: {  	[sflag:s13] =	ssyncset.done $0x0  }
0xf7: {  	[sflag:s13] =	ssyncadd.s32 $0xFFFFFF80  }
0xf8: {  	_ =	swait.ge [sflag:s13], $0x80  }
0xf9: {  	[sflag:s13] =	ssyncset.done $0x0  }
0xfa: {  	[sflag:s13] =	ssyncadd.s32 $0xFFFFFF80  }
0xfb: {  	_ =	swait.ge [sflag:s13], $0x80  }
0xfc: {  	[sflag:s13] =	ssyncset.done $0x0  }
0xfd: {  	[sflag:s13] =	ssyncadd.s32 $0xFFFFFF80  }
0xfe: {  	_ =	swait.ge [sflag:s13], $0x80  }
0xff: {  	[sflag:s13] =	ssyncset.done $0x0  }
0x100: {  	[sflag:s13] =	ssyncadd.s32 $0xFFFFFF80  }
0x101: {  	_ =	swait.ge [sflag:s13], $0x80  }
0x102: {  	[sflag:s13] =	ssyncset.done $0x0  }
0x103: {  	[sflag:s13] =	ssyncadd.s32 $0xFFFFFF80  }
0x104: {  	_ =	swait.ge [sflag:s13], $0x80  }
0x105: {  	[sflag:s13] =	ssyncset.done $0x0  }
0x106: {  	[sflag:s13] =	ssyncadd.s32 $0xFFFFFF80  }
0x107: {  	_ =	swait.ge [sflag:s13], $0x80  }
0x108: {  	[sflag:s13] =	ssyncset.done $0x0  }
0x109: {  	[sflag:s13] =	ssyncadd.s32 $0xFFFFFF80  }
0x10a: {  	_ =	swait.ge [sflag:s13], $0x80  }
0x10b: {  	[sflag:s13] =	ssyncset.done $0x0  }
0x10c: {  	[sflag:s13] =	ssyncadd.s32 $0xFFFFFF80  }
0x10d: {  	_ =	swait.ge [sflag:s13], $0x80  }
0x10e: {  	[sflag:s13] =	ssyncset.done $0x0  }
0x10f: {  	[sflag:s13] =	ssyncadd.s32 $0xFFFFFF80  }
0x110: {  	s9 =	simm.s32 $0x100;
	_ =	swait.ge [sflag:s13], $0x80  }
0x111: {  	s15 =	simm.s32 $0x200;
	s14 =	rddreg [dreg:$0x8];
	[sflag:s13] =	ssyncset.done $0x0  }
.LBB2_2:
0x112: {  	[sflag:s13] =	ssyncadd.s32 $0xFFFFFF80;
	s25 =	rddreg [dreg:$0x7];
	s14 =	sadd.s32 s9, s14  }
0x113: {  	[tilespmem:s7], [sflag:$0x1] =	stream.linear.gather [hbm4b:s14+s7], $0x800, $0x38;
	[tilespmem:$0x1D300] =	vst v63  }
0x114: {  	s25 =	sadd.s32 s9, s25  }
0x115: {  	[tilespmem:s17], [sflag:$0x1] =	stream.linear.gather [hbm4b:s25+s7], $0x800, $0x38;
	[tilespmem:$0x1D300] =	vst v63  }
0x116: {  	_ =	swait.ge [sflag:s18], $0x800  }
0x117: {  	[sflag:s18] =	ssyncset.done $0x0  }
0x118: {  	[sflag:s18] =	ssyncadd.s32 $0xFFFFF800  }
0x119: {  	_ =	swait.ge [sflag:s18], $0x800  }
0x11a: {  	[sflag:s18] =	ssyncset.done $0x0  }
0x11b: {  	[sflag:s18] =	ssyncadd.s32 $0xFFFFF800  }
0x11c: {  	[tilespmem:s20], [sflag:$0x2] =	stream.indirect.gather [hbm4b:s0+s19], $0x80, s7, s19, $0xb8;
	[tilespmem:$0x1D300] =	vst v63  }
0x11d: {  	_ = 	snop  }
0x11e: {  	[tilespmem:s21], [sflag:$0x2] =	stream.indirect.gather [hbm4b:s0+s19], $0x80, s19, s19, $0xb8;
	[tilespmem:$0x1D300] =	vst v63  }
0x11f: {  	_ =	swait.ge [sflag:s22], $0x4000  }
0x120: {  	[sflag:s22] =	ssyncset.done $0x0  }
0x121: {  	[sflag:s22] =	ssyncadd.s32 $0xFFFFC000  }
0x122: {  	[spmem:s5] =	stream.indirect.scatter.add.f32 [tilespmem:s20], [sflag:$0x3], $0x80, s17, s19, $0xb8;
	[tilespmem:$0x1D300] =	vst v63  }
0x123: {  	_ = 	snop  }
0x124: {  	[spmem:s6] =	stream.indirect.scatter.add.f32 [tilespmem:s16], [sflag:$0x4], $0x1, s17, s19, $0xb8;
	[tilespmem:$0x1D300] =	vst v63  }
0x125: {  	_ =	swait.ge [sflag:s23], $0x4000  }
0x126: {  	s24 =	smov.u32 s15;
	[sflag:s23] =	ssyncset.done $0x0  }
0x127: {  	s9 =	smov.u32 s24;
	s24 =	rddreg [dreg:$0x9];
	[sflag:s23] =	ssyncadd.s32 $0xFFFFC000  }
0x128: {  	[tilespmem:s20], [sflag:$0x2] =	stream.indirect.gather [hbm4b:s0+s19], $0x80, s24, s19, $0xb8;
	[tilespmem:$0x1D300] =	vst v63  }
0x129: {  	_ =	swait.ge [sflag:s22], $0x4000  }
0x12a: {  	[sflag:s22] =	ssyncset.done $0x0  }
0x12b: {  	s25 =	simm.s32 $0x880;
	[sflag:s22] =	ssyncadd.s32 $0xFFFFC000  }
0x12c: {  	[spmem:s5] =	stream.indirect.scatter.add.f32 [tilespmem:s21], [sflag:$0x3], $0x80, s25, s19, $0xb8;
	[tilespmem:$0x1D300] =	vst v63  }
0x12d: {  	_ = 	snop  }
0x12e: {  	[spmem:s6] =	stream.indirect.scatter.add.f32 [tilespmem:s16], [sflag:$0x4], $0x1, s25, s19, $0xb8;
	[tilespmem:$0x1D300] =	vst v63  }
0x12f: {  	_ =	swait.ge [sflag:s23], $0x4000  }
0x130: {  	[sflag:s23] =	ssyncset.done $0x0  }
0x131: {  	s24 =	rddreg [dreg:$0xa];
	[sflag:s23] =	ssyncadd.s32 $0xFFFFC000  }
0x132: {  	[tilespmem:s21], [sflag:$0x2] =	stream.indirect.gather [hbm4b:s0+s19], $0x80, s24, s19, $0xb8;
	[tilespmem:$0x1D300] =	vst v63  }
0x133: {  	_ =	swait.ge [sflag:s22], $0x4000  }
0x134: {  	[sflag:s22] =	ssyncset.done $0x0  }
0x135: {  	s25 =	simm.s32 $0x900;
	[sflag:s22] =	ssyncadd.s32 $0xFFFFC000  }
0x136: {  	[spmem:s5] =	stream.indirect.scatter.add.f32 [tilespmem:s20], [sflag:$0x3], $0x80, s25, s19, $0xb8;
	[tilespmem:$0x1D300] =	vst v63  }
0x137: {  	_ = 	snop  }
0x138: {  	[spmem:s6] =	stream.indirect.scatter.add.f32 [tilespmem:s16], [sflag:$0x4], $0x1, s25, s19, $0xb8;
	[tilespmem:$0x1D300] =	vst v63  }
0x139: {  	_ =	swait.ge [sflag:s23], $0x4000  }
0x13a: {  	[sflag:s23] =	ssyncset.done $0x0  }
0x13b: {  	s24 =	rddreg [dreg:$0xb];
	[sflag:s23] =	ssyncadd.s32 $0xFFFFC000  }
0x13c: {  	[tilespmem:s20], [sflag:$0x2] =	stream.indirect.gather [hbm4b:s0+s19], $0x80, s24, s19, $0xb8;
	[tilespmem:$0x1D300] =	vst v63  }
0x13d: {  	_ =	swait.ge [sflag:s22], $0x4000  }
0x13e: {  	[sflag:s22] =	ssyncset.done $0x0  }
0x13f: {  	[sflag:s22] =	ssyncadd.s32 $0xFFFFC000  }
0x140: {  	[spmem:s5] =	stream.indirect.scatter.add.f32 [tilespmem:s21], [sflag:$0x3], $0x80, s26, s19, $0xb8;
	[tilespmem:$0x1D300] =	vst v63  }
0x141: {  	_ = 	snop  }
0x142: {  	[spmem:s6] =	stream.indirect.scatter.add.f32 [tilespmem:s16], [sflag:$0x4], $0x1, s26, s19, $0xb8;
	[tilespmem:$0x1D300] =	vst v63  }
0x143: {  	_ =	swait.ge [sflag:s23], $0x4000  }
0x144: {  	[sflag:s23] =	ssyncset.done $0x0  }
0x145: {  	s25 =	rddreg [dreg:$0xc];
	[sflag:s23] =	ssyncadd.s32 $0xFFFFC000  }
0x146: {  	[tilespmem:s21], [sflag:$0x2] =	stream.indirect.gather [hbm4b:s0+s19], $0x80, s25, s19, $0xb8;
	[tilespmem:$0x1D300] =	vst v63  }
0x147: {  	_ =	swait.ge [sflag:s22], $0x4000  }
0x148: {  	[sflag:s22] =	ssyncset.done $0x0  }
0x149: {  	[sflag:s22] =	ssyncadd.s32 $0xFFFFC000  }
0x14a: {  	[spmem:s5] =	stream.indirect.scatter.add.f32 [tilespmem:s20], [sflag:$0x3], $0x80, s28, s19, $0xb8;
	[tilespmem:$0x1D300] =	vst v63  }
0x14b: {  	_ = 	snop  }
0x14c: {  	[spmem:s6] =	stream.indirect.scatter.add.f32 [tilespmem:s16], [sflag:$0x4], $0x1, s28, s19, $0xb8;
	[tilespmem:$0x1D300] =	vst v63  }
0x14d: {  	_ =	swait.ge [sflag:s23], $0x4000  }
0x14e: {  	[sflag:s23] =	ssyncset.done $0x0  }
0x14f: {  	s24 =	rddreg [dreg:$0xd];
	[sflag:s23] =	ssyncadd.s32 $0xFFFFC000  }
0x150: {  	[tilespmem:s20], [sflag:$0x2] =	stream.indirect.gather [hbm4b:s0+s19], $0x80, s24, s19, $0xb8;
	[tilespmem:$0x1D300] =	vst v63  }
0x151: {  	_ =	swait.ge [sflag:s22], $0x4000  }
0x152: {  	[sflag:s22] =	ssyncset.done $0x0  }
0x153: {  	[sflag:s22] =	ssyncadd.s32 $0xFFFFC000  }
0x154: {  	[spmem:s5] =	stream.indirect.scatter.add.f32 [tilespmem:s21], [sflag:$0x3], $0x80, s29, s19, $0xb8;
	[tilespmem:$0x1D300] =	vst v63  }
0x155: {  	_ = 	snop  }
0x156: {  	[spmem:s6] =	stream.indirect.scatter.add.f32 [tilespmem:s16], [sflag:$0x4], $0x1, s29, s19, $0xb8;
	[tilespmem:$0x1D300] =	vst v63  }
0x157: {  	_ =	swait.ge [sflag:s23], $0x4000  }
0x158: {  	[sflag:s23] =	ssyncset.done $0x0  }
0x159: {  	s25 =	rddreg [dreg:$0xe];
	[sflag:s23] =	ssyncadd.s32 $0xFFFFC000  }
0x15a: {  	[tilespmem:s21], [sflag:$0x2] =	stream.indirect.gather [hbm4b:s0+s19], $0x80, s25, s19, $0xb8;
	[tilespmem:$0x1D300] =	vst v63  }
0x15b: {  	_ =	swait.ge [sflag:s22], $0x4000  }
0x15c: {  	[sflag:s22] =	ssyncset.done $0x0  }
0x15d: {  	[sflag:s22] =	ssyncadd.s32 $0xFFFFC000  }
0x15e: {  	[spmem:s5] =	stream.indirect.scatter.add.f32 [tilespmem:s20], [sflag:$0x3], $0x80, s30, s19, $0xb8;
	[tilespmem:$0x1D300] =	vst v63  }
0x15f: {  	_ = 	snop  }
0x160: {  	[spmem:s6] =	stream.indirect.scatter.add.f32 [tilespmem:s16], [sflag:$0x4], $0x1, s30, s19, $0xb8;
	[tilespmem:$0x1D300] =	vst v63  }
0x161: {  	_ =	swait.ge [sflag:s23], $0x4000  }
0x162: {  	[sflag:s23] =	ssyncset.done $0x0  }
0x163: {  	s24 =	rddreg [dreg:$0xf];
	[sflag:s23] =	ssyncadd.s32 $0xFFFFC000  }
0x164: {  	[tilespmem:s20], [sflag:$0x2] =	stream.indirect.gather [hbm4b:s0+s19], $0x80, s24, s19, $0xb8;
	[tilespmem:$0x1D300] =	vst v63  }
0x165: {  	_ =	swait.ge [sflag:s22], $0x4000  }
0x166: {  	[sflag:s22] =	ssyncset.done $0x0  }
0x167: {  	[sflag:s22] =	ssyncadd.s32 $0xFFFFC000  }
0x168: {  	[spmem:s5] =	stream.indirect.scatter.add.f32 [tilespmem:s21], [sflag:$0x3], $0x80, s31, s19, $0xb8;
	[tilespmem:$0x1D300] =	vst v63  }
0x169: {  	_ = 	snop  }
0x16a: {  	[spmem:s6] =	stream.indirect.scatter.add.f32 [tilespmem:s16], [sflag:$0x4], $0x1, s31, s19, $0xb8;
	[tilespmem:$0x1D300] =	vst v63  }
0x16b: {  	_ =	swait.ge [sflag:s23], $0x4000  }
0x16c: {  	[sflag:s23] =	ssyncset.done $0x0  }
0x16d: {  	s25 =	rddreg [dreg:$0x10];
	[sflag:s23] =	ssyncadd.s32 $0xFFFFC000  }
0x16e: {  	[tilespmem:s21], [sflag:$0x2] =	stream.indirect.gather [hbm4b:s0+s19], $0x80, s25, s19, $0xb8;
	[tilespmem:$0x1D300] =	vst v63  }
0x16f: {  	_ =	swait.ge [sflag:s22], $0x4000  }
0x170: {  	[sflag:s22] =	ssyncset.done $0x0  }
0x171: {  	[sflag:s22] =	ssyncadd.s32 $0xFFFFC000  }
0x172: {  	[spmem:s5] =	stream.indirect.scatter.add.f32 [tilespmem:s20], [sflag:$0x3], $0x80, s4, s19, $0xb8;
	[tilespmem:$0x1D300] =	vst v63  }
0x173: {  	_ = 	snop  }
0x174: {  	[spmem:s6] =	stream.indirect.scatter.add.f32 [tilespmem:s16], [sflag:$0x4], $0x1, s4, s19, $0xb8;
	[tilespmem:$0x1D300] =	vst v63  }
0x175: {  	_ =	swait.ge [sflag:s23], $0x4000  }
0x176: {  	[sflag:s23] =	ssyncset.done $0x0  }
0x177: {  	s24 =	rddreg [dreg:$0x11];
	[sflag:s23] =	ssyncadd.s32 $0xFFFFC000  }
0x178: {  	[tilespmem:s20], [sflag:$0x2] =	stream.indirect.gather [hbm4b:s0+s19], $0x80, s24, s19, $0xb8;
	[tilespmem:$0x1D300] =	vst v63  }
0x179: {  	_ =	swait.ge [sflag:s22], $0x4000  }
0x17a: {  	[sflag:s22] =	ssyncset.done $0x0  }
0x17b: {  	[sflag:s22] =	ssyncadd.s32 $0xFFFFC000  }
0x17c: {  	[spmem:s5] =	stream.indirect.scatter.add.f32 [tilespmem:s21], [sflag:$0x3], $0x80, s1, s19, $0xb8;
	[tilespmem:$0x1D300] =	vst v63  }
0x17d: {  	_ = 	snop  }
0x17e: {  	[spmem:s6] =	stream.indirect.scatter.add.f32 [tilespmem:s16], [sflag:$0x4], $0x1, s1, s19, $0xb8;
	[tilespmem:$0x1D300] =	vst v63  }
0x17f: {  	_ =	swait.ge [sflag:s23], $0x4000  }
0x180: {  	[sflag:s23] =	ssyncset.done $0x0  }
0x181: {  	s25 =	rddreg [dreg:$0x12];
	[sflag:s23] =	ssyncadd.s32 $0xFFFFC000  }
0x182: {  	[tilespmem:s21], [sflag:$0x2] =	stream.indirect.gather [hbm4b:s0+s19], $0x80, s25, s19, $0xb8;
	[tilespmem:$0x1D300] =	vst v63  }
0x183: {  	_ =	swait.ge [sflag:s22], $0x4000  }
0x184: {  	[sflag:s22] =	ssyncset.done $0x0  }
0x185: {  	[sflag:s22] =	ssyncadd.s32 $0xFFFFC000  }
0x186: {  	[spmem:s5] =	stream.indirect.scatter.add.f32 [tilespmem:s20], [sflag:$0x3], $0x80, s2, s19, $0xb8;
	[tilespmem:$0x1D300] =	vst v63  }
0x187: {  	_ = 	snop  }
0x188: {  	[spmem:s6] =	stream.indirect.scatter.add.f32 [tilespmem:s16], [sflag:$0x4], $0x1, s2, s19, $0xb8;
	[tilespmem:$0x1D300] =	vst v63  }
0x189: {  	_ =	swait.ge [sflag:s23], $0x4000  }
0x18a: {  	[sflag:s23] =	ssyncset.done $0x0  }
0x18b: {  	s24 =	rddreg [dreg:$0x13];
	[sflag:s23] =	ssyncadd.s32 $0xFFFFC000  }
0x18c: {  	[tilespmem:s20], [sflag:$0x2] =	stream.indirect.gather [hbm4b:s0+s19], $0x80, s24, s19, $0xb8;
	[tilespmem:$0x1D300] =	vst v63  }
0x18d: {  	_ =	swait.ge [sflag:s22], $0x4000  }
0x18e: {  	[sflag:s22] =	ssyncset.done $0x0  }
0x18f: {  	[sflag:s22] =	ssyncadd.s32 $0xFFFFC000  }
0x190: {  	[spmem:s5] =	stream.indirect.scatter.add.f32 [tilespmem:s21], [sflag:$0x3], $0x80, s3, s19, $0xb8;
	[tilespmem:$0x1D300] =	vst v63  }
0x191: {  	_ = 	snop  }
0x192: {  	[spmem:s6] =	stream.indirect.scatter.add.f32 [tilespmem:s16], [sflag:$0x4], $0x1, s3, s19, $0xb8;
	[tilespmem:$0x1D300] =	vst v63  }
0x193: {  	_ =	swait.ge [sflag:s23], $0x4000  }
0x194: {  	[sflag:s23] =	ssyncset.done $0x0  }
0x195: {  	s25 =	rddreg [dreg:$0x14];
	[sflag:s23] =	ssyncadd.s32 $0xFFFFC000  }
0x196: {  	[tilespmem:s21], [sflag:$0x2] =	stream.indirect.gather [hbm4b:s0+s19], $0x80, s25, s19, $0xb8;
	[tilespmem:$0x1D300] =	vst v63  }
0x197: {  	_ =	swait.ge [sflag:s22], $0x4000  }
0x198: {  	[sflag:s22] =	ssyncset.done $0x0  }
0x199: {  	[sflag:s22] =	ssyncadd.s32 $0xFFFFC000  }
0x19a: {  	[spmem:s5] =	stream.indirect.scatter.add.f32 [tilespmem:s20], [sflag:$0x3], $0x80, s8, s19, $0xb8;
	[tilespmem:$0x1D300] =	vst v63  }
0x19b: {  	_ = 	snop  }
0x19c: {  	[spmem:s6] =	stream.indirect.scatter.add.f32 [tilespmem:s16], [sflag:$0x4], $0x1, s8, s19, $0xb8;
	[tilespmem:$0x1D300] =	vst v63  }
0x19d: {  	_ =	swait.ge [sflag:s23], $0x4000  }
0x19e: {  	[sflag:s23] =	ssyncset.done $0x0  }
0x19f: {  	s24 =	rddreg [dreg:$0x15];
	[sflag:s23] =	ssyncadd.s32 $0xFFFFC000  }
0x1a0: {  	[tilespmem:s20], [sflag:$0x2] =	stream.indirect.gather [hbm4b:s0+s19], $0x80, s24, s19, $0xb8;
	[tilespmem:$0x1D300] =	vst v63  }
0x1a1: {  	_ =	swait.ge [sflag:s22], $0x4000  }
0x1a2: {  	[sflag:s22] =	ssyncset.done $0x0  }
0x1a3: {  	[sflag:s22] =	ssyncadd.s32 $0xFFFFC000  }
0x1a4: {  	[spmem:s5] =	stream.indirect.scatter.add.f32 [tilespmem:s21], [sflag:$0x3], $0x80, s10, s19, $0xb8;
	[tilespmem:$0x1D300] =	vst v63  }
0x1a5: {  	_ = 	snop  }
0x1a6: {  	[spmem:s6] =	stream.indirect.scatter.add.f32 [tilespmem:s16], [sflag:$0x4], $0x1, s10, s19, $0xb8;
	[tilespmem:$0x1D300] =	vst v63  }
0x1a7: {  	_ =	swait.ge [sflag:s23], $0x4000  }
0x1a8: {  	[sflag:s23] =	ssyncset.done $0x0  }
0x1a9: {  	s25 =	rddreg [dreg:$0x16];
	[sflag:s23] =	ssyncadd.s32 $0xFFFFC000  }
0x1aa: {  	[tilespmem:s21], [sflag:$0x2] =	stream.indirect.gather [hbm4b:s0+s19], $0x80, s25, s19, $0xb8;
	[tilespmem:$0x1D300] =	vst v63  }
0x1ab: {  	_ =	swait.ge [sflag:s22], $0x4000  }
0x1ac: {  	[sflag:s22] =	ssyncset.done $0x0  }
0x1ad: {  	[sflag:s22] =	ssyncadd.s32 $0xFFFFC000  }
0x1ae: {  	[spmem:s5] =	stream.indirect.scatter.add.f32 [tilespmem:s20], [sflag:$0x3], $0x80, s11, s19, $0xb8;
	[tilespmem:$0x1D300] =	vst v63  }
0x1af: {  	_ = 	snop  }
0x1b0: {  	[spmem:s6] =	stream.indirect.scatter.add.f32 [tilespmem:s16], [sflag:$0x4], $0x1, s11, s19, $0xb8;
	[tilespmem:$0x1D300] =	vst v63  }
0x1b1: {  	_ =	swait.ge [sflag:s23], $0x4000  }
0x1b2: {  	[sflag:s23] =	ssyncset.done $0x0  }
0x1b3: {  	[sflag:s23] =	ssyncadd.s32 $0xFFFFC000  }
0x1b4: {  	_ =	swait.ge [sflag:s22], $0x4000  }
0x1b5: {  	[sflag:s22] =	ssyncset.done $0x0  }
0x1b6: {  	[sflag:s22] =	ssyncadd.s32 $0xFFFFC000  }
0x1b7: {  	[spmem:s5] =	stream.indirect.scatter.add.f32 [tilespmem:s21], [sflag:$0x3], $0x80, s12, s19, $0xb8;
	[tilespmem:$0x1D300] =	vst v63  }
0x1b8: {  	_ = 	snop  }
0x1b9: {  	[spmem:s6] =	stream.indirect.scatter.add.f32 [tilespmem:s16], [sflag:$0x4], $0x1, s12, s19, $0xb8;
	[tilespmem:$0x1D300] =	vst v63  }
0x1ba: {  	_ =	swait.ge [sflag:s23], $0x4000  }
0x1bb: {  	[sflag:s23] =	ssyncset.done $0x0  }
0x1bc: {  	[sflag:s23] =	ssyncadd.s32 $0xFFFFC000  }
0x1bd: {  	_ =	swait.ge [sflag:s13], $0x80  }
0x1be: {  	[sflag:s13] =	ssyncset.done $0x0  }
0x1bf: {  	[sflag:s13] =	ssyncadd.s32 $0xFFFFFF80  }
0x1c0: {  	_ =	swait.ge [sflag:s13], $0x80  }
0x1c1: {  	[sflag:s13] =	ssyncset.done $0x0  }
0x1c2: {  	[sflag:s13] =	ssyncadd.s32 $0xFFFFFF80  }
0x1c3: {  	_ =	swait.ge [sflag:s13], $0x80  }
0x1c4: {  	[sflag:s13] =	ssyncset.done $0x0  }
0x1c5: {  	[sflag:s13] =	ssyncadd.s32 $0xFFFFFF80  }
0x1c6: {  	_ =	swait.ge [sflag:s13], $0x80  }
0x1c7: {  	[sflag:s13] =	ssyncset.done $0x0  }
0x1c8: {  	[sflag:s13] =	ssyncadd.s32 $0xFFFFFF80  }
0x1c9: {  	_ =	swait.ge [sflag:s13], $0x80  }
0x1ca: {  	[sflag:s13] =	ssyncset.done $0x0  }
0x1cb: {  	[sflag:s13] =	ssyncadd.s32 $0xFFFFFF80  }
0x1cc: {  	_ =	swait.ge [sflag:s13], $0x80  }
0x1cd: {  	[sflag:s13] =	ssyncset.done $0x0  }
0x1ce: {  	[sflag:s13] =	ssyncadd.s32 $0xFFFFFF80  }
0x1cf: {  	_ =	swait.ge [sflag:s13], $0x80  }
0x1d0: {  	[sflag:s13] =	ssyncset.done $0x0  }
0x1d1: {  	[sflag:s13] =	ssyncadd.s32 $0xFFFFFF80  }
0x1d2: {  	_ =	swait.ge [sflag:s13], $0x80  }
0x1d3: {  	[sflag:s13] =	ssyncset.done $0x0  }
0x1d4: {  	[sflag:s13] =	ssyncadd.s32 $0xFFFFFF80  }
0x1d5: {  	_ =	swait.ge [sflag:s13], $0x80  }
0x1d6: {  	[sflag:s13] =	ssyncset.done $0x0  }
0x1d7: {  	[sflag:s13] =	ssyncadd.s32 $0xFFFFFF80  }
0x1d8: {  	_ =	swait.ge [sflag:s13], $0x80  }
0x1d9: {  	[sflag:s13] =	ssyncset.done $0x0  }
0x1da: {  	[sflag:s13] =	ssyncadd.s32 $0xFFFFFF80  }
0x1db: {  	_ =	swait.ge [sflag:s13], $0x80  }
0x1dc: {  	[sflag:s13] =	ssyncset.done $0x0  }
0x1dd: {  	[sflag:s13] =	ssyncadd.s32 $0xFFFFFF80  }
0x1de: {  	_ =	swait.ge [sflag:s13], $0x80  }
0x1df: {  	[sflag:s13] =	ssyncset.done $0x0  }
0x1e0: {  	[sflag:s13] =	ssyncadd.s32 $0xFFFFFF80  }
0x1e1: {  	_ =	swait.ge [sflag:s13], $0x80  }
0x1e2: {  	[sflag:s13] =	ssyncset.done $0x0  }
0x1e3: {  	[sflag:s13] =	ssyncadd.s32 $0xFFFFFF80  }
0x1e4: {  	_ =	swait.ge [sflag:s13], $0x80  }
0x1e5: {  	[sflag:s13] =	ssyncset.done $0x0  }
0x1e6: {  	p0 =	sne.s32 s15, $0x400;
	[sflag:s13] =	ssyncadd.s32 $0xFFFFFF80  }
.Ltmp0:
0x1e7: {  	_ =	swait.ge [sflag:s13], $0x80;
	(pc) =	sbr.rel @p0 .LBB2_2-.Ltmp0, $4  }
0x1e8: {  	[sflag:s13] =	ssyncset.done $0x0  }
0x1e9: {  	[sflag:s13] =	ssyncadd.s32 $0xFFFFFF80  }
0x1ea: {  	_ =	swait.ge [sflag:s13], $0x80  }
0x1eb: {  	s15 =	sadd.s32 $0x100, s15;
	s14 =	rddreg [dreg:$0x8];
	[sflag:s13] =	ssyncset.done $0x0  }
0x1ec: {  	s15 =	rddreg [dreg:$0x7];
	[sflag:s13] =	ssyncadd.s32 $0xFFFFFF80;
	s14 =	sadd.s32 s9, s14  }
0x1ed: {  	[tilespmem:s7], [sflag:$0x1] =	stream.linear.gather [hbm4b:s14+s7], $0x800, $0x38;
	[tilespmem:$0x1D300] =	vst v63  }
0x1ee: {  	s25 =	sadd.s32 s9, s15  }
0x1ef: {  	[tilespmem:s17], [sflag:$0x1] =	stream.linear.gather [hbm4b:s25+s7], $0x800, $0x38;
	[tilespmem:$0x1D300] =	vst v63  }
0x1f0: {  	_ =	swait.ge [sflag:s18], $0x800  }
0x1f1: {  	[sflag:s18] =	ssyncset.done $0x0  }
0x1f2: {  	[sflag:s18] =	ssyncadd.s32 $0xFFFFF800  }
0x1f3: {  	_ =	swait.ge [sflag:s18], $0x800  }
0x1f4: {  	[sflag:s18] =	ssyncset.done $0x0  }
0x1f5: {  	[sflag:s18] =	ssyncadd.s32 $0xFFFFF800  }
0x1f6: {  	[tilespmem:s20], [sflag:$0x2] =	stream.indirect.gather [hbm4b:s0+s19], $0x80, s7, s19, $0xb8;
	[tilespmem:$0x1D300] =	vst v63  }
0x1f7: {  	_ = 	snop  }
0x1f8: {  	[tilespmem:s21], [sflag:$0x2] =	stream.indirect.gather [hbm4b:s0+s19], $0x80, s19, s19, $0xb8;
	[tilespmem:$0x1D300] =	vst v63  }
0x1f9: {  	_ =	swait.ge [sflag:s22], $0x4000  }
0x1fa: {  	[sflag:s22] =	ssyncset.done $0x0  }
0x1fb: {  	[sflag:s22] =	ssyncadd.s32 $0xFFFFC000  }
0x1fc: {  	[spmem:s5] =	stream.indirect.scatter.add.f32 [tilespmem:s20], [sflag:$0x3], $0x80, s17, s19, $0xb8;
	[tilespmem:$0x1D300] =	vst v63  }
0x1fd: {  	_ = 	snop  }
0x1fe: {  	[spmem:s6] =	stream.indirect.scatter.add.f32 [tilespmem:s16], [sflag:$0x4], $0x1, s17, s19, $0xb8;
	[tilespmem:$0x1D300] =	vst v63  }
0x1ff: {  	_ =	swait.ge [sflag:s23], $0x4000  }
0x200: {  	[sflag:s23] =	ssyncset.done $0x0  }
0x201: {  	s14 =	rddreg [dreg:$0x9];
	[sflag:s23] =	ssyncadd.s32 $0xFFFFC000  }
0x202: {  	[tilespmem:s20], [sflag:$0x2] =	stream.indirect.gather [hbm4b:s0+s19], $0x80, s14, s19, $0xb8;
	[tilespmem:$0x1D300] =	vst v63  }
0x203: {  	_ =	swait.ge [sflag:s22], $0x4000  }
0x204: {  	[sflag:s22] =	ssyncset.done $0x0  }
0x205: {  	s15 =	simm.s32 $0x880;
	[sflag:s22] =	ssyncadd.s32 $0xFFFFC000  }
0x206: {  	[spmem:s5] =	stream.indirect.scatter.add.f32 [tilespmem:s21], [sflag:$0x3], $0x80, s15, s19, $0xb8;
	[tilespmem:$0x1D300] =	vst v63  }
0x207: {  	_ = 	snop  }
0x208: {  	[spmem:s6] =	stream.indirect.scatter.add.f32 [tilespmem:s16], [sflag:$0x4], $0x1, s15, s19, $0xb8;
	[tilespmem:$0x1D300] =	vst v63  }
0x209: {  	_ =	swait.ge [sflag:s23], $0x4000  }
0x20a: {  	[sflag:s23] =	ssyncset.done $0x0  }
0x20b: {  	s24 =	rddreg [dreg:$0xa];
	[sflag:s23] =	ssyncadd.s32 $0xFFFFC000  }
0x20c: {  	[tilespmem:s21], [sflag:$0x2] =	stream.indirect.gather [hbm4b:s0+s19], $0x80, s24, s19, $0xb8;
	[tilespmem:$0x1D300] =	vst v63  }
0x20d: {  	_ =	swait.ge [sflag:s22], $0x4000  }
0x20e: {  	[sflag:s22] =	ssyncset.done $0x0  }
0x20f: {  	s25 =	simm.s32 $0x900;
	[sflag:s22] =	ssyncadd.s32 $0xFFFFC000  }
0x210: {  	[spmem:s5] =	stream.indirect.scatter.add.f32 [tilespmem:s20], [sflag:$0x3], $0x80, s25, s19, $0xb8;
	[tilespmem:$0x1D300] =	vst v63  }
0x211: {  	_ = 	snop  }
0x212: {  	[spmem:s6] =	stream.indirect.scatter.add.f32 [tilespmem:s16], [sflag:$0x4], $0x1, s25, s19, $0xb8;
	[tilespmem:$0x1D300] =	vst v63  }
0x213: {  	_ =	swait.ge [sflag:s23], $0x4000  }
0x214: {  	[sflag:s23] =	ssyncset.done $0x0  }
0x215: {  	s14 =	rddreg [dreg:$0xb];
	[sflag:s23] =	ssyncadd.s32 $0xFFFFC000  }
0x216: {  	[tilespmem:s20], [sflag:$0x2] =	stream.indirect.gather [hbm4b:s0+s19], $0x80, s14, s19, $0xb8;
	[tilespmem:$0x1D300] =	vst v63  }
0x217: {  	_ =	swait.ge [sflag:s22], $0x4000  }
0x218: {  	[sflag:s22] =	ssyncset.done $0x0  }
0x219: {  	[sflag:s22] =	ssyncadd.s32 $0xFFFFC000  }
0x21a: {  	[spmem:s5] =	stream.indirect.scatter.add.f32 [tilespmem:s21], [sflag:$0x3], $0x80, s26, s19, $0xb8;
	[tilespmem:$0x1D300] =	vst v63  }
0x21b: {  	_ = 	snop  }
0x21c: {  	[spmem:s6] =	stream.indirect.scatter.add.f32 [tilespmem:s16], [sflag:$0x4], $0x1, s26, s19, $0xb8;
	[tilespmem:$0x1D300] =	vst v63  }
0x21d: {  	_ =	swait.ge [sflag:s23], $0x4000  }
0x21e: {  	[sflag:s23] =	ssyncset.done $0x0  }
0x21f: {  	s15 =	rddreg [dreg:$0xc];
	[sflag:s23] =	ssyncadd.s32 $0xFFFFC000  }
0x220: {  	[tilespmem:s21], [sflag:$0x2] =	stream.indirect.gather [hbm4b:s0+s19], $0x80, s15, s19, $0xb8;
	[tilespmem:$0x1D300] =	vst v63  }
0x221: {  	_ =	swait.ge [sflag:s22], $0x4000  }
0x222: {  	[sflag:s22] =	ssyncset.done $0x0  }
0x223: {  	[sflag:s22] =	ssyncadd.s32 $0xFFFFC000  }
0x224: {  	[spmem:s5] =	stream.indirect.scatter.add.f32 [tilespmem:s20], [sflag:$0x3], $0x80, s28, s19, $0xb8;
	[tilespmem:$0x1D300] =	vst v63  }
0x225: {  	_ = 	snop  }
0x226: {  	[spmem:s6] =	stream.indirect.scatter.add.f32 [tilespmem:s16], [sflag:$0x4], $0x1, s28, s19, $0xb8;
	[tilespmem:$0x1D300] =	vst v63  }
0x227: {  	_ =	swait.ge [sflag:s23], $0x4000  }
0x228: {  	[sflag:s23] =	ssyncset.done $0x0  }
0x229: {  	s24 =	rddreg [dreg:$0xd];
	[sflag:s23] =	ssyncadd.s32 $0xFFFFC000  }
0x22a: {  	[tilespmem:s20], [sflag:$0x2] =	stream.indirect.gather [hbm4b:s0+s19], $0x80, s24, s19, $0xb8;
	[tilespmem:$0x1D300] =	vst v63  }
0x22b: {  	_ =	swait.ge [sflag:s22], $0x4000  }
0x22c: {  	[sflag:s22] =	ssyncset.done $0x0  }
0x22d: {  	[sflag:s22] =	ssyncadd.s32 $0xFFFFC000  }
0x22e: {  	[spmem:s5] =	stream.indirect.scatter.add.f32 [tilespmem:s21], [sflag:$0x3], $0x80, s29, s19, $0xb8;
	[tilespmem:$0x1D300] =	vst v63  }
0x22f: {  	_ = 	snop  }
0x230: {  	[spmem:s6] =	stream.indirect.scatter.add.f32 [tilespmem:s16], [sflag:$0x4], $0x1, s29, s19, $0xb8;
	[tilespmem:$0x1D300] =	vst v63  }
0x231: {  	_ =	swait.ge [sflag:s23], $0x4000  }
0x232: {  	[sflag:s23] =	ssyncset.done $0x0  }
0x233: {  	s25 =	rddreg [dreg:$0xe];
	[sflag:s23] =	ssyncadd.s32 $0xFFFFC000  }
0x234: {  	[tilespmem:s21], [sflag:$0x2] =	stream.indirect.gather [hbm4b:s0+s19], $0x80, s25, s19, $0xb8;
	[tilespmem:$0x1D300] =	vst v63  }
0x235: {  	_ =	swait.ge [sflag:s22], $0x4000  }
0x236: {  	[sflag:s22] =	ssyncset.done $0x0  }
0x237: {  	[sflag:s22] =	ssyncadd.s32 $0xFFFFC000  }
0x238: {  	[spmem:s5] =	stream.indirect.scatter.add.f32 [tilespmem:s20], [sflag:$0x3], $0x80, s30, s19, $0xb8;
	[tilespmem:$0x1D300] =	vst v63  }
0x239: {  	_ = 	snop  }
0x23a: {  	[spmem:s6] =	stream.indirect.scatter.add.f32 [tilespmem:s16], [sflag:$0x4], $0x1, s30, s19, $0xb8;
	[tilespmem:$0x1D300] =	vst v63  }
0x23b: {  	_ =	swait.ge [sflag:s23], $0x4000  }
0x23c: {  	[sflag:s23] =	ssyncset.done $0x0  }
0x23d: {  	s14 =	rddreg [dreg:$0xf];
	[sflag:s23] =	ssyncadd.s32 $0xFFFFC000  }
0x23e: {  	[tilespmem:s20], [sflag:$0x2] =	stream.indirect.gather [hbm4b:s0+s19], $0x80, s14, s19, $0xb8;
	[tilespmem:$0x1D300] =	vst v63  }
0x23f: {  	_ =	swait.ge [sflag:s22], $0x4000  }
0x240: {  	[sflag:s22] =	ssyncset.done $0x0  }
0x241: {  	[sflag:s22] =	ssyncadd.s32 $0xFFFFC000  }
0x242: {  	[spmem:s5] =	stream.indirect.scatter.add.f32 [tilespmem:s21], [sflag:$0x3], $0x80, s31, s19, $0xb8;
	[tilespmem:$0x1D300] =	vst v63  }
0x243: {  	_ = 	snop  }
0x244: {  	[spmem:s6] =	stream.indirect.scatter.add.f32 [tilespmem:s16], [sflag:$0x4], $0x1, s31, s19, $0xb8;
	[tilespmem:$0x1D300] =	vst v63  }
0x245: {  	_ =	swait.ge [sflag:s23], $0x4000  }
0x246: {  	[sflag:s23] =	ssyncset.done $0x0  }
0x247: {  	s15 =	rddreg [dreg:$0x10];
	[sflag:s23] =	ssyncadd.s32 $0xFFFFC000  }
0x248: {  	[tilespmem:s21], [sflag:$0x2] =	stream.indirect.gather [hbm4b:s0+s19], $0x80, s15, s19, $0xb8;
	[tilespmem:$0x1D300] =	vst v63  }
0x249: {  	_ =	swait.ge [sflag:s22], $0x4000  }
0x24a: {  	[sflag:s22] =	ssyncset.done $0x0  }
0x24b: {  	[sflag:s22] =	ssyncadd.s32 $0xFFFFC000  }
0x24c: {  	[spmem:s5] =	stream.indirect.scatter.add.f32 [tilespmem:s20], [sflag:$0x3], $0x80, s4, s19, $0xb8;
	[tilespmem:$0x1D300] =	vst v63  }
0x24d: {  	_ = 	snop  }
0x24e: {  	[spmem:s6] =	stream.indirect.scatter.add.f32 [tilespmem:s16], [sflag:$0x4], $0x1, s4, s19, $0xb8;
	[tilespmem:$0x1D300] =	vst v63  }
0x24f: {  	_ =	swait.ge [sflag:s23], $0x4000  }
0x250: {  	[sflag:s23] =	ssyncset.done $0x0  }
0x251: {  	s24 =	rddreg [dreg:$0x11];
	[sflag:s23] =	ssyncadd.s32 $0xFFFFC000  }
0x252: {  	[tilespmem:s20], [sflag:$0x2] =	stream.indirect.gather [hbm4b:s0+s19], $0x80, s24, s19, $0xb8;
	[tilespmem:$0x1D300] =	vst v63  }
0x253: {  	_ =	swait.ge [sflag:s22], $0x4000  }
0x254: {  	[sflag:s22] =	ssyncset.done $0x0  }
0x255: {  	[sflag:s22] =	ssyncadd.s32 $0xFFFFC000  }
0x256: {  	[spmem:s5] =	stream.indirect.scatter.add.f32 [tilespmem:s21], [sflag:$0x3], $0x80, s1, s19, $0xb8;
	[tilespmem:$0x1D300] =	vst v63  }
0x257: {  	_ = 	snop  }
0x258: {  	[spmem:s6] =	stream.indirect.scatter.add.f32 [tilespmem:s16], [sflag:$0x4], $0x1, s1, s19, $0xb8;
	[tilespmem:$0x1D300] =	vst v63  }
0x259: {  	_ =	swait.ge [sflag:s23], $0x4000  }
0x25a: {  	[sflag:s23] =	ssyncset.done $0x0  }
0x25b: {  	s25 =	rddreg [dreg:$0x12];
	[sflag:s23] =	ssyncadd.s32 $0xFFFFC000  }
0x25c: {  	[tilespmem:s21], [sflag:$0x2] =	stream.indirect.gather [hbm4b:s0+s19], $0x80, s25, s19, $0xb8;
	[tilespmem:$0x1D300] =	vst v63  }
0x25d: {  	_ =	swait.ge [sflag:s22], $0x4000  }
0x25e: {  	[sflag:s22] =	ssyncset.done $0x0  }
0x25f: {  	[sflag:s22] =	ssyncadd.s32 $0xFFFFC000  }
0x260: {  	[spmem:s5] =	stream.indirect.scatter.add.f32 [tilespmem:s20], [sflag:$0x3], $0x80, s2, s19, $0xb8;
	[tilespmem:$0x1D300] =	vst v63  }
0x261: {  	_ = 	snop  }
0x262: {  	[spmem:s6] =	stream.indirect.scatter.add.f32 [tilespmem:s16], [sflag:$0x4], $0x1, s2, s19, $0xb8;
	[tilespmem:$0x1D300] =	vst v63  }
0x263: {  	_ =	swait.ge [sflag:s23], $0x4000  }
0x264: {  	[sflag:s23] =	ssyncset.done $0x0  }
0x265: {  	s14 =	rddreg [dreg:$0x13];
	[sflag:s23] =	ssyncadd.s32 $0xFFFFC000  }
0x266: {  	[tilespmem:s20], [sflag:$0x2] =	stream.indirect.gather [hbm4b:s0+s19], $0x80, s14, s19, $0xb8;
	[tilespmem:$0x1D300] =	vst v63  }
0x267: {  	_ =	swait.ge [sflag:s22], $0x4000  }
0x268: {  	[sflag:s22] =	ssyncset.done $0x0  }
0x269: {  	[sflag:s22] =	ssyncadd.s32 $0xFFFFC000  }
0x26a: {  	[spmem:s5] =	stream.indirect.scatter.add.f32 [tilespmem:s21], [sflag:$0x3], $0x80, s3, s19, $0xb8;
	[tilespmem:$0x1D300] =	vst v63  }
0x26b: {  	_ = 	snop  }
0x26c: {  	[spmem:s6] =	stream.indirect.scatter.add.f32 [tilespmem:s16], [sflag:$0x4], $0x1, s3, s19, $0xb8;
	[tilespmem:$0x1D300] =	vst v63  }
0x26d: {  	_ =	swait.ge [sflag:s23], $0x4000  }
0x26e: {  	[sflag:s23] =	ssyncset.done $0x0  }
0x26f: {  	s15 =	rddreg [dreg:$0x14];
	[sflag:s23] =	ssyncadd.s32 $0xFFFFC000  }
0x270: {  	[tilespmem:s21], [sflag:$0x2] =	stream.indirect.gather [hbm4b:s0+s19], $0x80, s15, s19, $0xb8;
	[tilespmem:$0x1D300] =	vst v63  }
0x271: {  	_ =	swait.ge [sflag:s22], $0x4000  }
0x272: {  	[sflag:s22] =	ssyncset.done $0x0  }
0x273: {  	[sflag:s22] =	ssyncadd.s32 $0xFFFFC000  }
0x274: {  	[spmem:s5] =	stream.indirect.scatter.add.f32 [tilespmem:s20], [sflag:$0x3], $0x80, s8, s19, $0xb8;
	[tilespmem:$0x1D300] =	vst v63  }
0x275: {  	_ = 	snop  }
0x276: {  	[spmem:s6] =	stream.indirect.scatter.add.f32 [tilespmem:s16], [sflag:$0x4], $0x1, s8, s19, $0xb8;
	[tilespmem:$0x1D300] =	vst v63  }
0x277: {  	_ =	swait.ge [sflag:s23], $0x4000  }
0x278: {  	[sflag:s23] =	ssyncset.done $0x0  }
0x279: {  	s24 =	rddreg [dreg:$0x15];
	[sflag:s23] =	ssyncadd.s32 $0xFFFFC000  }
0x27a: {  	[tilespmem:s20], [sflag:$0x2] =	stream.indirect.gather [hbm4b:s0+s19], $0x80, s24, s19, $0xb8;
	[tilespmem:$0x1D300] =	vst v63  }
0x27b: {  	_ =	swait.ge [sflag:s22], $0x4000  }
0x27c: {  	[sflag:s22] =	ssyncset.done $0x0  }
0x27d: {  	[sflag:s22] =	ssyncadd.s32 $0xFFFFC000  }
0x27e: {  	[spmem:s5] =	stream.indirect.scatter.add.f32 [tilespmem:s21], [sflag:$0x3], $0x80, s10, s19, $0xb8;
	[tilespmem:$0x1D300] =	vst v63  }
0x27f: {  	_ = 	snop  }
0x280: {  	[spmem:s6] =	stream.indirect.scatter.add.f32 [tilespmem:s16], [sflag:$0x4], $0x1, s10, s19, $0xb8;
	[tilespmem:$0x1D300] =	vst v63  }
0x281: {  	_ =	swait.ge [sflag:s23], $0x4000  }
0x282: {  	[sflag:s23] =	ssyncset.done $0x0  }
0x283: {  	s25 =	rddreg [dreg:$0x16];
	[sflag:s23] =	ssyncadd.s32 $0xFFFFC000  }
0x284: {  	[tilespmem:s21], [sflag:$0x2] =	stream.indirect.gather [hbm4b:s0+s19], $0x80, s25, s19, $0xb8;
	[tilespmem:$0x1D300] =	vst v63  }
0x285: {  	_ =	swait.ge [sflag:s22], $0x4000  }
0x286: {  	[sflag:s22] =	ssyncset.done $0x0  }
0x287: {  	[sflag:s22] =	ssyncadd.s32 $0xFFFFC000  }
0x288: {  	[spmem:s5] =	stream.indirect.scatter.add.f32 [tilespmem:s20], [sflag:$0x3], $0x80, s11, s19, $0xb8;
	[tilespmem:$0x1D300] =	vst v63  }
0x289: {  	_ = 	snop  }
0x28a: {  	[spmem:s6] =	stream.indirect.scatter.add.f32 [tilespmem:s16], [sflag:$0x4], $0x1, s11, s19, $0xb8;
	[tilespmem:$0x1D300] =	vst v63  }
0x28b: {  	_ =	swait.ge [sflag:s23], $0x4000  }
0x28c: {  	[sflag:s23] =	ssyncset.done $0x0  }
0x28d: {  	[sflag:s23] =	ssyncadd.s32 $0xFFFFC000  }
0x28e: {  	_ =	swait.ge [sflag:s22], $0x4000  }
0x28f: {  	[sflag:s22] =	ssyncset.done $0x0  }
0x290: {  	[sflag:s22] =	ssyncadd.s32 $0xFFFFC000  }
0x291: {  	[spmem:s5] =	stream.indirect.scatter.add.f32 [tilespmem:s21], [sflag:$0x3], $0x80, s12, s19, $0xb8;
	[tilespmem:$0x1D300] =	vst v63  }
0x292: {  	_ = 	snop  }
0x293: {  	[spmem:s6] =	stream.indirect.scatter.add.f32 [tilespmem:s16], [sflag:$0x4], $0x1, s12, s19, $0xb8;
	[tilespmem:$0x1D300] =	vst v63  }
0x294: {  	_ =	swait.ge [sflag:s23], $0x4000  }
0x295: {  	[sflag:s23] =	ssyncset.done $0x0  }
0x296: {  	[sflag:s23] =	ssyncadd.s32 $0xFFFFC000  }
0x297: {  	_ =	swait.ge [sflag:s13], $0x80  }
0x298: {  	[sflag:s13] =	ssyncset.done $0x0  }
0x299: {  	[sflag:s13] =	ssyncadd.s32 $0xFFFFFF80  }
0x29a: {  	_ =	swait.ge [sflag:s13], $0x80  }
0x29b: {  	[sflag:s13] =	ssyncset.done $0x0  }
0x29c: {  	[sflag:s13] =	ssyncadd.s32 $0xFFFFFF80  }
0x29d: {  	_ =	swait.ge [sflag:s13], $0x80  }
0x29e: {  	[sflag:s13] =	ssyncset.done $0x0  }
0x29f: {  	[sflag:s13] =	ssyncadd.s32 $0xFFFFFF80  }
0x2a0: {  	_ =	swait.ge [sflag:s13], $0x80  }
0x2a1: {  	[sflag:s13] =	ssyncset.done $0x0  }
0x2a2: {  	[sflag:s13] =	ssyncadd.s32 $0xFFFFFF80  }
0x2a3: {  	_ =	swait.ge [sflag:s13], $0x80  }
0x2a4: {  	[sflag:s13] =	ssyncset.done $0x0  }
0x2a5: {  	[sflag:s13] =	ssyncadd.s32 $0xFFFFFF80  }
0x2a6: {  	_ =	swait.ge [sflag:s13], $0x80  }
0x2a7: {  	[sflag:s13] =	ssyncset.done $0x0  }
0x2a8: {  	[sflag:s13] =	ssyncadd.s32 $0xFFFFFF80  }
0x2a9: {  	_ =	swait.ge [sflag:s13], $0x80  }
0x2aa: {  	[sflag:s13] =	ssyncset.done $0x0  }
0x2ab: {  	[sflag:s13] =	ssyncadd.s32 $0xFFFFFF80  }
0x2ac: {  	_ =	swait.ge [sflag:s13], $0x80  }
0x2ad: {  	[sflag:s13] =	ssyncset.done $0x0  }
0x2ae: {  	[sflag:s13] =	ssyncadd.s32 $0xFFFFFF80  }
0x2af: {  	_ =	swait.ge [sflag:s13], $0x80  }
0x2b0: {  	[sflag:s13] =	ssyncset.done $0x0  }
0x2b1: {  	[sflag:s13] =	ssyncadd.s32 $0xFFFFFF80  }
0x2b2: {  	_ =	swait.ge [sflag:s13], $0x80  }
0x2b3: {  	[sflag:s13] =	ssyncset.done $0x0  }
0x2b4: {  	[sflag:s13] =	ssyncadd.s32 $0xFFFFFF80  }
0x2b5: {  	_ =	swait.ge [sflag:s13], $0x80  }
0x2b6: {  	[sflag:s13] =	ssyncset.done $0x0  }
0x2b7: {  	[sflag:s13] =	ssyncadd.s32 $0xFFFFFF80  }
0x2b8: {  	_ =	swait.ge [sflag:s13], $0x80  }
0x2b9: {  	[sflag:s13] =	ssyncset.done $0x0  }
0x2ba: {  	[sflag:s13] =	ssyncadd.s32 $0xFFFFFF80  }
0x2bb: {  	_ =	swait.ge [sflag:s13], $0x80  }
0x2bc: {  	[sflag:s13] =	ssyncset.done $0x0  }
0x2bd: {  	[sflag:s13] =	ssyncadd.s32 $0xFFFFFF80  }
0x2be: {  	_ =	swait.ge [sflag:s13], $0x80  }
0x2bf: {  	[sflag:s13] =	ssyncset.done $0x0  }
0x2c0: {  	[sflag:s13] =	ssyncadd.s32 $0xFFFFFF80  }
0x2c1: {  	_ =	swait.ge [sflag:s13], $0x80  }
0x2c2: {  	[sflag:s13] =	ssyncset.done $0x0  }
0x2c3: {  	[sflag:s13] =	ssyncadd.s32 $0xFFFFFF80  }
0x2c4: {  	_ =	swait.ge [sflag:s13], $0x80  }
0x2c5: {  	[sflag:s13] =	ssyncset.done $0x0  }
0x2c6: {  	[sflag:s13] =	ssyncadd.s32 $0xFFFFFF80  }
0x2c7: {  	[bflag:$0x0] =	sbarrier.arrive $0xFFFF  }
0x2c8: {  	s9 =	rddreg [dreg:$0x18]  }
0x2c9: {  	s15 =	rddreg [dreg:$0x19]  }
0x2ca: {  	s25 =	simm.s32 $0x5;
	s24 =	rddreg [dreg:$0x1c]  }
0x2cb: {  	[hbm:s15], [sflag:s9] =	dma.local [spmem:s24], $0x2800  }
0x2cc: {  	_ =	swait.ge [sflag:s25], $0x2800  }
0x2cd: {  	s9 =	rddreg [dreg:$0x1a]  }
0x2ce: {  	s15 =	simm.s32 $0x20;
	[sflag:s25] =	ssyncset.done $0x0;
	s24 =	rddreg [dreg:$0x1d]  }
0x2cf: {  	s14 =	rddreg [dreg:$0x18];
	[sflag:s25] =	ssyncadd.s32 $0xFFFFD800;
	s25 =	simm.s32 $0x10  }
0x2d0: {  	[hbm:s9@s15], [sflag:s14] =	dma.strided [spmem:s24@s25], $0x50, s18, $0x10   }
0x2d1: {  	s14 =	simm.s32 $0x5;
	s25 =	rddreg [dreg:$0x1c]  }
0x2d2: {  	s24 =	rddreg [dreg:$0x18];
	_ =	swait.ge [sflag:s14], $0x50  }
0x2d3: {  	s9 =	rddreg [dreg:$0x1e]  }
0x2d4: {  	s15 =	sadd.s32 $0x1, s9;
	s9 =	rddreg [dreg:$0x1b]  }
0x2d5: {  	p0 =	sne.s32 s15, s9  }
.Ltmp1:
0x2d6: {  	_ = 	snop;
	(pc) =	sbr.rel @p0 .LBB2_1-.Ltmp1, $3  }
0x2d7: {  	_ =	sdelay $0x1  }
0x2d8: {  	[sflag:s14] =	ssyncset.done $0x0  }
0x2d9: {  	[sflag:s14] =	ssyncadd.s32 $0xFFFFFFB0  }
0x2da: {  	_ =	sfence.sel $0x180000  }
0x2db: {  	[bflag:$0x0] =	sbarrier.arrive $0xFFFF  }
0x2dc: {  	_ =	strace $0x90000047  }
0x2dd: {  	s0 =	stileid.u32;
	[bflag:$0x2] =	sbarrier.arrive $0xFFFF  }
0x2de: {  	p0 =	sne.s32 s0, $0x0;
	s0 =	rddreg [dreg:$0x6]  }
0x2df: {  	s0 =	sadd.s32 @!p0 $0x100000, s0  }
0x2e0: {  	[sflag:s0] =	ssyncadd.tile.s32 @!p0 $0x1;
	_ =	shalt  }
.Lfunc_end2:
_tile_overlayer_lowered:
.L_overlay_start_2:
0x2e1: {  	(tag) =	ssettag $0x2  }
0x2e2: {  	s0 =	rddreg [dreg:$0x0];
	s2 =	stileid.u32  }
0x2e3: {  	s1 =	rddreg [dreg:$0x1];
	p0 =	sne.s32 s2, $0x0  }
0x2e4: {  	s3 =	rddreg [dreg:$0x2];
	[bflag:$0x3] =	sbarrier.arrive $0xFFFF;
	s2 =	simm.s32 @!p0 $0x1C05  }
0x2e5: {  	[timem:s3], [sflag:s2] =	dma.local @!p0 [hbm:s0], s1  }
0x2e6: {  	s0 =	simm.s32 @!p0 $0x5  }
0x2e7: {  	_ =	swait.ge @!p0 [sflag:s0], s1  }
0x2e8: {  	s1 =	ssub.s32 @!p0 $0x0, s1;
	[sflag:s0] =	ssyncset.done @!p0 $0x0  }
0x2e9: {  	[sflag:s0] =	ssyncadd.s32 @!p0 s1  }
0x2ea: {  	[bflag:$0x3] =	sbarrier.arrive $0xFFFF  }
0x2eb: {  	_ =	shalt  }

// kernel: kernel.9.cloned.1.call-start
scs
__scs_entry_jumppad:
0x0: {  	(pc) =	sbr.rel $0x88, $3  }
0x1: {  	(tag) =	ssettag $0x0;
	lr =	simm.s32 $0x1  }
0x2: {  	[smem:$0x3F93] =	sst lr;
	_ =	strace $0xD0000000  }
0x3: {  	_ = 	snop  }
0x4: {  	_ = 	snop  }
0x5: {  	_ = 	snop  }
0x6: {  	_ = 	snop  }
0x7: {  	_ = 	snop  }
__scs_overlays_trampoline_lowered:
0x8: {  	[smem:$0x3FA2] =	sst s0  }
0x9: {  	[smem:$0x3FA3] =	sst s1  }
0xa: {  	[smem:$0x3FA4] =	sst s2  }
0xb: {  	[smem:$0x3FA5] =	sst s3  }
0xc: {  	[smem:$0x3FA6] =	sst s4  }
0xd: {  	[smem:$0x3FA7] =	sst s5  }
0xe: {  	[smem:$0x3FA8] =	sst s6  }
0xf: {  	[smem:$0x3FA9] =	sst s7  }
0x10: {  	[smem:$0x3FAA] =	sst s8  }
0x11: {  	[smem:$0x3FAB] =	sst s9;
	s0 =	simm.s32 @!p0 $0x0  }
0x12: {  	s1 =	sld [smem:$0x3F91];
	s0 =	simm.s32 @p0 $0x1  }
0x13: {  	[smem:$0x3FAC] =	sst s0;
	s0 =	simm.s32 @!p1 $0x0  }
0x14: {  	s2 =	sld [smem:$0x3F90];
	s0 =	simm.s32 @p1 $0x1  }
0x15: {  	[smem:$0x3FAD] =	sst s0;
	s0 =	simm.s32 @!p2 $0x0  }
0x16: {  	s3 =	sld [smem:$0x3FDB];
	s0 =	simm.s32 @p2 $0x1  }
0x17: {  	s4 =	simm.s32 $0x1BF5;
	[smem:$0x3FAF] =	sst s0  }
0x18: {  	s0 =	sld [smem:$0x3F92];
	_ =	swait.ge [sflag:s4], $0x0  }
0x19: {  	s7 =	sld [smem:$0x3F93]  }
0x1a: {  	s8 =	sadd.s32 $0xFFFFE003, lr  }
0x1b: {  	s9 =	sadd.s32 $0xFFFFFEF7, lr;
	s5 =	simm.s32 $0xFFFFFFFF;
	p2 =	slt.u32 s8, $0xFFFFF086  }
0x1c: {  	p1 =	slt.u32 s9, $0xF7A;
	s5 =	simm.s32 @!p2 $0x0  }
0x1d: {  	s5 =	simm.s32 @p1 $0x1;
	p0 =	seq.s32 s7, s2  }
0x1e: {  	s7 =	smul.u32 @!p0 $0xF7A, s2;
	p2 =	seq.s32 @!p0 s5, $0x0  }
0x1f: {  	s9 =	smul.u32 $0xF7A, s1;
	s8 =	simm.s32 @!p0 $0x1BF5;
	p2 =	por !p2, p0  }
0x20: {  	[sflag:s8] =	ssyncset.s32 @!p0 $0xFFFFF086;
	s6 =	sadd.s32 @!p0 s3, s7;
	s7 =	simm.s32 @!p0 $0x108  }
0x21: {  	s3 =	sadd.s32 s3, s9;
	s6 =	sadd.s32 @!p0 $0x88, s6;
	s7 =	simm.s32 @p2 $0x1082  }
0x22: {  	[simem:s7], [sflag:s8] =	dma.local @!p0 [hbm:s6], $0xF7A  }
0x23: {  	s9 =	sor.u32 $0xD0000000, s2;
	s6 =	simm.s32 $0x108;
	_ =	swait.ge @!p0 [sflag:s8], $0x0  }
0x24: {  	s3 =	sadd.s32 $0x88, s3;
	s6 =	simm.s32 @!p1 $0x1082;
	[sflag:s4] =	ssyncset.s32 $0xFFFFF086  }
0x25: {  	[simem:s6], [sflag:s4] =	dma.local [hbm:s3], $0xF7A  }
0x26: {  	[smem:$0x3F93] =	sst s1;
	(tag) =	ssettag s2;
	_ =	strace s9  }
0x27: {  	s1 =	sld [smem:$0x3FA3]  }
0x28: {  	s2 =	sld [smem:$0x3FA4]  }
0x29: {  	s4 =	sld [smem:$0x3FA6]  }
0x2a: {  	p0 =	seq.s32 s5, $0x0;
	s5 =	sld [smem:$0x3FA7]  }
0x2b: {  	s6 =	sld [smem:$0x3FA8]  }
0x2c: {  	s7 =	sld [smem:$0x3FA9]  }
0x2d: {  	s3 =	simm.s32 $0x108;
	s8 =	sld [smem:$0x3FAA]  }
0x2e: {  	s3 =	simm.s32 @!p0 $0x1082;
	s9 =	sld [smem:$0x3FAB]  }
0x2f: {  	lr =	sadd.s32 s0, s3;
	s0 =	sld [smem:$0x3FA2]  }
0x30: {  	s3 =	sld [smem:$0x3FA5]  }
0x31: {  	[smem:$0x3FAE] =	sst s10  }
0x32: {  	s10 =	sld [smem:$0x3FAC];
	_ =	sdelay $0x3  }
0x33: {  	p0 =	seq.s32 s10, $0x1;
	s10 =	sld [smem:$0x3FAE];
	_ =	sdelay $0x3  }
0x34: {  	[smem:$0x3FAE] =	sst s10  }
0x35: {  	s10 =	sld [smem:$0x3FAD];
	_ =	sdelay $0x3  }
0x36: {  	p1 =	seq.s32 s10, $0x1;
	s10 =	sld [smem:$0x3FAE];
	_ =	sdelay $0x3  }
0x37: {  	[smem:$0x3FAE] =	sst s10  }
0x38: {  	s10 =	sld [smem:$0x3FAF]  }
0x39: {  	_ = 	snop;
	(pc) =	sbr.ind lr, $3  }
0x3a: {  	_ = 	snop  }
0x3b: {  	_ = 	snop  }
0x3c: {  	p2 =	seq.s32 s10, $0x1;
	s10 =	sld [smem:$0x3FAE]  }
0x3d: {  	_ =	shalt  }
0x3e: {  	_ =	shalt  }
0x3f: {  	_ =	shalt  }
0x40: {  	_ =	shalt  }
0x41: {  	_ =	shalt  }
0x42: {  	_ =	shalt  }
0x43: {  	_ =	shalt  }
0x44: {  	_ =	shalt  }
0x45: {  	_ =	shalt  }
0x46: {  	_ =	shalt  }
0x47: {  	_ =	shalt  }
0x48: {  	_ =	shalt  }
0x49: {  	_ =	shalt  }
0x4a: {  	_ =	shalt  }
0x4b: {  	_ =	shalt  }
0x4c: {  	_ =	shalt  }
0x4d: {  	_ =	shalt  }
0x4e: {  	_ =	shalt  }
0x4f: {  	_ =	shalt  }
0x50: {  	_ =	shalt  }
0x51: {  	_ =	shalt  }
0x52: {  	_ =	shalt  }
0x53: {  	_ =	shalt  }
0x54: {  	_ =	shalt  }
0x55: {  	_ =	shalt  }
0x56: {  	_ =	shalt  }
0x57: {  	_ =	shalt  }
0x58: {  	_ =	shalt  }
0x59: {  	_ =	shalt  }
0x5a: {  	_ =	shalt  }
0x5b: {  	_ =	shalt  }
0x5c: {  	_ =	shalt  }
0x5d: {  	_ =	shalt  }
0x5e: {  	_ =	shalt  }
0x5f: {  	_ =	shalt  }
0x60: {  	_ =	shalt  }
0x61: {  	_ =	shalt  }
0x62: {  	_ =	shalt  }
0x63: {  	_ =	shalt  }
0x64: {  	_ =	shalt  }
0x65: {  	_ =	shalt  }
0x66: {  	_ =	shalt  }
0x67: {  	_ =	shalt  }
0x68: {  	_ =	shalt  }
0x69: {  	_ =	shalt  }
0x6a: {  	_ =	shalt  }
0x6b: {  	_ =	shalt  }
0x6c: {  	_ =	shalt  }
0x6d: {  	_ =	shalt  }
0x6e: {  	_ =	shalt  }
0x6f: {  	_ =	shalt  }
0x70: {  	_ =	shalt  }
0x71: {  	_ =	shalt  }
0x72: {  	_ =	shalt  }
0x73: {  	_ =	shalt  }
0x74: {  	_ =	shalt  }
0x75: {  	_ =	shalt  }
0x76: {  	_ =	shalt  }
0x77: {  	_ =	shalt  }
0x78: {  	_ =	shalt  }
0x79: {  	_ =	shalt  }
0x7a: {  	_ =	shalt  }
0x7b: {  	_ =	shalt  }
0x7c: {  	_ =	shalt  }
0x7d: {  	_ =	shalt  }
0x7e: {  	_ =	shalt  }
0x7f: {  	_ =	shalt  }
0x80: {  	_ =	shalt  }
0x81: {  	_ =	shalt  }
0x82: {  	_ =	shalt  }
0x83: {  	_ =	shalt  }
0x84: {  	_ =	shalt  }
0x85: {  	_ =	shalt  }
0x86: {  	_ =	shalt  }
0x87: {  	_ =	shalt  }
.Lfunc_end0:
.L_simem_size_0:
called_computation.1_lowered:
.L_overlay_start_0:
0x88: {  	s2 =	sld [smem:$0x3FD9]  }
0x89: {  	s3 =	sld [smem:$0x3FFE];
	_ =	sdelay $0x1  }
0x8a: {  	s1 =	srdreg.scid  }
0x8b: {  	s0 =	sand.u32 $0x1, s1  }
0x8c: {  	s16 =	sshll.u32 s0, $0xA;
	s2 =	sadd.s32 s3, s2  }
0x8d: {  	s2 =	sadd.s32 s2, s16  }
0x8e: {  	[smem:$0x3FBA] =	sst s2  }
0x8f: {  	_ = 	snop  }
0x90: {  	(tm) =	ssettm $0x1  }
0x91: {  	s17 =	sld [smem:$0x3FFB];
	_ =	sdelay $0x3  }
0x92: {  	_ =	strace s17  }
0x93: {  	s2 =	sld [smem:$0x3FFC];
	_ =	sdelay $0x3  }
0x94: {  	_ =	strace s2  }
0x95: {  	s2 =	sld [smem:$0x3FFD];
	_ =	sdelay $0x3  }
0x96: {  	_ =	strace s2  }
0x97: {  	_ =	strace $0x8FFFFFFF  }
0x98: {  	s18 =	sld [smem:$0x3FDB];
	_ =	sdelay $0x1  }
0x99: {  	s19 =	simm.s32 $_scs_section_size  }
0x9a: {  	s4 =	simm.s32 $_size__tile_overlayer_lowered;
	s5 =	simm.s32 $_tile_overlayer_lowered  }
0x9b: {  	s22 =	simm.s32 $0x1BFF;
	s21 =	sshll.u32 s5, $0x1;
	s2 =	sadd.s32 s19, s18  }
0x9c: {  	s6 =	simm.s32 $0x0;
	s20 =	sshll.u32 s4, $0x1;
	s4 =	sadd.s32 s21, s2  }
0x9d: {  	[timem:s6], [sflag:s22] =	dma.local [hbm:s4], s20  }
0x9e: {  	_ =	swait.ge [sflag:s22], s20  }
0x9f: {  	s3 =	ssub.s32 $0x0, s20;
	[sflag:s22] =	ssyncset.done $0x0  }
0xa0: {  	[sflag:s22] =	ssyncadd.s32 s3;
	_ =	sdelay $0x1  }
0xa1: {  	s23 =	simm.s32 $0x1B8B  }
0xa2: {  	_ =	swait.ge [sflag:s23], $0x1  }
0xa3: {  	[sflag:s23] =	ssyncset.done $0x0  }
0xa4: {  	s25 =	simm.s32 $0x1B8E;
	s24 =	sld [smem:$0x3FFE];
	[sflag:s23] =	ssyncadd.s32 $0xFFFFFFFF  }
0xa5: {  	s26 =	simm.s32 $execute0_lowered;
	[smem:$0x3FD2] =	sst s25  }
0xa6: {  	s4 =	sshll.u32 s26, $0x1;
	_ =	strace $0x80000049;
	[dreg:$0x1] =	wrdreg $0xFFFFFFFF  }
0xa7: {  	s28 =	simm.s32 $_size_execute0_lowered;
	s2 =	sadd.s32 s2, s4;
	[dreg:$0x0] =	wrdreg $0x0  }
0xa8: {  	s4 =	sshll.u32 s28, $0x1;
	[dreg:$0x2] =	wrdreg s2  }
0xa9: {  	[dreg:$0x3] =	wrdreg s4  }
0xaa: {  	[dreg:$0x4] =	wrdreg $0xC0  }
0xab: {  	_ =	task [dreg:s6], $0x5FFFF  }
0xac: {  	[dreg:$0x1] =	wrdreg $0xFFFFFFFF  }
0xad: {  	[dreg:$0x0] =	wrdreg $0x60  }
0xae: {  	[dreg:$0x2] =	wrdreg s24  }
0xaf: {  	[dreg:$0x3] =	wrdreg $0x90000  }
0xb0: {  	[dreg:$0x4] =	wrdreg $0x9  }
0xb1: {  	_ =	task.clear_ibuf [dreg:s6], $0x5FFFF;
	_ =	strace $0x90000049  }
0xb2: {  	s29 =	simm.s32 $0x9;
	_ =	strace $0x8000004B  }
0xb3: {  	_ =	swait.ge [sflag:s29], $0x1  }
0xb4: {  	[sflag:s29] =	ssyncadd.s32 $0xFFFFFFFF  }
0xb5: {  	_ =	strace $0x9000004B  }
0xb6: {  	_ =	sfence  }
0xb7: {  	s30 =	sld [smem:$0x0];
	_ =	sdelay $0x2  }
0xb8: {  	s31 =	sshll.u32 s1, $0xD;
	s1 =	sshrl.u32 s1, $0x2  }
0xb9: {  	s3 =	sand.u32 $0x4000, s31;
	s1 =	sadd.s32 s1, s30  }
0xba: {  	s0 =	sor.u32 s3, s0;
	s1 =	sshll.u32 s1, $0x11  }
0xbb: {  	s0 =	sor.u32 s1, s0  }
0xbc: {  	s0 =	sadd.s32 $0x8F2B, s0  }
0xbd: {  	[sflag:s0] =	ssyncadd.remote.s32 $0x1  }
0xbe: {  	_ =	sfence.sel $0xFFFF  }
0xbf: {  	[dreg:$0x0] =	wrdreg $0xFFFFFFFF;
	(pc) =	sbr.abs _section_cstart, $3  }
0xc0: {  	[dreg:$0x1] =	wrdreg $0xFFFFFFFF  }
0xc1: {  	_ =	task.clear_ibuf [dreg:s6], $0x2FFFF;
	_ =	strace $0x9FFFFFFF  }
0xc2: {  	(tm) =	ssettm $0x7FFFFFFF  }
0xc3: {  	_ =	shalt  }
tec
execute0_lowered:
.L_overlay_start_1:
0x0: {  	(tag) =	ssettag $0x1  }
0x1: {  	s0 =	srdreg.scid;
	s1 =	rddreg [dreg:$0x0]  }
0x2: {  	s9 =	stileid.u32;
	s2 =	rddreg [dreg:$0x1];
	s3 =	simm.s32 $0x0  }
0x3: {  	s14 =	simm.s32 $0x100;
	s16 =	simm.s32 $0x880;
	s17 =	simm.s32 $0x180  }
0x4: {  	s18 =	simm.s32 $0x900;
	[smem:$0x7FF] =	sst s3;
	s8 =	sadd.s32 $0x16C00, s1  }
0x5: {  	s19 =	simm.s32 $0x200;
	_ =	strace $0x8000004A;
	[dreg:$0x11] =	wrdreg s8  }
0x6: {  	s20 =	simm.s32 $0x980;
	s21 =	simm.s32 $0x280;
	[dreg:$0x5] =	wrdreg s14  }
0x7: {  	s22 =	simm.s32 $0xA00;
	s23 =	simm.s32 $0x300;
	[dreg:$0x6] =	wrdreg s16  }
0x8: {  	s28 =	simm.s32 $0xD80;
	s29 =	simm.s32 $0x680;
	[dreg:$0x7] =	wrdreg s17  }
0x9: {  	s30 =	simm.s32 $0xE00;
	s4 =	smul.u32 $0x5000, s9;
	[dreg:$0x8] =	wrdreg s18  }
0xa: {  	s31 =	simm.s32 $0x700;
	s7 =	smul.u32 $0x14000, s9;
	[dreg:$0x9] =	wrdreg s19  }
0xb: {  	s0 =	sand.u32 $0x1, s0;
	s26 =	smul.u32 $0x50000, s9;
	[dreg:$0xa] =	wrdreg s20  }
0xc: {  	s15 =	sshll.u32 s9, $0x6;
	s5 =	smul.u32 $0x2800, s0;
	[dreg:$0xb] =	wrdreg s21  }
0xd: {  	s24 =	smul.u32 $0x140000, s0;
	s0 =	ssub.s32 $0x2, s0;
	[dreg:$0xc] =	wrdreg s22  }
0xe: {  	s8 =	sor.u32 $0x1C04, s15;
	[dreg:$0xd] =	wrdreg s23;
	s14 =	simm.s32 $0x1000  }
0xf: {  	s15 =	simm.s32 $0x5000;
	s16 =	simm.s32 $0x2;
	s17 =	simm.s32 $0x3  }
0x10: {  	s19 =	simm.s32 $0xB80;
	s20 =	simm.s32 $0x480;
	s21 =	simm.s32 $0xC00  }
0x11: {  	s22 =	simm.s32 $0x500;
	s23 =	simm.s32 $0xC80;
	s18 =	simm.s32 $0x0  }
0x12: {  	s25 =	sshrl.u32 s0, $0x1;
	s11 =	sshrl.u32 s26, $0x2;
	s26 =	simm.s32 $0xB00  }
0x13: {  	[dreg:$0x12] =	wrdreg s8;
	s4 =	sadd.s32 s5, s4;
	s5 =	sadd.s32 s7, s24  }
0x14: {  	s0 =	ssub.s32 s0, s25;
	s13 =	sadd.s32 s11, s2;
	s11 =	simm.s32 $0x800  }
0x15: {  	s24 =	simm.s32 $0xA80;
	s25 =	simm.s32 $0x380;
	[dreg:$0x10] =	wrdreg s26  }
0x16: {  	s26 =	simm.s32 $0x600;
	s7 =	simm.s32 $0xF80;
	s6 =	sshrl.u32 s4, $0x3  }
0x17: {  	s4 =	sadd.s32 $0x19400, s1;
	s5 =	sshrl.u32 s5, $0x3;
	[dreg:$0xe] =	wrdreg s24  }
0x18: {  	s0 =	smax.u32 s0, $0x1;
	s9 =	sshrl.u32 s13, $0x3;
	[dreg:$0xf] =	wrdreg s25  }
0x19: {  	s13 =	simm.s32 $0x80;
	s6 =	sadd.s32 s6, s1;
	[dreg:$0x14] =	wrdreg s0  }
0x1a: {  	s24 =	simm.s32 $0x580;
	[dreg:$0x15] =	wrdreg s9;
	s10 =	sadd.s32 $0x2C00, s6  }
0x1b: {  	s1 =	sadd.s32 s5, s1;
	s12 =	sadd.s32 $0xCC00, s6;
	[dreg:$0x3] =	wrdreg s10  }
0x1c: {  	s25 =	simm.s32 $0xD00;
	s1 =	sadd.s32 $0xB9E00, s1;
	[dreg:$0x4] =	wrdreg s12  }
0x1d: {  	s0 =	simm.s32 $0x780;
	s5 =	simm.s32 $0xF00;
	[dreg:$0x13] =	wrdreg s1  }
0x1e: {  	s10 =	simm.s32 $0x4;
	s12 =	simm.s32 $0x1;
	s1 =	simm.s32 $0xE80  }
.LBB2_1:
0x1f: {  	[dreg:$0x16] =	wrdreg s18  }
0x20: {  	s6 =	rddreg [dreg:$0x11]  }
0x21: {  	[spmem:s9], [sflag:s8] =	dma.local [hbm:s6], $0x2800  }
0x22: {  	_ =	swait.ge [sflag:s10], $0x2800  }
0x23: {  	[sflag:s10] =	ssyncset.done $0x0  }
0x24: {  	[sflag:s10] =	ssyncadd.s32 $0xFFFFD800  }
0x25: {  	[bflag:$0x0] =	sbarrier.arrive $0xFFFF  }
0x26: {  	s18 =	rddreg [dreg:$0x4]  }
0x27: {  	s8 =	rddreg [dreg:$0x3];
	s6 =	sadd.s32 $0x0, s18  }
0x28: {  	[tilespmem:s3], [sflag:$0x1] =	stream.linear.gather [hbm4b:s6+s3], $0x800, $0x38;
	[tilespmem:$0x1D000] =	vst v63  }
0x29: {  	s10 =	sadd.s32 $0x0, s8  }
0x2a: {  	[tilespmem:s11], [sflag:$0x1] =	stream.linear.gather [hbm4b:s10+s3], $0x800, $0x38;
	[tilespmem:$0x1D000] =	vst v63  }
0x2b: {  	_ =	swait.ge [sflag:s12], $0x800  }
0x2c: {  	[sflag:s12] =	ssyncset.done $0x0  }
0x2d: {  	[sflag:s12] =	ssyncadd.s32 $0xFFFFF800  }
0x2e: {  	_ =	swait.ge [sflag:s12], $0x800  }
0x2f: {  	[sflag:s12] =	ssyncset.done $0x0  }
0x30: {  	[sflag:s12] =	ssyncadd.s32 $0xFFFFF800  }
0x31: {  	[tilespmem:s14], [sflag:$0x2] =	stream.indirect.gather [hbm4b:s4+s13], $0x80, s3, s13, $0xb8;
	[tilespmem:$0x1D000] =	vst v63  }
0x32: {  	_ = 	snop  }
0x33: {  	[tilespmem:s15], [sflag:$0x2] =	stream.indirect.gather [hbm4b:s4+s13], $0x80, s13, s13, $0xb8;
	[tilespmem:$0x1D000] =	vst v63  }
0x34: {  	_ =	swait.ge [sflag:s16], $0x4000  }
0x35: {  	[sflag:s16] =	ssyncset.done $0x0  }
0x36: {  	[sflag:s16] =	ssyncadd.s32 $0xFFFFC000  }
0x37: {  	[spmem:s2] =	stream.indirect.scatter.add.f32 [tilespmem:s14], [sflag:$0x3], $0x80, s11, s13, $0xb8;
	[tilespmem:$0x1D000] =	vst v63  }
0x38: {  	_ =	swait.ge [sflag:s17], $0x4000  }
0x39: {  	[sflag:s17] =	ssyncset.done $0x0  }
0x3a: {  	s18 =	rddreg [dreg:$0x5];
	[sflag:s17] =	ssyncadd.s32 $0xFFFFC000  }
0x3b: {  	[tilespmem:s14], [sflag:$0x2] =	stream.indirect.gather [hbm4b:s4+s13], $0x80, s18, s13, $0xb8;
	[tilespmem:$0x1D000] =	vst v63  }
0x3c: {  	_ =	swait.ge [sflag:s16], $0x4000  }
0x3d: {  	[sflag:s16] =	ssyncset.done $0x0  }
0x3e: {  	s8 =	rddreg [dreg:$0x6];
	[sflag:s16] =	ssyncadd.s32 $0xFFFFC000  }
0x3f: {  	[spmem:s2] =	stream.indirect.scatter.add.f32 [tilespmem:s15], [sflag:$0x3], $0x80, s8, s13, $0xb8;
	[tilespmem:$0x1D000] =	vst v63  }
0x40: {  	_ =	swait.ge [sflag:s17], $0x4000  }
0x41: {  	[sflag:s17] =	ssyncset.done $0x0  }
0x42: {  	s9 =	rddreg [dreg:$0x7];
	[sflag:s17] =	ssyncadd.s32 $0xFFFFC000  }
0x43: {  	[tilespmem:s15], [sflag:$0x2] =	stream.indirect.gather [hbm4b:s4+s13], $0x80, s9, s13, $0xb8;
	[tilespmem:$0x1D000] =	vst v63  }
0x44: {  	_ =	swait.ge [sflag:s16], $0x4000  }
0x45: {  	[sflag:s16] =	ssyncset.done $0x0  }
0x46: {  	s10 =	rddreg [dreg:$0x8];
	[sflag:s16] =	ssyncadd.s32 $0xFFFFC000  }
0x47: {  	[spmem:s2] =	stream.indirect.scatter.add.f32 [tilespmem:s14], [sflag:$0x3], $0x80, s10, s13, $0xb8;
	[tilespmem:$0x1D000] =	vst v63  }
0x48: {  	_ =	swait.ge [sflag:s17], $0x4000  }
0x49: {  	[sflag:s17] =	ssyncset.done $0x0  }
0x4a: {  	s18 =	rddreg [dreg:$0x9];
	[sflag:s17] =	ssyncadd.s32 $0xFFFFC000  }
0x4b: {  	[tilespmem:s14], [sflag:$0x2] =	stream.indirect.gather [hbm4b:s4+s13], $0x80, s18, s13, $0xb8;
	[tilespmem:$0x1D000] =	vst v63  }
0x4c: {  	_ =	swait.ge [sflag:s16], $0x4000  }
0x4d: {  	[sflag:s16] =	ssyncset.done $0x0  }
0x4e: {  	s8 =	rddreg [dreg:$0xa];
	[sflag:s16] =	ssyncadd.s32 $0xFFFFC000  }
0x4f: {  	[spmem:s2] =	stream.indirect.scatter.add.f32 [tilespmem:s15], [sflag:$0x3], $0x80, s8, s13, $0xb8;
	[tilespmem:$0x1D000] =	vst v63  }
0x50: {  	_ =	swait.ge [sflag:s17], $0x4000  }
0x51: {  	[sflag:s17] =	ssyncset.done $0x0  }
0x52: {  	s9 =	rddreg [dreg:$0xb];
	[sflag:s17] =	ssyncadd.s32 $0xFFFFC000  }
0x53: {  	[tilespmem:s15], [sflag:$0x2] =	stream.indirect.gather [hbm4b:s4+s13], $0x80, s9, s13, $0xb8;
	[tilespmem:$0x1D000] =	vst v63  }
0x54: {  	_ =	swait.ge [sflag:s16], $0x4000  }
0x55: {  	[sflag:s16] =	ssyncset.done $0x0  }
0x56: {  	s10 =	rddreg [dreg:$0xc];
	[sflag:s16] =	ssyncadd.s32 $0xFFFFC000  }
0x57: {  	[spmem:s2] =	stream.indirect.scatter.add.f32 [tilespmem:s14], [sflag:$0x3], $0x80, s10, s13, $0xb8;
	[tilespmem:$0x1D000] =	vst v63  }
0x58: {  	_ =	swait.ge [sflag:s17], $0x4000  }
0x59: {  	[sflag:s17] =	ssyncset.done $0x0  }
0x5a: {  	s18 =	rddreg [dreg:$0xd];
	[sflag:s17] =	ssyncadd.s32 $0xFFFFC000  }
0x5b: {  	[tilespmem:s14], [sflag:$0x2] =	stream.indirect.gather [hbm4b:s4+s13], $0x80, s18, s13, $0xb8;
	[tilespmem:$0x1D000] =	vst v63  }
0x5c: {  	_ =	swait.ge [sflag:s16], $0x4000  }
0x5d: {  	[sflag:s16] =	ssyncset.done $0x0  }
0x5e: {  	s8 =	rddreg [dreg:$0xe];
	[sflag:s16] =	ssyncadd.s32 $0xFFFFC000  }
0x5f: {  	[spmem:s2] =	stream.indirect.scatter.add.f32 [tilespmem:s15], [sflag:$0x3], $0x80, s8, s13, $0xb8;
	[tilespmem:$0x1D000] =	vst v63  }
0x60: {  	_ =	swait.ge [sflag:s17], $0x4000  }
0x61: {  	[sflag:s17] =	ssyncset.done $0x0  }
0x62: {  	s9 =	rddreg [dreg:$0xf];
	[sflag:s17] =	ssyncadd.s32 $0xFFFFC000  }
0x63: {  	[tilespmem:s15], [sflag:$0x2] =	stream.indirect.gather [hbm4b:s4+s13], $0x80, s9, s13, $0xb8;
	[tilespmem:$0x1D000] =	vst v63  }
0x64: {  	_ =	swait.ge [sflag:s16], $0x4000  }
0x65: {  	[sflag:s16] =	ssyncset.done $0x0  }
0x66: {  	s10 =	rddreg [dreg:$0x10];
	[sflag:s16] =	ssyncadd.s32 $0xFFFFC000  }
0x67: {  	[spmem:s2] =	stream.indirect.scatter.add.f32 [tilespmem:s14], [sflag:$0x3], $0x80, s10, s13, $0xb8;
	[tilespmem:$0x1D000] =	vst v63  }
0x68: {  	_ =	swait.ge [sflag:s17], $0x4000  }
0x69: {  	[sflag:s17] =	ssyncset.done $0x0  }
0x6a: {  	s18 =	simm.s32 $0x400;
	[sflag:s17] =	ssyncadd.s32 $0xFFFFC000  }
0x6b: {  	[tilespmem:s14], [sflag:$0x2] =	stream.indirect.gather [hbm4b:s4+s13], $0x80, s18, s13, $0xb8;
	[tilespmem:$0x1D000] =	vst v63  }
0x6c: {  	_ =	swait.ge [sflag:s16], $0x4000  }
0x6d: {  	[sflag:s16] =	ssyncset.done $0x0  }
0x6e: {  	[sflag:s16] =	ssyncadd.s32 $0xFFFFC000  }
0x6f: {  	[spmem:s2] =	stream.indirect.scatter.add.f32 [tilespmem:s15], [sflag:$0x3], $0x80, s19, s13, $0xb8;
	[tilespmem:$0x1D000] =	vst v63  }
0x70: {  	_ =	swait.ge [sflag:s17], $0x4000  }
0x71: {  	[sflag:s17] =	ssyncset.done $0x0  }
0x72: {  	[sflag:s17] =	ssyncadd.s32 $0xFFFFC000  }
0x73: {  	[tilespmem:s15], [sflag:$0x2] =	stream.indirect.gather [hbm4b:s4+s13], $0x80, s20, s13, $0xb8;
	[tilespmem:$0x1D000] =	vst v63  }
0x74: {  	_ =	swait.ge [sflag:s16], $0x4000  }
0x75: {  	[sflag:s16] =	ssyncset.done $0x0  }
0x76: {  	[sflag:s16] =	ssyncadd.s32 $0xFFFFC000  }
0x77: {  	[spmem:s2] =	stream.indirect.scatter.add.f32 [tilespmem:s14], [sflag:$0x3], $0x80, s21, s13, $0xb8;
	[tilespmem:$0x1D000] =	vst v63  }
0x78: {  	_ =	swait.ge [sflag:s17], $0x4000  }
0x79: {  	[sflag:s17] =	ssyncset.done $0x0  }
0x7a: {  	[sflag:s17] =	ssyncadd.s32 $0xFFFFC000  }
0x7b: {  	[tilespmem:s14], [sflag:$0x2] =	stream.indirect.gather [hbm4b:s4+s13], $0x80, s22, s13, $0xb8;
	[tilespmem:$0x1D000] =	vst v63  }
0x7c: {  	_ =	swait.ge [sflag:s16], $0x4000  }
0x7d: {  	[sflag:s16] =	ssyncset.done $0x0  }
0x7e: {  	[sflag:s16] =	ssyncadd.s32 $0xFFFFC000  }
0x7f: {  	[spmem:s2] =	stream.indirect.scatter.add.f32 [tilespmem:s15], [sflag:$0x3], $0x80, s23, s13, $0xb8;
	[tilespmem:$0x1D000] =	vst v63  }
0x80: {  	_ =	swait.ge [sflag:s17], $0x4000  }
0x81: {  	[sflag:s17] =	ssyncset.done $0x0  }
0x82: {  	[sflag:s17] =	ssyncadd.s32 $0xFFFFC000  }
0x83: {  	[tilespmem:s15], [sflag:$0x2] =	stream.indirect.gather [hbm4b:s4+s13], $0x80, s24, s13, $0xb8;
	[tilespmem:$0x1D000] =	vst v63  }
0x84: {  	_ =	swait.ge [sflag:s16], $0x4000  }
0x85: {  	[sflag:s16] =	ssyncset.done $0x0  }
0x86: {  	[sflag:s16] =	ssyncadd.s32 $0xFFFFC000  }
0x87: {  	[spmem:s2] =	stream.indirect.scatter.add.f32 [tilespmem:s14], [sflag:$0x3], $0x80, s25, s13, $0xb8;
	[tilespmem:$0x1D000] =	vst v63  }
0x88: {  	_ =	swait.ge [sflag:s17], $0x4000  }
0x89: {  	[sflag:s17] =	ssyncset.done $0x0  }
0x8a: {  	[sflag:s17] =	ssyncadd.s32 $0xFFFFC000  }
0x8b: {  	[tilespmem:s14], [sflag:$0x2] =	stream.indirect.gather [hbm4b:s4+s13], $0x80, s26, s13, $0xb8;
	[tilespmem:$0x1D000] =	vst v63  }
0x8c: {  	_ =	swait.ge [sflag:s16], $0x4000  }
0x8d: {  	[sflag:s16] =	ssyncset.done $0x0  }
0x8e: {  	[sflag:s16] =	ssyncadd.s32 $0xFFFFC000  }
0x8f: {  	[spmem:s2] =	stream.indirect.scatter.add.f32 [tilespmem:s15], [sflag:$0x3], $0x80, s28, s13, $0xb8;
	[tilespmem:$0x1D000] =	vst v63  }
0x90: {  	_ =	swait.ge [sflag:s17], $0x4000  }
0x91: {  	[sflag:s17] =	ssyncset.done $0x0  }
0x92: {  	[sflag:s17] =	ssyncadd.s32 $0xFFFFC000  }
0x93: {  	[tilespmem:s15], [sflag:$0x2] =	stream.indirect.gather [hbm4b:s4+s13], $0x80, s29, s13, $0xb8;
	[tilespmem:$0x1D000] =	vst v63  }
0x94: {  	_ =	swait.ge [sflag:s16], $0x4000  }
0x95: {  	[sflag:s16] =	ssyncset.done $0x0  }
0x96: {  	[sflag:s16] =	ssyncadd.s32 $0xFFFFC000  }
0x97: {  	[spmem:s2] =	stream.indirect.scatter.add.f32 [tilespmem:s14], [sflag:$0x3], $0x80, s30, s13, $0xb8;
	[tilespmem:$0x1D000] =	vst v63  }
0x98: {  	_ =	swait.ge [sflag:s17], $0x4000  }
0x99: {  	[sflag:s17] =	ssyncset.done $0x0  }
0x9a: {  	[sflag:s17] =	ssyncadd.s32 $0xFFFFC000  }
0x9b: {  	[tilespmem:s14], [sflag:$0x2] =	stream.indirect.gather [hbm4b:s4+s13], $0x80, s31, s13, $0xb8;
	[tilespmem:$0x1D000] =	vst v63  }
0x9c: {  	_ =	swait.ge [sflag:s16], $0x4000  }
0x9d: {  	[sflag:s16] =	ssyncset.done $0x0  }
0x9e: {  	[sflag:s16] =	ssyncadd.s32 $0xFFFFC000  }
0x9f: {  	[spmem:s2] =	stream.indirect.scatter.add.f32 [tilespmem:s15], [sflag:$0x3], $0x80, s1, s13, $0xb8;
	[tilespmem:$0x1D000] =	vst v63  }
0xa0: {  	_ =	swait.ge [sflag:s17], $0x4000  }
0xa1: {  	[sflag:s17] =	ssyncset.done $0x0  }
0xa2: {  	[sflag:s17] =	ssyncadd.s32 $0xFFFFC000  }
0xa3: {  	[tilespmem:s15], [sflag:$0x2] =	stream.indirect.gather [hbm4b:s4+s13], $0x80, s0, s13, $0xb8;
	[tilespmem:$0x1D000] =	vst v63  }
0xa4: {  	_ =	swait.ge [sflag:s16], $0x4000  }
0xa5: {  	[sflag:s16] =	ssyncset.done $0x0  }
0xa6: {  	[sflag:s16] =	ssyncadd.s32 $0xFFFFC000  }
0xa7: {  	[spmem:s2] =	stream.indirect.scatter.add.f32 [tilespmem:s14], [sflag:$0x3], $0x80, s5, s13, $0xb8;
	[tilespmem:$0x1D000] =	vst v63  }
0xa8: {  	_ =	swait.ge [sflag:s17], $0x4000  }
0xa9: {  	[sflag:s17] =	ssyncset.done $0x0  }
0xaa: {  	[sflag:s17] =	ssyncadd.s32 $0xFFFFC000  }
0xab: {  	_ =	swait.ge [sflag:s16], $0x4000  }
0xac: {  	[sflag:s16] =	ssyncset.done $0x0  }
0xad: {  	[sflag:s16] =	ssyncadd.s32 $0xFFFFC000  }
0xae: {  	[spmem:s2] =	stream.indirect.scatter.add.f32 [tilespmem:s15], [sflag:$0x3], $0x80, s7, s13, $0xb8;
	[tilespmem:$0x1D000] =	vst v63  }
0xaf: {  	s6 =	simm.s32 $0x100;
	_ =	swait.ge [sflag:s17], $0x4000  }
0xb0: {  	s9 =	simm.s32 $0x200;
	s10 =	rddreg [dreg:$0x4];
	[sflag:s17] =	ssyncset.done $0x0  }
.LBB2_2:
0xb1: {  	[sflag:s17] =	ssyncadd.s32 $0xFFFFC000;
	s18 =	rddreg [dreg:$0x3];
	s10 =	sadd.s32 s6, s10  }
0xb2: {  	[tilespmem:s3], [sflag:$0x1] =	stream.linear.gather [hbm4b:s10+s3], $0x800, $0x38;
	[tilespmem:$0x1D000] =	vst v63  }
0xb3: {  	s18 =	sadd.s32 s6, s18  }
0xb4: {  	[tilespmem:s11], [sflag:$0x1] =	stream.linear.gather [hbm4b:s18+s3], $0x800, $0x38;
	[tilespmem:$0x1D000] =	vst v63  }
0xb5: {  	_ =	swait.ge [sflag:s12], $0x800  }
0xb6: {  	[sflag:s12] =	ssyncset.done $0x0  }
0xb7: {  	[sflag:s12] =	ssyncadd.s32 $0xFFFFF800  }
0xb8: {  	_ =	swait.ge [sflag:s12], $0x800  }
0xb9: {  	[sflag:s12] =	ssyncset.done $0x0  }
0xba: {  	[sflag:s12] =	ssyncadd.s32 $0xFFFFF800  }
0xbb: {  	[tilespmem:s14], [sflag:$0x2] =	stream.indirect.gather [hbm4b:s4+s13], $0x80, s3, s13, $0xb8;
	[tilespmem:$0x1D000] =	vst v63  }
0xbc: {  	_ = 	snop  }
0xbd: {  	[tilespmem:s15], [sflag:$0x2] =	stream.indirect.gather [hbm4b:s4+s13], $0x80, s13, s13, $0xb8;
	[tilespmem:$0x1D000] =	vst v63  }
0xbe: {  	_ =	swait.ge [sflag:s16], $0x4000  }
0xbf: {  	[sflag:s16] =	ssyncset.done $0x0  }
0xc0: {  	[sflag:s16] =	ssyncadd.s32 $0xFFFFC000  }
0xc1: {  	[spmem:s2] =	stream.indirect.scatter.add.f32 [tilespmem:s14], [sflag:$0x3], $0x80, s11, s13, $0xb8;
	[tilespmem:$0x1D000] =	vst v63  }
0xc2: {  	_ =	swait.ge [sflag:s17], $0x4000  }
0xc3: {  	[sflag:s17] =	ssyncset.done $0x0  }
0xc4: {  	s18 =	rddreg [dreg:$0x5];
	[sflag:s17] =	ssyncadd.s32 $0xFFFFC000  }
0xc5: {  	[tilespmem:s14], [sflag:$0x2] =	stream.indirect.gather [hbm4b:s4+s13], $0x80, s18, s13, $0xb8;
	[tilespmem:$0x1D000] =	vst v63  }
0xc6: {  	_ =	swait.ge [sflag:s16], $0x4000  }
0xc7: {  	[sflag:s16] =	ssyncset.done $0x0  }
0xc8: {  	s10 =	rddreg [dreg:$0x6];
	[sflag:s16] =	ssyncadd.s32 $0xFFFFC000  }
0xc9: {  	[spmem:s2] =	stream.indirect.scatter.add.f32 [tilespmem:s15], [sflag:$0x3], $0x80, s10, s13, $0xb8;
	[tilespmem:$0x1D000] =	vst v63  }
0xca: {  	_ =	swait.ge [sflag:s17], $0x4000  }
0xcb: {  	[sflag:s17] =	ssyncset.done $0x0  }
0xcc: {  	s18 =	rddreg [dreg:$0x7];
	[sflag:s17] =	ssyncadd.s32 $0xFFFFC000  }
0xcd: {  	[tilespmem:s15], [sflag:$0x2] =	stream.indirect.gather [hbm4b:s4+s13], $0x80, s18, s13, $0xb8;
	[tilespmem:$0x1D000] =	vst v63  }
0xce: {  	_ =	swait.ge [sflag:s16], $0x4000  }
0xcf: {  	[sflag:s16] =	ssyncset.done $0x0  }
0xd0: {  	s10 =	rddreg [dreg:$0x8];
	[sflag:s16] =	ssyncadd.s32 $0xFFFFC000  }
0xd1: {  	[spmem:s2] =	stream.indirect.scatter.add.f32 [tilespmem:s14], [sflag:$0x3], $0x80, s10, s13, $0xb8;
	[tilespmem:$0x1D000] =	vst v63  }
0xd2: {  	_ =	swait.ge [sflag:s17], $0x4000  }
0xd3: {  	[sflag:s17] =	ssyncset.done $0x0  }
0xd4: {  	s18 =	rddreg [dreg:$0x9];
	[sflag:s17] =	ssyncadd.s32 $0xFFFFC000  }
0xd5: {  	[tilespmem:s14], [sflag:$0x2] =	stream.indirect.gather [hbm4b:s4+s13], $0x80, s18, s13, $0xb8;
	[tilespmem:$0x1D000] =	vst v63  }
0xd6: {  	_ =	swait.ge [sflag:s16], $0x4000  }
0xd7: {  	[sflag:s16] =	ssyncset.done $0x0  }
0xd8: {  	s10 =	rddreg [dreg:$0xa];
	[sflag:s16] =	ssyncadd.s32 $0xFFFFC000  }
0xd9: {  	[spmem:s2] =	stream.indirect.scatter.add.f32 [tilespmem:s15], [sflag:$0x3], $0x80, s10, s13, $0xb8;
	[tilespmem:$0x1D000] =	vst v63  }
0xda: {  	_ =	swait.ge [sflag:s17], $0x4000  }
0xdb: {  	[sflag:s17] =	ssyncset.done $0x0  }
0xdc: {  	s18 =	rddreg [dreg:$0xb];
	[sflag:s17] =	ssyncadd.s32 $0xFFFFC000  }
0xdd: {  	[tilespmem:s15], [sflag:$0x2] =	stream.indirect.gather [hbm4b:s4+s13], $0x80, s18, s13, $0xb8;
	[tilespmem:$0x1D000] =	vst v63  }
0xde: {  	_ =	swait.ge [sflag:s16], $0x4000  }
0xdf: {  	[sflag:s16] =	ssyncset.done $0x0  }
0xe0: {  	s10 =	rddreg [dreg:$0xc];
	[sflag:s16] =	ssyncadd.s32 $0xFFFFC000  }
0xe1: {  	[spmem:s2] =	stream.indirect.scatter.add.f32 [tilespmem:s14], [sflag:$0x3], $0x80, s10, s13, $0xb8;
	[tilespmem:$0x1D000] =	vst v63  }
0xe2: {  	_ =	swait.ge [sflag:s17], $0x4000  }
0xe3: {  	[sflag:s17] =	ssyncset.done $0x0  }
0xe4: {  	s18 =	rddreg [dreg:$0xd];
	[sflag:s17] =	ssyncadd.s32 $0xFFFFC000  }
0xe5: {  	[tilespmem:s14], [sflag:$0x2] =	stream.indirect.gather [hbm4b:s4+s13], $0x80, s18, s13, $0xb8;
	[tilespmem:$0x1D000] =	vst v63  }
0xe6: {  	_ =	swait.ge [sflag:s16], $0x4000  }
0xe7: {  	[sflag:s16] =	ssyncset.done $0x0  }
0xe8: {  	s10 =	rddreg [dreg:$0xe];
	[sflag:s16] =	ssyncadd.s32 $0xFFFFC000  }
0xe9: {  	[spmem:s2] =	stream.indirect.scatter.add.f32 [tilespmem:s15], [sflag:$0x3], $0x80, s10, s13, $0xb8;
	[tilespmem:$0x1D000] =	vst v63  }
0xea: {  	_ =	swait.ge [sflag:s17], $0x4000  }
0xeb: {  	[sflag:s17] =	ssyncset.done $0x0  }
0xec: {  	s18 =	rddreg [dreg:$0xf];
	[sflag:s17] =	ssyncadd.s32 $0xFFFFC000  }
0xed: {  	[tilespmem:s15], [sflag:$0x2] =	stream.indirect.gather [hbm4b:s4+s13], $0x80, s18, s13, $0xb8;
	[tilespmem:$0x1D000] =	vst v63  }
0xee: {  	_ =	swait.ge [sflag:s16], $0x4000  }
0xef: {  	[sflag:s16] =	ssyncset.done $0x0  }
0xf0: {  	s10 =	rddreg [dreg:$0x10];
	[sflag:s16] =	ssyncadd.s32 $0xFFFFC000  }
0xf1: {  	[spmem:s2] =	stream.indirect.scatter.add.f32 [tilespmem:s14], [sflag:$0x3], $0x80, s10, s13, $0xb8;
	[tilespmem:$0x1D000] =	vst v63  }
0xf2: {  	_ =	swait.ge [sflag:s17], $0x4000  }
0xf3: {  	[sflag:s17] =	ssyncset.done $0x0  }
0xf4: {  	s18 =	simm.s32 $0x400;
	[sflag:s17] =	ssyncadd.s32 $0xFFFFC000  }
0xf5: {  	[tilespmem:s14], [sflag:$0x2] =	stream.indirect.gather [hbm4b:s4+s13], $0x80, s18, s13, $0xb8;
	[tilespmem:$0x1D000] =	vst v63  }
0xf6: {  	_ =	swait.ge [sflag:s16], $0x4000  }
0xf7: {  	[sflag:s16] =	ssyncset.done $0x0  }
0xf8: {  	[sflag:s16] =	ssyncadd.s32 $0xFFFFC000  }
0xf9: {  	[spmem:s2] =	stream.indirect.scatter.add.f32 [tilespmem:s15], [sflag:$0x3], $0x80, s19, s13, $0xb8;
	[tilespmem:$0x1D000] =	vst v63  }
0xfa: {  	_ =	swait.ge [sflag:s17], $0x4000  }
0xfb: {  	[sflag:s17] =	ssyncset.done $0x0  }
0xfc: {  	[sflag:s17] =	ssyncadd.s32 $0xFFFFC000  }
0xfd: {  	[tilespmem:s15], [sflag:$0x2] =	stream.indirect.gather [hbm4b:s4+s13], $0x80, s20, s13, $0xb8;
	[tilespmem:$0x1D000] =	vst v63  }
0xfe: {  	_ =	swait.ge [sflag:s16], $0x4000  }
0xff: {  	[sflag:s16] =	ssyncset.done $0x0  }
0x100: {  	[sflag:s16] =	ssyncadd.s32 $0xFFFFC000  }
0x101: {  	[spmem:s2] =	stream.indirect.scatter.add.f32 [tilespmem:s14], [sflag:$0x3], $0x80, s21, s13, $0xb8;
	[tilespmem:$0x1D000] =	vst v63  }
0x102: {  	_ =	swait.ge [sflag:s17], $0x4000  }
0x103: {  	[sflag:s17] =	ssyncset.done $0x0  }
0x104: {  	[sflag:s17] =	ssyncadd.s32 $0xFFFFC000  }
0x105: {  	[tilespmem:s14], [sflag:$0x2] =	stream.indirect.gather [hbm4b:s4+s13], $0x80, s22, s13, $0xb8;
	[tilespmem:$0x1D000] =	vst v63  }
0x106: {  	_ =	swait.ge [sflag:s16], $0x4000  }
0x107: {  	[sflag:s16] =	ssyncset.done $0x0  }
0x108: {  	[sflag:s16] =	ssyncadd.s32 $0xFFFFC000  }
0x109: {  	[spmem:s2] =	stream.indirect.scatter.add.f32 [tilespmem:s15], [sflag:$0x3], $0x80, s23, s13, $0xb8;
	[tilespmem:$0x1D000] =	vst v63  }
0x10a: {  	_ =	swait.ge [sflag:s17], $0x4000  }
0x10b: {  	[sflag:s17] =	ssyncset.done $0x0  }
0x10c: {  	[sflag:s17] =	ssyncadd.s32 $0xFFFFC000  }
0x10d: {  	[tilespmem:s15], [sflag:$0x2] =	stream.indirect.gather [hbm4b:s4+s13], $0x80, s24, s13, $0xb8;
	[tilespmem:$0x1D000] =	vst v63  }
0x10e: {  	_ =	swait.ge [sflag:s16], $0x4000  }
0x10f: {  	[sflag:s16] =	ssyncset.done $0x0  }
0x110: {  	[sflag:s16] =	ssyncadd.s32 $0xFFFFC000  }
0x111: {  	[spmem:s2] =	stream.indirect.scatter.add.f32 [tilespmem:s14], [sflag:$0x3], $0x80, s25, s13, $0xb8;
	[tilespmem:$0x1D000] =	vst v63  }
0x112: {  	_ =	swait.ge [sflag:s17], $0x4000  }
0x113: {  	[sflag:s17] =	ssyncset.done $0x0  }
0x114: {  	[sflag:s17] =	ssyncadd.s32 $0xFFFFC000  }
0x115: {  	[tilespmem:s14], [sflag:$0x2] =	stream.indirect.gather [hbm4b:s4+s13], $0x80, s26, s13, $0xb8;
	[tilespmem:$0x1D000] =	vst v63  }
0x116: {  	_ =	swait.ge [sflag:s16], $0x4000  }
0x117: {  	[sflag:s16] =	ssyncset.done $0x0  }
0x118: {  	[sflag:s16] =	ssyncadd.s32 $0xFFFFC000  }
0x119: {  	[spmem:s2] =	stream.indirect.scatter.add.f32 [tilespmem:s15], [sflag:$0x3], $0x80, s28, s13, $0xb8;
	[tilespmem:$0x1D000] =	vst v63  }
0x11a: {  	_ =	swait.ge [sflag:s17], $0x4000  }
0x11b: {  	[sflag:s17] =	ssyncset.done $0x0  }
0x11c: {  	[sflag:s17] =	ssyncadd.s32 $0xFFFFC000  }
0x11d: {  	[tilespmem:s15], [sflag:$0x2] =	stream.indirect.gather [hbm4b:s4+s13], $0x80, s29, s13, $0xb8;
	[tilespmem:$0x1D000] =	vst v63  }
0x11e: {  	_ =	swait.ge [sflag:s16], $0x4000  }
0x11f: {  	[sflag:s16] =	ssyncset.done $0x0  }
0x120: {  	[sflag:s16] =	ssyncadd.s32 $0xFFFFC000  }
0x121: {  	[spmem:s2] =	stream.indirect.scatter.add.f32 [tilespmem:s14], [sflag:$0x3], $0x80, s30, s13, $0xb8;
	[tilespmem:$0x1D000] =	vst v63  }
0x122: {  	_ =	swait.ge [sflag:s17], $0x4000  }
0x123: {  	[sflag:s17] =	ssyncset.done $0x0  }
0x124: {  	[sflag:s17] =	ssyncadd.s32 $0xFFFFC000  }
0x125: {  	[tilespmem:s14], [sflag:$0x2] =	stream.indirect.gather [hbm4b:s4+s13], $0x80, s31, s13, $0xb8;
	[tilespmem:$0x1D000] =	vst v63  }
0x126: {  	_ =	swait.ge [sflag:s16], $0x4000  }
0x127: {  	[sflag:s16] =	ssyncset.done $0x0  }
0x128: {  	[sflag:s16] =	ssyncadd.s32 $0xFFFFC000  }
0x129: {  	[spmem:s2] =	stream.indirect.scatter.add.f32 [tilespmem:s15], [sflag:$0x3], $0x80, s1, s13, $0xb8;
	[tilespmem:$0x1D000] =	vst v63  }
0x12a: {  	_ =	swait.ge [sflag:s17], $0x4000  }
0x12b: {  	[sflag:s17] =	ssyncset.done $0x0  }
0x12c: {  	[sflag:s17] =	ssyncadd.s32 $0xFFFFC000  }
0x12d: {  	[tilespmem:s15], [sflag:$0x2] =	stream.indirect.gather [hbm4b:s4+s13], $0x80, s0, s13, $0xb8;
	[tilespmem:$0x1D000] =	vst v63  }
0x12e: {  	_ =	swait.ge [sflag:s16], $0x4000  }
0x12f: {  	[sflag:s16] =	ssyncset.done $0x0  }
0x130: {  	[sflag:s16] =	ssyncadd.s32 $0xFFFFC000  }
0x131: {  	[spmem:s2] =	stream.indirect.scatter.add.f32 [tilespmem:s14], [sflag:$0x3], $0x80, s5, s13, $0xb8;
	[tilespmem:$0x1D000] =	vst v63  }
0x132: {  	_ =	swait.ge [sflag:s17], $0x4000  }
0x133: {  	[sflag:s17] =	ssyncset.done $0x0  }
0x134: {  	[sflag:s17] =	ssyncadd.s32 $0xFFFFC000  }
0x135: {  	p0 =	sne.s32 s9, $0x400;
	_ =	swait.ge [sflag:s16], $0x4000  }
.Ltmp0:
0x136: {  	[sflag:s16] =	ssyncset.done $0x0;
	(pc) =	sbr.rel @p0 .LBB2_2-.Ltmp0, $4  }
0x137: {  	[sflag:s16] =	ssyncadd.s32 $0xFFFFC000  }
0x138: {  	[spmem:s2] =	stream.indirect.scatter.add.f32 [tilespmem:s15], [sflag:$0x3], $0x80, s7, s13, $0xb8;
	[tilespmem:$0x1D000] =	vst v63  }
0x139: {  	s8 =	smov.u32 s9;
	s9 =	sadd.s32 $0x100, s9;
	_ =	swait.ge [sflag:s17], $0x4000  }
0x13a: {  	s6 =	smov.u32 s8;
	s10 =	rddreg [dreg:$0x4];
	[sflag:s17] =	ssyncset.done $0x0  }
0x13b: {  	s8 =	rddreg [dreg:$0x3];
	[sflag:s17] =	ssyncadd.s32 $0xFFFFC000;
	s9 =	sadd.s32 s6, s10  }
0x13c: {  	[tilespmem:s3], [sflag:$0x1] =	stream.linear.gather [hbm4b:s9+s3], $0x800, $0x38;
	[tilespmem:$0x1D000] =	vst v63  }
0x13d: {  	s9 =	sadd.s32 s6, s8  }
0x13e: {  	[tilespmem:s11], [sflag:$0x1] =	stream.linear.gather [hbm4b:s9+s3], $0x800, $0x38;
	[tilespmem:$0x1D000] =	vst v63  }
0x13f: {  	_ =	swait.ge [sflag:s12], $0x800  }
0x140: {  	[sflag:s12] =	ssyncset.done $0x0  }
0x141: {  	[sflag:s12] =	ssyncadd.s32 $0xFFFFF800  }
0x142: {  	_ =	swait.ge [sflag:s12], $0x800  }
0x143: {  	[sflag:s12] =	ssyncset.done $0x0  }
0x144: {  	[sflag:s12] =	ssyncadd.s32 $0xFFFFF800  }
0x145: {  	[tilespmem:s14], [sflag:$0x2] =	stream.indirect.gather [hbm4b:s4+s13], $0x80, s3, s13, $0xb8;
	[tilespmem:$0x1D000] =	vst v63  }
0x146: {  	_ = 	snop  }
0x147: {  	[tilespmem:s15], [sflag:$0x2] =	stream.indirect.gather [hbm4b:s4+s13], $0x80, s13, s13, $0xb8;
	[tilespmem:$0x1D000] =	vst v63  }
0x148: {  	_ =	swait.ge [sflag:s16], $0x4000  }
0x149: {  	[sflag:s16] =	ssyncset.done $0x0  }
0x14a: {  	[sflag:s16] =	ssyncadd.s32 $0xFFFFC000  }
0x14b: {  	[spmem:s2] =	stream.indirect.scatter.add.f32 [tilespmem:s14], [sflag:$0x3], $0x80, s11, s13, $0xb8;
	[tilespmem:$0x1D000] =	vst v63  }
0x14c: {  	_ =	swait.ge [sflag:s17], $0x4000  }
0x14d: {  	[sflag:s17] =	ssyncset.done $0x0  }
0x14e: {  	s10 =	rddreg [dreg:$0x5];
	[sflag:s17] =	ssyncadd.s32 $0xFFFFC000  }
0x14f: {  	[tilespmem:s14], [sflag:$0x2] =	stream.indirect.gather [hbm4b:s4+s13], $0x80, s10, s13, $0xb8;
	[tilespmem:$0x1D000] =	vst v63  }
0x150: {  	_ =	swait.ge [sflag:s16], $0x4000  }
0x151: {  	[sflag:s16] =	ssyncset.done $0x0  }
0x152: {  	s18 =	rddreg [dreg:$0x6];
	[sflag:s16] =	ssyncadd.s32 $0xFFFFC000  }
0x153: {  	[spmem:s2] =	stream.indirect.scatter.add.f32 [tilespmem:s15], [sflag:$0x3], $0x80, s18, s13, $0xb8;
	[tilespmem:$0x1D000] =	vst v63  }
0x154: {  	_ =	swait.ge [sflag:s17], $0x4000  }
0x155: {  	[sflag:s17] =	ssyncset.done $0x0  }
0x156: {  	s8 =	rddreg [dreg:$0x7];
	[sflag:s17] =	ssyncadd.s32 $0xFFFFC000  }
0x157: {  	[tilespmem:s15], [sflag:$0x2] =	stream.indirect.gather [hbm4b:s4+s13], $0x80, s8, s13, $0xb8;
	[tilespmem:$0x1D000] =	vst v63  }
0x158: {  	_ =	swait.ge [sflag:s16], $0x4000  }
0x159: {  	[sflag:s16] =	ssyncset.done $0x0  }
0x15a: {  	s9 =	rddreg [dreg:$0x8];
	[sflag:s16] =	ssyncadd.s32 $0xFFFFC000  }
0x15b: {  	[spmem:s2] =	stream.indirect.scatter.add.f32 [tilespmem:s14], [sflag:$0x3], $0x80, s9, s13, $0xb8;
	[tilespmem:$0x1D000] =	vst v63  }
0x15c: {  	_ =	swait.ge [sflag:s17], $0x4000  }
0x15d: {  	[sflag:s17] =	ssyncset.done $0x0  }
0x15e: {  	s10 =	rddreg [dreg:$0x9];
	[sflag:s17] =	ssyncadd.s32 $0xFFFFC000  }
0x15f: {  	[tilespmem:s14], [sflag:$0x2] =	stream.indirect.gather [hbm4b:s4+s13], $0x80, s10, s13, $0xb8;
	[tilespmem:$0x1D000] =	vst v63  }
0x160: {  	_ =	swait.ge [sflag:s16], $0x4000  }
0x161: {  	[sflag:s16] =	ssyncset.done $0x0  }
0x162: {  	s18 =	rddreg [dreg:$0xa];
	[sflag:s16] =	ssyncadd.s32 $0xFFFFC000  }
0x163: {  	[spmem:s2] =	stream.indirect.scatter.add.f32 [tilespmem:s15], [sflag:$0x3], $0x80, s18, s13, $0xb8;
	[tilespmem:$0x1D000] =	vst v63  }
0x164: {  	_ =	swait.ge [sflag:s17], $0x4000  }
0x165: {  	[sflag:s17] =	ssyncset.done $0x0  }
0x166: {  	s8 =	rddreg [dreg:$0xb];
	[sflag:s17] =	ssyncadd.s32 $0xFFFFC000  }
0x167: {  	[tilespmem:s15], [sflag:$0x2] =	stream.indirect.gather [hbm4b:s4+s13], $0x80, s8, s13, $0xb8;
	[tilespmem:$0x1D000] =	vst v63  }
0x168: {  	_ =	swait.ge [sflag:s16], $0x4000  }
0x169: {  	[sflag:s16] =	ssyncset.done $0x0  }
0x16a: {  	s9 =	rddreg [dreg:$0xc];
	[sflag:s16] =	ssyncadd.s32 $0xFFFFC000  }
0x16b: {  	[spmem:s2] =	stream.indirect.scatter.add.f32 [tilespmem:s14], [sflag:$0x3], $0x80, s9, s13, $0xb8;
	[tilespmem:$0x1D000] =	vst v63  }
0x16c: {  	_ =	swait.ge [sflag:s17], $0x4000  }
0x16d: {  	[sflag:s17] =	ssyncset.done $0x0  }
0x16e: {  	s10 =	rddreg [dreg:$0xd];
	[sflag:s17] =	ssyncadd.s32 $0xFFFFC000  }
0x16f: {  	[tilespmem:s14], [sflag:$0x2] =	stream.indirect.gather [hbm4b:s4+s13], $0x80, s10, s13, $0xb8;
	[tilespmem:$0x1D000] =	vst v63  }
0x170: {  	_ =	swait.ge [sflag:s16], $0x4000  }
0x171: {  	[sflag:s16] =	ssyncset.done $0x0  }
0x172: {  	s18 =	rddreg [dreg:$0xe];
	[sflag:s16] =	ssyncadd.s32 $0xFFFFC000  }
0x173: {  	[spmem:s2] =	stream.indirect.scatter.add.f32 [tilespmem:s15], [sflag:$0x3], $0x80, s18, s13, $0xb8;
	[tilespmem:$0x1D000] =	vst v63  }
0x174: {  	_ =	swait.ge [sflag:s17], $0x4000  }
0x175: {  	[sflag:s17] =	ssyncset.done $0x0  }
0x176: {  	s8 =	rddreg [dreg:$0xf];
	[sflag:s17] =	ssyncadd.s32 $0xFFFFC000  }
0x177: {  	[tilespmem:s15], [sflag:$0x2] =	stream.indirect.gather [hbm4b:s4+s13], $0x80, s8, s13, $0xb8;
	[tilespmem:$0x1D000] =	vst v63  }
0x178: {  	_ =	swait.ge [sflag:s16], $0x4000  }
0x179: {  	[sflag:s16] =	ssyncset.done $0x0  }
0x17a: {  	s9 =	rddreg [dreg:$0x10];
	[sflag:s16] =	ssyncadd.s32 $0xFFFFC000  }
0x17b: {  	[spmem:s2] =	stream.indirect.scatter.add.f32 [tilespmem:s14], [sflag:$0x3], $0x80, s9, s13, $0xb8;
	[tilespmem:$0x1D000] =	vst v63  }
0x17c: {  	_ =	swait.ge [sflag:s17], $0x4000  }
0x17d: {  	[sflag:s17] =	ssyncset.done $0x0  }
0x17e: {  	s10 =	simm.s32 $0x400;
	[sflag:s17] =	ssyncadd.s32 $0xFFFFC000  }
0x17f: {  	[tilespmem:s14], [sflag:$0x2] =	stream.indirect.gather [hbm4b:s4+s13], $0x80, s10, s13, $0xb8;
	[tilespmem:$0x1D000] =	vst v63  }
0x180: {  	_ =	swait.ge [sflag:s16], $0x4000  }
0x181: {  	[sflag:s16] =	ssyncset.done $0x0  }
0x182: {  	[sflag:s16] =	ssyncadd.s32 $0xFFFFC000  }
0x183: {  	[spmem:s2] =	stream.indirect.scatter.add.f32 [tilespmem:s15], [sflag:$0x3], $0x80, s19, s13, $0xb8;
	[tilespmem:$0x1D000] =	vst v63  }
0x184: {  	_ =	swait.ge [sflag:s17], $0x4000  }
0x185: {  	[sflag:s17] =	ssyncset.done $0x0  }
0x186: {  	[sflag:s17] =	ssyncadd.s32 $0xFFFFC000  }
0x187: {  	[tilespmem:s15], [sflag:$0x2] =	stream.indirect.gather [hbm4b:s4+s13], $0x80, s20, s13, $0xb8;
	[tilespmem:$0x1D000] =	vst v63  }
0x188: {  	_ =	swait.ge [sflag:s16], $0x4000  }
0x189: {  	[sflag:s16] =	ssyncset.done $0x0  }
0x18a: {  	[sflag:s16] =	ssyncadd.s32 $0xFFFFC000  }
0x18b: {  	[spmem:s2] =	stream.indirect.scatter.add.f32 [tilespmem:s14], [sflag:$0x3], $0x80, s21, s13, $0xb8;
	[tilespmem:$0x1D000] =	vst v63  }
0x18c: {  	_ =	swait.ge [sflag:s17], $0x4000  }
0x18d: {  	[sflag:s17] =	ssyncset.done $0x0  }
0x18e: {  	[sflag:s17] =	ssyncadd.s32 $0xFFFFC000  }
0x18f: {  	[tilespmem:s14], [sflag:$0x2] =	stream.indirect.gather [hbm4b:s4+s13], $0x80, s22, s13, $0xb8;
	[tilespmem:$0x1D000] =	vst v63  }
0x190: {  	_ =	swait.ge [sflag:s16], $0x4000  }
0x191: {  	[sflag:s16] =	ssyncset.done $0x0  }
0x192: {  	[sflag:s16] =	ssyncadd.s32 $0xFFFFC000  }
0x193: {  	[spmem:s2] =	stream.indirect.scatter.add.f32 [tilespmem:s15], [sflag:$0x3], $0x80, s23, s13, $0xb8;
	[tilespmem:$0x1D000] =	vst v63  }
0x194: {  	_ =	swait.ge [sflag:s17], $0x4000  }
0x195: {  	[sflag:s17] =	ssyncset.done $0x0  }
0x196: {  	[sflag:s17] =	ssyncadd.s32 $0xFFFFC000  }
0x197: {  	[tilespmem:s15], [sflag:$0x2] =	stream.indirect.gather [hbm4b:s4+s13], $0x80, s24, s13, $0xb8;
	[tilespmem:$0x1D000] =	vst v63  }
0x198: {  	_ =	swait.ge [sflag:s16], $0x4000  }
0x199: {  	[sflag:s16] =	ssyncset.done $0x0  }
0x19a: {  	[sflag:s16] =	ssyncadd.s32 $0xFFFFC000  }
0x19b: {  	[spmem:s2] =	stream.indirect.scatter.add.f32 [tilespmem:s14], [sflag:$0x3], $0x80, s25, s13, $0xb8;
	[tilespmem:$0x1D000] =	vst v63  }
0x19c: {  	_ =	swait.ge [sflag:s17], $0x4000  }
0x19d: {  	[sflag:s17] =	ssyncset.done $0x0  }
0x19e: {  	[sflag:s17] =	ssyncadd.s32 $0xFFFFC000  }
0x19f: {  	[tilespmem:s14], [sflag:$0x2] =	stream.indirect.gather [hbm4b:s4+s13], $0x80, s26, s13, $0xb8;
	[tilespmem:$0x1D000] =	vst v63  }
0x1a0: {  	_ =	swait.ge [sflag:s16], $0x4000  }
0x1a1: {  	[sflag:s16] =	ssyncset.done $0x0  }
0x1a2: {  	[sflag:s16] =	ssyncadd.s32 $0xFFFFC000  }
0x1a3: {  	[spmem:s2] =	stream.indirect.scatter.add.f32 [tilespmem:s15], [sflag:$0x3], $0x80, s28, s13, $0xb8;
	[tilespmem:$0x1D000] =	vst v63  }
0x1a4: {  	_ =	swait.ge [sflag:s17], $0x4000  }
0x1a5: {  	[sflag:s17] =	ssyncset.done $0x0  }
0x1a6: {  	[sflag:s17] =	ssyncadd.s32 $0xFFFFC000  }
0x1a7: {  	[tilespmem:s15], [sflag:$0x2] =	stream.indirect.gather [hbm4b:s4+s13], $0x80, s29, s13, $0xb8;
	[tilespmem:$0x1D000] =	vst v63  }
0x1a8: {  	_ =	swait.ge [sflag:s16], $0x4000  }
0x1a9: {  	[sflag:s16] =	ssyncset.done $0x0  }
0x1aa: {  	[sflag:s16] =	ssyncadd.s32 $0xFFFFC000  }
0x1ab: {  	[spmem:s2] =	stream.indirect.scatter.add.f32 [tilespmem:s14], [sflag:$0x3], $0x80, s30, s13, $0xb8;
	[tilespmem:$0x1D000] =	vst v63  }
0x1ac: {  	_ =	swait.ge [sflag:s17], $0x4000  }
0x1ad: {  	[sflag:s17] =	ssyncset.done $0x0  }
0x1ae: {  	[sflag:s17] =	ssyncadd.s32 $0xFFFFC000  }
0x1af: {  	[tilespmem:s14], [sflag:$0x2] =	stream.indirect.gather [hbm4b:s4+s13], $0x80, s31, s13, $0xb8;
	[tilespmem:$0x1D000] =	vst v63  }
0x1b0: {  	_ =	swait.ge [sflag:s16], $0x4000  }
0x1b1: {  	[sflag:s16] =	ssyncset.done $0x0  }
0x1b2: {  	[sflag:s16] =	ssyncadd.s32 $0xFFFFC000  }
0x1b3: {  	[spmem:s2] =	stream.indirect.scatter.add.f32 [tilespmem:s15], [sflag:$0x3], $0x80, s1, s13, $0xb8;
	[tilespmem:$0x1D000] =	vst v63  }
0x1b4: {  	_ =	swait.ge [sflag:s17], $0x4000  }
0x1b5: {  	[sflag:s17] =	ssyncset.done $0x0  }
0x1b6: {  	[sflag:s17] =	ssyncadd.s32 $0xFFFFC000  }
0x1b7: {  	[tilespmem:s15], [sflag:$0x2] =	stream.indirect.gather [hbm4b:s4+s13], $0x80, s0, s13, $0xb8;
	[tilespmem:$0x1D000] =	vst v63  }
0x1b8: {  	_ =	swait.ge [sflag:s16], $0x4000  }
0x1b9: {  	[sflag:s16] =	ssyncset.done $0x0  }
0x1ba: {  	[sflag:s16] =	ssyncadd.s32 $0xFFFFC000  }
0x1bb: {  	[spmem:s2] =	stream.indirect.scatter.add.f32 [tilespmem:s14], [sflag:$0x3], $0x80, s5, s13, $0xb8;
	[tilespmem:$0x1D000] =	vst v63  }
0x1bc: {  	_ =	swait.ge [sflag:s17], $0x4000  }
0x1bd: {  	[sflag:s17] =	ssyncset.done $0x0  }
0x1be: {  	[sflag:s17] =	ssyncadd.s32 $0xFFFFC000  }
0x1bf: {  	_ =	swait.ge [sflag:s16], $0x4000  }
0x1c0: {  	[sflag:s16] =	ssyncset.done $0x0  }
0x1c1: {  	[sflag:s16] =	ssyncadd.s32 $0xFFFFC000  }
0x1c2: {  	[spmem:s2] =	stream.indirect.scatter.add.f32 [tilespmem:s15], [sflag:$0x3], $0x80, s7, s13, $0xb8;
	[tilespmem:$0x1D000] =	vst v63  }
0x1c3: {  	_ =	swait.ge [sflag:s17], $0x4000  }
0x1c4: {  	[sflag:s17] =	ssyncset.done $0x0  }
0x1c5: {  	[sflag:s17] =	ssyncadd.s32 $0xFFFFC000  }
0x1c6: {  	[bflag:$0x0] =	sbarrier.arrive $0xFFFF  }
0x1c7: {  	s8 =	rddreg [dreg:$0x12]  }
0x1c8: {  	s18 =	rddreg [dreg:$0x13]  }
0x1c9: {  	s10 =	simm.s32 $0x4;
	s9 =	rddreg [dreg:$0x15]  }
0x1ca: {  	[hbm:s18], [sflag:s8] =	dma.local [spmem:s9], $0x2800  }
0x1cb: {  	_ =	swait.ge [sflag:s10], $0x2800  }
0x1cc: {  	s18 =	rddreg [dreg:$0x16]  }
0x1cd: {  	s6 =	rddreg [dreg:$0x14];
	s18 =	sadd.s32 $0x1, s18  }
0x1ce: {  	p0 =	sne.s32 s18, s6  }
.Ltmp1:
0x1cf: {  	_ = 	snop;
	(pc) =	sbr.rel @p0 .LBB2_1-.Ltmp1, $3  }
0x1d0: {  	_ =	sdelay $0x1  }
0x1d1: {  	[sflag:s10] =	ssyncset.done $0x0  }
0x1d2: {  	[sflag:s10] =	ssyncadd.s32 $0xFFFFD800  }
0x1d3: {  	_ =	sfence.sel $0x180000  }
0x1d4: {  	[bflag:$0x0] =	sbarrier.arrive $0xFFFF  }
0x1d5: {  	_ =	strace $0x9000004A  }
0x1d6: {  	s0 =	stileid.u32;
	[bflag:$0x2] =	sbarrier.arrive $0xFFFF  }
0x1d7: {  	p0 =	sne.s32 s0, $0x0;
	s0 =	rddreg [dreg:$0x2]  }
0x1d8: {  	s0 =	sadd.s32 @!p0 $0x100000, s0  }
0x1d9: {  	[sflag:s0] =	ssyncadd.tile.s32 @!p0 $0x1;
	_ =	shalt  }
.Lfunc_end2:
_tile_overlayer_lowered:
.L_overlay_start_2:
0x1da: {  	(tag) =	ssettag $0x2  }
0x1db: {  	s0 =	rddreg [dreg:$0x0];
	s2 =	stileid.u32  }
0x1dc: {  	s1 =	rddreg [dreg:$0x1];
	p0 =	sne.s32 s2, $0x0  }
0x1dd: {  	s3 =	rddreg [dreg:$0x2];
	[bflag:$0x3] =	sbarrier.arrive $0xFFFF;
	s2 =	simm.s32 @!p0 $0x1C04  }
0x1de: {  	[timem:s3], [sflag:s2] =	dma.local @!p0 [hbm:s0], s1  }
0x1df: {  	s0 =	simm.s32 @!p0 $0x4  }
0x1e0: {  	_ =	swait.ge @!p0 [sflag:s0], s1  }
0x1e1: {  	s1 =	ssub.s32 @!p0 $0x0, s1;
	[sflag:s0] =	ssyncset.done @!p0 $0x0  }
0x1e2: {  	[sflag:s0] =	ssyncadd.s32 @!p0 s1  }
0x1e3: {  	[bflag:$0x3] =	sbarrier.arrive $0xFFFF  }
0x1e4: {  	_ =	shalt  }

</sc_bundles>
